<compile_context>
chip_gen: v7x
topology: tpu7x:2x2x1
jax: 0.10.2.dev20260603
libtpu: 0.0.44.dev20260713+nightly
codegen_flags: <defaults>
</compile_context>

<pallas_src>
import jax
import jax.numpy as jnp
from jax import lax
from jax.experimental import pallas as pl
from jax.experimental.pallas import tpu as pltpu
from jax.experimental.pallas import tpu_sc as plsc

N = 262144
NT = 16
CH = N // NT
VPT = CH // 16
BASE = 0x3C000000
SENTV = 0x3800000
CLAMPMAX = SENTV - 1
BIG = 0x7FFFFFFF
LN2 = 0.6931471805599453
_LOG_C = (3.5110213048028527e-06, 0.9997923374176025, -0.49697741866111755,
          0.31458917260169983, -0.18878082931041718, 0.08172564208507538,
          -0.01720779947936535)


def _log16(x):
    bx = lax.bitcast_convert_type(x, jnp.int32)
    e = lax.convert_element_type(bx >> 23, jnp.float32)
    m = lax.bitcast_convert_type((bx & 0x7FFFFF) | 0x3F800000, jnp.float32)
    t = m - 1.0
    p = jnp.float32(_LOG_C[-1])
    for c in _LOG_C[-2:0:-1]:
        p = p * t + jnp.float32(c)
    p = p * t + jnp.float32(_LOG_C[0] - 127.0 * LN2)
    return e * jnp.float32(LN2) + p


def _body(pred_hbm, gt_hbm, out_hbm,
          pred_v, gt_v, keys_v, hist_v, totals_v, glob_all_v, glob_v,
          rec_v, accs_v, part_v, out_v, list_v, list2_v, histb_v,
          sh_tot, sh_rec, sh_part,
          sem0, sem1, sem2, sem3):
    t = lax.axis_index("s")
    base = t * CH
    H = CH // 2
    c0 = pltpu.async_copy(pred_hbm.at[pl.ds(jnp.int32(N) + base, H)],
                          pred_v.at[pl.ds(0, H)], sem0)
    c1 = pltpu.async_copy(gt_hbm.at[pl.ds(base, H)],
                          gt_v.at[pl.ds(0, H)], sem1)
    c2 = pltpu.async_copy(pred_hbm.at[pl.ds(jnp.int32(N) + base + H, H)],
                          pred_v.at[pl.ds(H, H)], sem2)
    c3 = pltpu.async_copy(gt_hbm.at[pl.ds(base + H, H)],
                          gt_v.at[pl.ds(H, H)], sem3)

    lane = lax.iota(jnp.int32, 16)
    laneoff = lane * 513
    ones16 = jnp.ones((16,), jnp.int32)
    zeros16 = jnp.zeros((16,), jnp.int32)

    def zero_hist(refs):
        def z(i, _):
            for ref in refs:
                for u in range(8):
                    ref[pl.ds(i * 128 + u * 16, 16)] = zeros16
            return 0
        lax.fori_loop(0, 65, z, 0)

    def lane_reduce(src_refs, dst_ref, stride):
        def red(i, _):
            acc = zeros16
            for src_ref in src_refs:
                for l in range(16):
                    acc = acc + src_ref[pl.ds(l * stride + i * 16, 16)]
            dst_ref[pl.ds(i * 16, 16)] = acc
            return 0
        lax.fori_loop(0, 32, red, 0)

    def digit_pick(r):
        big16 = zeros16 + jnp.int32(BIG)

        def dp(j, carry):
            cum_carry, mincum, minexcl, minbin = carry
            row = glob_v[pl.ds(j * 16, 16)]
            cum = plsc.cumsum(row) + cum_carry
            sel = cum >= r
            mincum = jnp.minimum(mincum, jnp.where(sel, cum, big16))
            minexcl = jnp.minimum(minexcl, jnp.where(sel, cum - row, big16))
            minbin = jnp.minimum(minbin, jnp.where(sel, lane + j * 16, big16))
            return (cum[15], mincum, minexcl, minbin)
        init = (jnp.int32(0), big16, big16, big16)
        _, mincum, minexcl, minbin = lax.fori_loop(0, 32, dp, init)
        return jnp.min(minbin), jnp.min(minexcl), jnp.min(mincum) - jnp.min(minexcl)

    zero_hist([hist_v, histb_v])

    def scan1(i, _):
        for u in range(8):
            off = pl.ds(i * 128 + u * 16, 16)
            p = pred_v[off]
            v = p * jnp.float32(1.0 - 2e-5) + jnp.float32(2e-5)
            kraw = lax.bitcast_convert_type(v, jnp.int32) - jnp.int32(BASE)
            k = jnp.where(gt_v[off] == 1, kraw, jnp.int32(SENTV))
            keys_v[off] = k
            tgt = hist_v if (u & 1) == 0 else histb_v
            plsc.addupdate_scatter(tgt, [laneoff + (k >> 17)], ones16)
        return 0
    c0.wait()
    c1.wait()
    lax.fori_loop(0, 64, scan1, 0)
    c2.wait()
    c3.wait()
    lax.fori_loop(64, 128, scan1, 0)

    def publish_and_merge(pass_idx, prefix, r, n_lt, d, srcs):
        lane_reduce(srcs, totals_v, 513)
        pltpu.sync_copy(totals_v, sh_tot.at[pl.ds(t * 512, 512)])
        plsc.subcore_barrier()

        @pl.when(t == 0)
        def _():
            pltpu.sync_copy(sh_tot, glob_all_v)
            lane_reduce([glob_all_v], glob_v, 512)
            if pass_idx == 0:
                d0 = jnp.int32(N) - glob_v[pl.ds(448, 16)][0]
                r0 = d0 - d0 // 4
            else:
                d0, r0 = d, r
            dsel, c_lt, n_eq = digit_pick(r0)
            if pass_idx == 0:
                newprefix = dsel
            else:
                newprefix = (prefix << (9 if pass_idx == 1 else 8)) | dsel
            rec_v[pl.ds(0, 16)] = (zeros16 + newprefix) * jnp.where(lane == 0, 1, 0) \
                + (zeros16 + (r0 - c_lt)) * jnp.where(lane == 1, 1, 0) \
                + (zeros16 + (n_lt + c_lt)) * jnp.where(lane == 2, 1, 0) \
                + (zeros16 + n_eq) * jnp.where(lane == 3, 1, 0) \
                + (zeros16 + d0) * jnp.where(lane == 4, 1, 0)
            pltpu.sync_copy(rec_v, sh_rec)
        plsc.subcore_barrier()
        pltpu.sync_copy(sh_rec, rec_v)
        rec = rec_v[pl.ds(0, 16)]
        return rec[0], rec[1], rec[2], rec[3], rec[4]

    prefix, r, n_lt, n_eq, d = publish_and_merge(0, jnp.int32(0), jnp.int32(0),
                                                 jnp.int32(0), jnp.int32(0),
                                                 [hist_v, histb_v])

    zero_hist([hist_v])
    QL = CH // 4 + 16

    def compact2(i, curs):
        cs = list(curs)
        for u in range(8):
            off = pl.ds(i * 128 + u * 16, 16)
            k = keys_v[off]
            m = (k >> 17) == prefix
            q = u & 3
            plsc.store_compressed(list_v.at[pl.ds(q * QL + cs[q], 16)], k, mask=m)
            cs[q] = cs[q] + plsc.all_reduce_population_count(m)[0]
        return tuple(cs)
    qcnt = lax.fori_loop(0, 128, compact2,
                         (jnp.int32(0), jnp.int32(0), jnp.int32(0), jnp.int32(0)))

    def hist2_q(qbase, cnt):
        def hist2(j, _):
            k = list_v[pl.ds(qbase + j * 16, 16)]
            valid = (j * 16 + lane) < cnt
            plsc.addupdate_scatter(hist_v, [laneoff + ((k >> 8) & 0x1FF)],
                                   ones16, mask=valid)
            return 0
        lax.fori_loop(0, (cnt + 15) >> 4, hist2, 0)
    for q in range(4):
        hist2_q(q * QL, qcnt[q])
    prefix, r, n_lt, n_eq, d = publish_and_merge(1, prefix, r, n_lt, d, [hist_v])

    def compact3_q(qbase, cnt, cur):
        def compact3(j, cur):
            k = list_v[pl.ds(qbase + j * 16, 16)]
            valid = ((j * 16 + lane) < cnt) & ((k >> 8) == prefix)
            plsc.store_compressed(list2_v.at[pl.ds(cur, 16)], k, mask=valid)
            return cur + plsc.all_reduce_population_count(valid)[0]
        return lax.fori_loop(0, (cnt + 15) >> 4, compact3, cur)
    cnt3 = jnp.int32(0)
    for q in range(4):
        cnt3 = compact3_q(q * QL, qcnt[q], cnt3)

    minus16 = zeros16 - 1

    def unhist2_q(qbase, cnt):
        def unhist2(j, _):
            k = list_v[pl.ds(qbase + j * 16, 16)]
            valid = (j * 16 + lane) < cnt
            plsc.addupdate_scatter(hist_v, [laneoff + ((k >> 8) & 0x1FF)],
                                   minus16, mask=valid)
            return 0
        lax.fori_loop(0, (cnt + 15) >> 4, unhist2, 0)
    for q in range(4):
        unhist2_q(q * QL, qcnt[q])

    def hist3(j, _):
        k = list2_v[pl.ds(j * 16, 16)]
        valid = (j * 16 + lane) < cnt3
        plsc.addupdate_scatter(hist_v, [laneoff + (k & 0xFF)],
                               ones16, mask=valid)
        return 0
    lax.fori_loop(0, (cnt3 + 15) >> 4, hist3, 0)
    prefix, r, n_lt, n_eq, d = publish_and_merge(2, prefix, r, n_lt, d, [hist_v])

    thr_key = prefix

    def loss_body(i, acc):
        for u in range(4):
            off = pl.ds(i * 64 + u * 16, 16)
            k = keys_v[off]
            v = lax.bitcast_convert_type(k + jnp.int32(BASE), jnp.float32)
            mlt = k < thr_key
            x = jnp.where(mlt, 1.0 - v, v)
            om = 1.0 - x
            acc = acc - (om * om) * _log16(x)
        return acc
    acc16 = lax.fori_loop(0, 256, loss_body, jnp.zeros((16,), jnp.float32))

    accs_v[pl.ds(0, 16)] = acc16
    pltpu.sync_copy(accs_v, sh_part.at[pl.ds(t * 16, 16)])
    plsc.subcore_barrier()

    @pl.when(t == 0)
    def _():
        pltpu.sync_copy(sh_part, part_v)

        def fr(j, a):
            return a + part_v[pl.ds(j * 16, 16)]
        tot = lax.fori_loop(0, 16, fr, jnp.zeros((16,), jnp.float32))
        s = jnp.sum(tot)
        boundary = d - d // 4
        m1 = boundary - n_lt
        thr_splat = lax.bitcast_convert_type(zeros16 + (thr_key + jnp.int32(BASE)),
                                             jnp.float32)
        f1 = -(thr_splat * thr_splat) * _log16(1.0 - thr_splat)
        f2 = -((1.0 - thr_splat) * (1.0 - thr_splat)) * _log16(thr_splat)
        m1f = lax.convert_element_type(m1, jnp.float32)
        num16 = m1f * (f1 - f2) + s
        d16 = jnp.zeros((16,), jnp.float32) + lax.convert_element_type(d, jnp.float32)
        out_v[...] = num16 / d16
        pltpu.sync_copy(out_v, out_hbm)


def kernel(predicted, gt):
    pred1 = predicted.reshape(-1)
    gtf = gt.reshape(-1)
    mesh = plsc.VectorSubcoreMesh(core_axis_name="c", subcore_axis_name="s",
                                  num_cores=1)
    out = pl.kernel(
        _body,
        out_type=jax.ShapeDtypeStruct((16,), jnp.float32),
        mesh=mesh,
        compiler_params=pltpu.CompilerParams(needs_layout_passes=False),
        scratch_types=[
            pltpu.VMEM((CH,), jnp.float32),
            pltpu.VMEM((CH,), jnp.int32),
            pltpu.VMEM((CH,), jnp.int32),
            pltpu.VMEM((8320,), jnp.int32),
            pltpu.VMEM((512,), jnp.int32),
            pltpu.VMEM((8192,), jnp.int32),
            pltpu.VMEM((512,), jnp.int32),
            pltpu.VMEM((16,), jnp.int32),
            pltpu.VMEM((16,), jnp.float32),
            pltpu.VMEM((256,), jnp.float32),
            pltpu.VMEM((16,), jnp.float32),
            pltpu.VMEM((CH + 64,), jnp.int32),
            pltpu.VMEM((CH + 64,), jnp.int32),
            pltpu.VMEM((8320,), jnp.int32),
            pltpu.VMEM_SHARED((8192,), jnp.int32),
            pltpu.VMEM_SHARED((16,), jnp.int32),
            pltpu.VMEM_SHARED((256,), jnp.float32),
            pltpu.SemaphoreType.DMA,
            pltpu.SemaphoreType.DMA,
            pltpu.SemaphoreType.DMA,
            pltpu.SemaphoreType.DMA,
        ],
    )(pred1, gtf)
    return out[0]

# --- scband reference (transcript-rebuilt; emitter-appended) ---
"""Pipeline reference for scband-individual-gtloss-32882269618945 (READ-ONLY COPY).

The authoritative reference and input builder live on the scoring server;
editing this copy changes nothing except your own understanding.
"""

import jax, jax.numpy as jnp
import numpy as np

GAMMA = 2.0
SMOOTH = 1e-05
SATURATION_THRESHOLD = 0.25  # from defects_config.json entry for this pixel_type
RELATIVE_SATURATION = True


def setup_inputs(seed: int = 0) -> dict:
    key = jax.random.key(seed)
    k1, k2 = jax.random.split(key)
    predicted = jax.random.uniform(k1, (2, 1, 512, 512), dtype=jnp.float32, minval=0.01, maxval=0.99)
    gt = jax.random.randint(k2, (1, 1, 512, 512), 0, 2).astype(jnp.int32)
    return {"predicted": predicted, "gt": gt}


def reference(predicted, gt):
    # predicted: [2, 1, H, W]; take channel-flattened row 1 as in torch code
    pred = predicted.reshape(predicted.shape[0], -1)[1]  # [H*W]
    # single gt dict in the original gts list; config hardcoded above
    _, _, h, w = gt.shape
    gt_flat = gt.reshape(-1)
    mask = gt_flat == 1
    defect_area = jnp.sum(mask)
    if RELATIVE_SATURATION:
        saturation_area = jnp.floor(SATURATION_THRESHOLD * defect_area).astype(jnp.int32)
    else:
        saturation_area = jnp.minimum(int(SATURATION_THRESHOLD * h * w / w / h), defect_area)
    smoothed = (1.0 - SMOOTH) * pred + SMOOTH * (1.0 - pred) + SMOOTH
    padded = jnp.where(mask, smoothed, jnp.inf)
    sorted_all = jnp.sort(padded)
    # limit_on_loss=True and saturation_area < n path
    idx = jnp.arange(h * w)
    boundary = defect_area - saturation_area
    t = jnp.where(idx < defect_area, sorted_all, 0.5)
    x = jnp.where(idx < boundary, 1.0 - t, t)
    loss_per_gt = -1.0 * jnp.power(1.0 - x, GAMMA) * jnp.log(x)
    loss_per_gt = jnp.where(idx < defect_area, loss_per_gt, 0.0)
    # size_average=True
    return jnp.sum(loss_per_gt) / defect_area.astype(jnp.float32)

if __name__ == "__main__":
    import jax
    _d = setup_inputs()
    print(jax.jit(kernel)(*tuple(_d.values())))

</pallas_src>

<mosaic_0001>
#map = affine_map<(d0, d1) -> (0)>
module attributes {stable_mosaic.version = 14 : i64} {
  func.func @_body(%arg0: i32, %arg1: i32, %arg2: memref<524288xf32, #tpu.memory_space<hbm>>, %arg3: memref<262144xi32, #tpu.memory_space<hbm>>, %arg4: memref<16xf32, #tpu.memory_space<hbm>>, %arg5: memref<16384xf32, #tpu.memory_space<vmem>>, %arg6: memref<16384xi32, #tpu.memory_space<vmem>>, %arg7: memref<16384xi32, #tpu.memory_space<vmem>>, %arg8: memref<8320xi32, #tpu.memory_space<vmem>>, %arg9: memref<512xi32, #tpu.memory_space<vmem>>, %arg10: memref<8192xi32, #tpu.memory_space<vmem>>, %arg11: memref<512xi32, #tpu.memory_space<vmem>>, %arg12: memref<16xi32, #tpu.memory_space<vmem>>, %arg13: memref<16xf32, #tpu.memory_space<vmem>>, %arg14: memref<256xf32, #tpu.memory_space<vmem>>, %arg15: memref<16xf32, #tpu.memory_space<vmem>>, %arg16: memref<16448xi32, #tpu.memory_space<vmem>>, %arg17: memref<16448xi32, #tpu.memory_space<vmem>>, %arg18: memref<8320xi32, #tpu.memory_space<vmem>>, %arg19: memref<8192xi32, #tpu.memory_space<vmem_shared>>, %arg20: memref<16xi32, #tpu.memory_space<vmem_shared>>, %arg21: memref<256xf32, #tpu.memory_space<vmem_shared>>, %arg22: memref<!tpu.dma_semaphore, #tpu.memory_space<semaphore_mem>>, %arg23: memref<!tpu.dma_semaphore, #tpu.memory_space<semaphore_mem>>, %arg24: memref<!tpu.dma_semaphore, #tpu.memory_space<semaphore_mem>>, %arg25: memref<!tpu.dma_semaphore, #tpu.memory_space<semaphore_mem>>) attributes {dimension_semantics = [#tpu.dimension_semantics<core_parallel>, #tpu.dimension_semantics<subcore_parallel>], iteration_bounds = array<i64: 1, 16>, scalar_prefetch = 0 : i64, scratch_operands = 21 : i64, tpu.core_type = #tpu.core_type<sc_vector_subcore>, window_params = [{transform_indices = #map}, {transform_indices = #map}, {transform_indices = #map}]} {
    %mul3A = arith.constant 16384 : i32
    %mul3A_0 = arith.muli %arg1, %mul3A : i32
    %add3A = arith.constant 262144 : i32
    %add3A_1 = arith.addi %add3A, %mul3A_0 : i32
    %dma_start3A = arith.constant 0 : i32
    %dma_start3A_2 = tpu.memref_slice %arg5[%dma_start3A] : memref<16384xf32, #tpu.memory_space<vmem>> -> memref<8192xf32, #tpu.memory_space<vmem>>
    %dma_start3A_3 = tpu.memref_slice %arg2[%add3A_1] : memref<524288xf32, #tpu.memory_space<hbm>> -> memref<8192xf32, #tpu.memory_space<hbm>>
    %dma_start3A_4 = arith.constant 0 : i32
    %dma_start3A_5 = tpu.memref_slice %arg5[%dma_start3A_4] : memref<16384xf32, #tpu.memory_space<vmem>> -> memref<8192xf32, #tpu.memory_space<vmem>>
    %dma_start3A_6 = tpu.memref_slice %arg2[%add3A_1] : memref<524288xf32, #tpu.memory_space<hbm>> -> memref<8192xf32, #tpu.memory_space<hbm>>
    tpu.enqueue_dma source(%dma_start3A_6 : memref<8192xf32, #tpu.memory_space<hbm>>) target(%dma_start3A_5 : memref<8192xf32, #tpu.memory_space<vmem>>) target_semaphore(%arg22 : memref<!tpu.dma_semaphore, #tpu.memory_space<semaphore_mem>>)
    %dma_start3A_7 = arith.constant 0 : i32
    %dma_start3A_8 = tpu.memref_slice %arg6[%dma_start3A_7] : memref<16384xi32, #tpu.memory_space<vmem>> -> memref<8192xi32, #tpu.memory_space<vmem>>
    %dma_start3A_9 = tpu.memref_slice %arg3[%mul3A_0] : memref<262144xi32, #tpu.memory_space<hbm>> -> memref<8192xi32, #tpu.memory_space<hbm>>
    %dma_start3A_10 = arith.constant 0 : i32
    %dma_start3A_11 = tpu.memref_slice %arg6[%dma_start3A_10] : memref<16384xi32, #tpu.memory_space<vmem>> -> memref<8192xi32, #tpu.memory_space<vmem>>
    %dma_start3A_12 = tpu.memref_slice %arg3[%mul3A_0] : memref<262144xi32, #tpu.memory_space<hbm>> -> memref<8192xi32, #tpu.memory_space<hbm>>
    tpu.enqueue_dma source(%dma_start3A_12 : memref<8192xi32, #tpu.memory_space<hbm>>) target(%dma_start3A_11 : memref<8192xi32, #tpu.memory_space<vmem>>) target_semaphore(%arg23 : memref<!tpu.dma_semaphore, #tpu.memory_space<semaphore_mem>>)
    %add3A_13 = arith.constant 262144 : i32
    %add3A_14 = arith.addi %add3A_13, %mul3A_0 : i32
    %add3A_15 = arith.constant 8192 : i32
    %add3A_16 = arith.addi %add3A_14, %add3A_15 : i32
    %dma_start3A_17 = arith.constant 8192 : i32
    %dma_start3A_18 = tpu.memref_slice %arg5[%dma_start3A_17] : memref<16384xf32, #tpu.memory_space<vmem>> -> memref<8192xf32, #tpu.memory_space<vmem>>
    %dma_start3A_19 = tpu.memref_slice %arg2[%add3A_16] : memref<524288xf32, #tpu.memory_space<hbm>> -> memref<8192xf32, #tpu.memory_space<hbm>>
    %dma_start3A_20 = arith.constant 8192 : i32
    %dma_start3A_21 = tpu.memref_slice %arg5[%dma_start3A_20] : memref<16384xf32, #tpu.memory_space<vmem>> -> memref<8192xf32, #tpu.memory_space<vmem>>
    %dma_start3A_22 = tpu.memref_slice %arg2[%add3A_16] : memref<524288xf32, #tpu.memory_space<hbm>> -> memref<8192xf32, #tpu.memory_space<hbm>>
    tpu.enqueue_dma source(%dma_start3A_22 : memref<8192xf32, #tpu.memory_space<hbm>>) target(%dma_start3A_21 : memref<8192xf32, #tpu.memory_space<vmem>>) target_semaphore(%arg24 : memref<!tpu.dma_semaphore, #tpu.memory_space<semaphore_mem>>)
    %add3A_23 = arith.constant 8192 : i32
    %add3A_24 = arith.addi %mul3A_0, %add3A_23 : i32
    %dma_start3A_25 = arith.constant 8192 : i32
    %dma_start3A_26 = tpu.memref_slice %arg6[%dma_start3A_25] : memref<16384xi32, #tpu.memory_space<vmem>> -> memref<8192xi32, #tpu.memory_space<vmem>>
    %dma_start3A_27 = tpu.memref_slice %arg3[%add3A_24] : memref<262144xi32, #tpu.memory_space<hbm>> -> memref<8192xi32, #tpu.memory_space<hbm>>
    %dma_start3A_28 = arith.constant 8192 : i32
    %dma_start3A_29 = tpu.memref_slice %arg6[%dma_start3A_28] : memref<16384xi32, #tpu.memory_space<vmem>> -> memref<8192xi32, #tpu.memory_space<vmem>>
    %dma_start3A_30 = tpu.memref_slice %arg3[%add3A_24] : memref<262144xi32, #tpu.memory_space<hbm>> -> memref<8192xi32, #tpu.memory_space<hbm>>
    tpu.enqueue_dma source(%dma_start3A_30 : memref<8192xi32, #tpu.memory_space<hbm>>) target(%dma_start3A_29 : memref<8192xi32, #tpu.memory_space<vmem>>) target_semaphore(%arg25 : memref<!tpu.dma_semaphore, #tpu.memory_space<semaphore_mem>>)
    %iota3A = tpu.iota {dimensions = array<i32: 0>} : vector<16xi32>
    %mul3A_31 = arith.constant 513 : i32
    %mul3A_32 = vector.broadcast %mul3A_31 : i32 to vector<16xi32>
    %mul3A_33 = arith.muli %iota3A, %mul3A_32 : vector<16xi32>
    %broadcast_in_dim3A = arith.constant 1 : i32
    %broadcast_in_dim3A_34 = vector.broadcast %broadcast_in_dim3A : i32 to vector<16xi32>
    %broadcast_in_dim3A_35 = arith.constant 0 : i32
    %broadcast_in_dim3A_36 = vector.broadcast %broadcast_in_dim3A_35 : i32 to vector<16xi32>
    %scan3A = arith.constant 0 : i32
    %scan3A_37 = arith.constant 0 : i32
    %scan3A_38 = arith.constant 65 : i32
    %scan3A_39 = arith.addi %scan3A_37, %scan3A_38 : i32
    %scan3A_40 = arith.constant 1 : i32
    %scan3A_41 = scf.for %scan3A_397 = %scan3A_37 to %scan3A_39 step %scan3A_40 iter_args(%scan3A_398 = %scan3A) -> (i32)  : i32 {
      %mul3A_399 = arith.constant 128 : i32
      %mul3A_400 = arith.muli %scan3A_397, %mul3A_399 : i32
      %add3A_401 = arith.constant 0 : i32
      %add3A_402 = arith.addi %mul3A_400, %add3A_401 : i32
      %swap3A_403 = arith.index_cast %add3A_402 : i32 to index
      %swap3A_404 = tpu.vector_load %arg8[%swap3A_403] {strides = array<i32>} : memref<8320xi32, #tpu.memory_space<vmem>>, vector<16xi32>,
      tpu.vector_store %arg8[%swap3A_403], %broadcast_in_dim3A_36 {strides = array<i32>} : memref<8320xi32, #tpu.memory_space<vmem>>, vector<16xi32>,
      %mul3A_405 = arith.constant 128 : i32
      %mul3A_406 = arith.muli %scan3A_397, %mul3A_405 : i32
      %add3A_407 = arith.constant 16 : i32
      %add3A_408 = arith.addi %mul3A_406, %add3A_407 : i32
      %swap3A_409 = arith.index_cast %add3A_408 : i32 to index
      %swap3A_410 = tpu.vector_load %arg8[%swap3A_409] {strides = array<i32>} : memref<8320xi32, #tpu.memory_space<vmem>>, vector<16xi32>,
      tpu.vector_store %arg8[%swap3A_409], %broadcast_in_dim3A_36 {strides = array<i32>} : memref<8320xi32, #tpu.memory_space<vmem>>, vector<16xi32>,
      %mul3A_411 = arith.constant 128 : i32
      %mul3A_412 = arith.muli %scan3A_397, %mul3A_411 : i32
      %add3A_413 = arith.constant 32 : i32
      %add3A_414 = arith.addi %mul3A_412, %add3A_413 : i32
      %swap3A_415 = arith.index_cast %add3A_414 : i32 to index
      %swap3A_416 = tpu.vector_load %arg8[%swap3A_415] {strides = array<i32>} : memref<8320xi32, #tpu.memory_space<vmem>>, vector<16xi32>,
      tpu.vector_store %arg8[%swap3A_415], %broadcast_in_dim3A_36 {strides = array<i32>} : memref<8320xi32, #tpu.memory_space<vmem>>, vector<16xi32>,
      %mul3A_417 = arith.constant 128 : i32
      %mul3A_418 = arith.muli %scan3A_397, %mul3A_417 : i32
      %add3A_419 = arith.constant 48 : i32
      %add3A_420 = arith.addi %mul3A_418, %add3A_419 : i32
      %swap3A_421 = arith.index_cast %add3A_420 : i32 to index
      %swap3A_422 = tpu.vector_load %arg8[%swap3A_421] {strides = array<i32>} : memref<8320xi32, #tpu.memory_space<vmem>>, vector<16xi32>,
      tpu.vector_store %arg8[%swap3A_421], %broadcast_in_dim3A_36 {strides = array<i32>} : memref<8320xi32, #tpu.memory_space<vmem>>, vector<16xi32>,
      %mul3A_423 = arith.constant 128 : i32
      %mul3A_424 = arith.muli %scan3A_397, %mul3A_423 : i32
      %add3A_425 = arith.constant 64 : i32
      %add3A_426 = arith.addi %mul3A_424, %add3A_425 : i32
      %swap3A_427 = arith.index_cast %add3A_426 : i32 to index
      %swap3A_428 = tpu.vector_load %arg8[%swap3A_427] {strides = array<i32>} : memref<8320xi32, #tpu.memory_space<vmem>>, vector<16xi32>,
      tpu.vector_store %arg8[%swap3A_427], %broadcast_in_dim3A_36 {strides = array<i32>} : memref<8320xi32, #tpu.memory_space<vmem>>, vector<16xi32>,
      %mul3A_429 = arith.constant 128 : i32
      %mul3A_430 = arith.muli %scan3A_397, %mul3A_429 : i32
      %add3A_431 = arith.constant 80 : i32
      %add3A_432 = arith.addi %mul3A_430, %add3A_431 : i32
      %swap3A_433 = arith.index_cast %add3A_432 : i32 to index
      %swap3A_434 = tpu.vector_load %arg8[%swap3A_433] {strides = array<i32>} : memref<8320xi32, #tpu.memory_space<vmem>>, vector<16xi32>,
      tpu.vector_store %arg8[%swap3A_433], %broadcast_in_dim3A_36 {strides = array<i32>} : memref<8320xi32, #tpu.memory_space<vmem>>, vector<16xi32>,
      %mul3A_435 = arith.constant 128 : i32
      %mul3A_436 = arith.muli %scan3A_397, %mul3A_435 : i32
      %add3A_437 = arith.constant 96 : i32
      %add3A_438 = arith.addi %mul3A_436, %add3A_437 : i32
      %swap3A_439 = arith.index_cast %add3A_438 : i32 to index
      %swap3A_440 = tpu.vector_load %arg8[%swap3A_439] {strides = array<i32>} : memref<8320xi32, #tpu.memory_space<vmem>>, vector<16xi32>,
      tpu.vector_store %arg8[%swap3A_439], %broadcast_in_dim3A_36 {strides = array<i32>} : memref<8320xi32, #tpu.memory_space<vmem>>, vector<16xi32>,
      %mul3A_441 = arith.constant 128 : i32
      %mul3A_442 = arith.muli %scan3A_397, %mul3A_441 : i32
      %add3A_443 = arith.constant 112 : i32
      %add3A_444 = arith.addi %mul3A_442, %add3A_443 : i32
      %swap3A_445 = arith.index_cast %add3A_444 : i32 to index
      %swap3A_446 = tpu.vector_load %arg8[%swap3A_445] {strides = array<i32>} : memref<8320xi32, #tpu.memory_space<vmem>>, vector<16xi32>,
      tpu.vector_store %arg8[%swap3A_445], %broadcast_in_dim3A_36 {strides = array<i32>} : memref<8320xi32, #tpu.memory_space<vmem>>, vector<16xi32>,
      %mul3A_447 = arith.constant 128 : i32
      %mul3A_448 = arith.muli %scan3A_397, %mul3A_447 : i32
      %add3A_449 = arith.constant 0 : i32
      %add3A_450 = arith.addi %mul3A_448, %add3A_449 : i32
      %swap3A_451 = arith.index_cast %add3A_450 : i32 to index
      %swap3A_452 = tpu.vector_load %arg18[%swap3A_451] {strides = array<i32>} : memref<8320xi32, #tpu.memory_space<vmem>>, vector<16xi32>,
      tpu.vector_store %arg18[%swap3A_451], %broadcast_in_dim3A_36 {strides = array<i32>} : memref<8320xi32, #tpu.memory_space<vmem>>, vector<16xi32>,
      %mul3A_453 = arith.constant 128 : i32
      %mul3A_454 = arith.muli %scan3A_397, %mul3A_453 : i32
      %add3A_455 = arith.constant 16 : i32
      %add3A_456 = arith.addi %mul3A_454, %add3A_455 : i32
      %swap3A_457 = arith.index_cast %add3A_456 : i32 to index
      %swap3A_458 = tpu.vector_load %arg18[%swap3A_457] {strides = array<i32>} : memref<8320xi32, #tpu.memory_space<vmem>>, vector<16xi32>,
      tpu.vector_store %arg18[%swap3A_457], %broadcast_in_dim3A_36 {strides = array<i32>} : memref<8320xi32, #tpu.memory_space<vmem>>, vector<16xi32>,
      %mul3A_459 = arith.constant 128 : i32
      %mul3A_460 = arith.muli %scan3A_397, %mul3A_459 : i32
      %add3A_461 = arith.constant 32 : i32
      %add3A_462 = arith.addi %mul3A_460, %add3A_461 : i32
      %swap3A_463 = arith.index_cast %add3A_462 : i32 to index
      %swap3A_464 = tpu.vector_load %arg18[%swap3A_463] {strides = array<i32>} : memref<8320xi32, #tpu.memory_space<vmem>>, vector<16xi32>,
      tpu.vector_store %arg18[%swap3A_463], %broadcast_in_dim3A_36 {strides = array<i32>} : memref<8320xi32, #tpu.memory_space<vmem>>, vector<16xi32>,
      %mul3A_465 = arith.constant 128 : i32
      %mul3A_466 = arith.muli %scan3A_397, %mul3A_465 : i32
      %add3A_467 = arith.constant 48 : i32
      %add3A_468 = arith.addi %mul3A_466, %add3A_467 : i32
      %swap3A_469 = arith.index_cast %add3A_468 : i32 to index
      %swap3A_470 = tpu.vector_load %arg18[%swap3A_469] {strides = array<i32>} : memref<8320xi32, #tpu.memory_space<vmem>>, vector<16xi32>,
      tpu.vector_store %arg18[%swap3A_469], %broadcast_in_dim3A_36 {strides = array<i32>} : memref<8320xi32, #tpu.memory_space<vmem>>, vector<16xi32>,
      %mul3A_471 = arith.constant 128 : i32
      %mul3A_472 = arith.muli %scan3A_397, %mul3A_471 : i32
      %add3A_473 = arith.constant 64 : i32
      %add3A_474 = arith.addi %mul3A_472, %add3A_473 : i32
      %swap3A_475 = arith.index_cast %add3A_474 : i32 to index
      %swap3A_476 = tpu.vector_load %arg18[%swap3A_475] {strides = array<i32>} : memref<8320xi32, #tpu.memory_space<vmem>>, vector<16xi32>,
      tpu.vector_store %arg18[%swap3A_475], %broadcast_in_dim3A_36 {strides = array<i32>} : memref<8320xi32, #tpu.memory_space<vmem>>, vector<16xi32>,
      %mul3A_477 = arith.constant 128 : i32
      %mul3A_478 = arith.muli %scan3A_397, %mul3A_477 : i32
      %add3A_479 = arith.constant 80 : i32
      %add3A_480 = arith.addi %mul3A_478, %add3A_479 : i32
      %swap3A_481 = arith.index_cast %add3A_480 : i32 to index
      %swap3A_482 = tpu.vector_load %arg18[%swap3A_481] {strides = array<i32>} : memref<8320xi32, #tpu.memory_space<vmem>>, vector<16xi32>,
      tpu.vector_store %arg18[%swap3A_481], %broadcast_in_dim3A_36 {strides = array<i32>} : memref<8320xi32, #tpu.memory_space<vmem>>, vector<16xi32>,
      %mul3A_483 = arith.constant 128 : i32
      %mul3A_484 = arith.muli %scan3A_397, %mul3A_483 : i32
      %add3A_485 = arith.constant 96 : i32
      %add3A_486 = arith.addi %mul3A_484, %add3A_485 : i32
      %swap3A_487 = arith.index_cast %add3A_486 : i32 to index
      %swap3A_488 = tpu.vector_load %arg18[%swap3A_487] {strides = array<i32>} : memref<8320xi32, #tpu.memory_space<vmem>>, vector<16xi32>,
      tpu.vector_store %arg18[%swap3A_487], %broadcast_in_dim3A_36 {strides = array<i32>} : memref<8320xi32, #tpu.memory_space<vmem>>, vector<16xi32>,
      %mul3A_489 = arith.constant 128 : i32
      %mul3A_490 = arith.muli %scan3A_397, %mul3A_489 : i32
      %add3A_491 = arith.constant 112 : i32
      %add3A_492 = arith.addi %mul3A_490, %add3A_491 : i32
      %swap3A_493 = arith.index_cast %add3A_492 : i32 to index
      %swap3A_494 = tpu.vector_load %arg18[%swap3A_493] {strides = array<i32>} : memref<8320xi32, #tpu.memory_space<vmem>>, vector<16xi32>,
      tpu.vector_store %arg18[%swap3A_493], %broadcast_in_dim3A_36 {strides = array<i32>} : memref<8320xi32, #tpu.memory_space<vmem>>, vector<16xi32>,
      %scan3A_495 = arith.constant 0 : i32
      scf.yield %scan3A_495 : i32
    }
    %scan3A_42 = arith.constant 65 : i32
    %dma_wait3A = arith.constant 0 : i32
    %dma_wait3A_43 = tpu.memref_slice %arg5[%dma_wait3A] : memref<16384xf32, #tpu.memory_space<vmem>> -> memref<8192xf32, #tpu.memory_space<vmem>>
    %dma_wait3A_44 = tpu.memref_slice %arg2[%add3A_1] : memref<524288xf32, #tpu.memory_space<hbm>> -> memref<8192xf32, #tpu.memory_space<hbm>>
    %dma_wait3A_45 = arith.constant 0 : i32
    %dma_wait3A_46 = tpu.memref_slice %arg5[%dma_wait3A_45] : memref<16384xf32, #tpu.memory_space<vmem>> -> memref<8192xf32, #tpu.memory_space<vmem>>
    %dma_wait3A_47 = tpu.memref_slice %arg2[%add3A_1] : memref<524288xf32, #tpu.memory_space<hbm>> -> memref<8192xf32, #tpu.memory_space<hbm>>
    tpu.wait_dma2 semaphore(%arg22 : memref<!tpu.dma_semaphore, #tpu.memory_space<semaphore_mem>>) src(%dma_wait3A_47 : memref<8192xf32, #tpu.memory_space<hbm>>) dst(%dma_wait3A_46 : memref<8192xf32, #tpu.memory_space<vmem>>)
    %dma_wait3A_48 = arith.constant 0 : i32
    %dma_wait3A_49 = tpu.memref_slice %arg6[%dma_wait3A_48] : memref<16384xi32, #tpu.memory_space<vmem>> -> memref<8192xi32, #tpu.memory_space<vmem>>
    %dma_wait3A_50 = tpu.memref_slice %arg3[%mul3A_0] : memref<262144xi32, #tpu.memory_space<hbm>> -> memref<8192xi32, #tpu.memory_space<hbm>>
    %dma_wait3A_51 = arith.constant 0 : i32
    %dma_wait3A_52 = tpu.memref_slice %arg6[%dma_wait3A_51] : memref<16384xi32, #tpu.memory_space<vmem>> -> memref<8192xi32, #tpu.memory_space<vmem>>
    %dma_wait3A_53 = tpu.memref_slice %arg3[%mul3A_0] : memref<262144xi32, #tpu.memory_space<hbm>> -> memref<8192xi32, #tpu.memory_space<hbm>>
    tpu.wait_dma2 semaphore(%arg23 : memref<!tpu.dma_semaphore, #tpu.memory_space<semaphore_mem>>) src(%dma_wait3A_53 : memref<8192xi32, #tpu.memory_space<hbm>>) dst(%dma_wait3A_52 : memref<8192xi32, #tpu.memory_space<vmem>>)
    %scan3A_54 = arith.constant 0 : i32
    %scan3A_55 = arith.constant 0 : i32
    %scan3A_56 = arith.constant 64 : i32
    %scan3A_57 = arith.addi %scan3A_55, %scan3A_56 : i32
    %scan3A_58 = arith.constant 1 : i32
    %scan3A_59 = scf.for %scan3A_397 = %scan3A_55 to %scan3A_57 step %scan3A_58 iter_args(%scan3A_398 = %scan3A_54) -> (i32)  : i32 {
      %mul3A_399 = arith.constant 128 : i32
      %mul3A_400 = arith.muli %scan3A_397, %mul3A_399 : i32
      %add3A_401 = arith.constant 0 : i32
      %add3A_402 = arith.addi %mul3A_400, %add3A_401 : i32
      %get3A_403 = arith.index_cast %add3A_402 : i32 to index
      %get3A_404 = tpu.vector_load %arg5[%get3A_403] {strides = array<i32>} : memref<16384xf32, #tpu.memory_space<vmem>>, vector<16xf32>,
      %mul3A_405 = arith.constant 0.999979972 : f32
      %mul3A_406 = vector.broadcast %mul3A_405 : f32 to vector<16xf32>
      %mul3A_407 = arith.mulf %get3A_404, %mul3A_406 : vector<16xf32>
      %add3A_408 = arith.constant 2.000000e-05 : f32
      %add3A_409 = vector.broadcast %add3A_408 : f32 to vector<16xf32>
      %add3A_410 = arith.addf %mul3A_407, %add3A_409 : vector<16xf32>
      %bitcast_convert_type3A = tpu.bitcast %add3A_410 : vector<16xf32> -> vector<16xi32>
      %sub3A_411 = arith.constant 1006632960 : i32
      %sub3A_412 = vector.broadcast %sub3A_411 : i32 to vector<16xi32>
      %sub3A_413 = arith.subi %bitcast_convert_type3A, %sub3A_412 : vector<16xi32>
      %get3A_414 = arith.index_cast %add3A_402 : i32 to index
      %get3A_415 = tpu.vector_load %arg6[%get3A_414] {strides = array<i32>} : memref<16384xi32, #tpu.memory_space<vmem>>, vector<16xi32>,
      %eq3A_416 = arith.constant 1 : i32
      %eq3A_417 = vector.broadcast %eq3A_416 : i32 to vector<16xi32>
      %eq3A_418 = arith.cmpi eq, %get3A_415, %eq3A_417 : vector<16xi32>
      %jit3A = arith.constant 58720256 : i32
      %broadcast_in_dim3A_419 = vector.broadcast %jit3A : i32 to vector<16xi32>
      %select_n3A = arith.select %eq3A_418, %sub3A_413, %broadcast_in_dim3A_419 : vector<16xi1>, vector<16xi32>
      %swap3A_420 = arith.index_cast %add3A_402 : i32 to index
      %swap3A_421 = tpu.vector_load %arg7[%swap3A_420] {strides = array<i32>} : memref<16384xi32, #tpu.memory_space<vmem>>, vector<16xi32>,
      tpu.vector_store %arg7[%swap3A_420], %select_n3A {strides = array<i32>} : memref<16384xi32, #tpu.memory_space<vmem>>, vector<16xi32>,
      %shift_right_arithmetic3A_422 = arith.constant 17 : i32
      %shift_right_arithmetic3A_423 = vector.broadcast %shift_right_arithmetic3A_422 : i32 to vector<16xi32>
      %shift_right_arithmetic3A_424 = arith.shrsi %select_n3A, %shift_right_arithmetic3A_423 : vector<16xi32>
      %add3A_425 = arith.addi %mul3A_33, %shift_right_arithmetic3A_424 : vector<16xi32>
      tpu.vector_store_idx %arg8[%add3A_425], %broadcast_in_dim3A_34 {add = true} : memref<8320xi32, #tpu.memory_space<vmem>>[vector<16xi32>], vector<16xi32>,
      %mul3A_426 = arith.constant 128 : i32
      %mul3A_427 = arith.muli %scan3A_397, %mul3A_426 : i32
      %add3A_428 = arith.constant 16 : i32
      %add3A_429 = arith.addi %mul3A_427, %add3A_428 : i32
      %get3A_430 = arith.index_cast %add3A_429 : i32 to index
      %get3A_431 = tpu.vector_load %arg5[%get3A_430] {strides = array<i32>} : memref<16384xf32, #tpu.memory_space<vmem>>, vector<16xf32>,
      %mul3A_432 = arith.constant 0.999979972 : f32
      %mul3A_433 = vector.broadcast %mul3A_432 : f32 to vector<16xf32>
      %mul3A_434 = arith.mulf %get3A_431, %mul3A_433 : vector<16xf32>
      %add3A_435 = arith.constant 2.000000e-05 : f32
      %add3A_436 = vector.broadcast %add3A_435 : f32 to vector<16xf32>
      %add3A_437 = arith.addf %mul3A_434, %add3A_436 : vector<16xf32>
      %bitcast_convert_type3A_438 = tpu.bitcast %add3A_437 : vector<16xf32> -> vector<16xi32>
      %sub3A_439 = arith.constant 1006632960 : i32
      %sub3A_440 = vector.broadcast %sub3A_439 : i32 to vector<16xi32>
      %sub3A_441 = arith.subi %bitcast_convert_type3A_438, %sub3A_440 : vector<16xi32>
      %get3A_442 = arith.index_cast %add3A_429 : i32 to index
      %get3A_443 = tpu.vector_load %arg6[%get3A_442] {strides = array<i32>} : memref<16384xi32, #tpu.memory_space<vmem>>, vector<16xi32>,
      %eq3A_444 = arith.constant 1 : i32
      %eq3A_445 = vector.broadcast %eq3A_444 : i32 to vector<16xi32>
      %eq3A_446 = arith.cmpi eq, %get3A_443, %eq3A_445 : vector<16xi32>
      %jit3A_447 = arith.constant 58720256 : i32
      %broadcast_in_dim3A_448 = vector.broadcast %jit3A_447 : i32 to vector<16xi32>
      %select_n3A_449 = arith.select %eq3A_446, %sub3A_441, %broadcast_in_dim3A_448 : vector<16xi1>, vector<16xi32>
      %swap3A_450 = arith.index_cast %add3A_429 : i32 to index
      %swap3A_451 = tpu.vector_load %arg7[%swap3A_450] {strides = array<i32>} : memref<16384xi32, #tpu.memory_space<vmem>>, vector<16xi32>,
      tpu.vector_store %arg7[%swap3A_450], %select_n3A_449 {strides = array<i32>} : memref<16384xi32, #tpu.memory_space<vmem>>, vector<16xi32>,
      %shift_right_arithmetic3A_452 = arith.constant 17 : i32
      %shift_right_arithmetic3A_453 = vector.broadcast %shift_right_arithmetic3A_452 : i32 to vector<16xi32>
      %shift_right_arithmetic3A_454 = arith.shrsi %select_n3A_449, %shift_right_arithmetic3A_453 : vector<16xi32>
      %add3A_455 = arith.addi %mul3A_33, %shift_right_arithmetic3A_454 : vector<16xi32>
      tpu.vector_store_idx %arg18[%add3A_455], %broadcast_in_dim3A_34 {add = true} : memref<8320xi32, #tpu.memory_space<vmem>>[vector<16xi32>], vector<16xi32>,
      %mul3A_456 = arith.constant 128 : i32
      %mul3A_457 = arith.muli %scan3A_397, %mul3A_456 : i32
      %add3A_458 = arith.constant 32 : i32
      %add3A_459 = arith.addi %mul3A_457, %add3A_458 : i32
      %get3A_460 = arith.index_cast %add3A_459 : i32 to index
      %get3A_461 = tpu.vector_load %arg5[%get3A_460] {strides = array<i32>} : memref<16384xf32, #tpu.memory_space<vmem>>, vector<16xf32>,
      %mul3A_462 = arith.constant 0.999979972 : f32
      %mul3A_463 = vector.broadcast %mul3A_462 : f32 to vector<16xf32>
      %mul3A_464 = arith.mulf %get3A_461, %mul3A_463 : vector<16xf32>
      %add3A_465 = arith.constant 2.000000e-05 : f32
      %add3A_466 = vector.broadcast %add3A_465 : f32 to vector<16xf32>
      %add3A_467 = arith.addf %mul3A_464, %add3A_466 : vector<16xf32>
      %bitcast_convert_type3A_468 = tpu.bitcast %add3A_467 : vector<16xf32> -> vector<16xi32>
      %sub3A_469 = arith.constant 1006632960 : i32
      %sub3A_470 = vector.broadcast %sub3A_469 : i32 to vector<16xi32>
      %sub3A_471 = arith.subi %bitcast_convert_type3A_468, %sub3A_470 : vector<16xi32>
      %get3A_472 = arith.index_cast %add3A_459 : i32 to index
      %get3A_473 = tpu.vector_load %arg6[%get3A_472] {strides = array<i32>} : memref<16384xi32, #tpu.memory_space<vmem>>, vector<16xi32>,
      %eq3A_474 = arith.constant 1 : i32
      %eq3A_475 = vector.broadcast %eq3A_474 : i32 to vector<16xi32>
      %eq3A_476 = arith.cmpi eq, %get3A_473, %eq3A_475 : vector<16xi32>
      %jit3A_477 = arith.constant 58720256 : i32
      %broadcast_in_dim3A_478 = vector.broadcast %jit3A_477 : i32 to vector<16xi32>
      %select_n3A_479 = arith.select %eq3A_476, %sub3A_471, %broadcast_in_dim3A_478 : vector<16xi1>, vector<16xi32>
      %swap3A_480 = arith.index_cast %add3A_459 : i32 to index
      %swap3A_481 = tpu.vector_load %arg7[%swap3A_480] {strides = array<i32>} : memref<16384xi32, #tpu.memory_space<vmem>>, vector<16xi32>,
      tpu.vector_store %arg7[%swap3A_480], %select_n3A_479 {strides = array<i32>} : memref<16384xi32, #tpu.memory_space<vmem>>, vector<16xi32>,
      %shift_right_arithmetic3A_482 = arith.constant 17 : i32
      %shift_right_arithmetic3A_483 = vector.broadcast %shift_right_arithmetic3A_482 : i32 to vector<16xi32>
      %shift_right_arithmetic3A_484 = arith.shrsi %select_n3A_479, %shift_right_arithmetic3A_483 : vector<16xi32>
      %add3A_485 = arith.addi %mul3A_33, %shift_right_arithmetic3A_484 : vector<16xi32>
      tpu.vector_store_idx %arg8[%add3A_485], %broadcast_in_dim3A_34 {add = true} : memref<8320xi32, #tpu.memory_space<vmem>>[vector<16xi32>], vector<16xi32>,
      %mul3A_486 = arith.constant 128 : i32
      %mul3A_487 = arith.muli %scan3A_397, %mul3A_486 : i32
      %add3A_488 = arith.constant 48 : i32
      %add3A_489 = arith.addi %mul3A_487, %add3A_488 : i32
      %get3A_490 = arith.index_cast %add3A_489 : i32 to index
      %get3A_491 = tpu.vector_load %arg5[%get3A_490] {strides = array<i32>} : memref<16384xf32, #tpu.memory_space<vmem>>, vector<16xf32>,
      %mul3A_492 = arith.constant 0.999979972 : f32
      %mul3A_493 = vector.broadcast %mul3A_492 : f32 to vector<16xf32>
      %mul3A_494 = arith.mulf %get3A_491, %mul3A_493 : vector<16xf32>
      %add3A_495 = arith.constant 2.000000e-05 : f32
      %add3A_496 = vector.broadcast %add3A_495 : f32 to vector<16xf32>
      %add3A_497 = arith.addf %mul3A_494, %add3A_496 : vector<16xf32>
      %bitcast_convert_type3A_498 = tpu.bitcast %add3A_497 : vector<16xf32> -> vector<16xi32>
      %sub3A_499 = arith.constant 1006632960 : i32
      %sub3A_500 = vector.broadcast %sub3A_499 : i32 to vector<16xi32>
      %sub3A_501 = arith.subi %bitcast_convert_type3A_498, %sub3A_500 : vector<16xi32>
      %get3A_502 = arith.index_cast %add3A_489 : i32 to index
      %get3A_503 = tpu.vector_load %arg6[%get3A_502] {strides = array<i32>} : memref<16384xi32, #tpu.memory_space<vmem>>, vector<16xi32>,
      %eq3A_504 = arith.constant 1 : i32
      %eq3A_505 = vector.broadcast %eq3A_504 : i32 to vector<16xi32>
      %eq3A_506 = arith.cmpi eq, %get3A_503, %eq3A_505 : vector<16xi32>
      %jit3A_507 = arith.constant 58720256 : i32
      %broadcast_in_dim3A_508 = vector.broadcast %jit3A_507 : i32 to vector<16xi32>
      %select_n3A_509 = arith.select %eq3A_506, %sub3A_501, %broadcast_in_dim3A_508 : vector<16xi1>, vector<16xi32>
      %swap3A_510 = arith.index_cast %add3A_489 : i32 to index
      %swap3A_511 = tpu.vector_load %arg7[%swap3A_510] {strides = array<i32>} : memref<16384xi32, #tpu.memory_space<vmem>>, vector<16xi32>,
      tpu.vector_store %arg7[%swap3A_510], %select_n3A_509 {strides = array<i32>} : memref<16384xi32, #tpu.memory_space<vmem>>, vector<16xi32>,
      %shift_right_arithmetic3A_512 = arith.constant 17 : i32
      %shift_right_arithmetic3A_513 = vector.broadcast %shift_right_arithmetic3A_512 : i32 to vector<16xi32>
      %shift_right_arithmetic3A_514 = arith.shrsi %select_n3A_509, %shift_right_arithmetic3A_513 : vector<16xi32>
      %add3A_515 = arith.addi %mul3A_33, %shift_right_arithmetic3A_514 : vector<16xi32>
      tpu.vector_store_idx %arg18[%add3A_515], %broadcast_in_dim3A_34 {add = true} : memref<8320xi32, #tpu.memory_space<vmem>>[vector<16xi32>], vector<16xi32>,
      %mul3A_516 = arith.constant 128 : i32
      %mul3A_517 = arith.muli %scan3A_397, %mul3A_516 : i32
      %add3A_518 = arith.constant 64 : i32
      %add3A_519 = arith.addi %mul3A_517, %add3A_518 : i32
      %get3A_520 = arith.index_cast %add3A_519 : i32 to index
      %get3A_521 = tpu.vector_load %arg5[%get3A_520] {strides = array<i32>} : memref<16384xf32, #tpu.memory_space<vmem>>, vector<16xf32>,
      %mul3A_522 = arith.constant 0.999979972 : f32
      %mul3A_523 = vector.broadcast %mul3A_522 : f32 to vector<16xf32>
      %mul3A_524 = arith.mulf %get3A_521, %mul3A_523 : vector<16xf32>
      %add3A_525 = arith.constant 2.000000e-05 : f32
      %add3A_526 = vector.broadcast %add3A_525 : f32 to vector<16xf32>
      %add3A_527 = arith.addf %mul3A_524, %add3A_526 : vector<16xf32>
      %bitcast_convert_type3A_528 = tpu.bitcast %add3A_527 : vector<16xf32> -> vector<16xi32>
      %sub3A_529 = arith.constant 1006632960 : i32
      %sub3A_530 = vector.broadcast %sub3A_529 : i32 to vector<16xi32>
      %sub3A_531 = arith.subi %bitcast_convert_type3A_528, %sub3A_530 : vector<16xi32>
      %get3A_532 = arith.index_cast %add3A_519 : i32 to index
      %get3A_533 = tpu.vector_load %arg6[%get3A_532] {strides = array<i32>} : memref<16384xi32, #tpu.memory_space<vmem>>, vector<16xi32>,
      %eq3A_534 = arith.constant 1 : i32
      %eq3A_535 = vector.broadcast %eq3A_534 : i32 to vector<16xi32>
      %eq3A_536 = arith.cmpi eq, %get3A_533, %eq3A_535 : vector<16xi32>
      %jit3A_537 = arith.constant 58720256 : i32
      %broadcast_in_dim3A_538 = vector.broadcast %jit3A_537 : i32 to vector<16xi32>
      %select_n3A_539 = arith.select %eq3A_536, %sub3A_531, %broadcast_in_dim3A_538 : vector<16xi1>, vector<16xi32>
      %swap3A_540 = arith.index_cast %add3A_519 : i32 to index
      %swap3A_541 = tpu.vector_load %arg7[%swap3A_540] {strides = array<i32>} : memref<16384xi32, #tpu.memory_space<vmem>>, vector<16xi32>,
      tpu.vector_store %arg7[%swap3A_540], %select_n3A_539 {strides = array<i32>} : memref<16384xi32, #tpu.memory_space<vmem>>, vector<16xi32>,
      %shift_right_arithmetic3A_542 = arith.constant 17 : i32
      %shift_right_arithmetic3A_543 = vector.broadcast %shift_right_arithmetic3A_542 : i32 to vector<16xi32>
      %shift_right_arithmetic3A_544 = arith.shrsi %select_n3A_539, %shift_right_arithmetic3A_543 : vector<16xi32>
      %add3A_545 = arith.addi %mul3A_33, %shift_right_arithmetic3A_544 : vector<16xi32>
      tpu.vector_store_idx %arg8[%add3A_545], %broadcast_in_dim3A_34 {add = true} : memref<8320xi32, #tpu.memory_space<vmem>>[vector<16xi32>], vector<16xi32>,
      %mul3A_546 = arith.constant 128 : i32
      %mul3A_547 = arith.muli %scan3A_397, %mul3A_546 : i32
      %add3A_548 = arith.constant 80 : i32
      %add3A_549 = arith.addi %mul3A_547, %add3A_548 : i32
      %get3A_550 = arith.index_cast %add3A_549 : i32 to index
      %get3A_551 = tpu.vector_load %arg5[%get3A_550] {strides = array<i32>} : memref<16384xf32, #tpu.memory_space<vmem>>, vector<16xf32>,
      %mul3A_552 = arith.constant 0.999979972 : f32
      %mul3A_553 = vector.broadcast %mul3A_552 : f32 to vector<16xf32>
      %mul3A_554 = arith.mulf %get3A_551, %mul3A_553 : vector<16xf32>
      %add3A_555 = arith.constant 2.000000e-05 : f32
      %add3A_556 = vector.broadcast %add3A_555 : f32 to vector<16xf32>
      %add3A_557 = arith.addf %mul3A_554, %add3A_556 : vector<16xf32>
      %bitcast_convert_type3A_558 = tpu.bitcast %add3A_557 : vector<16xf32> -> vector<16xi32>
      %sub3A_559 = arith.constant 1006632960 : i32
      %sub3A_560 = vector.broadcast %sub3A_559 : i32 to vector<16xi32>
      %sub3A_561 = arith.subi %bitcast_convert_type3A_558, %sub3A_560 : vector<16xi32>
      %get3A_562 = arith.index_cast %add3A_549 : i32 to index
      %get3A_563 = tpu.vector_load %arg6[%get3A_562] {strides = array<i32>} : memref<16384xi32, #tpu.memory_space<vmem>>, vector<16xi32>,
      %eq3A_564 = arith.constant 1 : i32
      %eq3A_565 = vector.broadcast %eq3A_564 : i32 to vector<16xi32>
      %eq3A_566 = arith.cmpi eq, %get3A_563, %eq3A_565 : vector<16xi32>
      %jit3A_567 = arith.constant 58720256 : i32
      %broadcast_in_dim3A_568 = vector.broadcast %jit3A_567 : i32 to vector<16xi32>
      %select_n3A_569 = arith.select %eq3A_566, %sub3A_561, %broadcast_in_dim3A_568 : vector<16xi1>, vector<16xi32>
      %swap3A_570 = arith.index_cast %add3A_549 : i32 to index
      %swap3A_571 = tpu.vector_load %arg7[%swap3A_570] {strides = array<i32>} : memref<16384xi32, #tpu.memory_space<vmem>>, vector<16xi32>,
      tpu.vector_store %arg7[%swap3A_570], %select_n3A_569 {strides = array<i32>} : memref<16384xi32, #tpu.memory_space<vmem>>, vector<16xi32>,
      %shift_right_arithmetic3A_572 = arith.constant 17 : i32
      %shift_right_arithmetic3A_573 = vector.broadcast %shift_right_arithmetic3A_572 : i32 to vector<16xi32>
      %shift_right_arithmetic3A_574 = arith.shrsi %select_n3A_569, %shift_right_arithmetic3A_573 : vector<16xi32>
      %add3A_575 = arith.addi %mul3A_33, %shift_right_arithmetic3A_574 : vector<16xi32>
      tpu.vector_store_idx %arg18[%add3A_575], %broadcast_in_dim3A_34 {add = true} : memref<8320xi32, #tpu.memory_space<vmem>>[vector<16xi32>], vector<16xi32>,
      %mul3A_576 = arith.constant 128 : i32
      %mul3A_577 = arith.muli %scan3A_397, %mul3A_576 : i32
      %add3A_578 = arith.constant 96 : i32
      %add3A_579 = arith.addi %mul3A_577, %add3A_578 : i32
      %get3A_580 = arith.index_cast %add3A_579 : i32 to index
      %get3A_581 = tpu.vector_load %arg5[%get3A_580] {strides = array<i32>} : memref<16384xf32, #tpu.memory_space<vmem>>, vector<16xf32>,
      %mul3A_582 = arith.constant 0.999979972 : f32
      %mul3A_583 = vector.broadcast %mul3A_582 : f32 to vector<16xf32>
      %mul3A_584 = arith.mulf %get3A_581, %mul3A_583 : vector<16xf32>
      %add3A_585 = arith.constant 2.000000e-05 : f32
      %add3A_586 = vector.broadcast %add3A_585 : f32 to vector<16xf32>
      %add3A_587 = arith.addf %mul3A_584, %add3A_586 : vector<16xf32>
      %bitcast_convert_type3A_588 = tpu.bitcast %add3A_587 : vector<16xf32> -> vector<16xi32>
      %sub3A_589 = arith.constant 1006632960 : i32
      %sub3A_590 = vector.broadcast %sub3A_589 : i32 to vector<16xi32>
      %sub3A_591 = arith.subi %bitcast_convert_type3A_588, %sub3A_590 : vector<16xi32>
      %get3A_592 = arith.index_cast %add3A_579 : i32 to index
      %get3A_593 = tpu.vector_load %arg6[%get3A_592] {strides = array<i32>} : memref<16384xi32, #tpu.memory_space<vmem>>, vector<16xi32>,
      %eq3A_594 = arith.constant 1 : i32
      %eq3A_595 = vector.broadcast %eq3A_594 : i32 to vector<16xi32>
      %eq3A_596 = arith.cmpi eq, %get3A_593, %eq3A_595 : vector<16xi32>
      %jit3A_597 = arith.constant 58720256 : i32
      %broadcast_in_dim3A_598 = vector.broadcast %jit3A_597 : i32 to vector<16xi32>
      %select_n3A_599 = arith.select %eq3A_596, %sub3A_591, %broadcast_in_dim3A_598 : vector<16xi1>, vector<16xi32>
      %swap3A_600 = arith.index_cast %add3A_579 : i32 to index
      %swap3A_601 = tpu.vector_load %arg7[%swap3A_600] {strides = array<i32>} : memref<16384xi32, #tpu.memory_space<vmem>>, vector<16xi32>,
      tpu.vector_store %arg7[%swap3A_600], %select_n3A_599 {strides = array<i32>} : memref<16384xi32, #tpu.memory_space<vmem>>, vector<16xi32>,
      %shift_right_arithmetic3A_602 = arith.constant 17 : i32
      %shift_right_arithmetic3A_603 = vector.broadcast %shift_right_arithmetic3A_602 : i32 to vector<16xi32>
      %shift_right_arithmetic3A_604 = arith.shrsi %select_n3A_599, %shift_right_arithmetic3A_603 : vector<16xi32>
      %add3A_605 = arith.addi %mul3A_33, %shift_right_arithmetic3A_604 : vector<16xi32>
      tpu.vector_store_idx %arg8[%add3A_605], %broadcast_in_dim3A_34 {add = true} : memref<8320xi32, #tpu.memory_space<vmem>>[vector<16xi32>], vector<16xi32>,
      %mul3A_606 = arith.constant 128 : i32
      %mul3A_607 = arith.muli %scan3A_397, %mul3A_606 : i32
      %add3A_608 = arith.constant 112 : i32
      %add3A_609 = arith.addi %mul3A_607, %add3A_608 : i32
      %get3A_610 = arith.index_cast %add3A_609 : i32 to index
      %get3A_611 = tpu.vector_load %arg5[%get3A_610] {strides = array<i32>} : memref<16384xf32, #tpu.memory_space<vmem>>, vector<16xf32>,
      %mul3A_612 = arith.constant 0.999979972 : f32
      %mul3A_613 = vector.broadcast %mul3A_612 : f32 to vector<16xf32>
      %mul3A_614 = arith.mulf %get3A_611, %mul3A_613 : vector<16xf32>
      %add3A_615 = arith.constant 2.000000e-05 : f32
      %add3A_616 = vector.broadcast %add3A_615 : f32 to vector<16xf32>
      %add3A_617 = arith.addf %mul3A_614, %add3A_616 : vector<16xf32>
      %bitcast_convert_type3A_618 = tpu.bitcast %add3A_617 : vector<16xf32> -> vector<16xi32>
      %sub3A_619 = arith.constant 1006632960 : i32
      %sub3A_620 = vector.broadcast %sub3A_619 : i32 to vector<16xi32>
      %sub3A_621 = arith.subi %bitcast_convert_type3A_618, %sub3A_620 : vector<16xi32>
      %get3A_622 = arith.index_cast %add3A_609 : i32 to index
      %get3A_623 = tpu.vector_load %arg6[%get3A_622] {strides = array<i32>} : memref<16384xi32, #tpu.memory_space<vmem>>, vector<16xi32>,
      %eq3A_624 = arith.constant 1 : i32
      %eq3A_625 = vector.broadcast %eq3A_624 : i32 to vector<16xi32>
      %eq3A_626 = arith.cmpi eq, %get3A_623, %eq3A_625 : vector<16xi32>
      %jit3A_627 = arith.constant 58720256 : i32
      %broadcast_in_dim3A_628 = vector.broadcast %jit3A_627 : i32 to vector<16xi32>
      %select_n3A_629 = arith.select %eq3A_626, %sub3A_621, %broadcast_in_dim3A_628 : vector<16xi1>, vector<16xi32>
      %swap3A_630 = arith.index_cast %add3A_609 : i32 to index
      %swap3A_631 = tpu.vector_load %arg7[%swap3A_630] {strides = array<i32>} : memref<16384xi32, #tpu.memory_space<vmem>>, vector<16xi32>,
      tpu.vector_store %arg7[%swap3A_630], %select_n3A_629 {strides = array<i32>} : memref<16384xi32, #tpu.memory_space<vmem>>, vector<16xi32>,
      %shift_right_arithmetic3A_632 = arith.constant 17 : i32
      %shift_right_arithmetic3A_633 = vector.broadcast %shift_right_arithmetic3A_632 : i32 to vector<16xi32>
      %shift_right_arithmetic3A_634 = arith.shrsi %select_n3A_629, %shift_right_arithmetic3A_633 : vector<16xi32>
      %add3A_635 = arith.addi %mul3A_33, %shift_right_arithmetic3A_634 : vector<16xi32>
      tpu.vector_store_idx %arg18[%add3A_635], %broadcast_in_dim3A_34 {add = true} : memref<8320xi32, #tpu.memory_space<vmem>>[vector<16xi32>], vector<16xi32>,
      %scan3A_636 = arith.constant 0 : i32
      scf.yield %scan3A_636 : i32
    }
    %scan3A_60 = arith.constant 64 : i32
    %dma_wait3A_61 = arith.constant 8192 : i32
    %dma_wait3A_62 = tpu.memref_slice %arg5[%dma_wait3A_61] : memref<16384xf32, #tpu.memory_space<vmem>> -> memref<8192xf32, #tpu.memory_space<vmem>>
    %dma_wait3A_63 = tpu.memref_slice %arg2[%add3A_16] : memref<524288xf32, #tpu.memory_space<hbm>> -> memref<8192xf32, #tpu.memory_space<hbm>>
    %dma_wait3A_64 = arith.constant 8192 : i32
    %dma_wait3A_65 = tpu.memref_slice %arg5[%dma_wait3A_64] : memref<16384xf32, #tpu.memory_space<vmem>> -> memref<8192xf32, #tpu.memory_space<vmem>>
    %dma_wait3A_66 = tpu.memref_slice %arg2[%add3A_16] : memref<524288xf32, #tpu.memory_space<hbm>> -> memref<8192xf32, #tpu.memory_space<hbm>>
    tpu.wait_dma2 semaphore(%arg24 : memref<!tpu.dma_semaphore, #tpu.memory_space<semaphore_mem>>) src(%dma_wait3A_66 : memref<8192xf32, #tpu.memory_space<hbm>>) dst(%dma_wait3A_65 : memref<8192xf32, #tpu.memory_space<vmem>>)
    %dma_wait3A_67 = arith.constant 8192 : i32
    %dma_wait3A_68 = tpu.memref_slice %arg6[%dma_wait3A_67] : memref<16384xi32, #tpu.memory_space<vmem>> -> memref<8192xi32, #tpu.memory_space<vmem>>
    %dma_wait3A_69 = tpu.memref_slice %arg3[%add3A_24] : memref<262144xi32, #tpu.memory_space<hbm>> -> memref<8192xi32, #tpu.memory_space<hbm>>
    %dma_wait3A_70 = arith.constant 8192 : i32
    %dma_wait3A_71 = tpu.memref_slice %arg6[%dma_wait3A_70] : memref<16384xi32, #tpu.memory_space<vmem>> -> memref<8192xi32, #tpu.memory_space<vmem>>
    %dma_wait3A_72 = tpu.memref_slice %arg3[%add3A_24] : memref<262144xi32, #tpu.memory_space<hbm>> -> memref<8192xi32, #tpu.memory_space<hbm>>
    tpu.wait_dma2 semaphore(%arg25 : memref<!tpu.dma_semaphore, #tpu.memory_space<semaphore_mem>>) src(%dma_wait3A_72 : memref<8192xi32, #tpu.memory_space<hbm>>) dst(%dma_wait3A_71 : memref<8192xi32, #tpu.memory_space<vmem>>)
    %scan3A_73 = arith.constant 0 : i32
    %scan3A_74 = arith.constant 64 : i32
    %scan3A_75 = arith.constant 64 : i32
    %scan3A_76 = arith.addi %scan3A_74, %scan3A_75 : i32
    %scan3A_77 = arith.constant 1 : i32
    %scan3A_78 = scf.for %scan3A_397 = %scan3A_74 to %scan3A_76 step %scan3A_77 iter_args(%scan3A_398 = %scan3A_73) -> (i32)  : i32 {
      %mul3A_399 = arith.constant 128 : i32
      %mul3A_400 = arith.muli %scan3A_397, %mul3A_399 : i32
      %add3A_401 = arith.constant 0 : i32
      %add3A_402 = arith.addi %mul3A_400, %add3A_401 : i32
      %get3A_403 = arith.index_cast %add3A_402 : i32 to index
      %get3A_404 = tpu.vector_load %arg5[%get3A_403] {strides = array<i32>} : memref<16384xf32, #tpu.memory_space<vmem>>, vector<16xf32>,
      %mul3A_405 = arith.constant 0.999979972 : f32
      %mul3A_406 = vector.broadcast %mul3A_405 : f32 to vector<16xf32>
      %mul3A_407 = arith.mulf %get3A_404, %mul3A_406 : vector<16xf32>
      %add3A_408 = arith.constant 2.000000e-05 : f32
      %add3A_409 = vector.broadcast %add3A_408 : f32 to vector<16xf32>
      %add3A_410 = arith.addf %mul3A_407, %add3A_409 : vector<16xf32>
      %bitcast_convert_type3A = tpu.bitcast %add3A_410 : vector<16xf32> -> vector<16xi32>
      %sub3A_411 = arith.constant 1006632960 : i32
      %sub3A_412 = vector.broadcast %sub3A_411 : i32 to vector<16xi32>
      %sub3A_413 = arith.subi %bitcast_convert_type3A, %sub3A_412 : vector<16xi32>
      %get3A_414 = arith.index_cast %add3A_402 : i32 to index
      %get3A_415 = tpu.vector_load %arg6[%get3A_414] {strides = array<i32>} : memref<16384xi32, #tpu.memory_space<vmem>>, vector<16xi32>,
      %eq3A_416 = arith.constant 1 : i32
      %eq3A_417 = vector.broadcast %eq3A_416 : i32 to vector<16xi32>
      %eq3A_418 = arith.cmpi eq, %get3A_415, %eq3A_417 : vector<16xi32>
      %jit3A = arith.constant 58720256 : i32
      %broadcast_in_dim3A_419 = vector.broadcast %jit3A : i32 to vector<16xi32>
      %select_n3A = arith.select %eq3A_418, %sub3A_413, %broadcast_in_dim3A_419 : vector<16xi1>, vector<16xi32>
      %swap3A_420 = arith.index_cast %add3A_402 : i32 to index
      %swap3A_421 = tpu.vector_load %arg7[%swap3A_420] {strides = array<i32>} : memref<16384xi32, #tpu.memory_space<vmem>>, vector<16xi32>,
      tpu.vector_store %arg7[%swap3A_420], %select_n3A {strides = array<i32>} : memref<16384xi32, #tpu.memory_space<vmem>>, vector<16xi32>,
      %shift_right_arithmetic3A_422 = arith.constant 17 : i32
      %shift_right_arithmetic3A_423 = vector.broadcast %shift_right_arithmetic3A_422 : i32 to vector<16xi32>
      %shift_right_arithmetic3A_424 = arith.shrsi %select_n3A, %shift_right_arithmetic3A_423 : vector<16xi32>
      %add3A_425 = arith.addi %mul3A_33, %shift_right_arithmetic3A_424 : vector<16xi32>
      tpu.vector_store_idx %arg8[%add3A_425], %broadcast_in_dim3A_34 {add = true} : memref<8320xi32, #tpu.memory_space<vmem>>[vector<16xi32>], vector<16xi32>,
      %mul3A_426 = arith.constant 128 : i32
      %mul3A_427 = arith.muli %scan3A_397, %mul3A_426 : i32
      %add3A_428 = arith.constant 16 : i32
      %add3A_429 = arith.addi %mul3A_427, %add3A_428 : i32
      %get3A_430 = arith.index_cast %add3A_429 : i32 to index
      %get3A_431 = tpu.vector_load %arg5[%get3A_430] {strides = array<i32>} : memref<16384xf32, #tpu.memory_space<vmem>>, vector<16xf32>,
      %mul3A_432 = arith.constant 0.999979972 : f32
      %mul3A_433 = vector.broadcast %mul3A_432 : f32 to vector<16xf32>
      %mul3A_434 = arith.mulf %get3A_431, %mul3A_433 : vector<16xf32>
      %add3A_435 = arith.constant 2.000000e-05 : f32
      %add3A_436 = vector.broadcast %add3A_435 : f32 to vector<16xf32>
      %add3A_437 = arith.addf %mul3A_434, %add3A_436 : vector<16xf32>
      %bitcast_convert_type3A_438 = tpu.bitcast %add3A_437 : vector<16xf32> -> vector<16xi32>
      %sub3A_439 = arith.constant 1006632960 : i32
      %sub3A_440 = vector.broadcast %sub3A_439 : i32 to vector<16xi32>
      %sub3A_441 = arith.subi %bitcast_convert_type3A_438, %sub3A_440 : vector<16xi32>
      %get3A_442 = arith.index_cast %add3A_429 : i32 to index
      %get3A_443 = tpu.vector_load %arg6[%get3A_442] {strides = array<i32>} : memref<16384xi32, #tpu.memory_space<vmem>>, vector<16xi32>,
      %eq3A_444 = arith.constant 1 : i32
      %eq3A_445 = vector.broadcast %eq3A_444 : i32 to vector<16xi32>
      %eq3A_446 = arith.cmpi eq, %get3A_443, %eq3A_445 : vector<16xi32>
      %jit3A_447 = arith.constant 58720256 : i32
      %broadcast_in_dim3A_448 = vector.broadcast %jit3A_447 : i32 to vector<16xi32>
      %select_n3A_449 = arith.select %eq3A_446, %sub3A_441, %broadcast_in_dim3A_448 : vector<16xi1>, vector<16xi32>
      %swap3A_450 = arith.index_cast %add3A_429 : i32 to index
      %swap3A_451 = tpu.vector_load %arg7[%swap3A_450] {strides = array<i32>} : memref<16384xi32, #tpu.memory_space<vmem>>, vector<16xi32>,
      tpu.vector_store %arg7[%swap3A_450], %select_n3A_449 {strides = array<i32>} : memref<16384xi32, #tpu.memory_space<vmem>>, vector<16xi32>,
      %shift_right_arithmetic3A_452 = arith.constant 17 : i32
      %shift_right_arithmetic3A_453 = vector.broadcast %shift_right_arithmetic3A_452 : i32 to vector<16xi32>
      %shift_right_arithmetic3A_454 = arith.shrsi %select_n3A_449, %shift_right_arithmetic3A_453 : vector<16xi32>
      %add3A_455 = arith.addi %mul3A_33, %shift_right_arithmetic3A_454 : vector<16xi32>
      tpu.vector_store_idx %arg18[%add3A_455], %broadcast_in_dim3A_34 {add = true} : memref<8320xi32, #tpu.memory_space<vmem>>[vector<16xi32>], vector<16xi32>,
      %mul3A_456 = arith.constant 128 : i32
      %mul3A_457 = arith.muli %scan3A_397, %mul3A_456 : i32
      %add3A_458 = arith.constant 32 : i32
      %add3A_459 = arith.addi %mul3A_457, %add3A_458 : i32
      %get3A_460 = arith.index_cast %add3A_459 : i32 to index
      %get3A_461 = tpu.vector_load %arg5[%get3A_460] {strides = array<i32>} : memref<16384xf32, #tpu.memory_space<vmem>>, vector<16xf32>,
      %mul3A_462 = arith.constant 0.999979972 : f32
      %mul3A_463 = vector.broadcast %mul3A_462 : f32 to vector<16xf32>
      %mul3A_464 = arith.mulf %get3A_461, %mul3A_463 : vector<16xf32>
      %add3A_465 = arith.constant 2.000000e-05 : f32
      %add3A_466 = vector.broadcast %add3A_465 : f32 to vector<16xf32>
      %add3A_467 = arith.addf %mul3A_464, %add3A_466 : vector<16xf32>
      %bitcast_convert_type3A_468 = tpu.bitcast %add3A_467 : vector<16xf32> -> vector<16xi32>
      %sub3A_469 = arith.constant 1006632960 : i32
      %sub3A_470 = vector.broadcast %sub3A_469 : i32 to vector<16xi32>
      %sub3A_471 = arith.subi %bitcast_convert_type3A_468, %sub3A_470 : vector<16xi32>
      %get3A_472 = arith.index_cast %add3A_459 : i32 to index
      %get3A_473 = tpu.vector_load %arg6[%get3A_472] {strides = array<i32>} : memref<16384xi32, #tpu.memory_space<vmem>>, vector<16xi32>,
      %eq3A_474 = arith.constant 1 : i32
      %eq3A_475 = vector.broadcast %eq3A_474 : i32 to vector<16xi32>
      %eq3A_476 = arith.cmpi eq, %get3A_473, %eq3A_475 : vector<16xi32>
      %jit3A_477 = arith.constant 58720256 : i32
      %broadcast_in_dim3A_478 = vector.broadcast %jit3A_477 : i32 to vector<16xi32>
      %select_n3A_479 = arith.select %eq3A_476, %sub3A_471, %broadcast_in_dim3A_478 : vector<16xi1>, vector<16xi32>
      %swap3A_480 = arith.index_cast %add3A_459 : i32 to index
      %swap3A_481 = tpu.vector_load %arg7[%swap3A_480] {strides = array<i32>} : memref<16384xi32, #tpu.memory_space<vmem>>, vector<16xi32>,
      tpu.vector_store %arg7[%swap3A_480], %select_n3A_479 {strides = array<i32>} : memref<16384xi32, #tpu.memory_space<vmem>>, vector<16xi32>,
      %shift_right_arithmetic3A_482 = arith.constant 17 : i32
      %shift_right_arithmetic3A_483 = vector.broadcast %shift_right_arithmetic3A_482 : i32 to vector<16xi32>
      %shift_right_arithmetic3A_484 = arith.shrsi %select_n3A_479, %shift_right_arithmetic3A_483 : vector<16xi32>
      %add3A_485 = arith.addi %mul3A_33, %shift_right_arithmetic3A_484 : vector<16xi32>
      tpu.vector_store_idx %arg8[%add3A_485], %broadcast_in_dim3A_34 {add = true} : memref<8320xi32, #tpu.memory_space<vmem>>[vector<16xi32>], vector<16xi32>,
      %mul3A_486 = arith.constant 128 : i32
      %mul3A_487 = arith.muli %scan3A_397, %mul3A_486 : i32
      %add3A_488 = arith.constant 48 : i32
      %add3A_489 = arith.addi %mul3A_487, %add3A_488 : i32
      %get3A_490 = arith.index_cast %add3A_489 : i32 to index
      %get3A_491 = tpu.vector_load %arg5[%get3A_490] {strides = array<i32>} : memref<16384xf32, #tpu.memory_space<vmem>>, vector<16xf32>,
      %mul3A_492 = arith.constant 0.999979972 : f32
      %mul3A_493 = vector.broadcast %mul3A_492 : f32 to vector<16xf32>
      %mul3A_494 = arith.mulf %get3A_491, %mul3A_493 : vector<16xf32>
      %add3A_495 = arith.constant 2.000000e-05 : f32
      %add3A_496 = vector.broadcast %add3A_495 : f32 to vector<16xf32>
      %add3A_497 = arith.addf %mul3A_494, %add3A_496 : vector<16xf32>
      %bitcast_convert_type3A_498 = tpu.bitcast %add3A_497 : vector<16xf32> -> vector<16xi32>
      %sub3A_499 = arith.constant 1006632960 : i32
      %sub3A_500 = vector.broadcast %sub3A_499 : i32 to vector<16xi32>
      %sub3A_501 = arith.subi %bitcast_convert_type3A_498, %sub3A_500 : vector<16xi32>
      %get3A_502 = arith.index_cast %add3A_489 : i32 to index
      %get3A_503 = tpu.vector_load %arg6[%get3A_502] {strides = array<i32>} : memref<16384xi32, #tpu.memory_space<vmem>>, vector<16xi32>,
      %eq3A_504 = arith.constant 1 : i32
      %eq3A_505 = vector.broadcast %eq3A_504 : i32 to vector<16xi32>
      %eq3A_506 = arith.cmpi eq, %get3A_503, %eq3A_505 : vector<16xi32>
      %jit3A_507 = arith.constant 58720256 : i32
      %broadcast_in_dim3A_508 = vector.broadcast %jit3A_507 : i32 to vector<16xi32>
      %select_n3A_509 = arith.select %eq3A_506, %sub3A_501, %broadcast_in_dim3A_508 : vector<16xi1>, vector<16xi32>
      %swap3A_510 = arith.index_cast %add3A_489 : i32 to index
      %swap3A_511 = tpu.vector_load %arg7[%swap3A_510] {strides = array<i32>} : memref<16384xi32, #tpu.memory_space<vmem>>, vector<16xi32>,
      tpu.vector_store %arg7[%swap3A_510], %select_n3A_509 {strides = array<i32>} : memref<16384xi32, #tpu.memory_space<vmem>>, vector<16xi32>,
      %shift_right_arithmetic3A_512 = arith.constant 17 : i32
      %shift_right_arithmetic3A_513 = vector.broadcast %shift_right_arithmetic3A_512 : i32 to vector<16xi32>
      %shift_right_arithmetic3A_514 = arith.shrsi %select_n3A_509, %shift_right_arithmetic3A_513 : vector<16xi32>
      %add3A_515 = arith.addi %mul3A_33, %shift_right_arithmetic3A_514 : vector<16xi32>
      tpu.vector_store_idx %arg18[%add3A_515], %broadcast_in_dim3A_34 {add = true} : memref<8320xi32, #tpu.memory_space<vmem>>[vector<16xi32>], vector<16xi32>,
      %mul3A_516 = arith.constant 128 : i32
      %mul3A_517 = arith.muli %scan3A_397, %mul3A_516 : i32
      %add3A_518 = arith.constant 64 : i32
      %add3A_519 = arith.addi %mul3A_517, %add3A_518 : i32
      %get3A_520 = arith.index_cast %add3A_519 : i32 to index
      %get3A_521 = tpu.vector_load %arg5[%get3A_520] {strides = array<i32>} : memref<16384xf32, #tpu.memory_space<vmem>>, vector<16xf32>,
      %mul3A_522 = arith.constant 0.999979972 : f32
      %mul3A_523 = vector.broadcast %mul3A_522 : f32 to vector<16xf32>
      %mul3A_524 = arith.mulf %get3A_521, %mul3A_523 : vector<16xf32>
      %add3A_525 = arith.constant 2.000000e-05 : f32
      %add3A_526 = vector.broadcast %add3A_525 : f32 to vector<16xf32>
      %add3A_527 = arith.addf %mul3A_524, %add3A_526 : vector<16xf32>
      %bitcast_convert_type3A_528 = tpu.bitcast %add3A_527 : vector<16xf32> -> vector<16xi32>
      %sub3A_529 = arith.constant 1006632960 : i32
      %sub3A_530 = vector.broadcast %sub3A_529 : i32 to vector<16xi32>
      %sub3A_531 = arith.subi %bitcast_convert_type3A_528, %sub3A_530 : vector<16xi32>
      %get3A_532 = arith.index_cast %add3A_519 : i32 to index
      %get3A_533 = tpu.vector_load %arg6[%get3A_532] {strides = array<i32>} : memref<16384xi32, #tpu.memory_space<vmem>>, vector<16xi32>,
      %eq3A_534 = arith.constant 1 : i32
      %eq3A_535 = vector.broadcast %eq3A_534 : i32 to vector<16xi32>
      %eq3A_536 = arith.cmpi eq, %get3A_533, %eq3A_535 : vector<16xi32>
      %jit3A_537 = arith.constant 58720256 : i32
      %broadcast_in_dim3A_538 = vector.broadcast %jit3A_537 : i32 to vector<16xi32>
      %select_n3A_539 = arith.select %eq3A_536, %sub3A_531, %broadcast_in_dim3A_538 : vector<16xi1>, vector<16xi32>
      %swap3A_540 = arith.index_cast %add3A_519 : i32 to index
      %swap3A_541 = tpu.vector_load %arg7[%swap3A_540] {strides = array<i32>} : memref<16384xi32, #tpu.memory_space<vmem>>, vector<16xi32>,
      tpu.vector_store %arg7[%swap3A_540], %select_n3A_539 {strides = array<i32>} : memref<16384xi32, #tpu.memory_space<vmem>>, vector<16xi32>,
      %shift_right_arithmetic3A_542 = arith.constant 17 : i32
      %shift_right_arithmetic3A_543 = vector.broadcast %shift_right_arithmetic3A_542 : i32 to vector<16xi32>
      %shift_right_arithmetic3A_544 = arith.shrsi %select_n3A_539, %shift_right_arithmetic3A_543 : vector<16xi32>
      %add3A_545 = arith.addi %mul3A_33, %shift_right_arithmetic3A_544 : vector<16xi32>
      tpu.vector_store_idx %arg8[%add3A_545], %broadcast_in_dim3A_34 {add = true} : memref<8320xi32, #tpu.memory_space<vmem>>[vector<16xi32>], vector<16xi32>,
      %mul3A_546 = arith.constant 128 : i32
      %mul3A_547 = arith.muli %scan3A_397, %mul3A_546 : i32
      %add3A_548 = arith.constant 80 : i32
      %add3A_549 = arith.addi %mul3A_547, %add3A_548 : i32
      %get3A_550 = arith.index_cast %add3A_549 : i32 to index
      %get3A_551 = tpu.vector_load %arg5[%get3A_550] {strides = array<i32>} : memref<16384xf32, #tpu.memory_space<vmem>>, vector<16xf32>,
      %mul3A_552 = arith.constant 0.999979972 : f32
      %mul3A_553 = vector.broadcast %mul3A_552 : f32 to vector<16xf32>
      %mul3A_554 = arith.mulf %get3A_551, %mul3A_553 : vector<16xf32>
      %add3A_555 = arith.constant 2.000000e-05 : f32
      %add3A_556 = vector.broadcast %add3A_555 : f32 to vector<16xf32>
      %add3A_557 = arith.addf %mul3A_554, %add3A_556 : vector<16xf32>
      %bitcast_convert_type3A_558 = tpu.bitcast %add3A_557 : vector<16xf32> -> vector<16xi32>
      %sub3A_559 = arith.constant 1006632960 : i32
      %sub3A_560 = vector.broadcast %sub3A_559 : i32 to vector<16xi32>
      %sub3A_561 = arith.subi %bitcast_convert_type3A_558, %sub3A_560 : vector<16xi32>
      %get3A_562 = arith.index_cast %add3A_549 : i32 to index
      %get3A_563 = tpu.vector_load %arg6[%get3A_562] {strides = array<i32>} : memref<16384xi32, #tpu.memory_space<vmem>>, vector<16xi32>,
      %eq3A_564 = arith.constant 1 : i32
      %eq3A_565 = vector.broadcast %eq3A_564 : i32 to vector<16xi32>
      %eq3A_566 = arith.cmpi eq, %get3A_563, %eq3A_565 : vector<16xi32>
      %jit3A_567 = arith.constant 58720256 : i32
      %broadcast_in_dim3A_568 = vector.broadcast %jit3A_567 : i32 to vector<16xi32>
      %select_n3A_569 = arith.select %eq3A_566, %sub3A_561, %broadcast_in_dim3A_568 : vector<16xi1>, vector<16xi32>
      %swap3A_570 = arith.index_cast %add3A_549 : i32 to index
      %swap3A_571 = tpu.vector_load %arg7[%swap3A_570] {strides = array<i32>} : memref<16384xi32, #tpu.memory_space<vmem>>, vector<16xi32>,
      tpu.vector_store %arg7[%swap3A_570], %select_n3A_569 {strides = array<i32>} : memref<16384xi32, #tpu.memory_space<vmem>>, vector<16xi32>,
      %shift_right_arithmetic3A_572 = arith.constant 17 : i32
      %shift_right_arithmetic3A_573 = vector.broadcast %shift_right_arithmetic3A_572 : i32 to vector<16xi32>
      %shift_right_arithmetic3A_574 = arith.shrsi %select_n3A_569, %shift_right_arithmetic3A_573 : vector<16xi32>
      %add3A_575 = arith.addi %mul3A_33, %shift_right_arithmetic3A_574 : vector<16xi32>
      tpu.vector_store_idx %arg18[%add3A_575], %broadcast_in_dim3A_34 {add = true} : memref<8320xi32, #tpu.memory_space<vmem>>[vector<16xi32>], vector<16xi32>,
      %mul3A_576 = arith.constant 128 : i32
      %mul3A_577 = arith.muli %scan3A_397, %mul3A_576 : i32
      %add3A_578 = arith.constant 96 : i32
      %add3A_579 = arith.addi %mul3A_577, %add3A_578 : i32
      %get3A_580 = arith.index_cast %add3A_579 : i32 to index
      %get3A_581 = tpu.vector_load %arg5[%get3A_580] {strides = array<i32>} : memref<16384xf32, #tpu.memory_space<vmem>>, vector<16xf32>,
      %mul3A_582 = arith.constant 0.999979972 : f32
      %mul3A_583 = vector.broadcast %mul3A_582 : f32 to vector<16xf32>
      %mul3A_584 = arith.mulf %get3A_581, %mul3A_583 : vector<16xf32>
      %add3A_585 = arith.constant 2.000000e-05 : f32
      %add3A_586 = vector.broadcast %add3A_585 : f32 to vector<16xf32>
      %add3A_587 = arith.addf %mul3A_584, %add3A_586 : vector<16xf32>
      %bitcast_convert_type3A_588 = tpu.bitcast %add3A_587 : vector<16xf32> -> vector<16xi32>
      %sub3A_589 = arith.constant 1006632960 : i32
      %sub3A_590 = vector.broadcast %sub3A_589 : i32 to vector<16xi32>
      %sub3A_591 = arith.subi %bitcast_convert_type3A_588, %sub3A_590 : vector<16xi32>
      %get3A_592 = arith.index_cast %add3A_579 : i32 to index
      %get3A_593 = tpu.vector_load %arg6[%get3A_592] {strides = array<i32>} : memref<16384xi32, #tpu.memory_space<vmem>>, vector<16xi32>,
      %eq3A_594 = arith.constant 1 : i32
      %eq3A_595 = vector.broadcast %eq3A_594 : i32 to vector<16xi32>
      %eq3A_596 = arith.cmpi eq, %get3A_593, %eq3A_595 : vector<16xi32>
      %jit3A_597 = arith.constant 58720256 : i32
      %broadcast_in_dim3A_598 = vector.broadcast %jit3A_597 : i32 to vector<16xi32>
      %select_n3A_599 = arith.select %eq3A_596, %sub3A_591, %broadcast_in_dim3A_598 : vector<16xi1>, vector<16xi32>
      %swap3A_600 = arith.index_cast %add3A_579 : i32 to index
      %swap3A_601 = tpu.vector_load %arg7[%swap3A_600] {strides = array<i32>} : memref<16384xi32, #tpu.memory_space<vmem>>, vector<16xi32>,
      tpu.vector_store %arg7[%swap3A_600], %select_n3A_599 {strides = array<i32>} : memref<16384xi32, #tpu.memory_space<vmem>>, vector<16xi32>,
      %shift_right_arithmetic3A_602 = arith.constant 17 : i32
      %shift_right_arithmetic3A_603 = vector.broadcast %shift_right_arithmetic3A_602 : i32 to vector<16xi32>
      %shift_right_arithmetic3A_604 = arith.shrsi %select_n3A_599, %shift_right_arithmetic3A_603 : vector<16xi32>
      %add3A_605 = arith.addi %mul3A_33, %shift_right_arithmetic3A_604 : vector<16xi32>
      tpu.vector_store_idx %arg8[%add3A_605], %broadcast_in_dim3A_34 {add = true} : memref<8320xi32, #tpu.memory_space<vmem>>[vector<16xi32>], vector<16xi32>,
      %mul3A_606 = arith.constant 128 : i32
      %mul3A_607 = arith.muli %scan3A_397, %mul3A_606 : i32
      %add3A_608 = arith.constant 112 : i32
      %add3A_609 = arith.addi %mul3A_607, %add3A_608 : i32
      %get3A_610 = arith.index_cast %add3A_609 : i32 to index
      %get3A_611 = tpu.vector_load %arg5[%get3A_610] {strides = array<i32>} : memref<16384xf32, #tpu.memory_space<vmem>>, vector<16xf32>,
      %mul3A_612 = arith.constant 0.999979972 : f32
      %mul3A_613 = vector.broadcast %mul3A_612 : f32 to vector<16xf32>
      %mul3A_614 = arith.mulf %get3A_611, %mul3A_613 : vector<16xf32>
      %add3A_615 = arith.constant 2.000000e-05 : f32
      %add3A_616 = vector.broadcast %add3A_615 : f32 to vector<16xf32>
      %add3A_617 = arith.addf %mul3A_614, %add3A_616 : vector<16xf32>
      %bitcast_convert_type3A_618 = tpu.bitcast %add3A_617 : vector<16xf32> -> vector<16xi32>
      %sub3A_619 = arith.constant 1006632960 : i32
      %sub3A_620 = vector.broadcast %sub3A_619 : i32 to vector<16xi32>
      %sub3A_621 = arith.subi %bitcast_convert_type3A_618, %sub3A_620 : vector<16xi32>
      %get3A_622 = arith.index_cast %add3A_609 : i32 to index
      %get3A_623 = tpu.vector_load %arg6[%get3A_622] {strides = array<i32>} : memref<16384xi32, #tpu.memory_space<vmem>>, vector<16xi32>,
      %eq3A_624 = arith.constant 1 : i32
      %eq3A_625 = vector.broadcast %eq3A_624 : i32 to vector<16xi32>
      %eq3A_626 = arith.cmpi eq, %get3A_623, %eq3A_625 : vector<16xi32>
      %jit3A_627 = arith.constant 58720256 : i32
      %broadcast_in_dim3A_628 = vector.broadcast %jit3A_627 : i32 to vector<16xi32>
      %select_n3A_629 = arith.select %eq3A_626, %sub3A_621, %broadcast_in_dim3A_628 : vector<16xi1>, vector<16xi32>
      %swap3A_630 = arith.index_cast %add3A_609 : i32 to index
      %swap3A_631 = tpu.vector_load %arg7[%swap3A_630] {strides = array<i32>} : memref<16384xi32, #tpu.memory_space<vmem>>, vector<16xi32>,
      tpu.vector_store %arg7[%swap3A_630], %select_n3A_629 {strides = array<i32>} : memref<16384xi32, #tpu.memory_space<vmem>>, vector<16xi32>,
      %shift_right_arithmetic3A_632 = arith.constant 17 : i32
      %shift_right_arithmetic3A_633 = vector.broadcast %shift_right_arithmetic3A_632 : i32 to vector<16xi32>
      %shift_right_arithmetic3A_634 = arith.shrsi %select_n3A_629, %shift_right_arithmetic3A_633 : vector<16xi32>
      %add3A_635 = arith.addi %mul3A_33, %shift_right_arithmetic3A_634 : vector<16xi32>
      tpu.vector_store_idx %arg18[%add3A_635], %broadcast_in_dim3A_34 {add = true} : memref<8320xi32, #tpu.memory_space<vmem>>[vector<16xi32>], vector<16xi32>,
      %scan3A_636 = arith.constant 0 : i32
      scf.yield %scan3A_636 : i32
    }
    %scan3A_79 = arith.constant 64 : i32
    %scan3A_80 = arith.constant 0 : i32
    %scan3A_81 = arith.constant 0 : i32
    %scan3A_82 = arith.constant 32 : i32
    %scan3A_83 = arith.addi %scan3A_81, %scan3A_82 : i32
    %scan3A_84 = arith.constant 1 : i32
    %scan3A_85 = scf.for %scan3A_397 = %scan3A_81 to %scan3A_83 step %scan3A_84 iter_args(%scan3A_398 = %scan3A_80) -> (i32)  : i32 {
      %mul3A_399 = arith.constant 16 : i32
      %mul3A_400 = arith.muli %scan3A_397, %mul3A_399 : i32
      %add3A_401 = arith.constant 0 : i32
      %add3A_402 = arith.addi %add3A_401, %mul3A_400 : i32
      %get3A_403 = arith.index_cast %add3A_402 : i32 to index
      %get3A_404 = tpu.vector_load %arg8[%get3A_403] {strides = array<i32>} : memref<8320xi32, #tpu.memory_space<vmem>>, vector<16xi32>,
      %add3A_405 = arith.addi %broadcast_in_dim3A_36, %get3A_404 : vector<16xi32>
      %mul3A_406 = arith.constant 16 : i32
      %mul3A_407 = arith.muli %scan3A_397, %mul3A_406 : i32
      %add3A_408 = arith.constant 513 : i32
      %add3A_409 = arith.addi %add3A_408, %mul3A_407 : i32
      %get3A_410 = arith.index_cast %add3A_409 : i32 to index
      %get3A_411 = tpu.vector_load %arg8[%get3A_410] {strides = array<i32>} : memref<8320xi32, #tpu.memory_space<vmem>>, vector<16xi32>,
      %add3A_412 = arith.addi %add3A_405, %get3A_411 : vector<16xi32>
      %mul3A_413 = arith.constant 16 : i32
      %mul3A_414 = arith.muli %scan3A_397, %mul3A_413 : i32
      %add3A_415 = arith.constant 1026 : i32
      %add3A_416 = arith.addi %add3A_415, %mul3A_414 : i32
      %get3A_417 = arith.index_cast %add3A_416 : i32 to index
      %get3A_418 = tpu.vector_load %arg8[%get3A_417] {strides = array<i32>} : memref<8320xi32, #tpu.memory_space<vmem>>, vector<16xi32>,
      %add3A_419 = arith.addi %add3A_412, %get3A_418 : vector<16xi32>
      %mul3A_420 = arith.constant 16 : i32
      %mul3A_421 = arith.muli %scan3A_397, %mul3A_420 : i32
      %add3A_422 = arith.constant 1539 : i32
      %add3A_423 = arith.addi %add3A_422, %mul3A_421 : i32
      %get3A_424 = arith.index_cast %add3A_423 : i32 to index
      %get3A_425 = tpu.vector_load %arg8[%get3A_424] {strides = array<i32>} : memref<8320xi32, #tpu.memory_space<vmem>>, vector<16xi32>,
      %add3A_426 = arith.addi %add3A_419, %get3A_425 : vector<16xi32>
      %mul3A_427 = arith.constant 16 : i32
      %mul3A_428 = arith.muli %scan3A_397, %mul3A_427 : i32
      %add3A_429 = arith.constant 2052 : i32
      %add3A_430 = arith.addi %add3A_429, %mul3A_428 : i32
      %get3A_431 = arith.index_cast %add3A_430 : i32 to index
      %get3A_432 = tpu.vector_load %arg8[%get3A_431] {strides = array<i32>} : memref<8320xi32, #tpu.memory_space<vmem>>, vector<16xi32>,
      %add3A_433 = arith.addi %add3A_426, %get3A_432 : vector<16xi32>
      %mul3A_434 = arith.constant 16 : i32
      %mul3A_435 = arith.muli %scan3A_397, %mul3A_434 : i32
      %add3A_436 = arith.constant 2565 : i32
      %add3A_437 = arith.addi %add3A_436, %mul3A_435 : i32
      %get3A_438 = arith.index_cast %add3A_437 : i32 to index
      %get3A_439 = tpu.vector_load %arg8[%get3A_438] {strides = array<i32>} : memref<8320xi32, #tpu.memory_space<vmem>>, vector<16xi32>,
      %add3A_440 = arith.addi %add3A_433, %get3A_439 : vector<16xi32>
      %mul3A_441 = arith.constant 16 : i32
      %mul3A_442 = arith.muli %scan3A_397, %mul3A_441 : i32
      %add3A_443 = arith.constant 3078 : i32
      %add3A_444 = arith.addi %add3A_443, %mul3A_442 : i32
      %get3A_445 = arith.index_cast %add3A_444 : i32 to index
      %get3A_446 = tpu.vector_load %arg8[%get3A_445] {strides = array<i32>} : memref<8320xi32, #tpu.memory_space<vmem>>, vector<16xi32>,
      %add3A_447 = arith.addi %add3A_440, %get3A_446 : vector<16xi32>
      %mul3A_448 = arith.constant 16 : i32
      %mul3A_449 = arith.muli %scan3A_397, %mul3A_448 : i32
      %add3A_450 = arith.constant 3591 : i32
      %add3A_451 = arith.addi %add3A_450, %mul3A_449 : i32
      %get3A_452 = arith.index_cast %add3A_451 : i32 to index
      %get3A_453 = tpu.vector_load %arg8[%get3A_452] {strides = array<i32>} : memref<8320xi32, #tpu.memory_space<vmem>>, vector<16xi32>,
      %add3A_454 = arith.addi %add3A_447, %get3A_453 : vector<16xi32>
      %mul3A_455 = arith.constant 16 : i32
      %mul3A_456 = arith.muli %scan3A_397, %mul3A_455 : i32
      %add3A_457 = arith.constant 4104 : i32
      %add3A_458 = arith.addi %add3A_457, %mul3A_456 : i32
      %get3A_459 = arith.index_cast %add3A_458 : i32 to index
      %get3A_460 = tpu.vector_load %arg8[%get3A_459] {strides = array<i32>} : memref<8320xi32, #tpu.memory_space<vmem>>, vector<16xi32>,
      %add3A_461 = arith.addi %add3A_454, %get3A_460 : vector<16xi32>
      %mul3A_462 = arith.constant 16 : i32
      %mul3A_463 = arith.muli %scan3A_397, %mul3A_462 : i32
      %add3A_464 = arith.constant 4617 : i32
      %add3A_465 = arith.addi %add3A_464, %mul3A_463 : i32
      %get3A_466 = arith.index_cast %add3A_465 : i32 to index
      %get3A_467 = tpu.vector_load %arg8[%get3A_466] {strides = array<i32>} : memref<8320xi32, #tpu.memory_space<vmem>>, vector<16xi32>,
      %add3A_468 = arith.addi %add3A_461, %get3A_467 : vector<16xi32>
      %mul3A_469 = arith.constant 16 : i32
      %mul3A_470 = arith.muli %scan3A_397, %mul3A_469 : i32
      %add3A_471 = arith.constant 5130 : i32
      %add3A_472 = arith.addi %add3A_471, %mul3A_470 : i32
      %get3A_473 = arith.index_cast %add3A_472 : i32 to index
      %get3A_474 = tpu.vector_load %arg8[%get3A_473] {strides = array<i32>} : memref<8320xi32, #tpu.memory_space<vmem>>, vector<16xi32>,
      %add3A_475 = arith.addi %add3A_468, %get3A_474 : vector<16xi32>
      %mul3A_476 = arith.constant 16 : i32
      %mul3A_477 = arith.muli %scan3A_397, %mul3A_476 : i32
      %add3A_478 = arith.constant 5643 : i32
      %add3A_479 = arith.addi %add3A_478, %mul3A_477 : i32
      %get3A_480 = arith.index_cast %add3A_479 : i32 to index
      %get3A_481 = tpu.vector_load %arg8[%get3A_480] {strides = array<i32>} : memref<8320xi32, #tpu.memory_space<vmem>>, vector<16xi32>,
      %add3A_482 = arith.addi %add3A_475, %get3A_481 : vector<16xi32>
      %mul3A_483 = arith.constant 16 : i32
      %mul3A_484 = arith.muli %scan3A_397, %mul3A_483 : i32
      %add3A_485 = arith.constant 6156 : i32
      %add3A_486 = arith.addi %add3A_485, %mul3A_484 : i32
      %get3A_487 = arith.index_cast %add3A_486 : i32 to index
      %get3A_488 = tpu.vector_load %arg8[%get3A_487] {strides = array<i32>} : memref<8320xi32, #tpu.memory_space<vmem>>, vector<16xi32>,
      %add3A_489 = arith.addi %add3A_482, %get3A_488 : vector<16xi32>
      %mul3A_490 = arith.constant 16 : i32
      %mul3A_491 = arith.muli %scan3A_397, %mul3A_490 : i32
      %add3A_492 = arith.constant 6669 : i32
      %add3A_493 = arith.addi %add3A_492, %mul3A_491 : i32
      %get3A_494 = arith.index_cast %add3A_493 : i32 to index
      %get3A_495 = tpu.vector_load %arg8[%get3A_494] {strides = array<i32>} : memref<8320xi32, #tpu.memory_space<vmem>>, vector<16xi32>,
      %add3A_496 = arith.addi %add3A_489, %get3A_495 : vector<16xi32>
      %mul3A_497 = arith.constant 16 : i32
      %mul3A_498 = arith.muli %scan3A_397, %mul3A_497 : i32
      %add3A_499 = arith.constant 7182 : i32
      %add3A_500 = arith.addi %add3A_499, %mul3A_498 : i32
      %get3A_501 = arith.index_cast %add3A_500 : i32 to index
      %get3A_502 = tpu.vector_load %arg8[%get3A_501] {strides = array<i32>} : memref<8320xi32, #tpu.memory_space<vmem>>, vector<16xi32>,
      %add3A_503 = arith.addi %add3A_496, %get3A_502 : vector<16xi32>
      %mul3A_504 = arith.constant 16 : i32
      %mul3A_505 = arith.muli %scan3A_397, %mul3A_504 : i32
      %add3A_506 = arith.constant 7695 : i32
      %add3A_507 = arith.addi %add3A_506, %mul3A_505 : i32
      %get3A_508 = arith.index_cast %add3A_507 : i32 to index
      %get3A_509 = tpu.vector_load %arg8[%get3A_508] {strides = array<i32>} : memref<8320xi32, #tpu.memory_space<vmem>>, vector<16xi32>,
      %add3A_510 = arith.addi %add3A_503, %get3A_509 : vector<16xi32>
      %mul3A_511 = arith.constant 16 : i32
      %mul3A_512 = arith.muli %scan3A_397, %mul3A_511 : i32
      %add3A_513 = arith.constant 0 : i32
      %add3A_514 = arith.addi %add3A_513, %mul3A_512 : i32
      %get3A_515 = arith.index_cast %add3A_514 : i32 to index
      %get3A_516 = tpu.vector_load %arg18[%get3A_515] {strides = array<i32>} : memref<8320xi32, #tpu.memory_space<vmem>>, vector<16xi32>,
      %add3A_517 = arith.addi %add3A_510, %get3A_516 : vector<16xi32>
      %mul3A_518 = arith.constant 16 : i32
      %mul3A_519 = arith.muli %scan3A_397, %mul3A_518 : i32
      %add3A_520 = arith.constant 513 : i32
      %add3A_521 = arith.addi %add3A_520, %mul3A_519 : i32
      %get3A_522 = arith.index_cast %add3A_521 : i32 to index
      %get3A_523 = tpu.vector_load %arg18[%get3A_522] {strides = array<i32>} : memref<8320xi32, #tpu.memory_space<vmem>>, vector<16xi32>,
      %add3A_524 = arith.addi %add3A_517, %get3A_523 : vector<16xi32>
      %mul3A_525 = arith.constant 16 : i32
      %mul3A_526 = arith.muli %scan3A_397, %mul3A_525 : i32
      %add3A_527 = arith.constant 1026 : i32
      %add3A_528 = arith.addi %add3A_527, %mul3A_526 : i32
      %get3A_529 = arith.index_cast %add3A_528 : i32 to index
      %get3A_530 = tpu.vector_load %arg18[%get3A_529] {strides = array<i32>} : memref<8320xi32, #tpu.memory_space<vmem>>, vector<16xi32>,
      %add3A_531 = arith.addi %add3A_524, %get3A_530 : vector<16xi32>
      %mul3A_532 = arith.constant 16 : i32
      %mul3A_533 = arith.muli %scan3A_397, %mul3A_532 : i32
      %add3A_534 = arith.constant 1539 : i32
      %add3A_535 = arith.addi %add3A_534, %mul3A_533 : i32
      %get3A_536 = arith.index_cast %add3A_535 : i32 to index
      %get3A_537 = tpu.vector_load %arg18[%get3A_536] {strides = array<i32>} : memref<8320xi32, #tpu.memory_space<vmem>>, vector<16xi32>,
      %add3A_538 = arith.addi %add3A_531, %get3A_537 : vector<16xi32>
      %mul3A_539 = arith.constant 16 : i32
      %mul3A_540 = arith.muli %scan3A_397, %mul3A_539 : i32
      %add3A_541 = arith.constant 2052 : i32
      %add3A_542 = arith.addi %add3A_541, %mul3A_540 : i32
      %get3A_543 = arith.index_cast %add3A_542 : i32 to index
      %get3A_544 = tpu.vector_load %arg18[%get3A_543] {strides = array<i32>} : memref<8320xi32, #tpu.memory_space<vmem>>, vector<16xi32>,
      %add3A_545 = arith.addi %add3A_538, %get3A_544 : vector<16xi32>
      %mul3A_546 = arith.constant 16 : i32
      %mul3A_547 = arith.muli %scan3A_397, %mul3A_546 : i32
      %add3A_548 = arith.constant 2565 : i32
      %add3A_549 = arith.addi %add3A_548, %mul3A_547 : i32
      %get3A_550 = arith.index_cast %add3A_549 : i32 to index
      %get3A_551 = tpu.vector_load %arg18[%get3A_550] {strides = array<i32>} : memref<8320xi32, #tpu.memory_space<vmem>>, vector<16xi32>,
      %add3A_552 = arith.addi %add3A_545, %get3A_551 : vector<16xi32>
      %mul3A_553 = arith.constant 16 : i32
      %mul3A_554 = arith.muli %scan3A_397, %mul3A_553 : i32
      %add3A_555 = arith.constant 3078 : i32
      %add3A_556 = arith.addi %add3A_555, %mul3A_554 : i32
      %get3A_557 = arith.index_cast %add3A_556 : i32 to index
      %get3A_558 = tpu.vector_load %arg18[%get3A_557] {strides = array<i32>} : memref<8320xi32, #tpu.memory_space<vmem>>, vector<16xi32>,
      %add3A_559 = arith.addi %add3A_552, %get3A_558 : vector<16xi32>
      %mul3A_560 = arith.constant 16 : i32
      %mul3A_561 = arith.muli %scan3A_397, %mul3A_560 : i32
      %add3A_562 = arith.constant 3591 : i32
      %add3A_563 = arith.addi %add3A_562, %mul3A_561 : i32
      %get3A_564 = arith.index_cast %add3A_563 : i32 to index
      %get3A_565 = tpu.vector_load %arg18[%get3A_564] {strides = array<i32>} : memref<8320xi32, #tpu.memory_space<vmem>>, vector<16xi32>,
      %add3A_566 = arith.addi %add3A_559, %get3A_565 : vector<16xi32>
      %mul3A_567 = arith.constant 16 : i32
      %mul3A_568 = arith.muli %scan3A_397, %mul3A_567 : i32
      %add3A_569 = arith.constant 4104 : i32
      %add3A_570 = arith.addi %add3A_569, %mul3A_568 : i32
      %get3A_571 = arith.index_cast %add3A_570 : i32 to index
      %get3A_572 = tpu.vector_load %arg18[%get3A_571] {strides = array<i32>} : memref<8320xi32, #tpu.memory_space<vmem>>, vector<16xi32>,
      %add3A_573 = arith.addi %add3A_566, %get3A_572 : vector<16xi32>
      %mul3A_574 = arith.constant 16 : i32
      %mul3A_575 = arith.muli %scan3A_397, %mul3A_574 : i32
      %add3A_576 = arith.constant 4617 : i32
      %add3A_577 = arith.addi %add3A_576, %mul3A_575 : i32
      %get3A_578 = arith.index_cast %add3A_577 : i32 to index
      %get3A_579 = tpu.vector_load %arg18[%get3A_578] {strides = array<i32>} : memref<8320xi32, #tpu.memory_space<vmem>>, vector<16xi32>,
      %add3A_580 = arith.addi %add3A_573, %get3A_579 : vector<16xi32>
      %mul3A_581 = arith.constant 16 : i32
      %mul3A_582 = arith.muli %scan3A_397, %mul3A_581 : i32
      %add3A_583 = arith.constant 5130 : i32
      %add3A_584 = arith.addi %add3A_583, %mul3A_582 : i32
      %get3A_585 = arith.index_cast %add3A_584 : i32 to index
      %get3A_586 = tpu.vector_load %arg18[%get3A_585] {strides = array<i32>} : memref<8320xi32, #tpu.memory_space<vmem>>, vector<16xi32>,
      %add3A_587 = arith.addi %add3A_580, %get3A_586 : vector<16xi32>
      %mul3A_588 = arith.constant 16 : i32
      %mul3A_589 = arith.muli %scan3A_397, %mul3A_588 : i32
      %add3A_590 = arith.constant 5643 : i32
      %add3A_591 = arith.addi %add3A_590, %mul3A_589 : i32
      %get3A_592 = arith.index_cast %add3A_591 : i32 to index
      %get3A_593 = tpu.vector_load %arg18[%get3A_592] {strides = array<i32>} : memref<8320xi32, #tpu.memory_space<vmem>>, vector<16xi32>,
      %add3A_594 = arith.addi %add3A_587, %get3A_593 : vector<16xi32>
      %mul3A_595 = arith.constant 16 : i32
      %mul3A_596 = arith.muli %scan3A_397, %mul3A_595 : i32
      %add3A_597 = arith.constant 6156 : i32
      %add3A_598 = arith.addi %add3A_597, %mul3A_596 : i32
      %get3A_599 = arith.index_cast %add3A_598 : i32 to index
      %get3A_600 = tpu.vector_load %arg18[%get3A_599] {strides = array<i32>} : memref<8320xi32, #tpu.memory_space<vmem>>, vector<16xi32>,
      %add3A_601 = arith.addi %add3A_594, %get3A_600 : vector<16xi32>
      %mul3A_602 = arith.constant 16 : i32
      %mul3A_603 = arith.muli %scan3A_397, %mul3A_602 : i32
      %add3A_604 = arith.constant 6669 : i32
      %add3A_605 = arith.addi %add3A_604, %mul3A_603 : i32
      %get3A_606 = arith.index_cast %add3A_605 : i32 to index
      %get3A_607 = tpu.vector_load %arg18[%get3A_606] {strides = array<i32>} : memref<8320xi32, #tpu.memory_space<vmem>>, vector<16xi32>,
      %add3A_608 = arith.addi %add3A_601, %get3A_607 : vector<16xi32>
      %mul3A_609 = arith.constant 16 : i32
      %mul3A_610 = arith.muli %scan3A_397, %mul3A_609 : i32
      %add3A_611 = arith.constant 7182 : i32
      %add3A_612 = arith.addi %add3A_611, %mul3A_610 : i32
      %get3A_613 = arith.index_cast %add3A_612 : i32 to index
      %get3A_614 = tpu.vector_load %arg18[%get3A_613] {strides = array<i32>} : memref<8320xi32, #tpu.memory_space<vmem>>, vector<16xi32>,
      %add3A_615 = arith.addi %add3A_608, %get3A_614 : vector<16xi32>
      %mul3A_616 = arith.constant 16 : i32
      %mul3A_617 = arith.muli %scan3A_397, %mul3A_616 : i32
      %add3A_618 = arith.constant 7695 : i32
      %add3A_619 = arith.addi %add3A_618, %mul3A_617 : i32
      %get3A_620 = arith.index_cast %add3A_619 : i32 to index
      %get3A_621 = tpu.vector_load %arg18[%get3A_620] {strides = array<i32>} : memref<8320xi32, #tpu.memory_space<vmem>>, vector<16xi32>,
      %add3A_622 = arith.addi %add3A_615, %get3A_621 : vector<16xi32>
      %mul3A_623 = arith.constant 16 : i32
      %mul3A_624 = arith.muli %scan3A_397, %mul3A_623 : i32
      %swap3A_625 = arith.index_cast %mul3A_624 : i32 to index
      %swap3A_626 = tpu.vector_load %arg9[%swap3A_625] {strides = array<i32>} : memref<512xi32, #tpu.memory_space<vmem>>, vector<16xi32>,
      tpu.vector_store %arg9[%swap3A_625], %add3A_622 {strides = array<i32>} : memref<512xi32, #tpu.memory_space<vmem>>, vector<16xi32>,
      %scan3A_627 = arith.constant 0 : i32
      scf.yield %scan3A_627 : i32
    }
    %scan3A_86 = arith.constant 32 : i32
    %mul3A_87 = arith.constant 512 : i32
    %mul3A_88 = arith.muli %arg1, %mul3A_87 : i32
    "tpu.region"() ({
      %run_scoped3A = tpu.sem_alloc : memref<!tpu.dma_semaphore, #tpu.memory_space<semaphore_mem>>
      %dma_start3A_397 = tpu.memref_slice %arg19[%mul3A_88] : memref<8192xi32, #tpu.memory_space<vmem_shared>> -> memref<512xi32, #tpu.memory_space<vmem_shared>>
      %dma_start3A_398 = tpu.memref_slice %arg19[%mul3A_88] : memref<8192xi32, #tpu.memory_space<vmem_shared>> -> memref<512xi32, #tpu.memory_space<vmem_shared>>
      tpu.enqueue_dma source(%arg9 : memref<512xi32, #tpu.memory_space<vmem>>) target(%dma_start3A_398 : memref<512xi32, #tpu.memory_space<vmem_shared>>) target_semaphore(%run_scoped3A : memref<!tpu.dma_semaphore, #tpu.memory_space<semaphore_mem>>)
      %dma_wait3A_399 = tpu.memref_slice %arg19[%mul3A_88] : memref<8192xi32, #tpu.memory_space<vmem_shared>> -> memref<512xi32, #tpu.memory_space<vmem_shared>>
      %dma_wait3A_400 = tpu.memref_slice %arg19[%mul3A_88] : memref<8192xi32, #tpu.memory_space<vmem_shared>> -> memref<512xi32, #tpu.memory_space<vmem_shared>>
      tpu.wait_dma2 semaphore(%run_scoped3A : memref<!tpu.dma_semaphore, #tpu.memory_space<semaphore_mem>>) src(%arg9 : memref<512xi32, #tpu.memory_space<vmem>>) dst(%dma_wait3A_400 : memref<512xi32, #tpu.memory_space<vmem_shared>>)
      tpu.yield
    }) : () -> ()
    %barrier3A = arith.constant 0 : index
    tpu.barrier barrier_id(%barrier3A)
    %eq3A = arith.constant 0 : i32
    %eq3A_89 = arith.cmpi eq, %arg1, %eq3A : i32
    %convert_element_type3A = arith.extui %eq3A_89 : i1 to i32
    %cond3A = arith.constant 0 : i32
    %cond3A_90 = arith.constant 0 : i32
    %cond3A_91 = arith.cmpi ne, %convert_element_type3A, %cond3A_90 : i32
    scf.if %cond3A_91 {
      "tpu.region"() ({
        %run_scoped3A = tpu.sem_alloc : memref<!tpu.dma_semaphore, #tpu.memory_space<semaphore_mem>>
        tpu.enqueue_dma source(%arg19 : memref<8192xi32, #tpu.memory_space<vmem_shared>>) target(%arg10 : memref<8192xi32, #tpu.memory_space<vmem>>) target_semaphore(%run_scoped3A : memref<!tpu.dma_semaphore, #tpu.memory_space<semaphore_mem>>)
        tpu.wait_dma2 semaphore(%run_scoped3A : memref<!tpu.dma_semaphore, #tpu.memory_space<semaphore_mem>>) src(%arg19 : memref<8192xi32, #tpu.memory_space<vmem_shared>>) dst(%arg10 : memref<8192xi32, #tpu.memory_space<vmem>>)
        tpu.yield
      }) : () -> ()
      %scan3A_397 = arith.constant 0 : i32
      %scan3A_398 = arith.constant 0 : i32
      %scan3A_399 = arith.constant 32 : i32
      %scan3A_400 = arith.addi %scan3A_398, %scan3A_399 : i32
      %scan3A_401 = arith.constant 1 : i32
      %scan3A_402 = scf.for %scan3A_533 = %scan3A_398 to %scan3A_400 step %scan3A_401 iter_args(%scan3A_534 = %scan3A_397) -> (i32)  : i32 {
        %mul3A_535 = arith.constant 16 : i32
        %mul3A_536 = arith.muli %scan3A_533, %mul3A_535 : i32
        %add3A_537 = arith.constant 0 : i32
        %add3A_538 = arith.addi %add3A_537, %mul3A_536 : i32
        %get3A_539 = arith.index_cast %add3A_538 : i32 to index
        %get3A_540 = tpu.vector_load %arg10[%get3A_539] {strides = array<i32>} : memref<8192xi32, #tpu.memory_space<vmem>>, vector<16xi32>,
        %add3A_541 = arith.addi %broadcast_in_dim3A_36, %get3A_540 : vector<16xi32>
        %mul3A_542 = arith.constant 16 : i32
        %mul3A_543 = arith.muli %scan3A_533, %mul3A_542 : i32
        %add3A_544 = arith.constant 512 : i32
        %add3A_545 = arith.addi %add3A_544, %mul3A_543 : i32
        %get3A_546 = arith.index_cast %add3A_545 : i32 to index
        %get3A_547 = tpu.vector_load %arg10[%get3A_546] {strides = array<i32>} : memref<8192xi32, #tpu.memory_space<vmem>>, vector<16xi32>,
        %add3A_548 = arith.addi %add3A_541, %get3A_547 : vector<16xi32>
        %mul3A_549 = arith.constant 16 : i32
        %mul3A_550 = arith.muli %scan3A_533, %mul3A_549 : i32
        %add3A_551 = arith.constant 1024 : i32
        %add3A_552 = arith.addi %add3A_551, %mul3A_550 : i32
        %get3A_553 = arith.index_cast %add3A_552 : i32 to index
        %get3A_554 = tpu.vector_load %arg10[%get3A_553] {strides = array<i32>} : memref<8192xi32, #tpu.memory_space<vmem>>, vector<16xi32>,
        %add3A_555 = arith.addi %add3A_548, %get3A_554 : vector<16xi32>
        %mul3A_556 = arith.constant 16 : i32
        %mul3A_557 = arith.muli %scan3A_533, %mul3A_556 : i32
        %add3A_558 = arith.constant 1536 : i32
        %add3A_559 = arith.addi %add3A_558, %mul3A_557 : i32
        %get3A_560 = arith.index_cast %add3A_559 : i32 to index
        %get3A_561 = tpu.vector_load %arg10[%get3A_560] {strides = array<i32>} : memref<8192xi32, #tpu.memory_space<vmem>>, vector<16xi32>,
        %add3A_562 = arith.addi %add3A_555, %get3A_561 : vector<16xi32>
        %mul3A_563 = arith.constant 16 : i32
        %mul3A_564 = arith.muli %scan3A_533, %mul3A_563 : i32
        %add3A_565 = arith.constant 2048 : i32
        %add3A_566 = arith.addi %add3A_565, %mul3A_564 : i32
        %get3A_567 = arith.index_cast %add3A_566 : i32 to index
        %get3A_568 = tpu.vector_load %arg10[%get3A_567] {strides = array<i32>} : memref<8192xi32, #tpu.memory_space<vmem>>, vector<16xi32>,
        %add3A_569 = arith.addi %add3A_562, %get3A_568 : vector<16xi32>
        %mul3A_570 = arith.constant 16 : i32
        %mul3A_571 = arith.muli %scan3A_533, %mul3A_570 : i32
        %add3A_572 = arith.constant 2560 : i32
        %add3A_573 = arith.addi %add3A_572, %mul3A_571 : i32
        %get3A_574 = arith.index_cast %add3A_573 : i32 to index
        %get3A_575 = tpu.vector_load %arg10[%get3A_574] {strides = array<i32>} : memref<8192xi32, #tpu.memory_space<vmem>>, vector<16xi32>,
        %add3A_576 = arith.addi %add3A_569, %get3A_575 : vector<16xi32>
        %mul3A_577 = arith.constant 16 : i32
        %mul3A_578 = arith.muli %scan3A_533, %mul3A_577 : i32
        %add3A_579 = arith.constant 3072 : i32
        %add3A_580 = arith.addi %add3A_579, %mul3A_578 : i32
        %get3A_581 = arith.index_cast %add3A_580 : i32 to index
        %get3A_582 = tpu.vector_load %arg10[%get3A_581] {strides = array<i32>} : memref<8192xi32, #tpu.memory_space<vmem>>, vector<16xi32>,
        %add3A_583 = arith.addi %add3A_576, %get3A_582 : vector<16xi32>
        %mul3A_584 = arith.constant 16 : i32
        %mul3A_585 = arith.muli %scan3A_533, %mul3A_584 : i32
        %add3A_586 = arith.constant 3584 : i32
        %add3A_587 = arith.addi %add3A_586, %mul3A_585 : i32
        %get3A_588 = arith.index_cast %add3A_587 : i32 to index
        %get3A_589 = tpu.vector_load %arg10[%get3A_588] {strides = array<i32>} : memref<8192xi32, #tpu.memory_space<vmem>>, vector<16xi32>,
        %add3A_590 = arith.addi %add3A_583, %get3A_589 : vector<16xi32>
        %mul3A_591 = arith.constant 16 : i32
        %mul3A_592 = arith.muli %scan3A_533, %mul3A_591 : i32
        %add3A_593 = arith.constant 4096 : i32
        %add3A_594 = arith.addi %add3A_593, %mul3A_592 : i32
        %get3A_595 = arith.index_cast %add3A_594 : i32 to index
        %get3A_596 = tpu.vector_load %arg10[%get3A_595] {strides = array<i32>} : memref<8192xi32, #tpu.memory_space<vmem>>, vector<16xi32>,
        %add3A_597 = arith.addi %add3A_590, %get3A_596 : vector<16xi32>
        %mul3A_598 = arith.constant 16 : i32
        %mul3A_599 = arith.muli %scan3A_533, %mul3A_598 : i32
        %add3A_600 = arith.constant 4608 : i32
        %add3A_601 = arith.addi %add3A_600, %mul3A_599 : i32
        %get3A_602 = arith.index_cast %add3A_601 : i32 to index
        %get3A_603 = tpu.vector_load %arg10[%get3A_602] {strides = array<i32>} : memref<8192xi32, #tpu.memory_space<vmem>>, vector<16xi32>,
        %add3A_604 = arith.addi %add3A_597, %get3A_603 : vector<16xi32>
        %mul3A_605 = arith.constant 16 : i32
        %mul3A_606 = arith.muli %scan3A_533, %mul3A_605 : i32
        %add3A_607 = arith.constant 5120 : i32
        %add3A_608 = arith.addi %add3A_607, %mul3A_606 : i32
        %get3A_609 = arith.index_cast %add3A_608 : i32 to index
        %get3A_610 = tpu.vector_load %arg10[%get3A_609] {strides = array<i32>} : memref<8192xi32, #tpu.memory_space<vmem>>, vector<16xi32>,
        %add3A_611 = arith.addi %add3A_604, %get3A_610 : vector<16xi32>
        %mul3A_612 = arith.constant 16 : i32
        %mul3A_613 = arith.muli %scan3A_533, %mul3A_612 : i32
        %add3A_614 = arith.constant 5632 : i32
        %add3A_615 = arith.addi %add3A_614, %mul3A_613 : i32
        %get3A_616 = arith.index_cast %add3A_615 : i32 to index
        %get3A_617 = tpu.vector_load %arg10[%get3A_616] {strides = array<i32>} : memref<8192xi32, #tpu.memory_space<vmem>>, vector<16xi32>,
        %add3A_618 = arith.addi %add3A_611, %get3A_617 : vector<16xi32>
        %mul3A_619 = arith.constant 16 : i32
        %mul3A_620 = arith.muli %scan3A_533, %mul3A_619 : i32
        %add3A_621 = arith.constant 6144 : i32
        %add3A_622 = arith.addi %add3A_621, %mul3A_620 : i32
        %get3A_623 = arith.index_cast %add3A_622 : i32 to index
        %get3A_624 = tpu.vector_load %arg10[%get3A_623] {strides = array<i32>} : memref<8192xi32, #tpu.memory_space<vmem>>, vector<16xi32>,
        %add3A_625 = arith.addi %add3A_618, %get3A_624 : vector<16xi32>
        %mul3A_626 = arith.constant 16 : i32
        %mul3A_627 = arith.muli %scan3A_533, %mul3A_626 : i32
        %add3A_628 = arith.constant 6656 : i32
        %add3A_629 = arith.addi %add3A_628, %mul3A_627 : i32
        %get3A_630 = arith.index_cast %add3A_629 : i32 to index
        %get3A_631 = tpu.vector_load %arg10[%get3A_630] {strides = array<i32>} : memref<8192xi32, #tpu.memory_space<vmem>>, vector<16xi32>,
        %add3A_632 = arith.addi %add3A_625, %get3A_631 : vector<16xi32>
        %mul3A_633 = arith.constant 16 : i32
        %mul3A_634 = arith.muli %scan3A_533, %mul3A_633 : i32
        %add3A_635 = arith.constant 7168 : i32
        %add3A_636 = arith.addi %add3A_635, %mul3A_634 : i32
        %get3A_637 = arith.index_cast %add3A_636 : i32 to index
        %get3A_638 = tpu.vector_load %arg10[%get3A_637] {strides = array<i32>} : memref<8192xi32, #tpu.memory_space<vmem>>, vector<16xi32>,
        %add3A_639 = arith.addi %add3A_632, %get3A_638 : vector<16xi32>
        %mul3A_640 = arith.constant 16 : i32
        %mul3A_641 = arith.muli %scan3A_533, %mul3A_640 : i32
        %add3A_642 = arith.constant 7680 : i32
        %add3A_643 = arith.addi %add3A_642, %mul3A_641 : i32
        %get3A_644 = arith.index_cast %add3A_643 : i32 to index
        %get3A_645 = tpu.vector_load %arg10[%get3A_644] {strides = array<i32>} : memref<8192xi32, #tpu.memory_space<vmem>>, vector<16xi32>,
        %add3A_646 = arith.addi %add3A_639, %get3A_645 : vector<16xi32>
        %mul3A_647 = arith.constant 16 : i32
        %mul3A_648 = arith.muli %scan3A_533, %mul3A_647 : i32
        %swap3A_649 = arith.index_cast %mul3A_648 : i32 to index
        %swap3A_650 = tpu.vector_load %arg11[%swap3A_649] {strides = array<i32>} : memref<512xi32, #tpu.memory_space<vmem>>, vector<16xi32>,
        tpu.vector_store %arg11[%swap3A_649], %add3A_646 {strides = array<i32>} : memref<512xi32, #tpu.memory_space<vmem>>, vector<16xi32>,
        %scan3A_651 = arith.constant 0 : i32
        scf.yield %scan3A_651 : i32
      }
      %scan3A_403 = arith.constant 32 : i32
      %get3A_404 = arith.constant 448 : index
      %get3A_405 = tpu.vector_load %arg11[%get3A_404] {strides = array<i32>} : memref<512xi32, #tpu.memory_space<vmem>>, vector<16xi32>,
      %slice3A_406 = vector.extract_strided_slice %get3A_405 {offsets = [0], sizes = [1], strides = [1]} : vector<16xi32> to vector<1xi32>
      %squeeze3A_407 = vector.extract %slice3A_406[0] : i32 from vector<1xi32>
      %sub3A_408 = arith.constant 262144 : i32
      %sub3A_409 = arith.subi %sub3A_408, %squeeze3A_407 : i32
      %jit3A = arith.constant 4 : i32
      %div3A = arith.divsi %sub3A_409, %jit3A : i32
      %sign3A = arith.constant 0 : i32
      %sign3A_410 = arith.cmpi sgt, %sub3A_409, %sign3A : i32
      %sign3A_411 = arith.extui %sign3A_410 : i1 to i32
      %sign3A_412 = arith.constant 0 : i32
      %sign3A_413 = arith.cmpi slt, %sub3A_409, %sign3A_412 : i32
      %sign3A_414 = arith.extui %sign3A_413 : i1 to i32
      %sign3A_415 = arith.subi %sign3A_411, %sign3A_414 : i32
      %sign3A_416 = arith.constant 0 : i32
      %sign3A_417 = arith.cmpi sgt, %jit3A, %sign3A_416 : i32
      %sign3A_418 = arith.extui %sign3A_417 : i1 to i32
      %sign3A_419 = arith.constant 0 : i32
      %sign3A_420 = arith.cmpi slt, %jit3A, %sign3A_419 : i32
      %sign3A_421 = arith.extui %sign3A_420 : i1 to i32
      %sign3A_422 = arith.subi %sign3A_418, %sign3A_421 : i32
      %ne3A = arith.cmpi ne, %sign3A_415, %sign3A_422 : i32
      %rem3A = arith.remsi %sub3A_409, %jit3A : i32
      %ne3A_423 = arith.constant 0 : i32
      %ne3A_424 = arith.cmpi ne, %rem3A, %ne3A_423 : i32
      %and3A = arith.andi %ne3A, %ne3A_424 : i1
      %sub3A_425 = arith.constant 1 : i32
      %sub3A_426 = arith.subi %div3A, %sub3A_425 : i32
      %select_n3A = arith.select %and3A, %sub3A_426, %div3A : i32
      %sub3A_427 = arith.subi %sub3A_409, %select_n3A : i32
      %add3A_428 = arith.constant 2147483647 : i32
      %add3A_429 = vector.broadcast %add3A_428 : i32 to vector<16xi32>
      %add3A_430 = arith.addi %broadcast_in_dim3A_36, %add3A_429 : vector<16xi32>
      %scan3A_431 = arith.constant 0 : i32
      %scan3A_432 = arith.constant 0 : i32
      %scan3A_433 = arith.constant 32 : i32
      %scan3A_434 = arith.addi %scan3A_432, %scan3A_433 : i32
      %scan3A_435 = arith.constant 1 : i32
      %scan3A_436:4 = scf.for %scan3A_533 = %scan3A_432 to %scan3A_434 step %scan3A_435 iter_args(%scan3A_534 = %scan3A_431, %scan3A_535 = %add3A_430, %scan3A_536 = %add3A_430, %scan3A_537 = %add3A_430) -> (i32, vector<16xi32>, vector<16xi32>, vector<16xi32>)  : i32 {
        %mul3A_538 = arith.constant 16 : i32
        %mul3A_539 = arith.muli %scan3A_533, %mul3A_538 : i32
        %get3A_540 = arith.index_cast %mul3A_539 : i32 to index
        %get3A_541 = tpu.vector_load %arg11[%get3A_540] {strides = array<i32>} : memref<512xi32, #tpu.memory_space<vmem>>, vector<16xi32>,
        %broadcast_in_dim3A_542 = arith.constant true
        %broadcast_in_dim3A_543 = vector.broadcast %broadcast_in_dim3A_542 : i1 to vector<16xi1>
        %masked_cumsum3A = tpu.scan <sum>, %get3A_541 masked %broadcast_in_dim3A_543 : vector<16xi32>, vector<16xi1> -> vector<16xi32>
        %add3A_544 = vector.broadcast %scan3A_534 : i32 to vector<16xi32>
        %add3A_545 = arith.addi %masked_cumsum3A, %add3A_544 : vector<16xi32>
        %ge3A = vector.broadcast %sub3A_427 : i32 to vector<16xi32>
        %ge3A_546 = arith.cmpi sge, %add3A_545, %ge3A : vector<16xi32>
        %select_n3A_547 = arith.select %ge3A_546, %add3A_545, %add3A_430 : vector<16xi1>, vector<16xi32>
        %min3A = arith.minsi %scan3A_535, %select_n3A_547 : vector<16xi32>
        %sub3A_548 = arith.subi %add3A_545, %get3A_541 : vector<16xi32>
        %select_n3A_549 = arith.select %ge3A_546, %sub3A_548, %add3A_430 : vector<16xi1>, vector<16xi32>
        %min3A_550 = arith.minsi %scan3A_536, %select_n3A_549 : vector<16xi32>
        %mul3A_551 = arith.constant 16 : i32
        %mul3A_552 = arith.muli %scan3A_533, %mul3A_551 : i32
        %add3A_553 = vector.broadcast %mul3A_552 : i32 to vector<16xi32>
        %add3A_554 = arith.addi %iota3A, %add3A_553 : vector<16xi32>
        %select_n3A_555 = arith.select %ge3A_546, %add3A_554, %add3A_430 : vector<16xi1>, vector<16xi32>
        %min3A_556 = arith.minsi %scan3A_537, %select_n3A_555 : vector<16xi32>
        %slice3A_557 = vector.extract_strided_slice %add3A_545 {offsets = [15], sizes = [1], strides = [1]} : vector<16xi32> to vector<1xi32>
        %squeeze3A_558 = vector.extract %slice3A_557[0] : i32 from vector<1xi32>
        scf.yield %squeeze3A_558, %min3A, %min3A_550, %min3A_556 : i32, vector<16xi32>, vector<16xi32>, vector<16xi32>
      }
      %scan3A_437 = arith.constant 32 : i32
      %reduce_min3A = arith.constant true
      %reduce_min3A_438 = vector.broadcast %reduce_min3A : i1 to vector<16xi1>
      %reduce_min3A_439 = arith.constant -2147483648 : i32
      %reduce_min3A_440 = vector.broadcast %reduce_min3A_439 : i32 to vector<16xi32>
      %reduce_min3A_441 = arith.xori %scan3A_436#3, %reduce_min3A_440 : vector<16xi32>
      %reduce_min3A_442 = tpu.scan <min>, %reduce_min3A_441 masked %reduce_min3A_438 : vector<16xi32>, vector<16xi1> -> vector<16xi32>
      %reduce_min3A_443 = arith.xori %reduce_min3A_442, %reduce_min3A_440 : vector<16xi32>
      %reduce_min3A_444 = vector.extract %reduce_min3A_443[15] : i32 from vector<16xi32>
      %reduce_min3A_445 = arith.constant true
      %reduce_min3A_446 = vector.broadcast %reduce_min3A_445 : i1 to vector<16xi1>
      %reduce_min3A_447 = arith.constant -2147483648 : i32
      %reduce_min3A_448 = vector.broadcast %reduce_min3A_447 : i32 to vector<16xi32>
      %reduce_min3A_449 = arith.xori %scan3A_436#2, %reduce_min3A_448 : vector<16xi32>
      %reduce_min3A_450 = tpu.scan <min>, %reduce_min3A_449 masked %reduce_min3A_446 : vector<16xi32>, vector<16xi1> -> vector<16xi32>
      %reduce_min3A_451 = arith.xori %reduce_min3A_450, %reduce_min3A_448 : vector<16xi32>
      %reduce_min3A_452 = vector.extract %reduce_min3A_451[15] : i32 from vector<16xi32>
      %reduce_min3A_453 = arith.constant true
      %reduce_min3A_454 = vector.broadcast %reduce_min3A_453 : i1 to vector<16xi1>
      %reduce_min3A_455 = arith.constant -2147483648 : i32
      %reduce_min3A_456 = vector.broadcast %reduce_min3A_455 : i32 to vector<16xi32>
      %reduce_min3A_457 = arith.xori %scan3A_436#1, %reduce_min3A_456 : vector<16xi32>
      %reduce_min3A_458 = tpu.scan <min>, %reduce_min3A_457 masked %reduce_min3A_454 : vector<16xi32>, vector<16xi1> -> vector<16xi32>
      %reduce_min3A_459 = arith.xori %reduce_min3A_458, %reduce_min3A_456 : vector<16xi32>
      %reduce_min3A_460 = vector.extract %reduce_min3A_459[15] : i32 from vector<16xi32>
      %reduce_min3A_461 = arith.constant true
      %reduce_min3A_462 = vector.broadcast %reduce_min3A_461 : i1 to vector<16xi1>
      %reduce_min3A_463 = arith.constant -2147483648 : i32
      %reduce_min3A_464 = vector.broadcast %reduce_min3A_463 : i32 to vector<16xi32>
      %reduce_min3A_465 = arith.xori %scan3A_436#2, %reduce_min3A_464 : vector<16xi32>
      %reduce_min3A_466 = tpu.scan <min>, %reduce_min3A_465 masked %reduce_min3A_462 : vector<16xi32>, vector<16xi1> -> vector<16xi32>
      %reduce_min3A_467 = arith.xori %reduce_min3A_466, %reduce_min3A_464 : vector<16xi32>
      %reduce_min3A_468 = vector.extract %reduce_min3A_467[15] : i32 from vector<16xi32>
      %sub3A_469 = arith.subi %reduce_min3A_460, %reduce_min3A_468 : i32
      %add3A_470 = vector.broadcast %reduce_min3A_444 : i32 to vector<16xi32>
      %add3A_471 = arith.addi %broadcast_in_dim3A_36, %add3A_470 : vector<16xi32>
      %eq3A_472 = arith.constant 0 : i32
      %eq3A_473 = vector.broadcast %eq3A_472 : i32 to vector<16xi32>
      %eq3A_474 = arith.cmpi eq, %iota3A, %eq3A_473 : vector<16xi32>
      %jit3A_475 = arith.constant 1 : i32
      %jit3A_476 = arith.constant 0 : i32
      %broadcast_in_dim3A_477 = vector.broadcast %jit3A_475 : i32 to vector<16xi32>
      %broadcast_in_dim3A_478 = vector.broadcast %jit3A_476 : i32 to vector<16xi32>
      %select_n3A_479 = arith.select %eq3A_474, %broadcast_in_dim3A_477, %broadcast_in_dim3A_478 : vector<16xi1>, vector<16xi32>
      %mul3A_480 = arith.muli %add3A_471, %select_n3A_479 : vector<16xi32>
      %sub3A_481 = arith.subi %sub3A_427, %reduce_min3A_452 : i32
      %add3A_482 = vector.broadcast %sub3A_481 : i32 to vector<16xi32>
      %add3A_483 = arith.addi %broadcast_in_dim3A_36, %add3A_482 : vector<16xi32>
      %eq3A_484 = arith.constant 1 : i32
      %eq3A_485 = vector.broadcast %eq3A_484 : i32 to vector<16xi32>
      %eq3A_486 = arith.cmpi eq, %iota3A, %eq3A_485 : vector<16xi32>
      %jit3A_487 = arith.constant 1 : i32
      %jit3A_488 = arith.constant 0 : i32
      %broadcast_in_dim3A_489 = vector.broadcast %jit3A_487 : i32 to vector<16xi32>
      %broadcast_in_dim3A_490 = vector.broadcast %jit3A_488 : i32 to vector<16xi32>
      %select_n3A_491 = arith.select %eq3A_486, %broadcast_in_dim3A_489, %broadcast_in_dim3A_490 : vector<16xi1>, vector<16xi32>
      %mul3A_492 = arith.muli %add3A_483, %select_n3A_491 : vector<16xi32>
      %add3A_493 = arith.addi %mul3A_480, %mul3A_492 : vector<16xi32>
      %add3A_494 = arith.addi %cond3A, %reduce_min3A_452 : i32
      %add3A_495 = vector.broadcast %add3A_494 : i32 to vector<16xi32>
      %add3A_496 = arith.addi %broadcast_in_dim3A_36, %add3A_495 : vector<16xi32>
      %eq3A_497 = arith.constant 2 : i32
      %eq3A_498 = vector.broadcast %eq3A_497 : i32 to vector<16xi32>
      %eq3A_499 = arith.cmpi eq, %iota3A, %eq3A_498 : vector<16xi32>
      %jit3A_500 = arith.constant 1 : i32
      %jit3A_501 = arith.constant 0 : i32
      %broadcast_in_dim3A_502 = vector.broadcast %jit3A_500 : i32 to vector<16xi32>
      %broadcast_in_dim3A_503 = vector.broadcast %jit3A_501 : i32 to vector<16xi32>
      %select_n3A_504 = arith.select %eq3A_499, %broadcast_in_dim3A_502, %broadcast_in_dim3A_503 : vector<16xi1>, vector<16xi32>
      %mul3A_505 = arith.muli %add3A_496, %select_n3A_504 : vector<16xi32>
      %add3A_506 = arith.addi %add3A_493, %mul3A_505 : vector<16xi32>
      %add3A_507 = vector.broadcast %sub3A_469 : i32 to vector<16xi32>
      %add3A_508 = arith.addi %broadcast_in_dim3A_36, %add3A_507 : vector<16xi32>
      %eq3A_509 = arith.constant 3 : i32
      %eq3A_510 = vector.broadcast %eq3A_509 : i32 to vector<16xi32>
      %eq3A_511 = arith.cmpi eq, %iota3A, %eq3A_510 : vector<16xi32>
      %jit3A_512 = arith.constant 1 : i32
      %jit3A_513 = arith.constant 0 : i32
      %broadcast_in_dim3A_514 = vector.broadcast %jit3A_512 : i32 to vector<16xi32>
      %broadcast_in_dim3A_515 = vector.broadcast %jit3A_513 : i32 to vector<16xi32>
      %select_n3A_516 = arith.select %eq3A_511, %broadcast_in_dim3A_514, %broadcast_in_dim3A_515 : vector<16xi1>, vector<16xi32>
      %mul3A_517 = arith.muli %add3A_508, %select_n3A_516 : vector<16xi32>
      %add3A_518 = arith.addi %add3A_506, %mul3A_517 : vector<16xi32>
      %add3A_519 = vector.broadcast %sub3A_409 : i32 to vector<16xi32>
      %add3A_520 = arith.addi %broadcast_in_dim3A_36, %add3A_519 : vector<16xi32>
      %eq3A_521 = arith.constant 4 : i32
      %eq3A_522 = vector.broadcast %eq3A_521 : i32 to vector<16xi32>
      %eq3A_523 = arith.cmpi eq, %iota3A, %eq3A_522 : vector<16xi32>
      %jit3A_524 = arith.constant 1 : i32
      %jit3A_525 = arith.constant 0 : i32
      %broadcast_in_dim3A_526 = vector.broadcast %jit3A_524 : i32 to vector<16xi32>
      %broadcast_in_dim3A_527 = vector.broadcast %jit3A_525 : i32 to vector<16xi32>
      %select_n3A_528 = arith.select %eq3A_523, %broadcast_in_dim3A_526, %broadcast_in_dim3A_527 : vector<16xi1>, vector<16xi32>
      %mul3A_529 = arith.muli %add3A_520, %select_n3A_528 : vector<16xi32>
      %add3A_530 = arith.addi %add3A_518, %mul3A_529 : vector<16xi32>
      %swap3A_531 = arith.constant 0 : index
      %swap3A_532 = tpu.vector_load %arg12[%swap3A_531] {strides = array<i32>} : memref<16xi32, #tpu.memory_space<vmem>>, vector<16xi32>,
      tpu.vector_store %arg12[%swap3A_531], %add3A_530 {strides = array<i32>} : memref<16xi32, #tpu.memory_space<vmem>>, vector<16xi32>,
      "tpu.region"() ({
        %run_scoped3A = tpu.sem_alloc : memref<!tpu.dma_semaphore, #tpu.memory_space<semaphore_mem>>
        tpu.enqueue_dma source(%arg12 : memref<16xi32, #tpu.memory_space<vmem>>) target(%arg20 : memref<16xi32, #tpu.memory_space<vmem_shared>>) target_semaphore(%run_scoped3A : memref<!tpu.dma_semaphore, #tpu.memory_space<semaphore_mem>>)
        tpu.wait_dma2 semaphore(%run_scoped3A : memref<!tpu.dma_semaphore, #tpu.memory_space<semaphore_mem>>) src(%arg12 : memref<16xi32, #tpu.memory_space<vmem>>) dst(%arg20 : memref<16xi32, #tpu.memory_space<vmem_shared>>)
        tpu.yield
      }) : () -> ()
    } else {
    }
    %barrier3A_92 = arith.constant 0 : index
    tpu.barrier barrier_id(%barrier3A_92)
    "tpu.region"() ({
      %run_scoped3A = tpu.sem_alloc : memref<!tpu.dma_semaphore, #tpu.memory_space<semaphore_mem>>
      tpu.enqueue_dma source(%arg20 : memref<16xi32, #tpu.memory_space<vmem_shared>>) target(%arg12 : memref<16xi32, #tpu.memory_space<vmem>>) target_semaphore(%run_scoped3A : memref<!tpu.dma_semaphore, #tpu.memory_space<semaphore_mem>>)
      tpu.wait_dma2 semaphore(%run_scoped3A : memref<!tpu.dma_semaphore, #tpu.memory_space<semaphore_mem>>) src(%arg20 : memref<16xi32, #tpu.memory_space<vmem_shared>>) dst(%arg12 : memref<16xi32, #tpu.memory_space<vmem>>)
      tpu.yield
    }) : () -> ()
    %get3A = arith.constant 0 : index
    %get3A_93 = tpu.vector_load %arg12[%get3A] {strides = array<i32>} : memref<16xi32, #tpu.memory_space<vmem>>, vector<16xi32>,
    %slice3A = vector.extract_strided_slice %get3A_93 {offsets = [0], sizes = [1], strides = [1]} : vector<16xi32> to vector<1xi32>
    %squeeze3A = vector.extract %slice3A[0] : i32 from vector<1xi32>
    %slice3A_94 = vector.extract_strided_slice %get3A_93 {offsets = [1], sizes = [1], strides = [1]} : vector<16xi32> to vector<1xi32>
    %squeeze3A_95 = vector.extract %slice3A_94[0] : i32 from vector<1xi32>
    %slice3A_96 = vector.extract_strided_slice %get3A_93 {offsets = [2], sizes = [1], strides = [1]} : vector<16xi32> to vector<1xi32>
    %squeeze3A_97 = vector.extract %slice3A_96[0] : i32 from vector<1xi32>
    %slice3A_98 = vector.extract_strided_slice %get3A_93 {offsets = [3], sizes = [1], strides = [1]} : vector<16xi32> to vector<1xi32>
    %squeeze3A_99 = vector.extract %slice3A_98[0] : i32 from vector<1xi32>
    %slice3A_100 = vector.extract_strided_slice %get3A_93 {offsets = [4], sizes = [1], strides = [1]} : vector<16xi32> to vector<1xi32>
    %squeeze3A_101 = vector.extract %slice3A_100[0] : i32 from vector<1xi32>
    %scan3A_102 = arith.constant 0 : i32
    %scan3A_103 = arith.constant 0 : i32
    %scan3A_104 = arith.constant 65 : i32
    %scan3A_105 = arith.addi %scan3A_103, %scan3A_104 : i32
    %scan3A_106 = arith.constant 1 : i32
    %scan3A_107 = scf.for %scan3A_397 = %scan3A_103 to %scan3A_105 step %scan3A_106 iter_args(%scan3A_398 = %scan3A_102) -> (i32)  : i32 {
      %mul3A_399 = arith.constant 128 : i32
      %mul3A_400 = arith.muli %scan3A_397, %mul3A_399 : i32
      %add3A_401 = arith.constant 0 : i32
      %add3A_402 = arith.addi %mul3A_400, %add3A_401 : i32
      %swap3A_403 = arith.index_cast %add3A_402 : i32 to index
      %swap3A_404 = tpu.vector_load %arg8[%swap3A_403] {strides = array<i32>} : memref<8320xi32, #tpu.memory_space<vmem>>, vector<16xi32>,
      tpu.vector_store %arg8[%swap3A_403], %broadcast_in_dim3A_36 {strides = array<i32>} : memref<8320xi32, #tpu.memory_space<vmem>>, vector<16xi32>,
      %mul3A_405 = arith.constant 128 : i32
      %mul3A_406 = arith.muli %scan3A_397, %mul3A_405 : i32
      %add3A_407 = arith.constant 16 : i32
      %add3A_408 = arith.addi %mul3A_406, %add3A_407 : i32
      %swap3A_409 = arith.index_cast %add3A_408 : i32 to index
      %swap3A_410 = tpu.vector_load %arg8[%swap3A_409] {strides = array<i32>} : memref<8320xi32, #tpu.memory_space<vmem>>, vector<16xi32>,
      tpu.vector_store %arg8[%swap3A_409], %broadcast_in_dim3A_36 {strides = array<i32>} : memref<8320xi32, #tpu.memory_space<vmem>>, vector<16xi32>,
      %mul3A_411 = arith.constant 128 : i32
      %mul3A_412 = arith.muli %scan3A_397, %mul3A_411 : i32
      %add3A_413 = arith.constant 32 : i32
      %add3A_414 = arith.addi %mul3A_412, %add3A_413 : i32
      %swap3A_415 = arith.index_cast %add3A_414 : i32 to index
      %swap3A_416 = tpu.vector_load %arg8[%swap3A_415] {strides = array<i32>} : memref<8320xi32, #tpu.memory_space<vmem>>, vector<16xi32>,
      tpu.vector_store %arg8[%swap3A_415], %broadcast_in_dim3A_36 {strides = array<i32>} : memref<8320xi32, #tpu.memory_space<vmem>>, vector<16xi32>,
      %mul3A_417 = arith.constant 128 : i32
      %mul3A_418 = arith.muli %scan3A_397, %mul3A_417 : i32
      %add3A_419 = arith.constant 48 : i32
      %add3A_420 = arith.addi %mul3A_418, %add3A_419 : i32
      %swap3A_421 = arith.index_cast %add3A_420 : i32 to index
      %swap3A_422 = tpu.vector_load %arg8[%swap3A_421] {strides = array<i32>} : memref<8320xi32, #tpu.memory_space<vmem>>, vector<16xi32>,
      tpu.vector_store %arg8[%swap3A_421], %broadcast_in_dim3A_36 {strides = array<i32>} : memref<8320xi32, #tpu.memory_space<vmem>>, vector<16xi32>,
      %mul3A_423 = arith.constant 128 : i32
      %mul3A_424 = arith.muli %scan3A_397, %mul3A_423 : i32
      %add3A_425 = arith.constant 64 : i32
      %add3A_426 = arith.addi %mul3A_424, %add3A_425 : i32
      %swap3A_427 = arith.index_cast %add3A_426 : i32 to index
      %swap3A_428 = tpu.vector_load %arg8[%swap3A_427] {strides = array<i32>} : memref<8320xi32, #tpu.memory_space<vmem>>, vector<16xi32>,
      tpu.vector_store %arg8[%swap3A_427], %broadcast_in_dim3A_36 {strides = array<i32>} : memref<8320xi32, #tpu.memory_space<vmem>>, vector<16xi32>,
      %mul3A_429 = arith.constant 128 : i32
      %mul3A_430 = arith.muli %scan3A_397, %mul3A_429 : i32
      %add3A_431 = arith.constant 80 : i32
      %add3A_432 = arith.addi %mul3A_430, %add3A_431 : i32
      %swap3A_433 = arith.index_cast %add3A_432 : i32 to index
      %swap3A_434 = tpu.vector_load %arg8[%swap3A_433] {strides = array<i32>} : memref<8320xi32, #tpu.memory_space<vmem>>, vector<16xi32>,
      tpu.vector_store %arg8[%swap3A_433], %broadcast_in_dim3A_36 {strides = array<i32>} : memref<8320xi32, #tpu.memory_space<vmem>>, vector<16xi32>,
      %mul3A_435 = arith.constant 128 : i32
      %mul3A_436 = arith.muli %scan3A_397, %mul3A_435 : i32
      %add3A_437 = arith.constant 96 : i32
      %add3A_438 = arith.addi %mul3A_436, %add3A_437 : i32
      %swap3A_439 = arith.index_cast %add3A_438 : i32 to index
      %swap3A_440 = tpu.vector_load %arg8[%swap3A_439] {strides = array<i32>} : memref<8320xi32, #tpu.memory_space<vmem>>, vector<16xi32>,
      tpu.vector_store %arg8[%swap3A_439], %broadcast_in_dim3A_36 {strides = array<i32>} : memref<8320xi32, #tpu.memory_space<vmem>>, vector<16xi32>,
      %mul3A_441 = arith.constant 128 : i32
      %mul3A_442 = arith.muli %scan3A_397, %mul3A_441 : i32
      %add3A_443 = arith.constant 112 : i32
      %add3A_444 = arith.addi %mul3A_442, %add3A_443 : i32
      %swap3A_445 = arith.index_cast %add3A_444 : i32 to index
      %swap3A_446 = tpu.vector_load %arg8[%swap3A_445] {strides = array<i32>} : memref<8320xi32, #tpu.memory_space<vmem>>, vector<16xi32>,
      tpu.vector_store %arg8[%swap3A_445], %broadcast_in_dim3A_36 {strides = array<i32>} : memref<8320xi32, #tpu.memory_space<vmem>>, vector<16xi32>,
      %scan3A_447 = arith.constant 0 : i32
      scf.yield %scan3A_447 : i32
    }
    %scan3A_108 = arith.constant 65 : i32
    %scan3A_109 = arith.constant 0 : i32
    %scan3A_110 = arith.constant 0 : i32
    %scan3A_111 = arith.constant 0 : i32
    %scan3A_112 = arith.constant 0 : i32
    %scan3A_113 = arith.constant 0 : i32
    %scan3A_114 = arith.constant 128 : i32
    %scan3A_115 = arith.addi %scan3A_113, %scan3A_114 : i32
    %scan3A_116 = arith.constant 1 : i32
    %scan3A_117:4 = scf.for %scan3A_397 = %scan3A_113 to %scan3A_115 step %scan3A_116 iter_args(%scan3A_398 = %scan3A_109, %scan3A_399 = %scan3A_110, %scan3A_400 = %scan3A_111, %scan3A_401 = %scan3A_112) -> (i32, i32, i32, i32)  : i32 {
      %mul3A_402 = arith.constant 128 : i32
      %mul3A_403 = arith.muli %scan3A_397, %mul3A_402 : i32
      %add3A_404 = arith.constant 0 : i32
      %add3A_405 = arith.addi %mul3A_403, %add3A_404 : i32
      %get3A_406 = arith.index_cast %add3A_405 : i32 to index
      %get3A_407 = tpu.vector_load %arg7[%get3A_406] {strides = array<i32>} : memref<16384xi32, #tpu.memory_space<vmem>>, vector<16xi32>,
      %shift_right_arithmetic3A_408 = arith.constant 17 : i32
      %shift_right_arithmetic3A_409 = vector.broadcast %shift_right_arithmetic3A_408 : i32 to vector<16xi32>
      %shift_right_arithmetic3A_410 = arith.shrsi %get3A_407, %shift_right_arithmetic3A_409 : vector<16xi32>
      %eq3A_411 = vector.broadcast %squeeze3A : i32 to vector<16xi32>
      %eq3A_412 = arith.cmpi eq, %shift_right_arithmetic3A_410, %eq3A_411 : vector<16xi32>
      %add3A_413 = arith.constant 0 : i32
      %add3A_414 = arith.addi %add3A_413, %scan3A_398 : i32
      %swap3A_415 = arith.index_cast %add3A_414 : i32 to index
      %swap3A_416 = tpu.vector_load %arg16[%swap3A_415] masked %eq3A_412 {strides = array<i32>} : memref<16448xi32, #tpu.memory_space<vmem>>, vector<16xi32>, vector<16xi1>
      tpu.vector_store %arg16[%swap3A_415], %get3A_407 masked %eq3A_412 {strides = array<i32>} : memref<16448xi32, #tpu.memory_space<vmem>>, vector<16xi32>, vector<16xi1>
      %all_reduce_population_count3A = tpu.all_reduce %eq3A_412 {dim = 0 : i64, kind = #tpu.reduction_kind<sum>} : vector<16xi1> -> vector<16xi32>
      %slice3A_417 = vector.extract_strided_slice %all_reduce_population_count3A {offsets = [0], sizes = [1], strides = [1]} : vector<16xi32> to vector<1xi32>
      %squeeze3A_418 = vector.extract %slice3A_417[0] : i32 from vector<1xi32>
      %add3A_419 = arith.addi %scan3A_398, %squeeze3A_418 : i32
      %mul3A_420 = arith.constant 128 : i32
      %mul3A_421 = arith.muli %scan3A_397, %mul3A_420 : i32
      %add3A_422 = arith.constant 16 : i32
      %add3A_423 = arith.addi %mul3A_421, %add3A_422 : i32
      %get3A_424 = arith.index_cast %add3A_423 : i32 to index
      %get3A_425 = tpu.vector_load %arg7[%get3A_424] {strides = array<i32>} : memref<16384xi32, #tpu.memory_space<vmem>>, vector<16xi32>,
      %shift_right_arithmetic3A_426 = arith.constant 17 : i32
      %shift_right_arithmetic3A_427 = vector.broadcast %shift_right_arithmetic3A_426 : i32 to vector<16xi32>
      %shift_right_arithmetic3A_428 = arith.shrsi %get3A_425, %shift_right_arithmetic3A_427 : vector<16xi32>
      %eq3A_429 = vector.broadcast %squeeze3A : i32 to vector<16xi32>
      %eq3A_430 = arith.cmpi eq, %shift_right_arithmetic3A_428, %eq3A_429 : vector<16xi32>
      %add3A_431 = arith.constant 4112 : i32
      %add3A_432 = arith.addi %add3A_431, %scan3A_399 : i32
      %swap3A_433 = arith.index_cast %add3A_432 : i32 to index
      %swap3A_434 = tpu.vector_load %arg16[%swap3A_433] masked %eq3A_430 {strides = array<i32>} : memref<16448xi32, #tpu.memory_space<vmem>>, vector<16xi32>, vector<16xi1>
      tpu.vector_store %arg16[%swap3A_433], %get3A_425 masked %eq3A_430 {strides = array<i32>} : memref<16448xi32, #tpu.memory_space<vmem>>, vector<16xi32>, vector<16xi1>
      %all_reduce_population_count3A_435 = tpu.all_reduce %eq3A_430 {dim = 0 : i64, kind = #tpu.reduction_kind<sum>} : vector<16xi1> -> vector<16xi32>
      %slice3A_436 = vector.extract_strided_slice %all_reduce_population_count3A_435 {offsets = [0], sizes = [1], strides = [1]} : vector<16xi32> to vector<1xi32>
      %squeeze3A_437 = vector.extract %slice3A_436[0] : i32 from vector<1xi32>
      %add3A_438 = arith.addi %scan3A_399, %squeeze3A_437 : i32
      %mul3A_439 = arith.constant 128 : i32
      %mul3A_440 = arith.muli %scan3A_397, %mul3A_439 : i32
      %add3A_441 = arith.constant 32 : i32
      %add3A_442 = arith.addi %mul3A_440, %add3A_441 : i32
      %get3A_443 = arith.index_cast %add3A_442 : i32 to index
      %get3A_444 = tpu.vector_load %arg7[%get3A_443] {strides = array<i32>} : memref<16384xi32, #tpu.memory_space<vmem>>, vector<16xi32>,
      %shift_right_arithmetic3A_445 = arith.constant 17 : i32
      %shift_right_arithmetic3A_446 = vector.broadcast %shift_right_arithmetic3A_445 : i32 to vector<16xi32>
      %shift_right_arithmetic3A_447 = arith.shrsi %get3A_444, %shift_right_arithmetic3A_446 : vector<16xi32>
      %eq3A_448 = vector.broadcast %squeeze3A : i32 to vector<16xi32>
      %eq3A_449 = arith.cmpi eq, %shift_right_arithmetic3A_447, %eq3A_448 : vector<16xi32>
      %add3A_450 = arith.constant 8224 : i32
      %add3A_451 = arith.addi %add3A_450, %scan3A_400 : i32
      %swap3A_452 = arith.index_cast %add3A_451 : i32 to index
      %swap3A_453 = tpu.vector_load %arg16[%swap3A_452] masked %eq3A_449 {strides = array<i32>} : memref<16448xi32, #tpu.memory_space<vmem>>, vector<16xi32>, vector<16xi1>
      tpu.vector_store %arg16[%swap3A_452], %get3A_444 masked %eq3A_449 {strides = array<i32>} : memref<16448xi32, #tpu.memory_space<vmem>>, vector<16xi32>, vector<16xi1>
      %all_reduce_population_count3A_454 = tpu.all_reduce %eq3A_449 {dim = 0 : i64, kind = #tpu.reduction_kind<sum>} : vector<16xi1> -> vector<16xi32>
      %slice3A_455 = vector.extract_strided_slice %all_reduce_population_count3A_454 {offsets = [0], sizes = [1], strides = [1]} : vector<16xi32> to vector<1xi32>
      %squeeze3A_456 = vector.extract %slice3A_455[0] : i32 from vector<1xi32>
      %add3A_457 = arith.addi %scan3A_400, %squeeze3A_456 : i32
      %mul3A_458 = arith.constant 128 : i32
      %mul3A_459 = arith.muli %scan3A_397, %mul3A_458 : i32
      %add3A_460 = arith.constant 48 : i32
      %add3A_461 = arith.addi %mul3A_459, %add3A_460 : i32
      %get3A_462 = arith.index_cast %add3A_461 : i32 to index
      %get3A_463 = tpu.vector_load %arg7[%get3A_462] {strides = array<i32>} : memref<16384xi32, #tpu.memory_space<vmem>>, vector<16xi32>,
      %shift_right_arithmetic3A_464 = arith.constant 17 : i32
      %shift_right_arithmetic3A_465 = vector.broadcast %shift_right_arithmetic3A_464 : i32 to vector<16xi32>
      %shift_right_arithmetic3A_466 = arith.shrsi %get3A_463, %shift_right_arithmetic3A_465 : vector<16xi32>
      %eq3A_467 = vector.broadcast %squeeze3A : i32 to vector<16xi32>
      %eq3A_468 = arith.cmpi eq, %shift_right_arithmetic3A_466, %eq3A_467 : vector<16xi32>
      %add3A_469 = arith.constant 12336 : i32
      %add3A_470 = arith.addi %add3A_469, %scan3A_401 : i32
      %swap3A_471 = arith.index_cast %add3A_470 : i32 to index
      %swap3A_472 = tpu.vector_load %arg16[%swap3A_471] masked %eq3A_468 {strides = array<i32>} : memref<16448xi32, #tpu.memory_space<vmem>>, vector<16xi32>, vector<16xi1>
      tpu.vector_store %arg16[%swap3A_471], %get3A_463 masked %eq3A_468 {strides = array<i32>} : memref<16448xi32, #tpu.memory_space<vmem>>, vector<16xi32>, vector<16xi1>
      %all_reduce_population_count3A_473 = tpu.all_reduce %eq3A_468 {dim = 0 : i64, kind = #tpu.reduction_kind<sum>} : vector<16xi1> -> vector<16xi32>
      %slice3A_474 = vector.extract_strided_slice %all_reduce_population_count3A_473 {offsets = [0], sizes = [1], strides = [1]} : vector<16xi32> to vector<1xi32>
      %squeeze3A_475 = vector.extract %slice3A_474[0] : i32 from vector<1xi32>
      %add3A_476 = arith.addi %scan3A_401, %squeeze3A_475 : i32
      %mul3A_477 = arith.constant 128 : i32
      %mul3A_478 = arith.muli %scan3A_397, %mul3A_477 : i32
      %add3A_479 = arith.constant 64 : i32
      %add3A_480 = arith.addi %mul3A_478, %add3A_479 : i32
      %get3A_481 = arith.index_cast %add3A_480 : i32 to index
      %get3A_482 = tpu.vector_load %arg7[%get3A_481] {strides = array<i32>} : memref<16384xi32, #tpu.memory_space<vmem>>, vector<16xi32>,
      %shift_right_arithmetic3A_483 = arith.constant 17 : i32
      %shift_right_arithmetic3A_484 = vector.broadcast %shift_right_arithmetic3A_483 : i32 to vector<16xi32>
      %shift_right_arithmetic3A_485 = arith.shrsi %get3A_482, %shift_right_arithmetic3A_484 : vector<16xi32>
      %eq3A_486 = vector.broadcast %squeeze3A : i32 to vector<16xi32>
      %eq3A_487 = arith.cmpi eq, %shift_right_arithmetic3A_485, %eq3A_486 : vector<16xi32>
      %add3A_488 = arith.constant 0 : i32
      %add3A_489 = arith.addi %add3A_488, %add3A_419 : i32
      %swap3A_490 = arith.index_cast %add3A_489 : i32 to index
      %swap3A_491 = tpu.vector_load %arg16[%swap3A_490] masked %eq3A_487 {strides = array<i32>} : memref<16448xi32, #tpu.memory_space<vmem>>, vector<16xi32>, vector<16xi1>
      tpu.vector_store %arg16[%swap3A_490], %get3A_482 masked %eq3A_487 {strides = array<i32>} : memref<16448xi32, #tpu.memory_space<vmem>>, vector<16xi32>, vector<16xi1>
      %all_reduce_population_count3A_492 = tpu.all_reduce %eq3A_487 {dim = 0 : i64, kind = #tpu.reduction_kind<sum>} : vector<16xi1> -> vector<16xi32>
      %slice3A_493 = vector.extract_strided_slice %all_reduce_population_count3A_492 {offsets = [0], sizes = [1], strides = [1]} : vector<16xi32> to vector<1xi32>
      %squeeze3A_494 = vector.extract %slice3A_493[0] : i32 from vector<1xi32>
      %add3A_495 = arith.addi %add3A_419, %squeeze3A_494 : i32
      %mul3A_496 = arith.constant 128 : i32
      %mul3A_497 = arith.muli %scan3A_397, %mul3A_496 : i32
      %add3A_498 = arith.constant 80 : i32
      %add3A_499 = arith.addi %mul3A_497, %add3A_498 : i32
      %get3A_500 = arith.index_cast %add3A_499 : i32 to index
      %get3A_501 = tpu.vector_load %arg7[%get3A_500] {strides = array<i32>} : memref<16384xi32, #tpu.memory_space<vmem>>, vector<16xi32>,
      %shift_right_arithmetic3A_502 = arith.constant 17 : i32
      %shift_right_arithmetic3A_503 = vector.broadcast %shift_right_arithmetic3A_502 : i32 to vector<16xi32>
      %shift_right_arithmetic3A_504 = arith.shrsi %get3A_501, %shift_right_arithmetic3A_503 : vector<16xi32>
      %eq3A_505 = vector.broadcast %squeeze3A : i32 to vector<16xi32>
      %eq3A_506 = arith.cmpi eq, %shift_right_arithmetic3A_504, %eq3A_505 : vector<16xi32>
      %add3A_507 = arith.constant 4112 : i32
      %add3A_508 = arith.addi %add3A_507, %add3A_438 : i32
      %swap3A_509 = arith.index_cast %add3A_508 : i32 to index
      %swap3A_510 = tpu.vector_load %arg16[%swap3A_509] masked %eq3A_506 {strides = array<i32>} : memref<16448xi32, #tpu.memory_space<vmem>>, vector<16xi32>, vector<16xi1>
      tpu.vector_store %arg16[%swap3A_509], %get3A_501 masked %eq3A_506 {strides = array<i32>} : memref<16448xi32, #tpu.memory_space<vmem>>, vector<16xi32>, vector<16xi1>
      %all_reduce_population_count3A_511 = tpu.all_reduce %eq3A_506 {dim = 0 : i64, kind = #tpu.reduction_kind<sum>} : vector<16xi1> -> vector<16xi32>
      %slice3A_512 = vector.extract_strided_slice %all_reduce_population_count3A_511 {offsets = [0], sizes = [1], strides = [1]} : vector<16xi32> to vector<1xi32>
      %squeeze3A_513 = vector.extract %slice3A_512[0] : i32 from vector<1xi32>
      %add3A_514 = arith.addi %add3A_438, %squeeze3A_513 : i32
      %mul3A_515 = arith.constant 128 : i32
      %mul3A_516 = arith.muli %scan3A_397, %mul3A_515 : i32
      %add3A_517 = arith.constant 96 : i32
      %add3A_518 = arith.addi %mul3A_516, %add3A_517 : i32
      %get3A_519 = arith.index_cast %add3A_518 : i32 to index
      %get3A_520 = tpu.vector_load %arg7[%get3A_519] {strides = array<i32>} : memref<16384xi32, #tpu.memory_space<vmem>>, vector<16xi32>,
      %shift_right_arithmetic3A_521 = arith.constant 17 : i32
      %shift_right_arithmetic3A_522 = vector.broadcast %shift_right_arithmetic3A_521 : i32 to vector<16xi32>
      %shift_right_arithmetic3A_523 = arith.shrsi %get3A_520, %shift_right_arithmetic3A_522 : vector<16xi32>
      %eq3A_524 = vector.broadcast %squeeze3A : i32 to vector<16xi32>
      %eq3A_525 = arith.cmpi eq, %shift_right_arithmetic3A_523, %eq3A_524 : vector<16xi32>
      %add3A_526 = arith.constant 8224 : i32
      %add3A_527 = arith.addi %add3A_526, %add3A_457 : i32
      %swap3A_528 = arith.index_cast %add3A_527 : i32 to index
      %swap3A_529 = tpu.vector_load %arg16[%swap3A_528] masked %eq3A_525 {strides = array<i32>} : memref<16448xi32, #tpu.memory_space<vmem>>, vector<16xi32>, vector<16xi1>
      tpu.vector_store %arg16[%swap3A_528], %get3A_520 masked %eq3A_525 {strides = array<i32>} : memref<16448xi32, #tpu.memory_space<vmem>>, vector<16xi32>, vector<16xi1>
      %all_reduce_population_count3A_530 = tpu.all_reduce %eq3A_525 {dim = 0 : i64, kind = #tpu.reduction_kind<sum>} : vector<16xi1> -> vector<16xi32>
      %slice3A_531 = vector.extract_strided_slice %all_reduce_population_count3A_530 {offsets = [0], sizes = [1], strides = [1]} : vector<16xi32> to vector<1xi32>
      %squeeze3A_532 = vector.extract %slice3A_531[0] : i32 from vector<1xi32>
      %add3A_533 = arith.addi %add3A_457, %squeeze3A_532 : i32
      %mul3A_534 = arith.constant 128 : i32
      %mul3A_535 = arith.muli %scan3A_397, %mul3A_534 : i32
      %add3A_536 = arith.constant 112 : i32
      %add3A_537 = arith.addi %mul3A_535, %add3A_536 : i32
      %get3A_538 = arith.index_cast %add3A_537 : i32 to index
      %get3A_539 = tpu.vector_load %arg7[%get3A_538] {strides = array<i32>} : memref<16384xi32, #tpu.memory_space<vmem>>, vector<16xi32>,
      %shift_right_arithmetic3A_540 = arith.constant 17 : i32
      %shift_right_arithmetic3A_541 = vector.broadcast %shift_right_arithmetic3A_540 : i32 to vector<16xi32>
      %shift_right_arithmetic3A_542 = arith.shrsi %get3A_539, %shift_right_arithmetic3A_541 : vector<16xi32>
      %eq3A_543 = vector.broadcast %squeeze3A : i32 to vector<16xi32>
      %eq3A_544 = arith.cmpi eq, %shift_right_arithmetic3A_542, %eq3A_543 : vector<16xi32>
      %add3A_545 = arith.constant 12336 : i32
      %add3A_546 = arith.addi %add3A_545, %add3A_476 : i32
      %swap3A_547 = arith.index_cast %add3A_546 : i32 to index
      %swap3A_548 = tpu.vector_load %arg16[%swap3A_547] masked %eq3A_544 {strides = array<i32>} : memref<16448xi32, #tpu.memory_space<vmem>>, vector<16xi32>, vector<16xi1>
      tpu.vector_store %arg16[%swap3A_547], %get3A_539 masked %eq3A_544 {strides = array<i32>} : memref<16448xi32, #tpu.memory_space<vmem>>, vector<16xi32>, vector<16xi1>
      %all_reduce_population_count3A_549 = tpu.all_reduce %eq3A_544 {dim = 0 : i64, kind = #tpu.reduction_kind<sum>} : vector<16xi1> -> vector<16xi32>
      %slice3A_550 = vector.extract_strided_slice %all_reduce_population_count3A_549 {offsets = [0], sizes = [1], strides = [1]} : vector<16xi32> to vector<1xi32>
      %squeeze3A_551 = vector.extract %slice3A_550[0] : i32 from vector<1xi32>
      %add3A_552 = arith.addi %add3A_476, %squeeze3A_551 : i32
      scf.yield %add3A_495, %add3A_514, %add3A_533, %add3A_552 : i32, i32, i32, i32
    }
    %scan3A_118 = arith.constant 128 : i32
    %add3A_119 = arith.constant 15 : i32
    %add3A_120 = arith.addi %scan3A_117#0, %add3A_119 : i32
    %shift_right_arithmetic3A = arith.constant 4 : i32
    %shift_right_arithmetic3A_121 = arith.shrsi %add3A_120, %shift_right_arithmetic3A : i32
    %while3A = arith.constant 0 : i32
    %while3A_122 = arith.constant 0 : i32
    %while3A_123 = arith.subi %shift_right_arithmetic3A_121, %while3A : i32
    %while3A_124 = arith.addi %while3A, %while3A_123 : i32
    %while3A_125 = arith.constant 1 : i32
    %while3A_126 = arith.divsi %while3A_123, %while3A_125 : i32
    %while3A_127 = arith.muli %while3A_126, %while3A_125 : i32
    %while3A_128 = arith.addi %while3A, %while3A_127 : i32
    %while3A_129 = arith.constant 1 : i32
    %while3A_130 = scf.for %while3A_397 = %while3A to %while3A_128 step %while3A_129 iter_args(%while3A_398 = %while3A_122) -> (i32)  : i32 {
      %mul3A_399 = arith.constant 16 : i32
      %mul3A_400 = arith.muli %while3A_397, %mul3A_399 : i32
      %add3A_401 = arith.constant 0 : i32
      %add3A_402 = arith.addi %add3A_401, %mul3A_400 : i32
      %get3A_403 = arith.index_cast %add3A_402 : i32 to index
      %get3A_404 = tpu.vector_load %arg16[%get3A_403] {strides = array<i32>} : memref<16448xi32, #tpu.memory_space<vmem>>, vector<16xi32>,
      %mul3A_405 = arith.constant 16 : i32
      %mul3A_406 = arith.muli %while3A_397, %mul3A_405 : i32
      %add3A_407 = vector.broadcast %mul3A_406 : i32 to vector<16xi32>
      %add3A_408 = arith.addi %add3A_407, %iota3A : vector<16xi32>
      %lt3A = vector.broadcast %scan3A_117#0 : i32 to vector<16xi32>
      %lt3A_409 = arith.cmpi slt, %add3A_408, %lt3A : vector<16xi32>
      %shift_right_arithmetic3A_410 = arith.constant 8 : i32
      %shift_right_arithmetic3A_411 = vector.broadcast %shift_right_arithmetic3A_410 : i32 to vector<16xi32>
      %shift_right_arithmetic3A_412 = arith.shrsi %get3A_404, %shift_right_arithmetic3A_411 : vector<16xi32>
      %and3A = arith.constant 511 : i32
      %and3A_413 = vector.broadcast %and3A : i32 to vector<16xi32>
      %and3A_414 = arith.andi %shift_right_arithmetic3A_412, %and3A_413 : vector<16xi32>
      %add3A_415 = arith.addi %mul3A_33, %and3A_414 : vector<16xi32>
      tpu.vector_store_idx %arg8[%add3A_415], %broadcast_in_dim3A_34 masked %lt3A_409 {add = true} : memref<8320xi32, #tpu.memory_space<vmem>>[vector<16xi32>], vector<16xi32>, vector<16xi1>
      %while3A_416 = arith.constant 0 : i32
      scf.yield %while3A_416 : i32
    }
    %while3A_131 = arith.constant 1 : i32
    %while3A_132 = scf.for %while3A_397 = %while3A_128 to %while3A_124 step %while3A_131 iter_args(%while3A_398 = %while3A_130) -> (i32)  : i32 {
      %mul3A_399 = arith.constant 16 : i32
      %mul3A_400 = arith.muli %while3A_397, %mul3A_399 : i32
      %add3A_401 = arith.constant 0 : i32
      %add3A_402 = arith.addi %add3A_401, %mul3A_400 : i32
      %get3A_403 = arith.index_cast %add3A_402 : i32 to index
      %get3A_404 = tpu.vector_load %arg16[%get3A_403] {strides = array<i32>} : memref<16448xi32, #tpu.memory_space<vmem>>, vector<16xi32>,
      %mul3A_405 = arith.constant 16 : i32
      %mul3A_406 = arith.muli %while3A_397, %mul3A_405 : i32
      %add3A_407 = vector.broadcast %mul3A_406 : i32 to vector<16xi32>
      %add3A_408 = arith.addi %add3A_407, %iota3A : vector<16xi32>
      %lt3A = vector.broadcast %scan3A_117#0 : i32 to vector<16xi32>
      %lt3A_409 = arith.cmpi slt, %add3A_408, %lt3A : vector<16xi32>
      %shift_right_arithmetic3A_410 = arith.constant 8 : i32
      %shift_right_arithmetic3A_411 = vector.broadcast %shift_right_arithmetic3A_410 : i32 to vector<16xi32>
      %shift_right_arithmetic3A_412 = arith.shrsi %get3A_404, %shift_right_arithmetic3A_411 : vector<16xi32>
      %and3A = arith.constant 511 : i32
      %and3A_413 = vector.broadcast %and3A : i32 to vector<16xi32>
      %and3A_414 = arith.andi %shift_right_arithmetic3A_412, %and3A_413 : vector<16xi32>
      %add3A_415 = arith.addi %mul3A_33, %and3A_414 : vector<16xi32>
      tpu.vector_store_idx %arg8[%add3A_415], %broadcast_in_dim3A_34 masked %lt3A_409 {add = true} : memref<8320xi32, #tpu.memory_space<vmem>>[vector<16xi32>], vector<16xi32>, vector<16xi1>
      %while3A_416 = arith.constant 0 : i32
      scf.yield %while3A_416 : i32
    }
    %add3A_133 = arith.constant 15 : i32
    %add3A_134 = arith.addi %scan3A_117#1, %add3A_133 : i32
    %shift_right_arithmetic3A_135 = arith.constant 4 : i32
    %shift_right_arithmetic3A_136 = arith.shrsi %add3A_134, %shift_right_arithmetic3A_135 : i32
    %while3A_137 = arith.constant 0 : i32
    %while3A_138 = arith.constant 0 : i32
    %while3A_139 = arith.subi %shift_right_arithmetic3A_136, %while3A_137 : i32
    %while3A_140 = arith.addi %while3A_137, %while3A_139 : i32
    %while3A_141 = arith.constant 1 : i32
    %while3A_142 = arith.divsi %while3A_139, %while3A_141 : i32
    %while3A_143 = arith.muli %while3A_142, %while3A_141 : i32
    %while3A_144 = arith.addi %while3A_137, %while3A_143 : i32
    %while3A_145 = arith.constant 1 : i32
    %while3A_146 = scf.for %while3A_397 = %while3A_137 to %while3A_144 step %while3A_145 iter_args(%while3A_398 = %while3A_138) -> (i32)  : i32 {
      %mul3A_399 = arith.constant 16 : i32
      %mul3A_400 = arith.muli %while3A_397, %mul3A_399 : i32
      %add3A_401 = arith.constant 4112 : i32
      %add3A_402 = arith.addi %add3A_401, %mul3A_400 : i32
      %get3A_403 = arith.index_cast %add3A_402 : i32 to index
      %get3A_404 = tpu.vector_load %arg16[%get3A_403] {strides = array<i32>} : memref<16448xi32, #tpu.memory_space<vmem>>, vector<16xi32>,
      %mul3A_405 = arith.constant 16 : i32
      %mul3A_406 = arith.muli %while3A_397, %mul3A_405 : i32
      %add3A_407 = vector.broadcast %mul3A_406 : i32 to vector<16xi32>
      %add3A_408 = arith.addi %add3A_407, %iota3A : vector<16xi32>
      %lt3A = vector.broadcast %scan3A_117#1 : i32 to vector<16xi32>
      %lt3A_409 = arith.cmpi slt, %add3A_408, %lt3A : vector<16xi32>
      %shift_right_arithmetic3A_410 = arith.constant 8 : i32
      %shift_right_arithmetic3A_411 = vector.broadcast %shift_right_arithmetic3A_410 : i32 to vector<16xi32>
      %shift_right_arithmetic3A_412 = arith.shrsi %get3A_404, %shift_right_arithmetic3A_411 : vector<16xi32>
      %and3A = arith.constant 511 : i32
      %and3A_413 = vector.broadcast %and3A : i32 to vector<16xi32>
      %and3A_414 = arith.andi %shift_right_arithmetic3A_412, %and3A_413 : vector<16xi32>
      %add3A_415 = arith.addi %mul3A_33, %and3A_414 : vector<16xi32>
      tpu.vector_store_idx %arg8[%add3A_415], %broadcast_in_dim3A_34 masked %lt3A_409 {add = true} : memref<8320xi32, #tpu.memory_space<vmem>>[vector<16xi32>], vector<16xi32>, vector<16xi1>
      %while3A_416 = arith.constant 0 : i32
      scf.yield %while3A_416 : i32
    }
    %while3A_147 = arith.constant 1 : i32
    %while3A_148 = scf.for %while3A_397 = %while3A_144 to %while3A_140 step %while3A_147 iter_args(%while3A_398 = %while3A_146) -> (i32)  : i32 {
      %mul3A_399 = arith.constant 16 : i32
      %mul3A_400 = arith.muli %while3A_397, %mul3A_399 : i32
      %add3A_401 = arith.constant 4112 : i32
      %add3A_402 = arith.addi %add3A_401, %mul3A_400 : i32
      %get3A_403 = arith.index_cast %add3A_402 : i32 to index
      %get3A_404 = tpu.vector_load %arg16[%get3A_403] {strides = array<i32>} : memref<16448xi32, #tpu.memory_space<vmem>>, vector<16xi32>,
      %mul3A_405 = arith.constant 16 : i32
      %mul3A_406 = arith.muli %while3A_397, %mul3A_405 : i32
      %add3A_407 = vector.broadcast %mul3A_406 : i32 to vector<16xi32>
      %add3A_408 = arith.addi %add3A_407, %iota3A : vector<16xi32>
      %lt3A = vector.broadcast %scan3A_117#1 : i32 to vector<16xi32>
      %lt3A_409 = arith.cmpi slt, %add3A_408, %lt3A : vector<16xi32>
      %shift_right_arithmetic3A_410 = arith.constant 8 : i32
      %shift_right_arithmetic3A_411 = vector.broadcast %shift_right_arithmetic3A_410 : i32 to vector<16xi32>
      %shift_right_arithmetic3A_412 = arith.shrsi %get3A_404, %shift_right_arithmetic3A_411 : vector<16xi32>
      %and3A = arith.constant 511 : i32
      %and3A_413 = vector.broadcast %and3A : i32 to vector<16xi32>
      %and3A_414 = arith.andi %shift_right_arithmetic3A_412, %and3A_413 : vector<16xi32>
      %add3A_415 = arith.addi %mul3A_33, %and3A_414 : vector<16xi32>
      tpu.vector_store_idx %arg8[%add3A_415], %broadcast_in_dim3A_34 masked %lt3A_409 {add = true} : memref<8320xi32, #tpu.memory_space<vmem>>[vector<16xi32>], vector<16xi32>, vector<16xi1>
      %while3A_416 = arith.constant 0 : i32
      scf.yield %while3A_416 : i32
    }
    %add3A_149 = arith.constant 15 : i32
    %add3A_150 = arith.addi %scan3A_117#2, %add3A_149 : i32
    %shift_right_arithmetic3A_151 = arith.constant 4 : i32
    %shift_right_arithmetic3A_152 = arith.shrsi %add3A_150, %shift_right_arithmetic3A_151 : i32
    %while3A_153 = arith.constant 0 : i32
    %while3A_154 = arith.constant 0 : i32
    %while3A_155 = arith.subi %shift_right_arithmetic3A_152, %while3A_153 : i32
    %while3A_156 = arith.addi %while3A_153, %while3A_155 : i32
    %while3A_157 = arith.constant 1 : i32
    %while3A_158 = arith.divsi %while3A_155, %while3A_157 : i32
    %while3A_159 = arith.muli %while3A_158, %while3A_157 : i32
    %while3A_160 = arith.addi %while3A_153, %while3A_159 : i32
    %while3A_161 = arith.constant 1 : i32
    %while3A_162 = scf.for %while3A_397 = %while3A_153 to %while3A_160 step %while3A_161 iter_args(%while3A_398 = %while3A_154) -> (i32)  : i32 {
      %mul3A_399 = arith.constant 16 : i32
      %mul3A_400 = arith.muli %while3A_397, %mul3A_399 : i32
      %add3A_401 = arith.constant 8224 : i32
      %add3A_402 = arith.addi %add3A_401, %mul3A_400 : i32
      %get3A_403 = arith.index_cast %add3A_402 : i32 to index
      %get3A_404 = tpu.vector_load %arg16[%get3A_403] {strides = array<i32>} : memref<16448xi32, #tpu.memory_space<vmem>>, vector<16xi32>,
      %mul3A_405 = arith.constant 16 : i32
      %mul3A_406 = arith.muli %while3A_397, %mul3A_405 : i32
      %add3A_407 = vector.broadcast %mul3A_406 : i32 to vector<16xi32>
      %add3A_408 = arith.addi %add3A_407, %iota3A : vector<16xi32>
      %lt3A = vector.broadcast %scan3A_117#2 : i32 to vector<16xi32>
      %lt3A_409 = arith.cmpi slt, %add3A_408, %lt3A : vector<16xi32>
      %shift_right_arithmetic3A_410 = arith.constant 8 : i32
      %shift_right_arithmetic3A_411 = vector.broadcast %shift_right_arithmetic3A_410 : i32 to vector<16xi32>
      %shift_right_arithmetic3A_412 = arith.shrsi %get3A_404, %shift_right_arithmetic3A_411 : vector<16xi32>
      %and3A = arith.constant 511 : i32
      %and3A_413 = vector.broadcast %and3A : i32 to vector<16xi32>
      %and3A_414 = arith.andi %shift_right_arithmetic3A_412, %and3A_413 : vector<16xi32>
      %add3A_415 = arith.addi %mul3A_33, %and3A_414 : vector<16xi32>
      tpu.vector_store_idx %arg8[%add3A_415], %broadcast_in_dim3A_34 masked %lt3A_409 {add = true} : memref<8320xi32, #tpu.memory_space<vmem>>[vector<16xi32>], vector<16xi32>, vector<16xi1>
      %while3A_416 = arith.constant 0 : i32
      scf.yield %while3A_416 : i32
    }
    %while3A_163 = arith.constant 1 : i32
    %while3A_164 = scf.for %while3A_397 = %while3A_160 to %while3A_156 step %while3A_163 iter_args(%while3A_398 = %while3A_162) -> (i32)  : i32 {
      %mul3A_399 = arith.constant 16 : i32
      %mul3A_400 = arith.muli %while3A_397, %mul3A_399 : i32
      %add3A_401 = arith.constant 8224 : i32
      %add3A_402 = arith.addi %add3A_401, %mul3A_400 : i32
      %get3A_403 = arith.index_cast %add3A_402 : i32 to index
      %get3A_404 = tpu.vector_load %arg16[%get3A_403] {strides = array<i32>} : memref<16448xi32, #tpu.memory_space<vmem>>, vector<16xi32>,
      %mul3A_405 = arith.constant 16 : i32
      %mul3A_406 = arith.muli %while3A_397, %mul3A_405 : i32
      %add3A_407 = vector.broadcast %mul3A_406 : i32 to vector<16xi32>
      %add3A_408 = arith.addi %add3A_407, %iota3A : vector<16xi32>
      %lt3A = vector.broadcast %scan3A_117#2 : i32 to vector<16xi32>
      %lt3A_409 = arith.cmpi slt, %add3A_408, %lt3A : vector<16xi32>
      %shift_right_arithmetic3A_410 = arith.constant 8 : i32
      %shift_right_arithmetic3A_411 = vector.broadcast %shift_right_arithmetic3A_410 : i32 to vector<16xi32>
      %shift_right_arithmetic3A_412 = arith.shrsi %get3A_404, %shift_right_arithmetic3A_411 : vector<16xi32>
      %and3A = arith.constant 511 : i32
      %and3A_413 = vector.broadcast %and3A : i32 to vector<16xi32>
      %and3A_414 = arith.andi %shift_right_arithmetic3A_412, %and3A_413 : vector<16xi32>
      %add3A_415 = arith.addi %mul3A_33, %and3A_414 : vector<16xi32>
      tpu.vector_store_idx %arg8[%add3A_415], %broadcast_in_dim3A_34 masked %lt3A_409 {add = true} : memref<8320xi32, #tpu.memory_space<vmem>>[vector<16xi32>], vector<16xi32>, vector<16xi1>
      %while3A_416 = arith.constant 0 : i32
      scf.yield %while3A_416 : i32
    }
    %add3A_165 = arith.constant 15 : i32
    %add3A_166 = arith.addi %scan3A_117#3, %add3A_165 : i32
    %shift_right_arithmetic3A_167 = arith.constant 4 : i32
    %shift_right_arithmetic3A_168 = arith.shrsi %add3A_166, %shift_right_arithmetic3A_167 : i32
    %while3A_169 = arith.constant 0 : i32
    %while3A_170 = arith.constant 0 : i32
    %while3A_171 = arith.subi %shift_right_arithmetic3A_168, %while3A_169 : i32
    %while3A_172 = arith.addi %while3A_169, %while3A_171 : i32
    %while3A_173 = arith.constant 1 : i32
    %while3A_174 = arith.divsi %while3A_171, %while3A_173 : i32
    %while3A_175 = arith.muli %while3A_174, %while3A_173 : i32
    %while3A_176 = arith.addi %while3A_169, %while3A_175 : i32
    %while3A_177 = arith.constant 1 : i32
    %while3A_178 = scf.for %while3A_397 = %while3A_169 to %while3A_176 step %while3A_177 iter_args(%while3A_398 = %while3A_170) -> (i32)  : i32 {
      %mul3A_399 = arith.constant 16 : i32
      %mul3A_400 = arith.muli %while3A_397, %mul3A_399 : i32
      %add3A_401 = arith.constant 12336 : i32
      %add3A_402 = arith.addi %add3A_401, %mul3A_400 : i32
      %get3A_403 = arith.index_cast %add3A_402 : i32 to index
      %get3A_404 = tpu.vector_load %arg16[%get3A_403] {strides = array<i32>} : memref<16448xi32, #tpu.memory_space<vmem>>, vector<16xi32>,
      %mul3A_405 = arith.constant 16 : i32
      %mul3A_406 = arith.muli %while3A_397, %mul3A_405 : i32
      %add3A_407 = vector.broadcast %mul3A_406 : i32 to vector<16xi32>
      %add3A_408 = arith.addi %add3A_407, %iota3A : vector<16xi32>
      %lt3A = vector.broadcast %scan3A_117#3 : i32 to vector<16xi32>
      %lt3A_409 = arith.cmpi slt, %add3A_408, %lt3A : vector<16xi32>
      %shift_right_arithmetic3A_410 = arith.constant 8 : i32
      %shift_right_arithmetic3A_411 = vector.broadcast %shift_right_arithmetic3A_410 : i32 to vector<16xi32>
      %shift_right_arithmetic3A_412 = arith.shrsi %get3A_404, %shift_right_arithmetic3A_411 : vector<16xi32>
      %and3A = arith.constant 511 : i32
      %and3A_413 = vector.broadcast %and3A : i32 to vector<16xi32>
      %and3A_414 = arith.andi %shift_right_arithmetic3A_412, %and3A_413 : vector<16xi32>
      %add3A_415 = arith.addi %mul3A_33, %and3A_414 : vector<16xi32>
      tpu.vector_store_idx %arg8[%add3A_415], %broadcast_in_dim3A_34 masked %lt3A_409 {add = true} : memref<8320xi32, #tpu.memory_space<vmem>>[vector<16xi32>], vector<16xi32>, vector<16xi1>
      %while3A_416 = arith.constant 0 : i32
      scf.yield %while3A_416 : i32
    }
    %while3A_179 = arith.constant 1 : i32
    %while3A_180 = scf.for %while3A_397 = %while3A_176 to %while3A_172 step %while3A_179 iter_args(%while3A_398 = %while3A_178) -> (i32)  : i32 {
      %mul3A_399 = arith.constant 16 : i32
      %mul3A_400 = arith.muli %while3A_397, %mul3A_399 : i32
      %add3A_401 = arith.constant 12336 : i32
      %add3A_402 = arith.addi %add3A_401, %mul3A_400 : i32
      %get3A_403 = arith.index_cast %add3A_402 : i32 to index
      %get3A_404 = tpu.vector_load %arg16[%get3A_403] {strides = array<i32>} : memref<16448xi32, #tpu.memory_space<vmem>>, vector<16xi32>,
      %mul3A_405 = arith.constant 16 : i32
      %mul3A_406 = arith.muli %while3A_397, %mul3A_405 : i32
      %add3A_407 = vector.broadcast %mul3A_406 : i32 to vector<16xi32>
      %add3A_408 = arith.addi %add3A_407, %iota3A : vector<16xi32>
      %lt3A = vector.broadcast %scan3A_117#3 : i32 to vector<16xi32>
      %lt3A_409 = arith.cmpi slt, %add3A_408, %lt3A : vector<16xi32>
      %shift_right_arithmetic3A_410 = arith.constant 8 : i32
      %shift_right_arithmetic3A_411 = vector.broadcast %shift_right_arithmetic3A_410 : i32 to vector<16xi32>
      %shift_right_arithmetic3A_412 = arith.shrsi %get3A_404, %shift_right_arithmetic3A_411 : vector<16xi32>
      %and3A = arith.constant 511 : i32
      %and3A_413 = vector.broadcast %and3A : i32 to vector<16xi32>
      %and3A_414 = arith.andi %shift_right_arithmetic3A_412, %and3A_413 : vector<16xi32>
      %add3A_415 = arith.addi %mul3A_33, %and3A_414 : vector<16xi32>
      tpu.vector_store_idx %arg8[%add3A_415], %broadcast_in_dim3A_34 masked %lt3A_409 {add = true} : memref<8320xi32, #tpu.memory_space<vmem>>[vector<16xi32>], vector<16xi32>, vector<16xi1>
      %while3A_416 = arith.constant 0 : i32
      scf.yield %while3A_416 : i32
    }
    %scan3A_181 = arith.constant 0 : i32
    %scan3A_182 = arith.constant 0 : i32
    %scan3A_183 = arith.constant 32 : i32
    %scan3A_184 = arith.addi %scan3A_182, %scan3A_183 : i32
    %scan3A_185 = arith.constant 1 : i32
    %scan3A_186 = scf.for %scan3A_397 = %scan3A_182 to %scan3A_184 step %scan3A_185 iter_args(%scan3A_398 = %scan3A_181) -> (i32)  : i32 {
      %mul3A_399 = arith.constant 16 : i32
      %mul3A_400 = arith.muli %scan3A_397, %mul3A_399 : i32
      %add3A_401 = arith.constant 0 : i32
      %add3A_402 = arith.addi %add3A_401, %mul3A_400 : i32
      %get3A_403 = arith.index_cast %add3A_402 : i32 to index
      %get3A_404 = tpu.vector_load %arg8[%get3A_403] {strides = array<i32>} : memref<8320xi32, #tpu.memory_space<vmem>>, vector<16xi32>,
      %add3A_405 = arith.addi %broadcast_in_dim3A_36, %get3A_404 : vector<16xi32>
      %mul3A_406 = arith.constant 16 : i32
      %mul3A_407 = arith.muli %scan3A_397, %mul3A_406 : i32
      %add3A_408 = arith.constant 513 : i32
      %add3A_409 = arith.addi %add3A_408, %mul3A_407 : i32
      %get3A_410 = arith.index_cast %add3A_409 : i32 to index
      %get3A_411 = tpu.vector_load %arg8[%get3A_410] {strides = array<i32>} : memref<8320xi32, #tpu.memory_space<vmem>>, vector<16xi32>,
      %add3A_412 = arith.addi %add3A_405, %get3A_411 : vector<16xi32>
      %mul3A_413 = arith.constant 16 : i32
      %mul3A_414 = arith.muli %scan3A_397, %mul3A_413 : i32
      %add3A_415 = arith.constant 1026 : i32
      %add3A_416 = arith.addi %add3A_415, %mul3A_414 : i32
      %get3A_417 = arith.index_cast %add3A_416 : i32 to index
      %get3A_418 = tpu.vector_load %arg8[%get3A_417] {strides = array<i32>} : memref<8320xi32, #tpu.memory_space<vmem>>, vector<16xi32>,
      %add3A_419 = arith.addi %add3A_412, %get3A_418 : vector<16xi32>
      %mul3A_420 = arith.constant 16 : i32
      %mul3A_421 = arith.muli %scan3A_397, %mul3A_420 : i32
      %add3A_422 = arith.constant 1539 : i32
      %add3A_423 = arith.addi %add3A_422, %mul3A_421 : i32
      %get3A_424 = arith.index_cast %add3A_423 : i32 to index
      %get3A_425 = tpu.vector_load %arg8[%get3A_424] {strides = array<i32>} : memref<8320xi32, #tpu.memory_space<vmem>>, vector<16xi32>,
      %add3A_426 = arith.addi %add3A_419, %get3A_425 : vector<16xi32>
      %mul3A_427 = arith.constant 16 : i32
      %mul3A_428 = arith.muli %scan3A_397, %mul3A_427 : i32
      %add3A_429 = arith.constant 2052 : i32
      %add3A_430 = arith.addi %add3A_429, %mul3A_428 : i32
      %get3A_431 = arith.index_cast %add3A_430 : i32 to index
      %get3A_432 = tpu.vector_load %arg8[%get3A_431] {strides = array<i32>} : memref<8320xi32, #tpu.memory_space<vmem>>, vector<16xi32>,
      %add3A_433 = arith.addi %add3A_426, %get3A_432 : vector<16xi32>
      %mul3A_434 = arith.constant 16 : i32
      %mul3A_435 = arith.muli %scan3A_397, %mul3A_434 : i32
      %add3A_436 = arith.constant 2565 : i32
      %add3A_437 = arith.addi %add3A_436, %mul3A_435 : i32
      %get3A_438 = arith.index_cast %add3A_437 : i32 to index
      %get3A_439 = tpu.vector_load %arg8[%get3A_438] {strides = array<i32>} : memref<8320xi32, #tpu.memory_space<vmem>>, vector<16xi32>,
      %add3A_440 = arith.addi %add3A_433, %get3A_439 : vector<16xi32>
      %mul3A_441 = arith.constant 16 : i32
      %mul3A_442 = arith.muli %scan3A_397, %mul3A_441 : i32
      %add3A_443 = arith.constant 3078 : i32
      %add3A_444 = arith.addi %add3A_443, %mul3A_442 : i32
      %get3A_445 = arith.index_cast %add3A_444 : i32 to index
      %get3A_446 = tpu.vector_load %arg8[%get3A_445] {strides = array<i32>} : memref<8320xi32, #tpu.memory_space<vmem>>, vector<16xi32>,
      %add3A_447 = arith.addi %add3A_440, %get3A_446 : vector<16xi32>
      %mul3A_448 = arith.constant 16 : i32
      %mul3A_449 = arith.muli %scan3A_397, %mul3A_448 : i32
      %add3A_450 = arith.constant 3591 : i32
      %add3A_451 = arith.addi %add3A_450, %mul3A_449 : i32
      %get3A_452 = arith.index_cast %add3A_451 : i32 to index
      %get3A_453 = tpu.vector_load %arg8[%get3A_452] {strides = array<i32>} : memref<8320xi32, #tpu.memory_space<vmem>>, vector<16xi32>,
      %add3A_454 = arith.addi %add3A_447, %get3A_453 : vector<16xi32>
      %mul3A_455 = arith.constant 16 : i32
      %mul3A_456 = arith.muli %scan3A_397, %mul3A_455 : i32
      %add3A_457 = arith.constant 4104 : i32
      %add3A_458 = arith.addi %add3A_457, %mul3A_456 : i32
      %get3A_459 = arith.index_cast %add3A_458 : i32 to index
      %get3A_460 = tpu.vector_load %arg8[%get3A_459] {strides = array<i32>} : memref<8320xi32, #tpu.memory_space<vmem>>, vector<16xi32>,
      %add3A_461 = arith.addi %add3A_454, %get3A_460 : vector<16xi32>
      %mul3A_462 = arith.constant 16 : i32
      %mul3A_463 = arith.muli %scan3A_397, %mul3A_462 : i32
      %add3A_464 = arith.constant 4617 : i32
      %add3A_465 = arith.addi %add3A_464, %mul3A_463 : i32
      %get3A_466 = arith.index_cast %add3A_465 : i32 to index
      %get3A_467 = tpu.vector_load %arg8[%get3A_466] {strides = array<i32>} : memref<8320xi32, #tpu.memory_space<vmem>>, vector<16xi32>,
      %add3A_468 = arith.addi %add3A_461, %get3A_467 : vector<16xi32>
      %mul3A_469 = arith.constant 16 : i32
      %mul3A_470 = arith.muli %scan3A_397, %mul3A_469 : i32
      %add3A_471 = arith.constant 5130 : i32
      %add3A_472 = arith.addi %add3A_471, %mul3A_470 : i32
      %get3A_473 = arith.index_cast %add3A_472 : i32 to index
      %get3A_474 = tpu.vector_load %arg8[%get3A_473] {strides = array<i32>} : memref<8320xi32, #tpu.memory_space<vmem>>, vector<16xi32>,
      %add3A_475 = arith.addi %add3A_468, %get3A_474 : vector<16xi32>
      %mul3A_476 = arith.constant 16 : i32
      %mul3A_477 = arith.muli %scan3A_397, %mul3A_476 : i32
      %add3A_478 = arith.constant 5643 : i32
      %add3A_479 = arith.addi %add3A_478, %mul3A_477 : i32
      %get3A_480 = arith.index_cast %add3A_479 : i32 to index
      %get3A_481 = tpu.vector_load %arg8[%get3A_480] {strides = array<i32>} : memref<8320xi32, #tpu.memory_space<vmem>>, vector<16xi32>,
      %add3A_482 = arith.addi %add3A_475, %get3A_481 : vector<16xi32>
      %mul3A_483 = arith.constant 16 : i32
      %mul3A_484 = arith.muli %scan3A_397, %mul3A_483 : i32
      %add3A_485 = arith.constant 6156 : i32
      %add3A_486 = arith.addi %add3A_485, %mul3A_484 : i32
      %get3A_487 = arith.index_cast %add3A_486 : i32 to index
      %get3A_488 = tpu.vector_load %arg8[%get3A_487] {strides = array<i32>} : memref<8320xi32, #tpu.memory_space<vmem>>, vector<16xi32>,
      %add3A_489 = arith.addi %add3A_482, %get3A_488 : vector<16xi32>
      %mul3A_490 = arith.constant 16 : i32
      %mul3A_491 = arith.muli %scan3A_397, %mul3A_490 : i32
      %add3A_492 = arith.constant 6669 : i32
      %add3A_493 = arith.addi %add3A_492, %mul3A_491 : i32
      %get3A_494 = arith.index_cast %add3A_493 : i32 to index
      %get3A_495 = tpu.vector_load %arg8[%get3A_494] {strides = array<i32>} : memref<8320xi32, #tpu.memory_space<vmem>>, vector<16xi32>,
      %add3A_496 = arith.addi %add3A_489, %get3A_495 : vector<16xi32>
      %mul3A_497 = arith.constant 16 : i32
      %mul3A_498 = arith.muli %scan3A_397, %mul3A_497 : i32
      %add3A_499 = arith.constant 7182 : i32
      %add3A_500 = arith.addi %add3A_499, %mul3A_498 : i32
      %get3A_501 = arith.index_cast %add3A_500 : i32 to index
      %get3A_502 = tpu.vector_load %arg8[%get3A_501] {strides = array<i32>} : memref<8320xi32, #tpu.memory_space<vmem>>, vector<16xi32>,
      %add3A_503 = arith.addi %add3A_496, %get3A_502 : vector<16xi32>
      %mul3A_504 = arith.constant 16 : i32
      %mul3A_505 = arith.muli %scan3A_397, %mul3A_504 : i32
      %add3A_506 = arith.constant 7695 : i32
      %add3A_507 = arith.addi %add3A_506, %mul3A_505 : i32
      %get3A_508 = arith.index_cast %add3A_507 : i32 to index
      %get3A_509 = tpu.vector_load %arg8[%get3A_508] {strides = array<i32>} : memref<8320xi32, #tpu.memory_space<vmem>>, vector<16xi32>,
      %add3A_510 = arith.addi %add3A_503, %get3A_509 : vector<16xi32>
      %mul3A_511 = arith.constant 16 : i32
      %mul3A_512 = arith.muli %scan3A_397, %mul3A_511 : i32
      %swap3A_513 = arith.index_cast %mul3A_512 : i32 to index
      %swap3A_514 = tpu.vector_load %arg9[%swap3A_513] {strides = array<i32>} : memref<512xi32, #tpu.memory_space<vmem>>, vector<16xi32>,
      tpu.vector_store %arg9[%swap3A_513], %add3A_510 {strides = array<i32>} : memref<512xi32, #tpu.memory_space<vmem>>, vector<16xi32>,
      %scan3A_515 = arith.constant 0 : i32
      scf.yield %scan3A_515 : i32
    }
    %scan3A_187 = arith.constant 32 : i32
    %mul3A_188 = arith.constant 512 : i32
    %mul3A_189 = arith.muli %arg1, %mul3A_188 : i32
    "tpu.region"() ({
      %run_scoped3A = tpu.sem_alloc : memref<!tpu.dma_semaphore, #tpu.memory_space<semaphore_mem>>
      %dma_start3A_397 = tpu.memref_slice %arg19[%mul3A_189] : memref<8192xi32, #tpu.memory_space<vmem_shared>> -> memref<512xi32, #tpu.memory_space<vmem_shared>>
      %dma_start3A_398 = tpu.memref_slice %arg19[%mul3A_189] : memref<8192xi32, #tpu.memory_space<vmem_shared>> -> memref<512xi32, #tpu.memory_space<vmem_shared>>
      tpu.enqueue_dma source(%arg9 : memref<512xi32, #tpu.memory_space<vmem>>) target(%dma_start3A_398 : memref<512xi32, #tpu.memory_space<vmem_shared>>) target_semaphore(%run_scoped3A : memref<!tpu.dma_semaphore, #tpu.memory_space<semaphore_mem>>)
      %dma_wait3A_399 = tpu.memref_slice %arg19[%mul3A_189] : memref<8192xi32, #tpu.memory_space<vmem_shared>> -> memref<512xi32, #tpu.memory_space<vmem_shared>>
      %dma_wait3A_400 = tpu.memref_slice %arg19[%mul3A_189] : memref<8192xi32, #tpu.memory_space<vmem_shared>> -> memref<512xi32, #tpu.memory_space<vmem_shared>>
      tpu.wait_dma2 semaphore(%run_scoped3A : memref<!tpu.dma_semaphore, #tpu.memory_space<semaphore_mem>>) src(%arg9 : memref<512xi32, #tpu.memory_space<vmem>>) dst(%dma_wait3A_400 : memref<512xi32, #tpu.memory_space<vmem_shared>>)
      tpu.yield
    }) : () -> ()
    %barrier3A_190 = arith.constant 0 : index
    tpu.barrier barrier_id(%barrier3A_190)
    %eq3A_191 = arith.constant 0 : i32
    %eq3A_192 = arith.cmpi eq, %arg1, %eq3A_191 : i32
    %convert_element_type3A_193 = arith.extui %eq3A_192 : i1 to i32
    %cond3A_194 = arith.constant 0 : i32
    %cond3A_195 = arith.cmpi ne, %convert_element_type3A_193, %cond3A_194 : i32
    scf.if %cond3A_195 {
      "tpu.region"() ({
        %run_scoped3A = tpu.sem_alloc : memref<!tpu.dma_semaphore, #tpu.memory_space<semaphore_mem>>
        tpu.enqueue_dma source(%arg19 : memref<8192xi32, #tpu.memory_space<vmem_shared>>) target(%arg10 : memref<8192xi32, #tpu.memory_space<vmem>>) target_semaphore(%run_scoped3A : memref<!tpu.dma_semaphore, #tpu.memory_space<semaphore_mem>>)
        tpu.wait_dma2 semaphore(%run_scoped3A : memref<!tpu.dma_semaphore, #tpu.memory_space<semaphore_mem>>) src(%arg19 : memref<8192xi32, #tpu.memory_space<vmem_shared>>) dst(%arg10 : memref<8192xi32, #tpu.memory_space<vmem>>)
        tpu.yield
      }) : () -> ()
      %scan3A_397 = arith.constant 0 : i32
      %scan3A_398 = arith.constant 0 : i32
      %scan3A_399 = arith.constant 32 : i32
      %scan3A_400 = arith.addi %scan3A_398, %scan3A_399 : i32
      %scan3A_401 = arith.constant 1 : i32
      %scan3A_402 = scf.for %scan3A_508 = %scan3A_398 to %scan3A_400 step %scan3A_401 iter_args(%scan3A_509 = %scan3A_397) -> (i32)  : i32 {
        %mul3A_510 = arith.constant 16 : i32
        %mul3A_511 = arith.muli %scan3A_508, %mul3A_510 : i32
        %add3A_512 = arith.constant 0 : i32
        %add3A_513 = arith.addi %add3A_512, %mul3A_511 : i32
        %get3A_514 = arith.index_cast %add3A_513 : i32 to index
        %get3A_515 = tpu.vector_load %arg10[%get3A_514] {strides = array<i32>} : memref<8192xi32, #tpu.memory_space<vmem>>, vector<16xi32>,
        %add3A_516 = arith.addi %broadcast_in_dim3A_36, %get3A_515 : vector<16xi32>
        %mul3A_517 = arith.constant 16 : i32
        %mul3A_518 = arith.muli %scan3A_508, %mul3A_517 : i32
        %add3A_519 = arith.constant 512 : i32
        %add3A_520 = arith.addi %add3A_519, %mul3A_518 : i32
        %get3A_521 = arith.index_cast %add3A_520 : i32 to index
        %get3A_522 = tpu.vector_load %arg10[%get3A_521] {strides = array<i32>} : memref<8192xi32, #tpu.memory_space<vmem>>, vector<16xi32>,
        %add3A_523 = arith.addi %add3A_516, %get3A_522 : vector<16xi32>
        %mul3A_524 = arith.constant 16 : i32
        %mul3A_525 = arith.muli %scan3A_508, %mul3A_524 : i32
        %add3A_526 = arith.constant 1024 : i32
        %add3A_527 = arith.addi %add3A_526, %mul3A_525 : i32
        %get3A_528 = arith.index_cast %add3A_527 : i32 to index
        %get3A_529 = tpu.vector_load %arg10[%get3A_528] {strides = array<i32>} : memref<8192xi32, #tpu.memory_space<vmem>>, vector<16xi32>,
        %add3A_530 = arith.addi %add3A_523, %get3A_529 : vector<16xi32>
        %mul3A_531 = arith.constant 16 : i32
        %mul3A_532 = arith.muli %scan3A_508, %mul3A_531 : i32
        %add3A_533 = arith.constant 1536 : i32
        %add3A_534 = arith.addi %add3A_533, %mul3A_532 : i32
        %get3A_535 = arith.index_cast %add3A_534 : i32 to index
        %get3A_536 = tpu.vector_load %arg10[%get3A_535] {strides = array<i32>} : memref<8192xi32, #tpu.memory_space<vmem>>, vector<16xi32>,
        %add3A_537 = arith.addi %add3A_530, %get3A_536 : vector<16xi32>
        %mul3A_538 = arith.constant 16 : i32
        %mul3A_539 = arith.muli %scan3A_508, %mul3A_538 : i32
        %add3A_540 = arith.constant 2048 : i32
        %add3A_541 = arith.addi %add3A_540, %mul3A_539 : i32
        %get3A_542 = arith.index_cast %add3A_541 : i32 to index
        %get3A_543 = tpu.vector_load %arg10[%get3A_542] {strides = array<i32>} : memref<8192xi32, #tpu.memory_space<vmem>>, vector<16xi32>,
        %add3A_544 = arith.addi %add3A_537, %get3A_543 : vector<16xi32>
        %mul3A_545 = arith.constant 16 : i32
        %mul3A_546 = arith.muli %scan3A_508, %mul3A_545 : i32
        %add3A_547 = arith.constant 2560 : i32
        %add3A_548 = arith.addi %add3A_547, %mul3A_546 : i32
        %get3A_549 = arith.index_cast %add3A_548 : i32 to index
        %get3A_550 = tpu.vector_load %arg10[%get3A_549] {strides = array<i32>} : memref<8192xi32, #tpu.memory_space<vmem>>, vector<16xi32>,
        %add3A_551 = arith.addi %add3A_544, %get3A_550 : vector<16xi32>
        %mul3A_552 = arith.constant 16 : i32
        %mul3A_553 = arith.muli %scan3A_508, %mul3A_552 : i32
        %add3A_554 = arith.constant 3072 : i32
        %add3A_555 = arith.addi %add3A_554, %mul3A_553 : i32
        %get3A_556 = arith.index_cast %add3A_555 : i32 to index
        %get3A_557 = tpu.vector_load %arg10[%get3A_556] {strides = array<i32>} : memref<8192xi32, #tpu.memory_space<vmem>>, vector<16xi32>,
        %add3A_558 = arith.addi %add3A_551, %get3A_557 : vector<16xi32>
        %mul3A_559 = arith.constant 16 : i32
        %mul3A_560 = arith.muli %scan3A_508, %mul3A_559 : i32
        %add3A_561 = arith.constant 3584 : i32
        %add3A_562 = arith.addi %add3A_561, %mul3A_560 : i32
        %get3A_563 = arith.index_cast %add3A_562 : i32 to index
        %get3A_564 = tpu.vector_load %arg10[%get3A_563] {strides = array<i32>} : memref<8192xi32, #tpu.memory_space<vmem>>, vector<16xi32>,
        %add3A_565 = arith.addi %add3A_558, %get3A_564 : vector<16xi32>
        %mul3A_566 = arith.constant 16 : i32
        %mul3A_567 = arith.muli %scan3A_508, %mul3A_566 : i32
        %add3A_568 = arith.constant 4096 : i32
        %add3A_569 = arith.addi %add3A_568, %mul3A_567 : i32
        %get3A_570 = arith.index_cast %add3A_569 : i32 to index
        %get3A_571 = tpu.vector_load %arg10[%get3A_570] {strides = array<i32>} : memref<8192xi32, #tpu.memory_space<vmem>>, vector<16xi32>,
        %add3A_572 = arith.addi %add3A_565, %get3A_571 : vector<16xi32>
        %mul3A_573 = arith.constant 16 : i32
        %mul3A_574 = arith.muli %scan3A_508, %mul3A_573 : i32
        %add3A_575 = arith.constant 4608 : i32
        %add3A_576 = arith.addi %add3A_575, %mul3A_574 : i32
        %get3A_577 = arith.index_cast %add3A_576 : i32 to index
        %get3A_578 = tpu.vector_load %arg10[%get3A_577] {strides = array<i32>} : memref<8192xi32, #tpu.memory_space<vmem>>, vector<16xi32>,
        %add3A_579 = arith.addi %add3A_572, %get3A_578 : vector<16xi32>
        %mul3A_580 = arith.constant 16 : i32
        %mul3A_581 = arith.muli %scan3A_508, %mul3A_580 : i32
        %add3A_582 = arith.constant 5120 : i32
        %add3A_583 = arith.addi %add3A_582, %mul3A_581 : i32
        %get3A_584 = arith.index_cast %add3A_583 : i32 to index
        %get3A_585 = tpu.vector_load %arg10[%get3A_584] {strides = array<i32>} : memref<8192xi32, #tpu.memory_space<vmem>>, vector<16xi32>,
        %add3A_586 = arith.addi %add3A_579, %get3A_585 : vector<16xi32>
        %mul3A_587 = arith.constant 16 : i32
        %mul3A_588 = arith.muli %scan3A_508, %mul3A_587 : i32
        %add3A_589 = arith.constant 5632 : i32
        %add3A_590 = arith.addi %add3A_589, %mul3A_588 : i32
        %get3A_591 = arith.index_cast %add3A_590 : i32 to index
        %get3A_592 = tpu.vector_load %arg10[%get3A_591] {strides = array<i32>} : memref<8192xi32, #tpu.memory_space<vmem>>, vector<16xi32>,
        %add3A_593 = arith.addi %add3A_586, %get3A_592 : vector<16xi32>
        %mul3A_594 = arith.constant 16 : i32
        %mul3A_595 = arith.muli %scan3A_508, %mul3A_594 : i32
        %add3A_596 = arith.constant 6144 : i32
        %add3A_597 = arith.addi %add3A_596, %mul3A_595 : i32
        %get3A_598 = arith.index_cast %add3A_597 : i32 to index
        %get3A_599 = tpu.vector_load %arg10[%get3A_598] {strides = array<i32>} : memref<8192xi32, #tpu.memory_space<vmem>>, vector<16xi32>,
        %add3A_600 = arith.addi %add3A_593, %get3A_599 : vector<16xi32>
        %mul3A_601 = arith.constant 16 : i32
        %mul3A_602 = arith.muli %scan3A_508, %mul3A_601 : i32
        %add3A_603 = arith.constant 6656 : i32
        %add3A_604 = arith.addi %add3A_603, %mul3A_602 : i32
        %get3A_605 = arith.index_cast %add3A_604 : i32 to index
        %get3A_606 = tpu.vector_load %arg10[%get3A_605] {strides = array<i32>} : memref<8192xi32, #tpu.memory_space<vmem>>, vector<16xi32>,
        %add3A_607 = arith.addi %add3A_600, %get3A_606 : vector<16xi32>
        %mul3A_608 = arith.constant 16 : i32
        %mul3A_609 = arith.muli %scan3A_508, %mul3A_608 : i32
        %add3A_610 = arith.constant 7168 : i32
        %add3A_611 = arith.addi %add3A_610, %mul3A_609 : i32
        %get3A_612 = arith.index_cast %add3A_611 : i32 to index
        %get3A_613 = tpu.vector_load %arg10[%get3A_612] {strides = array<i32>} : memref<8192xi32, #tpu.memory_space<vmem>>, vector<16xi32>,
        %add3A_614 = arith.addi %add3A_607, %get3A_613 : vector<16xi32>
        %mul3A_615 = arith.constant 16 : i32
        %mul3A_616 = arith.muli %scan3A_508, %mul3A_615 : i32
        %add3A_617 = arith.constant 7680 : i32
        %add3A_618 = arith.addi %add3A_617, %mul3A_616 : i32
        %get3A_619 = arith.index_cast %add3A_618 : i32 to index
        %get3A_620 = tpu.vector_load %arg10[%get3A_619] {strides = array<i32>} : memref<8192xi32, #tpu.memory_space<vmem>>, vector<16xi32>,
        %add3A_621 = arith.addi %add3A_614, %get3A_620 : vector<16xi32>
        %mul3A_622 = arith.constant 16 : i32
        %mul3A_623 = arith.muli %scan3A_508, %mul3A_622 : i32
        %swap3A_624 = arith.index_cast %mul3A_623 : i32 to index
        %swap3A_625 = tpu.vector_load %arg11[%swap3A_624] {strides = array<i32>} : memref<512xi32, #tpu.memory_space<vmem>>, vector<16xi32>,
        tpu.vector_store %arg11[%swap3A_624], %add3A_621 {strides = array<i32>} : memref<512xi32, #tpu.memory_space<vmem>>, vector<16xi32>,
        %scan3A_626 = arith.constant 0 : i32
        scf.yield %scan3A_626 : i32
      }
      %scan3A_403 = arith.constant 32 : i32
      %add3A_404 = arith.constant 2147483647 : i32
      %add3A_405 = vector.broadcast %add3A_404 : i32 to vector<16xi32>
      %add3A_406 = arith.addi %broadcast_in_dim3A_36, %add3A_405 : vector<16xi32>
      %scan3A_407 = arith.constant 0 : i32
      %scan3A_408 = arith.constant 0 : i32
      %scan3A_409 = arith.constant 32 : i32
      %scan3A_410 = arith.addi %scan3A_408, %scan3A_409 : i32
      %scan3A_411 = arith.constant 1 : i32
      %scan3A_412:4 = scf.for %scan3A_508 = %scan3A_408 to %scan3A_410 step %scan3A_411 iter_args(%scan3A_509 = %scan3A_407, %scan3A_510 = %add3A_406, %scan3A_511 = %add3A_406, %scan3A_512 = %add3A_406) -> (i32, vector<16xi32>, vector<16xi32>, vector<16xi32>)  : i32 {
        %mul3A_513 = arith.constant 16 : i32
        %mul3A_514 = arith.muli %scan3A_508, %mul3A_513 : i32
        %get3A_515 = arith.index_cast %mul3A_514 : i32 to index
        %get3A_516 = tpu.vector_load %arg11[%get3A_515] {strides = array<i32>} : memref<512xi32, #tpu.memory_space<vmem>>, vector<16xi32>,
        %broadcast_in_dim3A_517 = arith.constant true
        %broadcast_in_dim3A_518 = vector.broadcast %broadcast_in_dim3A_517 : i1 to vector<16xi1>
        %masked_cumsum3A = tpu.scan <sum>, %get3A_516 masked %broadcast_in_dim3A_518 : vector<16xi32>, vector<16xi1> -> vector<16xi32>
        %add3A_519 = vector.broadcast %scan3A_509 : i32 to vector<16xi32>
        %add3A_520 = arith.addi %masked_cumsum3A, %add3A_519 : vector<16xi32>
        %ge3A = vector.broadcast %squeeze3A_95 : i32 to vector<16xi32>
        %ge3A_521 = arith.cmpi sge, %add3A_520, %ge3A : vector<16xi32>
        %select_n3A_522 = arith.select %ge3A_521, %add3A_520, %add3A_406 : vector<16xi1>, vector<16xi32>
        %min3A = arith.minsi %scan3A_510, %select_n3A_522 : vector<16xi32>
        %sub3A_523 = arith.subi %add3A_520, %get3A_516 : vector<16xi32>
        %select_n3A_524 = arith.select %ge3A_521, %sub3A_523, %add3A_406 : vector<16xi1>, vector<16xi32>
        %min3A_525 = arith.minsi %scan3A_511, %select_n3A_524 : vector<16xi32>
        %mul3A_526 = arith.constant 16 : i32
        %mul3A_527 = arith.muli %scan3A_508, %mul3A_526 : i32
        %add3A_528 = vector.broadcast %mul3A_527 : i32 to vector<16xi32>
        %add3A_529 = arith.addi %iota3A, %add3A_528 : vector<16xi32>
        %select_n3A_530 = arith.select %ge3A_521, %add3A_529, %add3A_406 : vector<16xi1>, vector<16xi32>
        %min3A_531 = arith.minsi %scan3A_512, %select_n3A_530 : vector<16xi32>
        %slice3A_532 = vector.extract_strided_slice %add3A_520 {offsets = [15], sizes = [1], strides = [1]} : vector<16xi32> to vector<1xi32>
        %squeeze3A_533 = vector.extract %slice3A_532[0] : i32 from vector<1xi32>
        scf.yield %squeeze3A_533, %min3A, %min3A_525, %min3A_531 : i32, vector<16xi32>, vector<16xi32>, vector<16xi32>
      }
      %scan3A_413 = arith.constant 32 : i32
      %reduce_min3A = arith.constant true
      %reduce_min3A_414 = vector.broadcast %reduce_min3A : i1 to vector<16xi1>
      %reduce_min3A_415 = arith.constant -2147483648 : i32
      %reduce_min3A_416 = vector.broadcast %reduce_min3A_415 : i32 to vector<16xi32>
      %reduce_min3A_417 = arith.xori %scan3A_412#3, %reduce_min3A_416 : vector<16xi32>
      %reduce_min3A_418 = tpu.scan <min>, %reduce_min3A_417 masked %reduce_min3A_414 : vector<16xi32>, vector<16xi1> -> vector<16xi32>
      %reduce_min3A_419 = arith.xori %reduce_min3A_418, %reduce_min3A_416 : vector<16xi32>
      %reduce_min3A_420 = vector.extract %reduce_min3A_419[15] : i32 from vector<16xi32>
      %reduce_min3A_421 = arith.constant true
      %reduce_min3A_422 = vector.broadcast %reduce_min3A_421 : i1 to vector<16xi1>
      %reduce_min3A_423 = arith.constant -2147483648 : i32
      %reduce_min3A_424 = vector.broadcast %reduce_min3A_423 : i32 to vector<16xi32>
      %reduce_min3A_425 = arith.xori %scan3A_412#2, %reduce_min3A_424 : vector<16xi32>
      %reduce_min3A_426 = tpu.scan <min>, %reduce_min3A_425 masked %reduce_min3A_422 : vector<16xi32>, vector<16xi1> -> vector<16xi32>
      %reduce_min3A_427 = arith.xori %reduce_min3A_426, %reduce_min3A_424 : vector<16xi32>
      %reduce_min3A_428 = vector.extract %reduce_min3A_427[15] : i32 from vector<16xi32>
      %reduce_min3A_429 = arith.constant true
      %reduce_min3A_430 = vector.broadcast %reduce_min3A_429 : i1 to vector<16xi1>
      %reduce_min3A_431 = arith.constant -2147483648 : i32
      %reduce_min3A_432 = vector.broadcast %reduce_min3A_431 : i32 to vector<16xi32>
      %reduce_min3A_433 = arith.xori %scan3A_412#1, %reduce_min3A_432 : vector<16xi32>
      %reduce_min3A_434 = tpu.scan <min>, %reduce_min3A_433 masked %reduce_min3A_430 : vector<16xi32>, vector<16xi1> -> vector<16xi32>
      %reduce_min3A_435 = arith.xori %reduce_min3A_434, %reduce_min3A_432 : vector<16xi32>
      %reduce_min3A_436 = vector.extract %reduce_min3A_435[15] : i32 from vector<16xi32>
      %reduce_min3A_437 = arith.constant true
      %reduce_min3A_438 = vector.broadcast %reduce_min3A_437 : i1 to vector<16xi1>
      %reduce_min3A_439 = arith.constant -2147483648 : i32
      %reduce_min3A_440 = vector.broadcast %reduce_min3A_439 : i32 to vector<16xi32>
      %reduce_min3A_441 = arith.xori %scan3A_412#2, %reduce_min3A_440 : vector<16xi32>
      %reduce_min3A_442 = tpu.scan <min>, %reduce_min3A_441 masked %reduce_min3A_438 : vector<16xi32>, vector<16xi1> -> vector<16xi32>
      %reduce_min3A_443 = arith.xori %reduce_min3A_442, %reduce_min3A_440 : vector<16xi32>
      %reduce_min3A_444 = vector.extract %reduce_min3A_443[15] : i32 from vector<16xi32>
      %sub3A_445 = arith.subi %reduce_min3A_436, %reduce_min3A_444 : i32
      %shift_left3A = arith.constant 9 : i32
      %shift_left3A_446 = arith.shli %squeeze3A, %shift_left3A : i32
      %or3A = arith.ori %shift_left3A_446, %reduce_min3A_420 : i32
      %add3A_447 = vector.broadcast %or3A : i32 to vector<16xi32>
      %add3A_448 = arith.addi %broadcast_in_dim3A_36, %add3A_447 : vector<16xi32>
      %eq3A_449 = arith.constant 0 : i32
      %eq3A_450 = vector.broadcast %eq3A_449 : i32 to vector<16xi32>
      %eq3A_451 = arith.cmpi eq, %iota3A, %eq3A_450 : vector<16xi32>
      %jit3A = arith.constant 1 : i32
      %jit3A_452 = arith.constant 0 : i32
      %broadcast_in_dim3A_453 = vector.broadcast %jit3A : i32 to vector<16xi32>
      %broadcast_in_dim3A_454 = vector.broadcast %jit3A_452 : i32 to vector<16xi32>
      %select_n3A = arith.select %eq3A_451, %broadcast_in_dim3A_453, %broadcast_in_dim3A_454 : vector<16xi1>, vector<16xi32>
      %mul3A_455 = arith.muli %add3A_448, %select_n3A : vector<16xi32>
      %sub3A_456 = arith.subi %squeeze3A_95, %reduce_min3A_428 : i32
      %add3A_457 = vector.broadcast %sub3A_456 : i32 to vector<16xi32>
      %add3A_458 = arith.addi %broadcast_in_dim3A_36, %add3A_457 : vector<16xi32>
      %eq3A_459 = arith.constant 1 : i32
      %eq3A_460 = vector.broadcast %eq3A_459 : i32 to vector<16xi32>
      %eq3A_461 = arith.cmpi eq, %iota3A, %eq3A_460 : vector<16xi32>
      %jit3A_462 = arith.constant 1 : i32
      %jit3A_463 = arith.constant 0 : i32
      %broadcast_in_dim3A_464 = vector.broadcast %jit3A_462 : i32 to vector<16xi32>
      %broadcast_in_dim3A_465 = vector.broadcast %jit3A_463 : i32 to vector<16xi32>
      %select_n3A_466 = arith.select %eq3A_461, %broadcast_in_dim3A_464, %broadcast_in_dim3A_465 : vector<16xi1>, vector<16xi32>
      %mul3A_467 = arith.muli %add3A_458, %select_n3A_466 : vector<16xi32>
      %add3A_468 = arith.addi %mul3A_455, %mul3A_467 : vector<16xi32>
      %add3A_469 = arith.addi %squeeze3A_97, %reduce_min3A_428 : i32
      %add3A_470 = vector.broadcast %add3A_469 : i32 to vector<16xi32>
      %add3A_471 = arith.addi %broadcast_in_dim3A_36, %add3A_470 : vector<16xi32>
      %eq3A_472 = arith.constant 2 : i32
      %eq3A_473 = vector.broadcast %eq3A_472 : i32 to vector<16xi32>
      %eq3A_474 = arith.cmpi eq, %iota3A, %eq3A_473 : vector<16xi32>
      %jit3A_475 = arith.constant 1 : i32
      %jit3A_476 = arith.constant 0 : i32
      %broadcast_in_dim3A_477 = vector.broadcast %jit3A_475 : i32 to vector<16xi32>
      %broadcast_in_dim3A_478 = vector.broadcast %jit3A_476 : i32 to vector<16xi32>
      %select_n3A_479 = arith.select %eq3A_474, %broadcast_in_dim3A_477, %broadcast_in_dim3A_478 : vector<16xi1>, vector<16xi32>
      %mul3A_480 = arith.muli %add3A_471, %select_n3A_479 : vector<16xi32>
      %add3A_481 = arith.addi %add3A_468, %mul3A_480 : vector<16xi32>
      %add3A_482 = vector.broadcast %sub3A_445 : i32 to vector<16xi32>
      %add3A_483 = arith.addi %broadcast_in_dim3A_36, %add3A_482 : vector<16xi32>
      %eq3A_484 = arith.constant 3 : i32
      %eq3A_485 = vector.broadcast %eq3A_484 : i32 to vector<16xi32>
      %eq3A_486 = arith.cmpi eq, %iota3A, %eq3A_485 : vector<16xi32>
      %jit3A_487 = arith.constant 1 : i32
      %jit3A_488 = arith.constant 0 : i32
      %broadcast_in_dim3A_489 = vector.broadcast %jit3A_487 : i32 to vector<16xi32>
      %broadcast_in_dim3A_490 = vector.broadcast %jit3A_488 : i32 to vector<16xi32>
      %select_n3A_491 = arith.select %eq3A_486, %broadcast_in_dim3A_489, %broadcast_in_dim3A_490 : vector<16xi1>, vector<16xi32>
      %mul3A_492 = arith.muli %add3A_483, %select_n3A_491 : vector<16xi32>
      %add3A_493 = arith.addi %add3A_481, %mul3A_492 : vector<16xi32>
      %add3A_494 = vector.broadcast %squeeze3A_101 : i32 to vector<16xi32>
      %add3A_495 = arith.addi %broadcast_in_dim3A_36, %add3A_494 : vector<16xi32>
      %eq3A_496 = arith.constant 4 : i32
      %eq3A_497 = vector.broadcast %eq3A_496 : i32 to vector<16xi32>
      %eq3A_498 = arith.cmpi eq, %iota3A, %eq3A_497 : vector<16xi32>
      %jit3A_499 = arith.constant 1 : i32
      %jit3A_500 = arith.constant 0 : i32
      %broadcast_in_dim3A_501 = vector.broadcast %jit3A_499 : i32 to vector<16xi32>
      %broadcast_in_dim3A_502 = vector.broadcast %jit3A_500 : i32 to vector<16xi32>
      %select_n3A_503 = arith.select %eq3A_498, %broadcast_in_dim3A_501, %broadcast_in_dim3A_502 : vector<16xi1>, vector<16xi32>
      %mul3A_504 = arith.muli %add3A_495, %select_n3A_503 : vector<16xi32>
      %add3A_505 = arith.addi %add3A_493, %mul3A_504 : vector<16xi32>
      %swap3A_506 = arith.constant 0 : index
      %swap3A_507 = tpu.vector_load %arg12[%swap3A_506] {strides = array<i32>} : memref<16xi32, #tpu.memory_space<vmem>>, vector<16xi32>,
      tpu.vector_store %arg12[%swap3A_506], %add3A_505 {strides = array<i32>} : memref<16xi32, #tpu.memory_space<vmem>>, vector<16xi32>,
      "tpu.region"() ({
        %run_scoped3A = tpu.sem_alloc : memref<!tpu.dma_semaphore, #tpu.memory_space<semaphore_mem>>
        tpu.enqueue_dma source(%arg12 : memref<16xi32, #tpu.memory_space<vmem>>) target(%arg20 : memref<16xi32, #tpu.memory_space<vmem_shared>>) target_semaphore(%run_scoped3A : memref<!tpu.dma_semaphore, #tpu.memory_space<semaphore_mem>>)
        tpu.wait_dma2 semaphore(%run_scoped3A : memref<!tpu.dma_semaphore, #tpu.memory_space<semaphore_mem>>) src(%arg12 : memref<16xi32, #tpu.memory_space<vmem>>) dst(%arg20 : memref<16xi32, #tpu.memory_space<vmem_shared>>)
        tpu.yield
      }) : () -> ()
    } else {
    }
    %barrier3A_196 = arith.constant 0 : index
    tpu.barrier barrier_id(%barrier3A_196)
    "tpu.region"() ({
      %run_scoped3A = tpu.sem_alloc : memref<!tpu.dma_semaphore, #tpu.memory_space<semaphore_mem>>
      tpu.enqueue_dma source(%arg20 : memref<16xi32, #tpu.memory_space<vmem_shared>>) target(%arg12 : memref<16xi32, #tpu.memory_space<vmem>>) target_semaphore(%run_scoped3A : memref<!tpu.dma_semaphore, #tpu.memory_space<semaphore_mem>>)
      tpu.wait_dma2 semaphore(%run_scoped3A : memref<!tpu.dma_semaphore, #tpu.memory_space<semaphore_mem>>) src(%arg20 : memref<16xi32, #tpu.memory_space<vmem_shared>>) dst(%arg12 : memref<16xi32, #tpu.memory_space<vmem>>)
      tpu.yield
    }) : () -> ()
    %get3A_197 = arith.constant 0 : index
    %get3A_198 = tpu.vector_load %arg12[%get3A_197] {strides = array<i32>} : memref<16xi32, #tpu.memory_space<vmem>>, vector<16xi32>,
    %slice3A_199 = vector.extract_strided_slice %get3A_198 {offsets = [0], sizes = [1], strides = [1]} : vector<16xi32> to vector<1xi32>
    %squeeze3A_200 = vector.extract %slice3A_199[0] : i32 from vector<1xi32>
    %slice3A_201 = vector.extract_strided_slice %get3A_198 {offsets = [1], sizes = [1], strides = [1]} : vector<16xi32> to vector<1xi32>
    %squeeze3A_202 = vector.extract %slice3A_201[0] : i32 from vector<1xi32>
    %slice3A_203 = vector.extract_strided_slice %get3A_198 {offsets = [2], sizes = [1], strides = [1]} : vector<16xi32> to vector<1xi32>
    %squeeze3A_204 = vector.extract %slice3A_203[0] : i32 from vector<1xi32>
    %slice3A_205 = vector.extract_strided_slice %get3A_198 {offsets = [3], sizes = [1], strides = [1]} : vector<16xi32> to vector<1xi32>
    %squeeze3A_206 = vector.extract %slice3A_205[0] : i32 from vector<1xi32>
    %slice3A_207 = vector.extract_strided_slice %get3A_198 {offsets = [4], sizes = [1], strides = [1]} : vector<16xi32> to vector<1xi32>
    %squeeze3A_208 = vector.extract %slice3A_207[0] : i32 from vector<1xi32>
    %add3A_209 = arith.constant 15 : i32
    %add3A_210 = arith.addi %scan3A_117#0, %add3A_209 : i32
    %shift_right_arithmetic3A_211 = arith.constant 4 : i32
    %shift_right_arithmetic3A_212 = arith.shrsi %add3A_210, %shift_right_arithmetic3A_211 : i32
    %while3A_213 = arith.constant 0 : i32
    %while3A_214 = arith.constant 0 : i32
    %while3A_215 = arith.subi %shift_right_arithmetic3A_212, %while3A_213 : i32
    %while3A_216 = arith.addi %while3A_213, %while3A_215 : i32
    %while3A_217 = arith.constant 1 : i32
    %while3A_218 = arith.divsi %while3A_215, %while3A_217 : i32
    %while3A_219 = arith.muli %while3A_218, %while3A_217 : i32
    %while3A_220 = arith.addi %while3A_213, %while3A_219 : i32
    %while3A_221 = arith.constant 1 : i32
    %while3A_222 = scf.for %while3A_397 = %while3A_213 to %while3A_220 step %while3A_221 iter_args(%while3A_398 = %while3A_214) -> (i32)  : i32 {
      %mul3A_399 = arith.constant 16 : i32
      %mul3A_400 = arith.muli %while3A_397, %mul3A_399 : i32
      %add3A_401 = arith.constant 0 : i32
      %add3A_402 = arith.addi %add3A_401, %mul3A_400 : i32
      %get3A_403 = arith.index_cast %add3A_402 : i32 to index
      %get3A_404 = tpu.vector_load %arg16[%get3A_403] {strides = array<i32>} : memref<16448xi32, #tpu.memory_space<vmem>>, vector<16xi32>,
      %mul3A_405 = arith.constant 16 : i32
      %mul3A_406 = arith.muli %while3A_397, %mul3A_405 : i32
      %add3A_407 = vector.broadcast %mul3A_406 : i32 to vector<16xi32>
      %add3A_408 = arith.addi %add3A_407, %iota3A : vector<16xi32>
      %lt3A = vector.broadcast %scan3A_117#0 : i32 to vector<16xi32>
      %lt3A_409 = arith.cmpi slt, %add3A_408, %lt3A : vector<16xi32>
      %shift_right_arithmetic3A_410 = arith.constant 8 : i32
      %shift_right_arithmetic3A_411 = vector.broadcast %shift_right_arithmetic3A_410 : i32 to vector<16xi32>
      %shift_right_arithmetic3A_412 = arith.shrsi %get3A_404, %shift_right_arithmetic3A_411 : vector<16xi32>
      %eq3A_413 = vector.broadcast %squeeze3A_200 : i32 to vector<16xi32>
      %eq3A_414 = arith.cmpi eq, %shift_right_arithmetic3A_412, %eq3A_413 : vector<16xi32>
      %and3A = arith.andi %lt3A_409, %eq3A_414 : vector<16xi1>
      %swap3A_415 = arith.index_cast %while3A_398 : i32 to index
      %swap3A_416 = tpu.vector_load %arg17[%swap3A_415] masked %and3A {strides = array<i32>} : memref<16448xi32, #tpu.memory_space<vmem>>, vector<16xi32>, vector<16xi1>
      tpu.vector_store %arg17[%swap3A_415], %get3A_404 masked %and3A {strides = array<i32>} : memref<16448xi32, #tpu.memory_space<vmem>>, vector<16xi32>, vector<16xi1>
      %all_reduce_population_count3A = tpu.all_reduce %and3A {dim = 0 : i64, kind = #tpu.reduction_kind<sum>} : vector<16xi1> -> vector<16xi32>
      %slice3A_417 = vector.extract_strided_slice %all_reduce_population_count3A {offsets = [0], sizes = [1], strides = [1]} : vector<16xi32> to vector<1xi32>
      %squeeze3A_418 = vector.extract %slice3A_417[0] : i32 from vector<1xi32>
      %add3A_419 = arith.addi %while3A_398, %squeeze3A_418 : i32
      scf.yield %add3A_419 : i32
    }
    %while3A_223 = arith.constant 1 : i32
    %while3A_224 = scf.for %while3A_397 = %while3A_220 to %while3A_216 step %while3A_223 iter_args(%while3A_398 = %while3A_222) -> (i32)  : i32 {
      %mul3A_399 = arith.constant 16 : i32
      %mul3A_400 = arith.muli %while3A_397, %mul3A_399 : i32
      %add3A_401 = arith.constant 0 : i32
      %add3A_402 = arith.addi %add3A_401, %mul3A_400 : i32
      %get3A_403 = arith.index_cast %add3A_402 : i32 to index
      %get3A_404 = tpu.vector_load %arg16[%get3A_403] {strides = array<i32>} : memref<16448xi32, #tpu.memory_space<vmem>>, vector<16xi32>,
      %mul3A_405 = arith.constant 16 : i32
      %mul3A_406 = arith.muli %while3A_397, %mul3A_405 : i32
      %add3A_407 = vector.broadcast %mul3A_406 : i32 to vector<16xi32>
      %add3A_408 = arith.addi %add3A_407, %iota3A : vector<16xi32>
      %lt3A = vector.broadcast %scan3A_117#0 : i32 to vector<16xi32>
      %lt3A_409 = arith.cmpi slt, %add3A_408, %lt3A : vector<16xi32>
      %shift_right_arithmetic3A_410 = arith.constant 8 : i32
      %shift_right_arithmetic3A_411 = vector.broadcast %shift_right_arithmetic3A_410 : i32 to vector<16xi32>
      %shift_right_arithmetic3A_412 = arith.shrsi %get3A_404, %shift_right_arithmetic3A_411 : vector<16xi32>
      %eq3A_413 = vector.broadcast %squeeze3A_200 : i32 to vector<16xi32>
      %eq3A_414 = arith.cmpi eq, %shift_right_arithmetic3A_412, %eq3A_413 : vector<16xi32>
      %and3A = arith.andi %lt3A_409, %eq3A_414 : vector<16xi1>
      %swap3A_415 = arith.index_cast %while3A_398 : i32 to index
      %swap3A_416 = tpu.vector_load %arg17[%swap3A_415] masked %and3A {strides = array<i32>} : memref<16448xi32, #tpu.memory_space<vmem>>, vector<16xi32>, vector<16xi1>
      tpu.vector_store %arg17[%swap3A_415], %get3A_404 masked %and3A {strides = array<i32>} : memref<16448xi32, #tpu.memory_space<vmem>>, vector<16xi32>, vector<16xi1>
      %all_reduce_population_count3A = tpu.all_reduce %and3A {dim = 0 : i64, kind = #tpu.reduction_kind<sum>} : vector<16xi1> -> vector<16xi32>
      %slice3A_417 = vector.extract_strided_slice %all_reduce_population_count3A {offsets = [0], sizes = [1], strides = [1]} : vector<16xi32> to vector<1xi32>
      %squeeze3A_418 = vector.extract %slice3A_417[0] : i32 from vector<1xi32>
      %add3A_419 = arith.addi %while3A_398, %squeeze3A_418 : i32
      scf.yield %add3A_419 : i32
    }
    %add3A_225 = arith.constant 15 : i32
    %add3A_226 = arith.addi %scan3A_117#1, %add3A_225 : i32
    %shift_right_arithmetic3A_227 = arith.constant 4 : i32
    %shift_right_arithmetic3A_228 = arith.shrsi %add3A_226, %shift_right_arithmetic3A_227 : i32
    %while3A_229 = arith.constant 0 : i32
    %while3A_230 = arith.subi %shift_right_arithmetic3A_228, %while3A_229 : i32
    %while3A_231 = arith.addi %while3A_229, %while3A_230 : i32
    %while3A_232 = arith.constant 1 : i32
    %while3A_233 = arith.divsi %while3A_230, %while3A_232 : i32
    %while3A_234 = arith.muli %while3A_233, %while3A_232 : i32
    %while3A_235 = arith.addi %while3A_229, %while3A_234 : i32
    %while3A_236 = arith.constant 1 : i32
    %while3A_237 = scf.for %while3A_397 = %while3A_229 to %while3A_235 step %while3A_236 iter_args(%while3A_398 = %while3A_224) -> (i32)  : i32 {
      %mul3A_399 = arith.constant 16 : i32
      %mul3A_400 = arith.muli %while3A_397, %mul3A_399 : i32
      %add3A_401 = arith.constant 4112 : i32
      %add3A_402 = arith.addi %add3A_401, %mul3A_400 : i32
      %get3A_403 = arith.index_cast %add3A_402 : i32 to index
      %get3A_404 = tpu.vector_load %arg16[%get3A_403] {strides = array<i32>} : memref<16448xi32, #tpu.memory_space<vmem>>, vector<16xi32>,
      %mul3A_405 = arith.constant 16 : i32
      %mul3A_406 = arith.muli %while3A_397, %mul3A_405 : i32
      %add3A_407 = vector.broadcast %mul3A_406 : i32 to vector<16xi32>
      %add3A_408 = arith.addi %add3A_407, %iota3A : vector<16xi32>
      %lt3A = vector.broadcast %scan3A_117#1 : i32 to vector<16xi32>
      %lt3A_409 = arith.cmpi slt, %add3A_408, %lt3A : vector<16xi32>
      %shift_right_arithmetic3A_410 = arith.constant 8 : i32
      %shift_right_arithmetic3A_411 = vector.broadcast %shift_right_arithmetic3A_410 : i32 to vector<16xi32>
      %shift_right_arithmetic3A_412 = arith.shrsi %get3A_404, %shift_right_arithmetic3A_411 : vector<16xi32>
      %eq3A_413 = vector.broadcast %squeeze3A_200 : i32 to vector<16xi32>
      %eq3A_414 = arith.cmpi eq, %shift_right_arithmetic3A_412, %eq3A_413 : vector<16xi32>
      %and3A = arith.andi %lt3A_409, %eq3A_414 : vector<16xi1>
      %swap3A_415 = arith.index_cast %while3A_398 : i32 to index
      %swap3A_416 = tpu.vector_load %arg17[%swap3A_415] masked %and3A {strides = array<i32>} : memref<16448xi32, #tpu.memory_space<vmem>>, vector<16xi32>, vector<16xi1>
      tpu.vector_store %arg17[%swap3A_415], %get3A_404 masked %and3A {strides = array<i32>} : memref<16448xi32, #tpu.memory_space<vmem>>, vector<16xi32>, vector<16xi1>
      %all_reduce_population_count3A = tpu.all_reduce %and3A {dim = 0 : i64, kind = #tpu.reduction_kind<sum>} : vector<16xi1> -> vector<16xi32>
      %slice3A_417 = vector.extract_strided_slice %all_reduce_population_count3A {offsets = [0], sizes = [1], strides = [1]} : vector<16xi32> to vector<1xi32>
      %squeeze3A_418 = vector.extract %slice3A_417[0] : i32 from vector<1xi32>
      %add3A_419 = arith.addi %while3A_398, %squeeze3A_418 : i32
      scf.yield %add3A_419 : i32
    }
    %while3A_238 = arith.constant 1 : i32
    %while3A_239 = scf.for %while3A_397 = %while3A_235 to %while3A_231 step %while3A_238 iter_args(%while3A_398 = %while3A_237) -> (i32)  : i32 {
      %mul3A_399 = arith.constant 16 : i32
      %mul3A_400 = arith.muli %while3A_397, %mul3A_399 : i32
      %add3A_401 = arith.constant 4112 : i32
      %add3A_402 = arith.addi %add3A_401, %mul3A_400 : i32
      %get3A_403 = arith.index_cast %add3A_402 : i32 to index
      %get3A_404 = tpu.vector_load %arg16[%get3A_403] {strides = array<i32>} : memref<16448xi32, #tpu.memory_space<vmem>>, vector<16xi32>,
      %mul3A_405 = arith.constant 16 : i32
      %mul3A_406 = arith.muli %while3A_397, %mul3A_405 : i32
      %add3A_407 = vector.broadcast %mul3A_406 : i32 to vector<16xi32>
      %add3A_408 = arith.addi %add3A_407, %iota3A : vector<16xi32>
      %lt3A = vector.broadcast %scan3A_117#1 : i32 to vector<16xi32>
      %lt3A_409 = arith.cmpi slt, %add3A_408, %lt3A : vector<16xi32>
      %shift_right_arithmetic3A_410 = arith.constant 8 : i32
      %shift_right_arithmetic3A_411 = vector.broadcast %shift_right_arithmetic3A_410 : i32 to vector<16xi32>
      %shift_right_arithmetic3A_412 = arith.shrsi %get3A_404, %shift_right_arithmetic3A_411 : vector<16xi32>
      %eq3A_413 = vector.broadcast %squeeze3A_200 : i32 to vector<16xi32>
      %eq3A_414 = arith.cmpi eq, %shift_right_arithmetic3A_412, %eq3A_413 : vector<16xi32>
      %and3A = arith.andi %lt3A_409, %eq3A_414 : vector<16xi1>
      %swap3A_415 = arith.index_cast %while3A_398 : i32 to index
      %swap3A_416 = tpu.vector_load %arg17[%swap3A_415] masked %and3A {strides = array<i32>} : memref<16448xi32, #tpu.memory_space<vmem>>, vector<16xi32>, vector<16xi1>
      tpu.vector_store %arg17[%swap3A_415], %get3A_404 masked %and3A {strides = array<i32>} : memref<16448xi32, #tpu.memory_space<vmem>>, vector<16xi32>, vector<16xi1>
      %all_reduce_population_count3A = tpu.all_reduce %and3A {dim = 0 : i64, kind = #tpu.reduction_kind<sum>} : vector<16xi1> -> vector<16xi32>
      %slice3A_417 = vector.extract_strided_slice %all_reduce_population_count3A {offsets = [0], sizes = [1], strides = [1]} : vector<16xi32> to vector<1xi32>
      %squeeze3A_418 = vector.extract %slice3A_417[0] : i32 from vector<1xi32>
      %add3A_419 = arith.addi %while3A_398, %squeeze3A_418 : i32
      scf.yield %add3A_419 : i32
    }
    %add3A_240 = arith.constant 15 : i32
    %add3A_241 = arith.addi %scan3A_117#2, %add3A_240 : i32
    %shift_right_arithmetic3A_242 = arith.constant 4 : i32
    %shift_right_arithmetic3A_243 = arith.shrsi %add3A_241, %shift_right_arithmetic3A_242 : i32
    %while3A_244 = arith.constant 0 : i32
    %while3A_245 = arith.subi %shift_right_arithmetic3A_243, %while3A_244 : i32
    %while3A_246 = arith.addi %while3A_244, %while3A_245 : i32
    %while3A_247 = arith.constant 1 : i32
    %while3A_248 = arith.divsi %while3A_245, %while3A_247 : i32
    %while3A_249 = arith.muli %while3A_248, %while3A_247 : i32
    %while3A_250 = arith.addi %while3A_244, %while3A_249 : i32
    %while3A_251 = arith.constant 1 : i32
    %while3A_252 = scf.for %while3A_397 = %while3A_244 to %while3A_250 step %while3A_251 iter_args(%while3A_398 = %while3A_239) -> (i32)  : i32 {
      %mul3A_399 = arith.constant 16 : i32
      %mul3A_400 = arith.muli %while3A_397, %mul3A_399 : i32
      %add3A_401 = arith.constant 8224 : i32
      %add3A_402 = arith.addi %add3A_401, %mul3A_400 : i32
      %get3A_403 = arith.index_cast %add3A_402 : i32 to index
      %get3A_404 = tpu.vector_load %arg16[%get3A_403] {strides = array<i32>} : memref<16448xi32, #tpu.memory_space<vmem>>, vector<16xi32>,
      %mul3A_405 = arith.constant 16 : i32
      %mul3A_406 = arith.muli %while3A_397, %mul3A_405 : i32
      %add3A_407 = vector.broadcast %mul3A_406 : i32 to vector<16xi32>
      %add3A_408 = arith.addi %add3A_407, %iota3A : vector<16xi32>
      %lt3A = vector.broadcast %scan3A_117#2 : i32 to vector<16xi32>
      %lt3A_409 = arith.cmpi slt, %add3A_408, %lt3A : vector<16xi32>
      %shift_right_arithmetic3A_410 = arith.constant 8 : i32
      %shift_right_arithmetic3A_411 = vector.broadcast %shift_right_arithmetic3A_410 : i32 to vector<16xi32>
      %shift_right_arithmetic3A_412 = arith.shrsi %get3A_404, %shift_right_arithmetic3A_411 : vector<16xi32>
      %eq3A_413 = vector.broadcast %squeeze3A_200 : i32 to vector<16xi32>
      %eq3A_414 = arith.cmpi eq, %shift_right_arithmetic3A_412, %eq3A_413 : vector<16xi32>
      %and3A = arith.andi %lt3A_409, %eq3A_414 : vector<16xi1>
      %swap3A_415 = arith.index_cast %while3A_398 : i32 to index
      %swap3A_416 = tpu.vector_load %arg17[%swap3A_415] masked %and3A {strides = array<i32>} : memref<16448xi32, #tpu.memory_space<vmem>>, vector<16xi32>, vector<16xi1>
      tpu.vector_store %arg17[%swap3A_415], %get3A_404 masked %and3A {strides = array<i32>} : memref<16448xi32, #tpu.memory_space<vmem>>, vector<16xi32>, vector<16xi1>
      %all_reduce_population_count3A = tpu.all_reduce %and3A {dim = 0 : i64, kind = #tpu.reduction_kind<sum>} : vector<16xi1> -> vector<16xi32>
      %slice3A_417 = vector.extract_strided_slice %all_reduce_population_count3A {offsets = [0], sizes = [1], strides = [1]} : vector<16xi32> to vector<1xi32>
      %squeeze3A_418 = vector.extract %slice3A_417[0] : i32 from vector<1xi32>
      %add3A_419 = arith.addi %while3A_398, %squeeze3A_418 : i32
      scf.yield %add3A_419 : i32
    }
    %while3A_253 = arith.constant 1 : i32
    %while3A_254 = scf.for %while3A_397 = %while3A_250 to %while3A_246 step %while3A_253 iter_args(%while3A_398 = %while3A_252) -> (i32)  : i32 {
      %mul3A_399 = arith.constant 16 : i32
      %mul3A_400 = arith.muli %while3A_397, %mul3A_399 : i32
      %add3A_401 = arith.constant 8224 : i32
      %add3A_402 = arith.addi %add3A_401, %mul3A_400 : i32
      %get3A_403 = arith.index_cast %add3A_402 : i32 to index
      %get3A_404 = tpu.vector_load %arg16[%get3A_403] {strides = array<i32>} : memref<16448xi32, #tpu.memory_space<vmem>>, vector<16xi32>,
      %mul3A_405 = arith.constant 16 : i32
      %mul3A_406 = arith.muli %while3A_397, %mul3A_405 : i32
      %add3A_407 = vector.broadcast %mul3A_406 : i32 to vector<16xi32>
      %add3A_408 = arith.addi %add3A_407, %iota3A : vector<16xi32>
      %lt3A = vector.broadcast %scan3A_117#2 : i32 to vector<16xi32>
      %lt3A_409 = arith.cmpi slt, %add3A_408, %lt3A : vector<16xi32>
      %shift_right_arithmetic3A_410 = arith.constant 8 : i32
      %shift_right_arithmetic3A_411 = vector.broadcast %shift_right_arithmetic3A_410 : i32 to vector<16xi32>
      %shift_right_arithmetic3A_412 = arith.shrsi %get3A_404, %shift_right_arithmetic3A_411 : vector<16xi32>
      %eq3A_413 = vector.broadcast %squeeze3A_200 : i32 to vector<16xi32>
      %eq3A_414 = arith.cmpi eq, %shift_right_arithmetic3A_412, %eq3A_413 : vector<16xi32>
      %and3A = arith.andi %lt3A_409, %eq3A_414 : vector<16xi1>
      %swap3A_415 = arith.index_cast %while3A_398 : i32 to index
      %swap3A_416 = tpu.vector_load %arg17[%swap3A_415] masked %and3A {strides = array<i32>} : memref<16448xi32, #tpu.memory_space<vmem>>, vector<16xi32>, vector<16xi1>
      tpu.vector_store %arg17[%swap3A_415], %get3A_404 masked %and3A {strides = array<i32>} : memref<16448xi32, #tpu.memory_space<vmem>>, vector<16xi32>, vector<16xi1>
      %all_reduce_population_count3A = tpu.all_reduce %and3A {dim = 0 : i64, kind = #tpu.reduction_kind<sum>} : vector<16xi1> -> vector<16xi32>
      %slice3A_417 = vector.extract_strided_slice %all_reduce_population_count3A {offsets = [0], sizes = [1], strides = [1]} : vector<16xi32> to vector<1xi32>
      %squeeze3A_418 = vector.extract %slice3A_417[0] : i32 from vector<1xi32>
      %add3A_419 = arith.addi %while3A_398, %squeeze3A_418 : i32
      scf.yield %add3A_419 : i32
    }
    %add3A_255 = arith.constant 15 : i32
    %add3A_256 = arith.addi %scan3A_117#3, %add3A_255 : i32
    %shift_right_arithmetic3A_257 = arith.constant 4 : i32
    %shift_right_arithmetic3A_258 = arith.shrsi %add3A_256, %shift_right_arithmetic3A_257 : i32
    %while3A_259 = arith.constant 0 : i32
    %while3A_260 = arith.subi %shift_right_arithmetic3A_258, %while3A_259 : i32
    %while3A_261 = arith.addi %while3A_259, %while3A_260 : i32
    %while3A_262 = arith.constant 1 : i32
    %while3A_263 = arith.divsi %while3A_260, %while3A_262 : i32
    %while3A_264 = arith.muli %while3A_263, %while3A_262 : i32
    %while3A_265 = arith.addi %while3A_259, %while3A_264 : i32
    %while3A_266 = arith.constant 1 : i32
    %while3A_267 = scf.for %while3A_397 = %while3A_259 to %while3A_265 step %while3A_266 iter_args(%while3A_398 = %while3A_254) -> (i32)  : i32 {
      %mul3A_399 = arith.constant 16 : i32
      %mul3A_400 = arith.muli %while3A_397, %mul3A_399 : i32
      %add3A_401 = arith.constant 12336 : i32
      %add3A_402 = arith.addi %add3A_401, %mul3A_400 : i32
      %get3A_403 = arith.index_cast %add3A_402 : i32 to index
      %get3A_404 = tpu.vector_load %arg16[%get3A_403] {strides = array<i32>} : memref<16448xi32, #tpu.memory_space<vmem>>, vector<16xi32>,
      %mul3A_405 = arith.constant 16 : i32
      %mul3A_406 = arith.muli %while3A_397, %mul3A_405 : i32
      %add3A_407 = vector.broadcast %mul3A_406 : i32 to vector<16xi32>
      %add3A_408 = arith.addi %add3A_407, %iota3A : vector<16xi32>
      %lt3A = vector.broadcast %scan3A_117#3 : i32 to vector<16xi32>
      %lt3A_409 = arith.cmpi slt, %add3A_408, %lt3A : vector<16xi32>
      %shift_right_arithmetic3A_410 = arith.constant 8 : i32
      %shift_right_arithmetic3A_411 = vector.broadcast %shift_right_arithmetic3A_410 : i32 to vector<16xi32>
      %shift_right_arithmetic3A_412 = arith.shrsi %get3A_404, %shift_right_arithmetic3A_411 : vector<16xi32>
      %eq3A_413 = vector.broadcast %squeeze3A_200 : i32 to vector<16xi32>
      %eq3A_414 = arith.cmpi eq, %shift_right_arithmetic3A_412, %eq3A_413 : vector<16xi32>
      %and3A = arith.andi %lt3A_409, %eq3A_414 : vector<16xi1>
      %swap3A_415 = arith.index_cast %while3A_398 : i32 to index
      %swap3A_416 = tpu.vector_load %arg17[%swap3A_415] masked %and3A {strides = array<i32>} : memref<16448xi32, #tpu.memory_space<vmem>>, vector<16xi32>, vector<16xi1>
      tpu.vector_store %arg17[%swap3A_415], %get3A_404 masked %and3A {strides = array<i32>} : memref<16448xi32, #tpu.memory_space<vmem>>, vector<16xi32>, vector<16xi1>
      %all_reduce_population_count3A = tpu.all_reduce %and3A {dim = 0 : i64, kind = #tpu.reduction_kind<sum>} : vector<16xi1> -> vector<16xi32>
      %slice3A_417 = vector.extract_strided_slice %all_reduce_population_count3A {offsets = [0], sizes = [1], strides = [1]} : vector<16xi32> to vector<1xi32>
      %squeeze3A_418 = vector.extract %slice3A_417[0] : i32 from vector<1xi32>
      %add3A_419 = arith.addi %while3A_398, %squeeze3A_418 : i32
      scf.yield %add3A_419 : i32
    }
    %while3A_268 = arith.constant 1 : i32
    %while3A_269 = scf.for %while3A_397 = %while3A_265 to %while3A_261 step %while3A_268 iter_args(%while3A_398 = %while3A_267) -> (i32)  : i32 {
      %mul3A_399 = arith.constant 16 : i32
      %mul3A_400 = arith.muli %while3A_397, %mul3A_399 : i32
      %add3A_401 = arith.constant 12336 : i32
      %add3A_402 = arith.addi %add3A_401, %mul3A_400 : i32
      %get3A_403 = arith.index_cast %add3A_402 : i32 to index
      %get3A_404 = tpu.vector_load %arg16[%get3A_403] {strides = array<i32>} : memref<16448xi32, #tpu.memory_space<vmem>>, vector<16xi32>,
      %mul3A_405 = arith.constant 16 : i32
      %mul3A_406 = arith.muli %while3A_397, %mul3A_405 : i32
      %add3A_407 = vector.broadcast %mul3A_406 : i32 to vector<16xi32>
      %add3A_408 = arith.addi %add3A_407, %iota3A : vector<16xi32>
      %lt3A = vector.broadcast %scan3A_117#3 : i32 to vector<16xi32>
      %lt3A_409 = arith.cmpi slt, %add3A_408, %lt3A : vector<16xi32>
      %shift_right_arithmetic3A_410 = arith.constant 8 : i32
      %shift_right_arithmetic3A_411 = vector.broadcast %shift_right_arithmetic3A_410 : i32 to vector<16xi32>
      %shift_right_arithmetic3A_412 = arith.shrsi %get3A_404, %shift_right_arithmetic3A_411 : vector<16xi32>
      %eq3A_413 = vector.broadcast %squeeze3A_200 : i32 to vector<16xi32>
      %eq3A_414 = arith.cmpi eq, %shift_right_arithmetic3A_412, %eq3A_413 : vector<16xi32>
      %and3A = arith.andi %lt3A_409, %eq3A_414 : vector<16xi1>
      %swap3A_415 = arith.index_cast %while3A_398 : i32 to index
      %swap3A_416 = tpu.vector_load %arg17[%swap3A_415] masked %and3A {strides = array<i32>} : memref<16448xi32, #tpu.memory_space<vmem>>, vector<16xi32>, vector<16xi1>
      tpu.vector_store %arg17[%swap3A_415], %get3A_404 masked %and3A {strides = array<i32>} : memref<16448xi32, #tpu.memory_space<vmem>>, vector<16xi32>, vector<16xi1>
      %all_reduce_population_count3A = tpu.all_reduce %and3A {dim = 0 : i64, kind = #tpu.reduction_kind<sum>} : vector<16xi1> -> vector<16xi32>
      %slice3A_417 = vector.extract_strided_slice %all_reduce_population_count3A {offsets = [0], sizes = [1], strides = [1]} : vector<16xi32> to vector<1xi32>
      %squeeze3A_418 = vector.extract %slice3A_417[0] : i32 from vector<1xi32>
      %add3A_419 = arith.addi %while3A_398, %squeeze3A_418 : i32
      scf.yield %add3A_419 : i32
    }
    %sub3A = arith.constant 1 : i32
    %sub3A_270 = vector.broadcast %sub3A : i32 to vector<16xi32>
    %sub3A_271 = arith.subi %broadcast_in_dim3A_36, %sub3A_270 : vector<16xi32>
    %add3A_272 = arith.constant 15 : i32
    %add3A_273 = arith.addi %scan3A_117#0, %add3A_272 : i32
    %shift_right_arithmetic3A_274 = arith.constant 4 : i32
    %shift_right_arithmetic3A_275 = arith.shrsi %add3A_273, %shift_right_arithmetic3A_274 : i32
    %while3A_276 = arith.constant 0 : i32
    %while3A_277 = arith.constant 0 : i32
    %while3A_278 = arith.subi %shift_right_arithmetic3A_275, %while3A_276 : i32
    %while3A_279 = arith.addi %while3A_276, %while3A_278 : i32
    %while3A_280 = arith.constant 1 : i32
    %while3A_281 = arith.divsi %while3A_278, %while3A_280 : i32
    %while3A_282 = arith.muli %while3A_281, %while3A_280 : i32
    %while3A_283 = arith.addi %while3A_276, %while3A_282 : i32
    %while3A_284 = arith.constant 1 : i32
    %while3A_285 = scf.for %while3A_397 = %while3A_276 to %while3A_283 step %while3A_284 iter_args(%while3A_398 = %while3A_277) -> (i32)  : i32 {
      %mul3A_399 = arith.constant 16 : i32
      %mul3A_400 = arith.muli %while3A_397, %mul3A_399 : i32
      %add3A_401 = arith.constant 0 : i32
      %add3A_402 = arith.addi %add3A_401, %mul3A_400 : i32
      %get3A_403 = arith.index_cast %add3A_402 : i32 to index
      %get3A_404 = tpu.vector_load %arg16[%get3A_403] {strides = array<i32>} : memref<16448xi32, #tpu.memory_space<vmem>>, vector<16xi32>,
      %mul3A_405 = arith.constant 16 : i32
      %mul3A_406 = arith.muli %while3A_397, %mul3A_405 : i32
      %add3A_407 = vector.broadcast %mul3A_406 : i32 to vector<16xi32>
      %add3A_408 = arith.addi %add3A_407, %iota3A : vector<16xi32>
      %lt3A = vector.broadcast %scan3A_117#0 : i32 to vector<16xi32>
      %lt3A_409 = arith.cmpi slt, %add3A_408, %lt3A : vector<16xi32>
      %shift_right_arithmetic3A_410 = arith.constant 8 : i32
      %shift_right_arithmetic3A_411 = vector.broadcast %shift_right_arithmetic3A_410 : i32 to vector<16xi32>
      %shift_right_arithmetic3A_412 = arith.shrsi %get3A_404, %shift_right_arithmetic3A_411 : vector<16xi32>
      %and3A = arith.constant 511 : i32
      %and3A_413 = vector.broadcast %and3A : i32 to vector<16xi32>
      %and3A_414 = arith.andi %shift_right_arithmetic3A_412, %and3A_413 : vector<16xi32>
      %add3A_415 = arith.addi %mul3A_33, %and3A_414 : vector<16xi32>
      tpu.vector_store_idx %arg8[%add3A_415], %sub3A_271 masked %lt3A_409 {add = true} : memref<8320xi32, #tpu.memory_space<vmem>>[vector<16xi32>], vector<16xi32>, vector<16xi1>
      %while3A_416 = arith.constant 0 : i32
      scf.yield %while3A_416 : i32
    }
    %while3A_286 = arith.constant 1 : i32
    %while3A_287 = scf.for %while3A_397 = %while3A_283 to %while3A_279 step %while3A_286 iter_args(%while3A_398 = %while3A_285) -> (i32)  : i32 {
      %mul3A_399 = arith.constant 16 : i32
      %mul3A_400 = arith.muli %while3A_397, %mul3A_399 : i32
      %add3A_401 = arith.constant 0 : i32
      %add3A_402 = arith.addi %add3A_401, %mul3A_400 : i32
      %get3A_403 = arith.index_cast %add3A_402 : i32 to index
      %get3A_404 = tpu.vector_load %arg16[%get3A_403] {strides = array<i32>} : memref<16448xi32, #tpu.memory_space<vmem>>, vector<16xi32>,
      %mul3A_405 = arith.constant 16 : i32
      %mul3A_406 = arith.muli %while3A_397, %mul3A_405 : i32
      %add3A_407 = vector.broadcast %mul3A_406 : i32 to vector<16xi32>
      %add3A_408 = arith.addi %add3A_407, %iota3A : vector<16xi32>
      %lt3A = vector.broadcast %scan3A_117#0 : i32 to vector<16xi32>
      %lt3A_409 = arith.cmpi slt, %add3A_408, %lt3A : vector<16xi32>
      %shift_right_arithmetic3A_410 = arith.constant 8 : i32
      %shift_right_arithmetic3A_411 = vector.broadcast %shift_right_arithmetic3A_410 : i32 to vector<16xi32>
      %shift_right_arithmetic3A_412 = arith.shrsi %get3A_404, %shift_right_arithmetic3A_411 : vector<16xi32>
      %and3A = arith.constant 511 : i32
      %and3A_413 = vector.broadcast %and3A : i32 to vector<16xi32>
      %and3A_414 = arith.andi %shift_right_arithmetic3A_412, %and3A_413 : vector<16xi32>
      %add3A_415 = arith.addi %mul3A_33, %and3A_414 : vector<16xi32>
      tpu.vector_store_idx %arg8[%add3A_415], %sub3A_271 masked %lt3A_409 {add = true} : memref<8320xi32, #tpu.memory_space<vmem>>[vector<16xi32>], vector<16xi32>, vector<16xi1>
      %while3A_416 = arith.constant 0 : i32
      scf.yield %while3A_416 : i32
    }
    %add3A_288 = arith.constant 15 : i32
    %add3A_289 = arith.addi %scan3A_117#1, %add3A_288 : i32
    %shift_right_arithmetic3A_290 = arith.constant 4 : i32
    %shift_right_arithmetic3A_291 = arith.shrsi %add3A_289, %shift_right_arithmetic3A_290 : i32
    %while3A_292 = arith.constant 0 : i32
    %while3A_293 = arith.constant 0 : i32
    %while3A_294 = arith.subi %shift_right_arithmetic3A_291, %while3A_292 : i32
    %while3A_295 = arith.addi %while3A_292, %while3A_294 : i32
    %while3A_296 = arith.constant 1 : i32
    %while3A_297 = arith.divsi %while3A_294, %while3A_296 : i32
    %while3A_298 = arith.muli %while3A_297, %while3A_296 : i32
    %while3A_299 = arith.addi %while3A_292, %while3A_298 : i32
    %while3A_300 = arith.constant 1 : i32
    %while3A_301 = scf.for %while3A_397 = %while3A_292 to %while3A_299 step %while3A_300 iter_args(%while3A_398 = %while3A_293) -> (i32)  : i32 {
      %mul3A_399 = arith.constant 16 : i32
      %mul3A_400 = arith.muli %while3A_397, %mul3A_399 : i32
      %add3A_401 = arith.constant 4112 : i32
      %add3A_402 = arith.addi %add3A_401, %mul3A_400 : i32
      %get3A_403 = arith.index_cast %add3A_402 : i32 to index
      %get3A_404 = tpu.vector_load %arg16[%get3A_403] {strides = array<i32>} : memref<16448xi32, #tpu.memory_space<vmem>>, vector<16xi32>,
      %mul3A_405 = arith.constant 16 : i32
      %mul3A_406 = arith.muli %while3A_397, %mul3A_405 : i32
      %add3A_407 = vector.broadcast %mul3A_406 : i32 to vector<16xi32>
      %add3A_408 = arith.addi %add3A_407, %iota3A : vector<16xi32>
      %lt3A = vector.broadcast %scan3A_117#1 : i32 to vector<16xi32>
      %lt3A_409 = arith.cmpi slt, %add3A_408, %lt3A : vector<16xi32>
      %shift_right_arithmetic3A_410 = arith.constant 8 : i32
      %shift_right_arithmetic3A_411 = vector.broadcast %shift_right_arithmetic3A_410 : i32 to vector<16xi32>
      %shift_right_arithmetic3A_412 = arith.shrsi %get3A_404, %shift_right_arithmetic3A_411 : vector<16xi32>
      %and3A = arith.constant 511 : i32
      %and3A_413 = vector.broadcast %and3A : i32 to vector<16xi32>
      %and3A_414 = arith.andi %shift_right_arithmetic3A_412, %and3A_413 : vector<16xi32>
      %add3A_415 = arith.addi %mul3A_33, %and3A_414 : vector<16xi32>
      tpu.vector_store_idx %arg8[%add3A_415], %sub3A_271 masked %lt3A_409 {add = true} : memref<8320xi32, #tpu.memory_space<vmem>>[vector<16xi32>], vector<16xi32>, vector<16xi1>
      %while3A_416 = arith.constant 0 : i32
      scf.yield %while3A_416 : i32
    }
    %while3A_302 = arith.constant 1 : i32
    %while3A_303 = scf.for %while3A_397 = %while3A_299 to %while3A_295 step %while3A_302 iter_args(%while3A_398 = %while3A_301) -> (i32)  : i32 {
      %mul3A_399 = arith.constant 16 : i32
      %mul3A_400 = arith.muli %while3A_397, %mul3A_399 : i32
      %add3A_401 = arith.constant 4112 : i32
      %add3A_402 = arith.addi %add3A_401, %mul3A_400 : i32
      %get3A_403 = arith.index_cast %add3A_402 : i32 to index
      %get3A_404 = tpu.vector_load %arg16[%get3A_403] {strides = array<i32>} : memref<16448xi32, #tpu.memory_space<vmem>>, vector<16xi32>,
      %mul3A_405 = arith.constant 16 : i32
      %mul3A_406 = arith.muli %while3A_397, %mul3A_405 : i32
      %add3A_407 = vector.broadcast %mul3A_406 : i32 to vector<16xi32>
      %add3A_408 = arith.addi %add3A_407, %iota3A : vector<16xi32>
      %lt3A = vector.broadcast %scan3A_117#1 : i32 to vector<16xi32>
      %lt3A_409 = arith.cmpi slt, %add3A_408, %lt3A : vector<16xi32>
      %shift_right_arithmetic3A_410 = arith.constant 8 : i32
      %shift_right_arithmetic3A_411 = vector.broadcast %shift_right_arithmetic3A_410 : i32 to vector<16xi32>
      %shift_right_arithmetic3A_412 = arith.shrsi %get3A_404, %shift_right_arithmetic3A_411 : vector<16xi32>
      %and3A = arith.constant 511 : i32
      %and3A_413 = vector.broadcast %and3A : i32 to vector<16xi32>
      %and3A_414 = arith.andi %shift_right_arithmetic3A_412, %and3A_413 : vector<16xi32>
      %add3A_415 = arith.addi %mul3A_33, %and3A_414 : vector<16xi32>
      tpu.vector_store_idx %arg8[%add3A_415], %sub3A_271 masked %lt3A_409 {add = true} : memref<8320xi32, #tpu.memory_space<vmem>>[vector<16xi32>], vector<16xi32>, vector<16xi1>
      %while3A_416 = arith.constant 0 : i32
      scf.yield %while3A_416 : i32
    }
    %add3A_304 = arith.constant 15 : i32
    %add3A_305 = arith.addi %scan3A_117#2, %add3A_304 : i32
    %shift_right_arithmetic3A_306 = arith.constant 4 : i32
    %shift_right_arithmetic3A_307 = arith.shrsi %add3A_305, %shift_right_arithmetic3A_306 : i32
    %while3A_308 = arith.constant 0 : i32
    %while3A_309 = arith.constant 0 : i32
    %while3A_310 = arith.subi %shift_right_arithmetic3A_307, %while3A_308 : i32
    %while3A_311 = arith.addi %while3A_308, %while3A_310 : i32
    %while3A_312 = arith.constant 1 : i32
    %while3A_313 = arith.divsi %while3A_310, %while3A_312 : i32
    %while3A_314 = arith.muli %while3A_313, %while3A_312 : i32
    %while3A_315 = arith.addi %while3A_308, %while3A_314 : i32
    %while3A_316 = arith.constant 1 : i32
    %while3A_317 = scf.for %while3A_397 = %while3A_308 to %while3A_315 step %while3A_316 iter_args(%while3A_398 = %while3A_309) -> (i32)  : i32 {
      %mul3A_399 = arith.constant 16 : i32
      %mul3A_400 = arith.muli %while3A_397, %mul3A_399 : i32
      %add3A_401 = arith.constant 8224 : i32
      %add3A_402 = arith.addi %add3A_401, %mul3A_400 : i32
      %get3A_403 = arith.index_cast %add3A_402 : i32 to index
      %get3A_404 = tpu.vector_load %arg16[%get3A_403] {strides = array<i32>} : memref<16448xi32, #tpu.memory_space<vmem>>, vector<16xi32>,
      %mul3A_405 = arith.constant 16 : i32
      %mul3A_406 = arith.muli %while3A_397, %mul3A_405 : i32
      %add3A_407 = vector.broadcast %mul3A_406 : i32 to vector<16xi32>
      %add3A_408 = arith.addi %add3A_407, %iota3A : vector<16xi32>
      %lt3A = vector.broadcast %scan3A_117#2 : i32 to vector<16xi32>
      %lt3A_409 = arith.cmpi slt, %add3A_408, %lt3A : vector<16xi32>
      %shift_right_arithmetic3A_410 = arith.constant 8 : i32
      %shift_right_arithmetic3A_411 = vector.broadcast %shift_right_arithmetic3A_410 : i32 to vector<16xi32>
      %shift_right_arithmetic3A_412 = arith.shrsi %get3A_404, %shift_right_arithmetic3A_411 : vector<16xi32>
      %and3A = arith.constant 511 : i32
      %and3A_413 = vector.broadcast %and3A : i32 to vector<16xi32>
      %and3A_414 = arith.andi %shift_right_arithmetic3A_412, %and3A_413 : vector<16xi32>
      %add3A_415 = arith.addi %mul3A_33, %and3A_414 : vector<16xi32>
      tpu.vector_store_idx %arg8[%add3A_415], %sub3A_271 masked %lt3A_409 {add = true} : memref<8320xi32, #tpu.memory_space<vmem>>[vector<16xi32>], vector<16xi32>, vector<16xi1>
      %while3A_416 = arith.constant 0 : i32
      scf.yield %while3A_416 : i32
    }
    %while3A_318 = arith.constant 1 : i32
    %while3A_319 = scf.for %while3A_397 = %while3A_315 to %while3A_311 step %while3A_318 iter_args(%while3A_398 = %while3A_317) -> (i32)  : i32 {
      %mul3A_399 = arith.constant 16 : i32
      %mul3A_400 = arith.muli %while3A_397, %mul3A_399 : i32
      %add3A_401 = arith.constant 8224 : i32
      %add3A_402 = arith.addi %add3A_401, %mul3A_400 : i32
      %get3A_403 = arith.index_cast %add3A_402 : i32 to index
      %get3A_404 = tpu.vector_load %arg16[%get3A_403] {strides = array<i32>} : memref<16448xi32, #tpu.memory_space<vmem>>, vector<16xi32>,
      %mul3A_405 = arith.constant 16 : i32
      %mul3A_406 = arith.muli %while3A_397, %mul3A_405 : i32
      %add3A_407 = vector.broadcast %mul3A_406 : i32 to vector<16xi32>
      %add3A_408 = arith.addi %add3A_407, %iota3A : vector<16xi32>
      %lt3A = vector.broadcast %scan3A_117#2 : i32 to vector<16xi32>
      %lt3A_409 = arith.cmpi slt, %add3A_408, %lt3A : vector<16xi32>
      %shift_right_arithmetic3A_410 = arith.constant 8 : i32
      %shift_right_arithmetic3A_411 = vector.broadcast %shift_right_arithmetic3A_410 : i32 to vector<16xi32>
      %shift_right_arithmetic3A_412 = arith.shrsi %get3A_404, %shift_right_arithmetic3A_411 : vector<16xi32>
      %and3A = arith.constant 511 : i32
      %and3A_413 = vector.broadcast %and3A : i32 to vector<16xi32>
      %and3A_414 = arith.andi %shift_right_arithmetic3A_412, %and3A_413 : vector<16xi32>
      %add3A_415 = arith.addi %mul3A_33, %and3A_414 : vector<16xi32>
      tpu.vector_store_idx %arg8[%add3A_415], %sub3A_271 masked %lt3A_409 {add = true} : memref<8320xi32, #tpu.memory_space<vmem>>[vector<16xi32>], vector<16xi32>, vector<16xi1>
      %while3A_416 = arith.constant 0 : i32
      scf.yield %while3A_416 : i32
    }
    %add3A_320 = arith.constant 15 : i32
    %add3A_321 = arith.addi %scan3A_117#3, %add3A_320 : i32
    %shift_right_arithmetic3A_322 = arith.constant 4 : i32
    %shift_right_arithmetic3A_323 = arith.shrsi %add3A_321, %shift_right_arithmetic3A_322 : i32
    %while3A_324 = arith.constant 0 : i32
    %while3A_325 = arith.constant 0 : i32
    %while3A_326 = arith.subi %shift_right_arithmetic3A_323, %while3A_324 : i32
    %while3A_327 = arith.addi %while3A_324, %while3A_326 : i32
    %while3A_328 = arith.constant 1 : i32
    %while3A_329 = arith.divsi %while3A_326, %while3A_328 : i32
    %while3A_330 = arith.muli %while3A_329, %while3A_328 : i32
    %while3A_331 = arith.addi %while3A_324, %while3A_330 : i32
    %while3A_332 = arith.constant 1 : i32
    %while3A_333 = scf.for %while3A_397 = %while3A_324 to %while3A_331 step %while3A_332 iter_args(%while3A_398 = %while3A_325) -> (i32)  : i32 {
      %mul3A_399 = arith.constant 16 : i32
      %mul3A_400 = arith.muli %while3A_397, %mul3A_399 : i32
      %add3A_401 = arith.constant 12336 : i32
      %add3A_402 = arith.addi %add3A_401, %mul3A_400 : i32
      %get3A_403 = arith.index_cast %add3A_402 : i32 to index
      %get3A_404 = tpu.vector_load %arg16[%get3A_403] {strides = array<i32>} : memref<16448xi32, #tpu.memory_space<vmem>>, vector<16xi32>,
      %mul3A_405 = arith.constant 16 : i32
      %mul3A_406 = arith.muli %while3A_397, %mul3A_405 : i32
      %add3A_407 = vector.broadcast %mul3A_406 : i32 to vector<16xi32>
      %add3A_408 = arith.addi %add3A_407, %iota3A : vector<16xi32>
      %lt3A = vector.broadcast %scan3A_117#3 : i32 to vector<16xi32>
      %lt3A_409 = arith.cmpi slt, %add3A_408, %lt3A : vector<16xi32>
      %shift_right_arithmetic3A_410 = arith.constant 8 : i32
      %shift_right_arithmetic3A_411 = vector.broadcast %shift_right_arithmetic3A_410 : i32 to vector<16xi32>
      %shift_right_arithmetic3A_412 = arith.shrsi %get3A_404, %shift_right_arithmetic3A_411 : vector<16xi32>
      %and3A = arith.constant 511 : i32
      %and3A_413 = vector.broadcast %and3A : i32 to vector<16xi32>
      %and3A_414 = arith.andi %shift_right_arithmetic3A_412, %and3A_413 : vector<16xi32>
      %add3A_415 = arith.addi %mul3A_33, %and3A_414 : vector<16xi32>
      tpu.vector_store_idx %arg8[%add3A_415], %sub3A_271 masked %lt3A_409 {add = true} : memref<8320xi32, #tpu.memory_space<vmem>>[vector<16xi32>], vector<16xi32>, vector<16xi1>
      %while3A_416 = arith.constant 0 : i32
      scf.yield %while3A_416 : i32
    }
    %while3A_334 = arith.constant 1 : i32
    %while3A_335 = scf.for %while3A_397 = %while3A_331 to %while3A_327 step %while3A_334 iter_args(%while3A_398 = %while3A_333) -> (i32)  : i32 {
      %mul3A_399 = arith.constant 16 : i32
      %mul3A_400 = arith.muli %while3A_397, %mul3A_399 : i32
      %add3A_401 = arith.constant 12336 : i32
      %add3A_402 = arith.addi %add3A_401, %mul3A_400 : i32
      %get3A_403 = arith.index_cast %add3A_402 : i32 to index
      %get3A_404 = tpu.vector_load %arg16[%get3A_403] {strides = array<i32>} : memref<16448xi32, #tpu.memory_space<vmem>>, vector<16xi32>,
      %mul3A_405 = arith.constant 16 : i32
      %mul3A_406 = arith.muli %while3A_397, %mul3A_405 : i32
      %add3A_407 = vector.broadcast %mul3A_406 : i32 to vector<16xi32>
      %add3A_408 = arith.addi %add3A_407, %iota3A : vector<16xi32>
      %lt3A = vector.broadcast %scan3A_117#3 : i32 to vector<16xi32>
      %lt3A_409 = arith.cmpi slt, %add3A_408, %lt3A : vector<16xi32>
      %shift_right_arithmetic3A_410 = arith.constant 8 : i32
      %shift_right_arithmetic3A_411 = vector.broadcast %shift_right_arithmetic3A_410 : i32 to vector<16xi32>
      %shift_right_arithmetic3A_412 = arith.shrsi %get3A_404, %shift_right_arithmetic3A_411 : vector<16xi32>
      %and3A = arith.constant 511 : i32
      %and3A_413 = vector.broadcast %and3A : i32 to vector<16xi32>
      %and3A_414 = arith.andi %shift_right_arithmetic3A_412, %and3A_413 : vector<16xi32>
      %add3A_415 = arith.addi %mul3A_33, %and3A_414 : vector<16xi32>
      tpu.vector_store_idx %arg8[%add3A_415], %sub3A_271 masked %lt3A_409 {add = true} : memref<8320xi32, #tpu.memory_space<vmem>>[vector<16xi32>], vector<16xi32>, vector<16xi1>
      %while3A_416 = arith.constant 0 : i32
      scf.yield %while3A_416 : i32
    }
    %add3A_336 = arith.constant 15 : i32
    %add3A_337 = arith.addi %while3A_269, %add3A_336 : i32
    %shift_right_arithmetic3A_338 = arith.constant 4 : i32
    %shift_right_arithmetic3A_339 = arith.shrsi %add3A_337, %shift_right_arithmetic3A_338 : i32
    %while3A_340 = arith.constant 0 : i32
    %while3A_341 = arith.constant 0 : i32
    %while3A_342 = arith.subi %shift_right_arithmetic3A_339, %while3A_340 : i32
    %while3A_343 = arith.addi %while3A_340, %while3A_342 : i32
    %while3A_344 = arith.constant 1 : i32
    %while3A_345 = arith.divsi %while3A_342, %while3A_344 : i32
    %while3A_346 = arith.muli %while3A_345, %while3A_344 : i32
    %while3A_347 = arith.addi %while3A_340, %while3A_346 : i32
    %while3A_348 = arith.constant 1 : i32
    %while3A_349 = scf.for %while3A_397 = %while3A_340 to %while3A_347 step %while3A_348 iter_args(%while3A_398 = %while3A_341) -> (i32)  : i32 {
      %mul3A_399 = arith.constant 16 : i32
      %mul3A_400 = arith.muli %while3A_397, %mul3A_399 : i32
      %get3A_401 = arith.index_cast %mul3A_400 : i32 to index
      %get3A_402 = tpu.vector_load %arg17[%get3A_401] {strides = array<i32>} : memref<16448xi32, #tpu.memory_space<vmem>>, vector<16xi32>,
      %mul3A_403 = arith.constant 16 : i32
      %mul3A_404 = arith.muli %while3A_397, %mul3A_403 : i32
      %add3A_405 = vector.broadcast %mul3A_404 : i32 to vector<16xi32>
      %add3A_406 = arith.addi %add3A_405, %iota3A : vector<16xi32>
      %lt3A = vector.broadcast %while3A_269 : i32 to vector<16xi32>
      %lt3A_407 = arith.cmpi slt, %add3A_406, %lt3A : vector<16xi32>
      %and3A = arith.constant 255 : i32
      %and3A_408 = vector.broadcast %and3A : i32 to vector<16xi32>
      %and3A_409 = arith.andi %get3A_402, %and3A_408 : vector<16xi32>
      %add3A_410 = arith.addi %mul3A_33, %and3A_409 : vector<16xi32>
      tpu.vector_store_idx %arg8[%add3A_410], %broadcast_in_dim3A_34 masked %lt3A_407 {add = true} : memref<8320xi32, #tpu.memory_space<vmem>>[vector<16xi32>], vector<16xi32>, vector<16xi1>
      %while3A_411 = arith.constant 0 : i32
      scf.yield %while3A_411 : i32
    }
    %while3A_350 = arith.constant 1 : i32
    %while3A_351 = scf.for %while3A_397 = %while3A_347 to %while3A_343 step %while3A_350 iter_args(%while3A_398 = %while3A_349) -> (i32)  : i32 {
      %mul3A_399 = arith.constant 16 : i32
      %mul3A_400 = arith.muli %while3A_397, %mul3A_399 : i32
      %get3A_401 = arith.index_cast %mul3A_400 : i32 to index
      %get3A_402 = tpu.vector_load %arg17[%get3A_401] {strides = array<i32>} : memref<16448xi32, #tpu.memory_space<vmem>>, vector<16xi32>,
      %mul3A_403 = arith.constant 16 : i32
      %mul3A_404 = arith.muli %while3A_397, %mul3A_403 : i32
      %add3A_405 = vector.broadcast %mul3A_404 : i32 to vector<16xi32>
      %add3A_406 = arith.addi %add3A_405, %iota3A : vector<16xi32>
      %lt3A = vector.broadcast %while3A_269 : i32 to vector<16xi32>
      %lt3A_407 = arith.cmpi slt, %add3A_406, %lt3A : vector<16xi32>
      %and3A = arith.constant 255 : i32
      %and3A_408 = vector.broadcast %and3A : i32 to vector<16xi32>
      %and3A_409 = arith.andi %get3A_402, %and3A_408 : vector<16xi32>
      %add3A_410 = arith.addi %mul3A_33, %and3A_409 : vector<16xi32>
      tpu.vector_store_idx %arg8[%add3A_410], %broadcast_in_dim3A_34 masked %lt3A_407 {add = true} : memref<8320xi32, #tpu.memory_space<vmem>>[vector<16xi32>], vector<16xi32>, vector<16xi1>
      %while3A_411 = arith.constant 0 : i32
      scf.yield %while3A_411 : i32
    }
    %scan3A_352 = arith.constant 0 : i32
    %scan3A_353 = arith.constant 0 : i32
    %scan3A_354 = arith.constant 32 : i32
    %scan3A_355 = arith.addi %scan3A_353, %scan3A_354 : i32
    %scan3A_356 = arith.constant 1 : i32
    %scan3A_357 = scf.for %scan3A_397 = %scan3A_353 to %scan3A_355 step %scan3A_356 iter_args(%scan3A_398 = %scan3A_352) -> (i32)  : i32 {
      %mul3A_399 = arith.constant 16 : i32
      %mul3A_400 = arith.muli %scan3A_397, %mul3A_399 : i32
      %add3A_401 = arith.constant 0 : i32
      %add3A_402 = arith.addi %add3A_401, %mul3A_400 : i32
      %get3A_403 = arith.index_cast %add3A_402 : i32 to index
      %get3A_404 = tpu.vector_load %arg8[%get3A_403] {strides = array<i32>} : memref<8320xi32, #tpu.memory_space<vmem>>, vector<16xi32>,
      %add3A_405 = arith.addi %broadcast_in_dim3A_36, %get3A_404 : vector<16xi32>
      %mul3A_406 = arith.constant 16 : i32
      %mul3A_407 = arith.muli %scan3A_397, %mul3A_406 : i32
      %add3A_408 = arith.constant 513 : i32
      %add3A_409 = arith.addi %add3A_408, %mul3A_407 : i32
      %get3A_410 = arith.index_cast %add3A_409 : i32 to index
      %get3A_411 = tpu.vector_load %arg8[%get3A_410] {strides = array<i32>} : memref<8320xi32, #tpu.memory_space<vmem>>, vector<16xi32>,
      %add3A_412 = arith.addi %add3A_405, %get3A_411 : vector<16xi32>
      %mul3A_413 = arith.constant 16 : i32
      %mul3A_414 = arith.muli %scan3A_397, %mul3A_413 : i32
      %add3A_415 = arith.constant 1026 : i32
      %add3A_416 = arith.addi %add3A_415, %mul3A_414 : i32
      %get3A_417 = arith.index_cast %add3A_416 : i32 to index
      %get3A_418 = tpu.vector_load %arg8[%get3A_417] {strides = array<i32>} : memref<8320xi32, #tpu.memory_space<vmem>>, vector<16xi32>,
      %add3A_419 = arith.addi %add3A_412, %get3A_418 : vector<16xi32>
      %mul3A_420 = arith.constant 16 : i32
      %mul3A_421 = arith.muli %scan3A_397, %mul3A_420 : i32
      %add3A_422 = arith.constant 1539 : i32
      %add3A_423 = arith.addi %add3A_422, %mul3A_421 : i32
      %get3A_424 = arith.index_cast %add3A_423 : i32 to index
      %get3A_425 = tpu.vector_load %arg8[%get3A_424] {strides = array<i32>} : memref<8320xi32, #tpu.memory_space<vmem>>, vector<16xi32>,
      %add3A_426 = arith.addi %add3A_419, %get3A_425 : vector<16xi32>
      %mul3A_427 = arith.constant 16 : i32
      %mul3A_428 = arith.muli %scan3A_397, %mul3A_427 : i32
      %add3A_429 = arith.constant 2052 : i32
      %add3A_430 = arith.addi %add3A_429, %mul3A_428 : i32
      %get3A_431 = arith.index_cast %add3A_430 : i32 to index
      %get3A_432 = tpu.vector_load %arg8[%get3A_431] {strides = array<i32>} : memref<8320xi32, #tpu.memory_space<vmem>>, vector<16xi32>,
      %add3A_433 = arith.addi %add3A_426, %get3A_432 : vector<16xi32>
      %mul3A_434 = arith.constant 16 : i32
      %mul3A_435 = arith.muli %scan3A_397, %mul3A_434 : i32
      %add3A_436 = arith.constant 2565 : i32
      %add3A_437 = arith.addi %add3A_436, %mul3A_435 : i32
      %get3A_438 = arith.index_cast %add3A_437 : i32 to index
      %get3A_439 = tpu.vector_load %arg8[%get3A_438] {strides = array<i32>} : memref<8320xi32, #tpu.memory_space<vmem>>, vector<16xi32>,
      %add3A_440 = arith.addi %add3A_433, %get3A_439 : vector<16xi32>
      %mul3A_441 = arith.constant 16 : i32
      %mul3A_442 = arith.muli %scan3A_397, %mul3A_441 : i32
      %add3A_443 = arith.constant 3078 : i32
      %add3A_444 = arith.addi %add3A_443, %mul3A_442 : i32
      %get3A_445 = arith.index_cast %add3A_444 : i32 to index
      %get3A_446 = tpu.vector_load %arg8[%get3A_445] {strides = array<i32>} : memref<8320xi32, #tpu.memory_space<vmem>>, vector<16xi32>,
      %add3A_447 = arith.addi %add3A_440, %get3A_446 : vector<16xi32>
      %mul3A_448 = arith.constant 16 : i32
      %mul3A_449 = arith.muli %scan3A_397, %mul3A_448 : i32
      %add3A_450 = arith.constant 3591 : i32
      %add3A_451 = arith.addi %add3A_450, %mul3A_449 : i32
      %get3A_452 = arith.index_cast %add3A_451 : i32 to index
      %get3A_453 = tpu.vector_load %arg8[%get3A_452] {strides = array<i32>} : memref<8320xi32, #tpu.memory_space<vmem>>, vector<16xi32>,
      %add3A_454 = arith.addi %add3A_447, %get3A_453 : vector<16xi32>
      %mul3A_455 = arith.constant 16 : i32
      %mul3A_456 = arith.muli %scan3A_397, %mul3A_455 : i32
      %add3A_457 = arith.constant 4104 : i32
      %add3A_458 = arith.addi %add3A_457, %mul3A_456 : i32
      %get3A_459 = arith.index_cast %add3A_458 : i32 to index
      %get3A_460 = tpu.vector_load %arg8[%get3A_459] {strides = array<i32>} : memref<8320xi32, #tpu.memory_space<vmem>>, vector<16xi32>,
      %add3A_461 = arith.addi %add3A_454, %get3A_460 : vector<16xi32>
      %mul3A_462 = arith.constant 16 : i32
      %mul3A_463 = arith.muli %scan3A_397, %mul3A_462 : i32
      %add3A_464 = arith.constant 4617 : i32
      %add3A_465 = arith.addi %add3A_464, %mul3A_463 : i32
      %get3A_466 = arith.index_cast %add3A_465 : i32 to index
      %get3A_467 = tpu.vector_load %arg8[%get3A_466] {strides = array<i32>} : memref<8320xi32, #tpu.memory_space<vmem>>, vector<16xi32>,
      %add3A_468 = arith.addi %add3A_461, %get3A_467 : vector<16xi32>
      %mul3A_469 = arith.constant 16 : i32
      %mul3A_470 = arith.muli %scan3A_397, %mul3A_469 : i32
      %add3A_471 = arith.constant 5130 : i32
      %add3A_472 = arith.addi %add3A_471, %mul3A_470 : i32
      %get3A_473 = arith.index_cast %add3A_472 : i32 to index
      %get3A_474 = tpu.vector_load %arg8[%get3A_473] {strides = array<i32>} : memref<8320xi32, #tpu.memory_space<vmem>>, vector<16xi32>,
      %add3A_475 = arith.addi %add3A_468, %get3A_474 : vector<16xi32>
      %mul3A_476 = arith.constant 16 : i32
      %mul3A_477 = arith.muli %scan3A_397, %mul3A_476 : i32
      %add3A_478 = arith.constant 5643 : i32
      %add3A_479 = arith.addi %add3A_478, %mul3A_477 : i32
      %get3A_480 = arith.index_cast %add3A_479 : i32 to index
      %get3A_481 = tpu.vector_load %arg8[%get3A_480] {strides = array<i32>} : memref<8320xi32, #tpu.memory_space<vmem>>, vector<16xi32>,
      %add3A_482 = arith.addi %add3A_475, %get3A_481 : vector<16xi32>
      %mul3A_483 = arith.constant 16 : i32
      %mul3A_484 = arith.muli %scan3A_397, %mul3A_483 : i32
      %add3A_485 = arith.constant 6156 : i32
      %add3A_486 = arith.addi %add3A_485, %mul3A_484 : i32
      %get3A_487 = arith.index_cast %add3A_486 : i32 to index
      %get3A_488 = tpu.vector_load %arg8[%get3A_487] {strides = array<i32>} : memref<8320xi32, #tpu.memory_space<vmem>>, vector<16xi32>,
      %add3A_489 = arith.addi %add3A_482, %get3A_488 : vector<16xi32>
      %mul3A_490 = arith.constant 16 : i32
      %mul3A_491 = arith.muli %scan3A_397, %mul3A_490 : i32
      %add3A_492 = arith.constant 6669 : i32
      %add3A_493 = arith.addi %add3A_492, %mul3A_491 : i32
      %get3A_494 = arith.index_cast %add3A_493 : i32 to index
      %get3A_495 = tpu.vector_load %arg8[%get3A_494] {strides = array<i32>} : memref<8320xi32, #tpu.memory_space<vmem>>, vector<16xi32>,
      %add3A_496 = arith.addi %add3A_489, %get3A_495 : vector<16xi32>
      %mul3A_497 = arith.constant 16 : i32
      %mul3A_498 = arith.muli %scan3A_397, %mul3A_497 : i32
      %add3A_499 = arith.constant 7182 : i32
      %add3A_500 = arith.addi %add3A_499, %mul3A_498 : i32
      %get3A_501 = arith.index_cast %add3A_500 : i32 to index
      %get3A_502 = tpu.vector_load %arg8[%get3A_501] {strides = array<i32>} : memref<8320xi32, #tpu.memory_space<vmem>>, vector<16xi32>,
      %add3A_503 = arith.addi %add3A_496, %get3A_502 : vector<16xi32>
      %mul3A_504 = arith.constant 16 : i32
      %mul3A_505 = arith.muli %scan3A_397, %mul3A_504 : i32
      %add3A_506 = arith.constant 7695 : i32
      %add3A_507 = arith.addi %add3A_506, %mul3A_505 : i32
      %get3A_508 = arith.index_cast %add3A_507 : i32 to index
      %get3A_509 = tpu.vector_load %arg8[%get3A_508] {strides = array<i32>} : memref<8320xi32, #tpu.memory_space<vmem>>, vector<16xi32>,
      %add3A_510 = arith.addi %add3A_503, %get3A_509 : vector<16xi32>
      %mul3A_511 = arith.constant 16 : i32
      %mul3A_512 = arith.muli %scan3A_397, %mul3A_511 : i32
      %swap3A_513 = arith.index_cast %mul3A_512 : i32 to index
      %swap3A_514 = tpu.vector_load %arg9[%swap3A_513] {strides = array<i32>} : memref<512xi32, #tpu.memory_space<vmem>>, vector<16xi32>,
      tpu.vector_store %arg9[%swap3A_513], %add3A_510 {strides = array<i32>} : memref<512xi32, #tpu.memory_space<vmem>>, vector<16xi32>,
      %scan3A_515 = arith.constant 0 : i32
      scf.yield %scan3A_515 : i32
    }
    %scan3A_358 = arith.constant 32 : i32
    %mul3A_359 = arith.constant 512 : i32
    %mul3A_360 = arith.muli %arg1, %mul3A_359 : i32
    "tpu.region"() ({
      %run_scoped3A = tpu.sem_alloc : memref<!tpu.dma_semaphore, #tpu.memory_space<semaphore_mem>>
      %dma_start3A_397 = tpu.memref_slice %arg19[%mul3A_360] : memref<8192xi32, #tpu.memory_space<vmem_shared>> -> memref<512xi32, #tpu.memory_space<vmem_shared>>
      %dma_start3A_398 = tpu.memref_slice %arg19[%mul3A_360] : memref<8192xi32, #tpu.memory_space<vmem_shared>> -> memref<512xi32, #tpu.memory_space<vmem_shared>>
      tpu.enqueue_dma source(%arg9 : memref<512xi32, #tpu.memory_space<vmem>>) target(%dma_start3A_398 : memref<512xi32, #tpu.memory_space<vmem_shared>>) target_semaphore(%run_scoped3A : memref<!tpu.dma_semaphore, #tpu.memory_space<semaphore_mem>>)
      %dma_wait3A_399 = tpu.memref_slice %arg19[%mul3A_360] : memref<8192xi32, #tpu.memory_space<vmem_shared>> -> memref<512xi32, #tpu.memory_space<vmem_shared>>
      %dma_wait3A_400 = tpu.memref_slice %arg19[%mul3A_360] : memref<8192xi32, #tpu.memory_space<vmem_shared>> -> memref<512xi32, #tpu.memory_space<vmem_shared>>
      tpu.wait_dma2 semaphore(%run_scoped3A : memref<!tpu.dma_semaphore, #tpu.memory_space<semaphore_mem>>) src(%arg9 : memref<512xi32, #tpu.memory_space<vmem>>) dst(%dma_wait3A_400 : memref<512xi32, #tpu.memory_space<vmem_shared>>)
      tpu.yield
    }) : () -> ()
    %barrier3A_361 = arith.constant 0 : index
    tpu.barrier barrier_id(%barrier3A_361)
    %eq3A_362 = arith.constant 0 : i32
    %eq3A_363 = arith.cmpi eq, %arg1, %eq3A_362 : i32
    %convert_element_type3A_364 = arith.extui %eq3A_363 : i1 to i32
    %cond3A_365 = arith.constant 0 : i32
    %cond3A_366 = arith.cmpi ne, %convert_element_type3A_364, %cond3A_365 : i32
    scf.if %cond3A_366 {
      "tpu.region"() ({
        %run_scoped3A = tpu.sem_alloc : memref<!tpu.dma_semaphore, #tpu.memory_space<semaphore_mem>>
        tpu.enqueue_dma source(%arg19 : memref<8192xi32, #tpu.memory_space<vmem_shared>>) target(%arg10 : memref<8192xi32, #tpu.memory_space<vmem>>) target_semaphore(%run_scoped3A : memref<!tpu.dma_semaphore, #tpu.memory_space<semaphore_mem>>)
        tpu.wait_dma2 semaphore(%run_scoped3A : memref<!tpu.dma_semaphore, #tpu.memory_space<semaphore_mem>>) src(%arg19 : memref<8192xi32, #tpu.memory_space<vmem_shared>>) dst(%arg10 : memref<8192xi32, #tpu.memory_space<vmem>>)
        tpu.yield
      }) : () -> ()
      %scan3A_397 = arith.constant 0 : i32
      %scan3A_398 = arith.constant 0 : i32
      %scan3A_399 = arith.constant 32 : i32
      %scan3A_400 = arith.addi %scan3A_398, %scan3A_399 : i32
      %scan3A_401 = arith.constant 1 : i32
      %scan3A_402 = scf.for %scan3A_508 = %scan3A_398 to %scan3A_400 step %scan3A_401 iter_args(%scan3A_509 = %scan3A_397) -> (i32)  : i32 {
        %mul3A_510 = arith.constant 16 : i32
        %mul3A_511 = arith.muli %scan3A_508, %mul3A_510 : i32
        %add3A_512 = arith.constant 0 : i32
        %add3A_513 = arith.addi %add3A_512, %mul3A_511 : i32
        %get3A_514 = arith.index_cast %add3A_513 : i32 to index
        %get3A_515 = tpu.vector_load %arg10[%get3A_514] {strides = array<i32>} : memref<8192xi32, #tpu.memory_space<vmem>>, vector<16xi32>,
        %add3A_516 = arith.addi %broadcast_in_dim3A_36, %get3A_515 : vector<16xi32>
        %mul3A_517 = arith.constant 16 : i32
        %mul3A_518 = arith.muli %scan3A_508, %mul3A_517 : i32
        %add3A_519 = arith.constant 512 : i32
        %add3A_520 = arith.addi %add3A_519, %mul3A_518 : i32
        %get3A_521 = arith.index_cast %add3A_520 : i32 to index
        %get3A_522 = tpu.vector_load %arg10[%get3A_521] {strides = array<i32>} : memref<8192xi32, #tpu.memory_space<vmem>>, vector<16xi32>,
        %add3A_523 = arith.addi %add3A_516, %get3A_522 : vector<16xi32>
        %mul3A_524 = arith.constant 16 : i32
        %mul3A_525 = arith.muli %scan3A_508, %mul3A_524 : i32
        %add3A_526 = arith.constant 1024 : i32
        %add3A_527 = arith.addi %add3A_526, %mul3A_525 : i32
        %get3A_528 = arith.index_cast %add3A_527 : i32 to index
        %get3A_529 = tpu.vector_load %arg10[%get3A_528] {strides = array<i32>} : memref<8192xi32, #tpu.memory_space<vmem>>, vector<16xi32>,
        %add3A_530 = arith.addi %add3A_523, %get3A_529 : vector<16xi32>
        %mul3A_531 = arith.constant 16 : i32
        %mul3A_532 = arith.muli %scan3A_508, %mul3A_531 : i32
        %add3A_533 = arith.constant 1536 : i32
        %add3A_534 = arith.addi %add3A_533, %mul3A_532 : i32
        %get3A_535 = arith.index_cast %add3A_534 : i32 to index
        %get3A_536 = tpu.vector_load %arg10[%get3A_535] {strides = array<i32>} : memref<8192xi32, #tpu.memory_space<vmem>>, vector<16xi32>,
        %add3A_537 = arith.addi %add3A_530, %get3A_536 : vector<16xi32>
        %mul3A_538 = arith.constant 16 : i32
        %mul3A_539 = arith.muli %scan3A_508, %mul3A_538 : i32
        %add3A_540 = arith.constant 2048 : i32
        %add3A_541 = arith.addi %add3A_540, %mul3A_539 : i32
        %get3A_542 = arith.index_cast %add3A_541 : i32 to index
        %get3A_543 = tpu.vector_load %arg10[%get3A_542] {strides = array<i32>} : memref<8192xi32, #tpu.memory_space<vmem>>, vector<16xi32>,
        %add3A_544 = arith.addi %add3A_537, %get3A_543 : vector<16xi32>
        %mul3A_545 = arith.constant 16 : i32
        %mul3A_546 = arith.muli %scan3A_508, %mul3A_545 : i32
        %add3A_547 = arith.constant 2560 : i32
        %add3A_548 = arith.addi %add3A_547, %mul3A_546 : i32
        %get3A_549 = arith.index_cast %add3A_548 : i32 to index
        %get3A_550 = tpu.vector_load %arg10[%get3A_549] {strides = array<i32>} : memref<8192xi32, #tpu.memory_space<vmem>>, vector<16xi32>,
        %add3A_551 = arith.addi %add3A_544, %get3A_550 : vector<16xi32>
        %mul3A_552 = arith.constant 16 : i32
        %mul3A_553 = arith.muli %scan3A_508, %mul3A_552 : i32
        %add3A_554 = arith.constant 3072 : i32
        %add3A_555 = arith.addi %add3A_554, %mul3A_553 : i32
        %get3A_556 = arith.index_cast %add3A_555 : i32 to index
        %get3A_557 = tpu.vector_load %arg10[%get3A_556] {strides = array<i32>} : memref<8192xi32, #tpu.memory_space<vmem>>, vector<16xi32>,
        %add3A_558 = arith.addi %add3A_551, %get3A_557 : vector<16xi32>
        %mul3A_559 = arith.constant 16 : i32
        %mul3A_560 = arith.muli %scan3A_508, %mul3A_559 : i32
        %add3A_561 = arith.constant 3584 : i32
        %add3A_562 = arith.addi %add3A_561, %mul3A_560 : i32
        %get3A_563 = arith.index_cast %add3A_562 : i32 to index
        %get3A_564 = tpu.vector_load %arg10[%get3A_563] {strides = array<i32>} : memref<8192xi32, #tpu.memory_space<vmem>>, vector<16xi32>,
        %add3A_565 = arith.addi %add3A_558, %get3A_564 : vector<16xi32>
        %mul3A_566 = arith.constant 16 : i32
        %mul3A_567 = arith.muli %scan3A_508, %mul3A_566 : i32
        %add3A_568 = arith.constant 4096 : i32
        %add3A_569 = arith.addi %add3A_568, %mul3A_567 : i32
        %get3A_570 = arith.index_cast %add3A_569 : i32 to index
        %get3A_571 = tpu.vector_load %arg10[%get3A_570] {strides = array<i32>} : memref<8192xi32, #tpu.memory_space<vmem>>, vector<16xi32>,
        %add3A_572 = arith.addi %add3A_565, %get3A_571 : vector<16xi32>
        %mul3A_573 = arith.constant 16 : i32
        %mul3A_574 = arith.muli %scan3A_508, %mul3A_573 : i32
        %add3A_575 = arith.constant 4608 : i32
        %add3A_576 = arith.addi %add3A_575, %mul3A_574 : i32
        %get3A_577 = arith.index_cast %add3A_576 : i32 to index
        %get3A_578 = tpu.vector_load %arg10[%get3A_577] {strides = array<i32>} : memref<8192xi32, #tpu.memory_space<vmem>>, vector<16xi32>,
        %add3A_579 = arith.addi %add3A_572, %get3A_578 : vector<16xi32>
        %mul3A_580 = arith.constant 16 : i32
        %mul3A_581 = arith.muli %scan3A_508, %mul3A_580 : i32
        %add3A_582 = arith.constant 5120 : i32
        %add3A_583 = arith.addi %add3A_582, %mul3A_581 : i32
        %get3A_584 = arith.index_cast %add3A_583 : i32 to index
        %get3A_585 = tpu.vector_load %arg10[%get3A_584] {strides = array<i32>} : memref<8192xi32, #tpu.memory_space<vmem>>, vector<16xi32>,
        %add3A_586 = arith.addi %add3A_579, %get3A_585 : vector<16xi32>
        %mul3A_587 = arith.constant 16 : i32
        %mul3A_588 = arith.muli %scan3A_508, %mul3A_587 : i32
        %add3A_589 = arith.constant 5632 : i32
        %add3A_590 = arith.addi %add3A_589, %mul3A_588 : i32
        %get3A_591 = arith.index_cast %add3A_590 : i32 to index
        %get3A_592 = tpu.vector_load %arg10[%get3A_591] {strides = array<i32>} : memref<8192xi32, #tpu.memory_space<vmem>>, vector<16xi32>,
        %add3A_593 = arith.addi %add3A_586, %get3A_592 : vector<16xi32>
        %mul3A_594 = arith.constant 16 : i32
        %mul3A_595 = arith.muli %scan3A_508, %mul3A_594 : i32
        %add3A_596 = arith.constant 6144 : i32
        %add3A_597 = arith.addi %add3A_596, %mul3A_595 : i32
        %get3A_598 = arith.index_cast %add3A_597 : i32 to index
        %get3A_599 = tpu.vector_load %arg10[%get3A_598] {strides = array<i32>} : memref<8192xi32, #tpu.memory_space<vmem>>, vector<16xi32>,
        %add3A_600 = arith.addi %add3A_593, %get3A_599 : vector<16xi32>
        %mul3A_601 = arith.constant 16 : i32
        %mul3A_602 = arith.muli %scan3A_508, %mul3A_601 : i32
        %add3A_603 = arith.constant 6656 : i32
        %add3A_604 = arith.addi %add3A_603, %mul3A_602 : i32
        %get3A_605 = arith.index_cast %add3A_604 : i32 to index
        %get3A_606 = tpu.vector_load %arg10[%get3A_605] {strides = array<i32>} : memref<8192xi32, #tpu.memory_space<vmem>>, vector<16xi32>,
        %add3A_607 = arith.addi %add3A_600, %get3A_606 : vector<16xi32>
        %mul3A_608 = arith.constant 16 : i32
        %mul3A_609 = arith.muli %scan3A_508, %mul3A_608 : i32
        %add3A_610 = arith.constant 7168 : i32
        %add3A_611 = arith.addi %add3A_610, %mul3A_609 : i32
        %get3A_612 = arith.index_cast %add3A_611 : i32 to index
        %get3A_613 = tpu.vector_load %arg10[%get3A_612] {strides = array<i32>} : memref<8192xi32, #tpu.memory_space<vmem>>, vector<16xi32>,
        %add3A_614 = arith.addi %add3A_607, %get3A_613 : vector<16xi32>
        %mul3A_615 = arith.constant 16 : i32
        %mul3A_616 = arith.muli %scan3A_508, %mul3A_615 : i32
        %add3A_617 = arith.constant 7680 : i32
        %add3A_618 = arith.addi %add3A_617, %mul3A_616 : i32
        %get3A_619 = arith.index_cast %add3A_618 : i32 to index
        %get3A_620 = tpu.vector_load %arg10[%get3A_619] {strides = array<i32>} : memref<8192xi32, #tpu.memory_space<vmem>>, vector<16xi32>,
        %add3A_621 = arith.addi %add3A_614, %get3A_620 : vector<16xi32>
        %mul3A_622 = arith.constant 16 : i32
        %mul3A_623 = arith.muli %scan3A_508, %mul3A_622 : i32
        %swap3A_624 = arith.index_cast %mul3A_623 : i32 to index
        %swap3A_625 = tpu.vector_load %arg11[%swap3A_624] {strides = array<i32>} : memref<512xi32, #tpu.memory_space<vmem>>, vector<16xi32>,
        tpu.vector_store %arg11[%swap3A_624], %add3A_621 {strides = array<i32>} : memref<512xi32, #tpu.memory_space<vmem>>, vector<16xi32>,
        %scan3A_626 = arith.constant 0 : i32
        scf.yield %scan3A_626 : i32
      }
      %scan3A_403 = arith.constant 32 : i32
      %add3A_404 = arith.constant 2147483647 : i32
      %add3A_405 = vector.broadcast %add3A_404 : i32 to vector<16xi32>
      %add3A_406 = arith.addi %broadcast_in_dim3A_36, %add3A_405 : vector<16xi32>
      %scan3A_407 = arith.constant 0 : i32
      %scan3A_408 = arith.constant 0 : i32
      %scan3A_409 = arith.constant 32 : i32
      %scan3A_410 = arith.addi %scan3A_408, %scan3A_409 : i32
      %scan3A_411 = arith.constant 1 : i32
      %scan3A_412:4 = scf.for %scan3A_508 = %scan3A_408 to %scan3A_410 step %scan3A_411 iter_args(%scan3A_509 = %scan3A_407, %scan3A_510 = %add3A_406, %scan3A_511 = %add3A_406, %scan3A_512 = %add3A_406) -> (i32, vector<16xi32>, vector<16xi32>, vector<16xi32>)  : i32 {
        %mul3A_513 = arith.constant 16 : i32
        %mul3A_514 = arith.muli %scan3A_508, %mul3A_513 : i32
        %get3A_515 = arith.index_cast %mul3A_514 : i32 to index
        %get3A_516 = tpu.vector_load %arg11[%get3A_515] {strides = array<i32>} : memref<512xi32, #tpu.memory_space<vmem>>, vector<16xi32>,
        %broadcast_in_dim3A_517 = arith.constant true
        %broadcast_in_dim3A_518 = vector.broadcast %broadcast_in_dim3A_517 : i1 to vector<16xi1>
        %masked_cumsum3A = tpu.scan <sum>, %get3A_516 masked %broadcast_in_dim3A_518 : vector<16xi32>, vector<16xi1> -> vector<16xi32>
        %add3A_519 = vector.broadcast %scan3A_509 : i32 to vector<16xi32>
        %add3A_520 = arith.addi %masked_cumsum3A, %add3A_519 : vector<16xi32>
        %ge3A = vector.broadcast %squeeze3A_202 : i32 to vector<16xi32>
        %ge3A_521 = arith.cmpi sge, %add3A_520, %ge3A : vector<16xi32>
        %select_n3A_522 = arith.select %ge3A_521, %add3A_520, %add3A_406 : vector<16xi1>, vector<16xi32>
        %min3A = arith.minsi %scan3A_510, %select_n3A_522 : vector<16xi32>
        %sub3A_523 = arith.subi %add3A_520, %get3A_516 : vector<16xi32>
        %select_n3A_524 = arith.select %ge3A_521, %sub3A_523, %add3A_406 : vector<16xi1>, vector<16xi32>
        %min3A_525 = arith.minsi %scan3A_511, %select_n3A_524 : vector<16xi32>
        %mul3A_526 = arith.constant 16 : i32
        %mul3A_527 = arith.muli %scan3A_508, %mul3A_526 : i32
        %add3A_528 = vector.broadcast %mul3A_527 : i32 to vector<16xi32>
        %add3A_529 = arith.addi %iota3A, %add3A_528 : vector<16xi32>
        %select_n3A_530 = arith.select %ge3A_521, %add3A_529, %add3A_406 : vector<16xi1>, vector<16xi32>
        %min3A_531 = arith.minsi %scan3A_512, %select_n3A_530 : vector<16xi32>
        %slice3A_532 = vector.extract_strided_slice %add3A_520 {offsets = [15], sizes = [1], strides = [1]} : vector<16xi32> to vector<1xi32>
        %squeeze3A_533 = vector.extract %slice3A_532[0] : i32 from vector<1xi32>
        scf.yield %squeeze3A_533, %min3A, %min3A_525, %min3A_531 : i32, vector<16xi32>, vector<16xi32>, vector<16xi32>
      }
      %scan3A_413 = arith.constant 32 : i32
      %reduce_min3A = arith.constant true
      %reduce_min3A_414 = vector.broadcast %reduce_min3A : i1 to vector<16xi1>
      %reduce_min3A_415 = arith.constant -2147483648 : i32
      %reduce_min3A_416 = vector.broadcast %reduce_min3A_415 : i32 to vector<16xi32>
      %reduce_min3A_417 = arith.xori %scan3A_412#3, %reduce_min3A_416 : vector<16xi32>
      %reduce_min3A_418 = tpu.scan <min>, %reduce_min3A_417 masked %reduce_min3A_414 : vector<16xi32>, vector<16xi1> -> vector<16xi32>
      %reduce_min3A_419 = arith.xori %reduce_min3A_418, %reduce_min3A_416 : vector<16xi32>
      %reduce_min3A_420 = vector.extract %reduce_min3A_419[15] : i32 from vector<16xi32>
      %reduce_min3A_421 = arith.constant true
      %reduce_min3A_422 = vector.broadcast %reduce_min3A_421 : i1 to vector<16xi1>
      %reduce_min3A_423 = arith.constant -2147483648 : i32
      %reduce_min3A_424 = vector.broadcast %reduce_min3A_423 : i32 to vector<16xi32>
      %reduce_min3A_425 = arith.xori %scan3A_412#2, %reduce_min3A_424 : vector<16xi32>
      %reduce_min3A_426 = tpu.scan <min>, %reduce_min3A_425 masked %reduce_min3A_422 : vector<16xi32>, vector<16xi1> -> vector<16xi32>
      %reduce_min3A_427 = arith.xori %reduce_min3A_426, %reduce_min3A_424 : vector<16xi32>
      %reduce_min3A_428 = vector.extract %reduce_min3A_427[15] : i32 from vector<16xi32>
      %reduce_min3A_429 = arith.constant true
      %reduce_min3A_430 = vector.broadcast %reduce_min3A_429 : i1 to vector<16xi1>
      %reduce_min3A_431 = arith.constant -2147483648 : i32
      %reduce_min3A_432 = vector.broadcast %reduce_min3A_431 : i32 to vector<16xi32>
      %reduce_min3A_433 = arith.xori %scan3A_412#1, %reduce_min3A_432 : vector<16xi32>
      %reduce_min3A_434 = tpu.scan <min>, %reduce_min3A_433 masked %reduce_min3A_430 : vector<16xi32>, vector<16xi1> -> vector<16xi32>
      %reduce_min3A_435 = arith.xori %reduce_min3A_434, %reduce_min3A_432 : vector<16xi32>
      %reduce_min3A_436 = vector.extract %reduce_min3A_435[15] : i32 from vector<16xi32>
      %reduce_min3A_437 = arith.constant true
      %reduce_min3A_438 = vector.broadcast %reduce_min3A_437 : i1 to vector<16xi1>
      %reduce_min3A_439 = arith.constant -2147483648 : i32
      %reduce_min3A_440 = vector.broadcast %reduce_min3A_439 : i32 to vector<16xi32>
      %reduce_min3A_441 = arith.xori %scan3A_412#2, %reduce_min3A_440 : vector<16xi32>
      %reduce_min3A_442 = tpu.scan <min>, %reduce_min3A_441 masked %reduce_min3A_438 : vector<16xi32>, vector<16xi1> -> vector<16xi32>
      %reduce_min3A_443 = arith.xori %reduce_min3A_442, %reduce_min3A_440 : vector<16xi32>
      %reduce_min3A_444 = vector.extract %reduce_min3A_443[15] : i32 from vector<16xi32>
      %sub3A_445 = arith.subi %reduce_min3A_436, %reduce_min3A_444 : i32
      %shift_left3A = arith.constant 8 : i32
      %shift_left3A_446 = arith.shli %squeeze3A_200, %shift_left3A : i32
      %or3A = arith.ori %shift_left3A_446, %reduce_min3A_420 : i32
      %add3A_447 = vector.broadcast %or3A : i32 to vector<16xi32>
      %add3A_448 = arith.addi %broadcast_in_dim3A_36, %add3A_447 : vector<16xi32>
      %eq3A_449 = arith.constant 0 : i32
      %eq3A_450 = vector.broadcast %eq3A_449 : i32 to vector<16xi32>
      %eq3A_451 = arith.cmpi eq, %iota3A, %eq3A_450 : vector<16xi32>
      %jit3A = arith.constant 1 : i32
      %jit3A_452 = arith.constant 0 : i32
      %broadcast_in_dim3A_453 = vector.broadcast %jit3A : i32 to vector<16xi32>
      %broadcast_in_dim3A_454 = vector.broadcast %jit3A_452 : i32 to vector<16xi32>
      %select_n3A = arith.select %eq3A_451, %broadcast_in_dim3A_453, %broadcast_in_dim3A_454 : vector<16xi1>, vector<16xi32>
      %mul3A_455 = arith.muli %add3A_448, %select_n3A : vector<16xi32>
      %sub3A_456 = arith.subi %squeeze3A_202, %reduce_min3A_428 : i32
      %add3A_457 = vector.broadcast %sub3A_456 : i32 to vector<16xi32>
      %add3A_458 = arith.addi %broadcast_in_dim3A_36, %add3A_457 : vector<16xi32>
      %eq3A_459 = arith.constant 1 : i32
      %eq3A_460 = vector.broadcast %eq3A_459 : i32 to vector<16xi32>
      %eq3A_461 = arith.cmpi eq, %iota3A, %eq3A_460 : vector<16xi32>
      %jit3A_462 = arith.constant 1 : i32
      %jit3A_463 = arith.constant 0 : i32
      %broadcast_in_dim3A_464 = vector.broadcast %jit3A_462 : i32 to vector<16xi32>
      %broadcast_in_dim3A_465 = vector.broadcast %jit3A_463 : i32 to vector<16xi32>
      %select_n3A_466 = arith.select %eq3A_461, %broadcast_in_dim3A_464, %broadcast_in_dim3A_465 : vector<16xi1>, vector<16xi32>
      %mul3A_467 = arith.muli %add3A_458, %select_n3A_466 : vector<16xi32>
      %add3A_468 = arith.addi %mul3A_455, %mul3A_467 : vector<16xi32>
      %add3A_469 = arith.addi %squeeze3A_204, %reduce_min3A_428 : i32
      %add3A_470 = vector.broadcast %add3A_469 : i32 to vector<16xi32>
      %add3A_471 = arith.addi %broadcast_in_dim3A_36, %add3A_470 : vector<16xi32>
      %eq3A_472 = arith.constant 2 : i32
      %eq3A_473 = vector.broadcast %eq3A_472 : i32 to vector<16xi32>
      %eq3A_474 = arith.cmpi eq, %iota3A, %eq3A_473 : vector<16xi32>
      %jit3A_475 = arith.constant 1 : i32
      %jit3A_476 = arith.constant 0 : i32
      %broadcast_in_dim3A_477 = vector.broadcast %jit3A_475 : i32 to vector<16xi32>
      %broadcast_in_dim3A_478 = vector.broadcast %jit3A_476 : i32 to vector<16xi32>
      %select_n3A_479 = arith.select %eq3A_474, %broadcast_in_dim3A_477, %broadcast_in_dim3A_478 : vector<16xi1>, vector<16xi32>
      %mul3A_480 = arith.muli %add3A_471, %select_n3A_479 : vector<16xi32>
      %add3A_481 = arith.addi %add3A_468, %mul3A_480 : vector<16xi32>
      %add3A_482 = vector.broadcast %sub3A_445 : i32 to vector<16xi32>
      %add3A_483 = arith.addi %broadcast_in_dim3A_36, %add3A_482 : vector<16xi32>
      %eq3A_484 = arith.constant 3 : i32
      %eq3A_485 = vector.broadcast %eq3A_484 : i32 to vector<16xi32>
      %eq3A_486 = arith.cmpi eq, %iota3A, %eq3A_485 : vector<16xi32>
      %jit3A_487 = arith.constant 1 : i32
      %jit3A_488 = arith.constant 0 : i32
      %broadcast_in_dim3A_489 = vector.broadcast %jit3A_487 : i32 to vector<16xi32>
      %broadcast_in_dim3A_490 = vector.broadcast %jit3A_488 : i32 to vector<16xi32>
      %select_n3A_491 = arith.select %eq3A_486, %broadcast_in_dim3A_489, %broadcast_in_dim3A_490 : vector<16xi1>, vector<16xi32>
      %mul3A_492 = arith.muli %add3A_483, %select_n3A_491 : vector<16xi32>
      %add3A_493 = arith.addi %add3A_481, %mul3A_492 : vector<16xi32>
      %add3A_494 = vector.broadcast %squeeze3A_208 : i32 to vector<16xi32>
      %add3A_495 = arith.addi %broadcast_in_dim3A_36, %add3A_494 : vector<16xi32>
      %eq3A_496 = arith.constant 4 : i32
      %eq3A_497 = vector.broadcast %eq3A_496 : i32 to vector<16xi32>
      %eq3A_498 = arith.cmpi eq, %iota3A, %eq3A_497 : vector<16xi32>
      %jit3A_499 = arith.constant 1 : i32
      %jit3A_500 = arith.constant 0 : i32
      %broadcast_in_dim3A_501 = vector.broadcast %jit3A_499 : i32 to vector<16xi32>
      %broadcast_in_dim3A_502 = vector.broadcast %jit3A_500 : i32 to vector<16xi32>
      %select_n3A_503 = arith.select %eq3A_498, %broadcast_in_dim3A_501, %broadcast_in_dim3A_502 : vector<16xi1>, vector<16xi32>
      %mul3A_504 = arith.muli %add3A_495, %select_n3A_503 : vector<16xi32>
      %add3A_505 = arith.addi %add3A_493, %mul3A_504 : vector<16xi32>
      %swap3A_506 = arith.constant 0 : index
      %swap3A_507 = tpu.vector_load %arg12[%swap3A_506] {strides = array<i32>} : memref<16xi32, #tpu.memory_space<vmem>>, vector<16xi32>,
      tpu.vector_store %arg12[%swap3A_506], %add3A_505 {strides = array<i32>} : memref<16xi32, #tpu.memory_space<vmem>>, vector<16xi32>,
      "tpu.region"() ({
        %run_scoped3A = tpu.sem_alloc : memref<!tpu.dma_semaphore, #tpu.memory_space<semaphore_mem>>
        tpu.enqueue_dma source(%arg12 : memref<16xi32, #tpu.memory_space<vmem>>) target(%arg20 : memref<16xi32, #tpu.memory_space<vmem_shared>>) target_semaphore(%run_scoped3A : memref<!tpu.dma_semaphore, #tpu.memory_space<semaphore_mem>>)
        tpu.wait_dma2 semaphore(%run_scoped3A : memref<!tpu.dma_semaphore, #tpu.memory_space<semaphore_mem>>) src(%arg12 : memref<16xi32, #tpu.memory_space<vmem>>) dst(%arg20 : memref<16xi32, #tpu.memory_space<vmem_shared>>)
        tpu.yield
      }) : () -> ()
    } else {
    }
    %barrier3A_367 = arith.constant 0 : index
    tpu.barrier barrier_id(%barrier3A_367)
    "tpu.region"() ({
      %run_scoped3A = tpu.sem_alloc : memref<!tpu.dma_semaphore, #tpu.memory_space<semaphore_mem>>
      tpu.enqueue_dma source(%arg20 : memref<16xi32, #tpu.memory_space<vmem_shared>>) target(%arg12 : memref<16xi32, #tpu.memory_space<vmem>>) target_semaphore(%run_scoped3A : memref<!tpu.dma_semaphore, #tpu.memory_space<semaphore_mem>>)
      tpu.wait_dma2 semaphore(%run_scoped3A : memref<!tpu.dma_semaphore, #tpu.memory_space<semaphore_mem>>) src(%arg20 : memref<16xi32, #tpu.memory_space<vmem_shared>>) dst(%arg12 : memref<16xi32, #tpu.memory_space<vmem>>)
      tpu.yield
    }) : () -> ()
    %get3A_368 = arith.constant 0 : index
    %get3A_369 = tpu.vector_load %arg12[%get3A_368] {strides = array<i32>} : memref<16xi32, #tpu.memory_space<vmem>>, vector<16xi32>,
    %slice3A_370 = vector.extract_strided_slice %get3A_369 {offsets = [0], sizes = [1], strides = [1]} : vector<16xi32> to vector<1xi32>
    %squeeze3A_371 = vector.extract %slice3A_370[0] : i32 from vector<1xi32>
    %slice3A_372 = vector.extract_strided_slice %get3A_369 {offsets = [1], sizes = [1], strides = [1]} : vector<16xi32> to vector<1xi32>
    %squeeze3A_373 = vector.extract %slice3A_372[0] : i32 from vector<1xi32>
    %slice3A_374 = vector.extract_strided_slice %get3A_369 {offsets = [2], sizes = [1], strides = [1]} : vector<16xi32> to vector<1xi32>
    %squeeze3A_375 = vector.extract %slice3A_374[0] : i32 from vector<1xi32>
    %slice3A_376 = vector.extract_strided_slice %get3A_369 {offsets = [3], sizes = [1], strides = [1]} : vector<16xi32> to vector<1xi32>
    %squeeze3A_377 = vector.extract %slice3A_376[0] : i32 from vector<1xi32>
    %slice3A_378 = vector.extract_strided_slice %get3A_369 {offsets = [4], sizes = [1], strides = [1]} : vector<16xi32> to vector<1xi32>
    %squeeze3A_379 = vector.extract %slice3A_378[0] : i32 from vector<1xi32>
    %broadcast_in_dim3A_380 = arith.constant 0.000000e+00 : f32
    %broadcast_in_dim3A_381 = vector.broadcast %broadcast_in_dim3A_380 : f32 to vector<16xf32>
    %scan3A_382 = arith.constant 0 : i32
    %scan3A_383 = arith.constant 256 : i32
    %scan3A_384 = arith.addi %scan3A_382, %scan3A_383 : i32
    %scan3A_385 = arith.constant 1 : i32
    %scan3A_386 = scf.for %scan3A_397 = %scan3A_382 to %scan3A_384 step %scan3A_385 iter_args(%scan3A_398 = %broadcast_in_dim3A_381) -> (vector<16xf32>)  : i32 {
      %mul3A_399 = arith.constant 64 : i32
      %mul3A_400 = arith.muli %scan3A_397, %mul3A_399 : i32
      %add3A_401 = arith.constant 0 : i32
      %add3A_402 = arith.addi %mul3A_400, %add3A_401 : i32
      %get3A_403 = arith.index_cast %add3A_402 : i32 to index
      %get3A_404 = tpu.vector_load %arg7[%get3A_403] {strides = array<i32>} : memref<16384xi32, #tpu.memory_space<vmem>>, vector<16xi32>,
      %add3A_405 = arith.constant 1006632960 : i32
      %add3A_406 = vector.broadcast %add3A_405 : i32 to vector<16xi32>
      %add3A_407 = arith.addi %get3A_404, %add3A_406 : vector<16xi32>
      %bitcast_convert_type3A = tpu.bitcast %add3A_407 : vector<16xi32> -> vector<16xf32>
      %lt3A = vector.broadcast %squeeze3A_371 : i32 to vector<16xi32>
      %lt3A_408 = arith.cmpi slt, %get3A_404, %lt3A : vector<16xi32>
      %sub3A_409 = arith.constant 1.000000e+00 : f32
      %sub3A_410 = vector.broadcast %sub3A_409 : f32 to vector<16xf32>
      %sub3A_411 = arith.subf %sub3A_410, %bitcast_convert_type3A : vector<16xf32>
      %select_n3A = arith.select %lt3A_408, %sub3A_411, %bitcast_convert_type3A : vector<16xi1>, vector<16xf32>
      %sub3A_412 = arith.constant 1.000000e+00 : f32
      %sub3A_413 = vector.broadcast %sub3A_412 : f32 to vector<16xf32>
      %sub3A_414 = arith.subf %sub3A_413, %select_n3A : vector<16xf32>
      %mul3A_415 = arith.mulf %sub3A_414, %sub3A_414 : vector<16xf32>
      %bitcast_convert_type3A_416 = tpu.bitcast %select_n3A : vector<16xf32> -> vector<16xi32>
      %shift_right_arithmetic3A_417 = arith.constant 23 : i32
      %shift_right_arithmetic3A_418 = vector.broadcast %shift_right_arithmetic3A_417 : i32 to vector<16xi32>
      %shift_right_arithmetic3A_419 = arith.shrsi %bitcast_convert_type3A_416, %shift_right_arithmetic3A_418 : vector<16xi32>
      %convert_element_type3A_420 = arith.sitofp %shift_right_arithmetic3A_419 : vector<16xi32> to vector<16xf32>
      %and3A = arith.constant 8388607 : i32
      %and3A_421 = vector.broadcast %and3A : i32 to vector<16xi32>
      %and3A_422 = arith.andi %bitcast_convert_type3A_416, %and3A_421 : vector<16xi32>
      %or3A = arith.constant 1065353216 : i32
      %or3A_423 = vector.broadcast %or3A : i32 to vector<16xi32>
      %or3A_424 = arith.ori %and3A_422, %or3A_423 : vector<16xi32>
      %bitcast_convert_type3A_425 = tpu.bitcast %or3A_424 : vector<16xi32> -> vector<16xf32>
      %sub3A_426 = arith.constant 1.000000e+00 : f32
      %sub3A_427 = vector.broadcast %sub3A_426 : f32 to vector<16xf32>
      %sub3A_428 = arith.subf %bitcast_convert_type3A_425, %sub3A_427 : vector<16xf32>
      %mul3A_429 = arith.constant -1.720780e-02 : f32
      %mul3A_430 = vector.broadcast %mul3A_429 : f32 to vector<16xf32>
      %mul3A_431 = arith.mulf %mul3A_430, %sub3A_428 : vector<16xf32>
      %add3A_432 = arith.constant 0.0817256421 : f32
      %add3A_433 = vector.broadcast %add3A_432 : f32 to vector<16xf32>
      %add3A_434 = arith.addf %mul3A_431, %add3A_433 : vector<16xf32>
      %mul3A_435 = arith.mulf %add3A_434, %sub3A_428 : vector<16xf32>
      %add3A_436 = arith.constant -0.188780829 : f32
      %add3A_437 = vector.broadcast %add3A_436 : f32 to vector<16xf32>
      %add3A_438 = arith.addf %mul3A_435, %add3A_437 : vector<16xf32>
      %mul3A_439 = arith.mulf %add3A_438, %sub3A_428 : vector<16xf32>
      %add3A_440 = arith.constant 0.314589173 : f32
      %add3A_441 = vector.broadcast %add3A_440 : f32 to vector<16xf32>
      %add3A_442 = arith.addf %mul3A_439, %add3A_441 : vector<16xf32>
      %mul3A_443 = arith.mulf %add3A_442, %sub3A_428 : vector<16xf32>
      %add3A_444 = arith.constant -0.496977419 : f32
      %add3A_445 = vector.broadcast %add3A_444 : f32 to vector<16xf32>
      %add3A_446 = arith.addf %mul3A_443, %add3A_445 : vector<16xf32>
      %mul3A_447 = arith.mulf %add3A_446, %sub3A_428 : vector<16xf32>
      %add3A_448 = arith.constant 0.999792337 : f32
      %add3A_449 = vector.broadcast %add3A_448 : f32 to vector<16xf32>
      %add3A_450 = arith.addf %mul3A_447, %add3A_449 : vector<16xf32>
      %mul3A_451 = arith.mulf %add3A_450, %sub3A_428 : vector<16xf32>
      %add3A_452 = arith.constant -88.029686 : f32
      %add3A_453 = vector.broadcast %add3A_452 : f32 to vector<16xf32>
      %add3A_454 = arith.addf %mul3A_451, %add3A_453 : vector<16xf32>
      %mul3A_455 = arith.constant 0.693147182 : f32
      %mul3A_456 = vector.broadcast %mul3A_455 : f32 to vector<16xf32>
      %mul3A_457 = arith.mulf %convert_element_type3A_420, %mul3A_456 : vector<16xf32>
      %add3A_458 = arith.addf %mul3A_457, %add3A_454 : vector<16xf32>
      %mul3A_459 = arith.mulf %mul3A_415, %add3A_458 : vector<16xf32>
      %sub3A_460 = arith.subf %scan3A_398, %mul3A_459 : vector<16xf32>
      %mul3A_461 = arith.constant 64 : i32
      %mul3A_462 = arith.muli %scan3A_397, %mul3A_461 : i32
      %add3A_463 = arith.constant 16 : i32
      %add3A_464 = arith.addi %mul3A_462, %add3A_463 : i32
      %get3A_465 = arith.index_cast %add3A_464 : i32 to index
      %get3A_466 = tpu.vector_load %arg7[%get3A_465] {strides = array<i32>} : memref<16384xi32, #tpu.memory_space<vmem>>, vector<16xi32>,
      %add3A_467 = arith.constant 1006632960 : i32
      %add3A_468 = vector.broadcast %add3A_467 : i32 to vector<16xi32>
      %add3A_469 = arith.addi %get3A_466, %add3A_468 : vector<16xi32>
      %bitcast_convert_type3A_470 = tpu.bitcast %add3A_469 : vector<16xi32> -> vector<16xf32>
      %lt3A_471 = vector.broadcast %squeeze3A_371 : i32 to vector<16xi32>
      %lt3A_472 = arith.cmpi slt, %get3A_466, %lt3A_471 : vector<16xi32>
      %sub3A_473 = arith.constant 1.000000e+00 : f32
      %sub3A_474 = vector.broadcast %sub3A_473 : f32 to vector<16xf32>
      %sub3A_475 = arith.subf %sub3A_474, %bitcast_convert_type3A_470 : vector<16xf32>
      %select_n3A_476 = arith.select %lt3A_472, %sub3A_475, %bitcast_convert_type3A_470 : vector<16xi1>, vector<16xf32>
      %sub3A_477 = arith.constant 1.000000e+00 : f32
      %sub3A_478 = vector.broadcast %sub3A_477 : f32 to vector<16xf32>
      %sub3A_479 = arith.subf %sub3A_478, %select_n3A_476 : vector<16xf32>
      %mul3A_480 = arith.mulf %sub3A_479, %sub3A_479 : vector<16xf32>
      %bitcast_convert_type3A_481 = tpu.bitcast %select_n3A_476 : vector<16xf32> -> vector<16xi32>
      %shift_right_arithmetic3A_482 = arith.constant 23 : i32
      %shift_right_arithmetic3A_483 = vector.broadcast %shift_right_arithmetic3A_482 : i32 to vector<16xi32>
      %shift_right_arithmetic3A_484 = arith.shrsi %bitcast_convert_type3A_481, %shift_right_arithmetic3A_483 : vector<16xi32>
      %convert_element_type3A_485 = arith.sitofp %shift_right_arithmetic3A_484 : vector<16xi32> to vector<16xf32>
      %and3A_486 = arith.constant 8388607 : i32
      %and3A_487 = vector.broadcast %and3A_486 : i32 to vector<16xi32>
      %and3A_488 = arith.andi %bitcast_convert_type3A_481, %and3A_487 : vector<16xi32>
      %or3A_489 = arith.constant 1065353216 : i32
      %or3A_490 = vector.broadcast %or3A_489 : i32 to vector<16xi32>
      %or3A_491 = arith.ori %and3A_488, %or3A_490 : vector<16xi32>
      %bitcast_convert_type3A_492 = tpu.bitcast %or3A_491 : vector<16xi32> -> vector<16xf32>
      %sub3A_493 = arith.constant 1.000000e+00 : f32
      %sub3A_494 = vector.broadcast %sub3A_493 : f32 to vector<16xf32>
      %sub3A_495 = arith.subf %bitcast_convert_type3A_492, %sub3A_494 : vector<16xf32>
      %mul3A_496 = arith.constant -1.720780e-02 : f32
      %mul3A_497 = vector.broadcast %mul3A_496 : f32 to vector<16xf32>
      %mul3A_498 = arith.mulf %mul3A_497, %sub3A_495 : vector<16xf32>
      %add3A_499 = arith.constant 0.0817256421 : f32
      %add3A_500 = vector.broadcast %add3A_499 : f32 to vector<16xf32>
      %add3A_501 = arith.addf %mul3A_498, %add3A_500 : vector<16xf32>
      %mul3A_502 = arith.mulf %add3A_501, %sub3A_495 : vector<16xf32>
      %add3A_503 = arith.constant -0.188780829 : f32
      %add3A_504 = vector.broadcast %add3A_503 : f32 to vector<16xf32>
      %add3A_505 = arith.addf %mul3A_502, %add3A_504 : vector<16xf32>
      %mul3A_506 = arith.mulf %add3A_505, %sub3A_495 : vector<16xf32>
      %add3A_507 = arith.constant 0.314589173 : f32
      %add3A_508 = vector.broadcast %add3A_507 : f32 to vector<16xf32>
      %add3A_509 = arith.addf %mul3A_506, %add3A_508 : vector<16xf32>
      %mul3A_510 = arith.mulf %add3A_509, %sub3A_495 : vector<16xf32>
      %add3A_511 = arith.constant -0.496977419 : f32
      %add3A_512 = vector.broadcast %add3A_511 : f32 to vector<16xf32>
      %add3A_513 = arith.addf %mul3A_510, %add3A_512 : vector<16xf32>
      %mul3A_514 = arith.mulf %add3A_513, %sub3A_495 : vector<16xf32>
      %add3A_515 = arith.constant 0.999792337 : f32
      %add3A_516 = vector.broadcast %add3A_515 : f32 to vector<16xf32>
      %add3A_517 = arith.addf %mul3A_514, %add3A_516 : vector<16xf32>
      %mul3A_518 = arith.mulf %add3A_517, %sub3A_495 : vector<16xf32>
      %add3A_519 = arith.constant -88.029686 : f32
      %add3A_520 = vector.broadcast %add3A_519 : f32 to vector<16xf32>
      %add3A_521 = arith.addf %mul3A_518, %add3A_520 : vector<16xf32>
      %mul3A_522 = arith.constant 0.693147182 : f32
      %mul3A_523 = vector.broadcast %mul3A_522 : f32 to vector<16xf32>
      %mul3A_524 = arith.mulf %convert_element_type3A_485, %mul3A_523 : vector<16xf32>
      %add3A_525 = arith.addf %mul3A_524, %add3A_521 : vector<16xf32>
      %mul3A_526 = arith.mulf %mul3A_480, %add3A_525 : vector<16xf32>
      %sub3A_527 = arith.subf %sub3A_460, %mul3A_526 : vector<16xf32>
      %mul3A_528 = arith.constant 64 : i32
      %mul3A_529 = arith.muli %scan3A_397, %mul3A_528 : i32
      %add3A_530 = arith.constant 32 : i32
      %add3A_531 = arith.addi %mul3A_529, %add3A_530 : i32
      %get3A_532 = arith.index_cast %add3A_531 : i32 to index
      %get3A_533 = tpu.vector_load %arg7[%get3A_532] {strides = array<i32>} : memref<16384xi32, #tpu.memory_space<vmem>>, vector<16xi32>,
      %add3A_534 = arith.constant 1006632960 : i32
      %add3A_535 = vector.broadcast %add3A_534 : i32 to vector<16xi32>
      %add3A_536 = arith.addi %get3A_533, %add3A_535 : vector<16xi32>
      %bitcast_convert_type3A_537 = tpu.bitcast %add3A_536 : vector<16xi32> -> vector<16xf32>
      %lt3A_538 = vector.broadcast %squeeze3A_371 : i32 to vector<16xi32>
      %lt3A_539 = arith.cmpi slt, %get3A_533, %lt3A_538 : vector<16xi32>
      %sub3A_540 = arith.constant 1.000000e+00 : f32
      %sub3A_541 = vector.broadcast %sub3A_540 : f32 to vector<16xf32>
      %sub3A_542 = arith.subf %sub3A_541, %bitcast_convert_type3A_537 : vector<16xf32>
      %select_n3A_543 = arith.select %lt3A_539, %sub3A_542, %bitcast_convert_type3A_537 : vector<16xi1>, vector<16xf32>
      %sub3A_544 = arith.constant 1.000000e+00 : f32
      %sub3A_545 = vector.broadcast %sub3A_544 : f32 to vector<16xf32>
      %sub3A_546 = arith.subf %sub3A_545, %select_n3A_543 : vector<16xf32>
      %mul3A_547 = arith.mulf %sub3A_546, %sub3A_546 : vector<16xf32>
      %bitcast_convert_type3A_548 = tpu.bitcast %select_n3A_543 : vector<16xf32> -> vector<16xi32>
      %shift_right_arithmetic3A_549 = arith.constant 23 : i32
      %shift_right_arithmetic3A_550 = vector.broadcast %shift_right_arithmetic3A_549 : i32 to vector<16xi32>
      %shift_right_arithmetic3A_551 = arith.shrsi %bitcast_convert_type3A_548, %shift_right_arithmetic3A_550 : vector<16xi32>
      %convert_element_type3A_552 = arith.sitofp %shift_right_arithmetic3A_551 : vector<16xi32> to vector<16xf32>
      %and3A_553 = arith.constant 8388607 : i32
      %and3A_554 = vector.broadcast %and3A_553 : i32 to vector<16xi32>
      %and3A_555 = arith.andi %bitcast_convert_type3A_548, %and3A_554 : vector<16xi32>
      %or3A_556 = arith.constant 1065353216 : i32
      %or3A_557 = vector.broadcast %or3A_556 : i32 to vector<16xi32>
      %or3A_558 = arith.ori %and3A_555, %or3A_557 : vector<16xi32>
      %bitcast_convert_type3A_559 = tpu.bitcast %or3A_558 : vector<16xi32> -> vector<16xf32>
      %sub3A_560 = arith.constant 1.000000e+00 : f32
      %sub3A_561 = vector.broadcast %sub3A_560 : f32 to vector<16xf32>
      %sub3A_562 = arith.subf %bitcast_convert_type3A_559, %sub3A_561 : vector<16xf32>
      %mul3A_563 = arith.constant -1.720780e-02 : f32
      %mul3A_564 = vector.broadcast %mul3A_563 : f32 to vector<16xf32>
      %mul3A_565 = arith.mulf %mul3A_564, %sub3A_562 : vector<16xf32>
      %add3A_566 = arith.constant 0.0817256421 : f32
      %add3A_567 = vector.broadcast %add3A_566 : f32 to vector<16xf32>
      %add3A_568 = arith.addf %mul3A_565, %add3A_567 : vector<16xf32>
      %mul3A_569 = arith.mulf %add3A_568, %sub3A_562 : vector<16xf32>
      %add3A_570 = arith.constant -0.188780829 : f32
      %add3A_571 = vector.broadcast %add3A_570 : f32 to vector<16xf32>
      %add3A_572 = arith.addf %mul3A_569, %add3A_571 : vector<16xf32>
      %mul3A_573 = arith.mulf %add3A_572, %sub3A_562 : vector<16xf32>
      %add3A_574 = arith.constant 0.314589173 : f32
      %add3A_575 = vector.broadcast %add3A_574 : f32 to vector<16xf32>
      %add3A_576 = arith.addf %mul3A_573, %add3A_575 : vector<16xf32>
      %mul3A_577 = arith.mulf %add3A_576, %sub3A_562 : vector<16xf32>
      %add3A_578 = arith.constant -0.496977419 : f32
      %add3A_579 = vector.broadcast %add3A_578 : f32 to vector<16xf32>
      %add3A_580 = arith.addf %mul3A_577, %add3A_579 : vector<16xf32>
      %mul3A_581 = arith.mulf %add3A_580, %sub3A_562 : vector<16xf32>
      %add3A_582 = arith.constant 0.999792337 : f32
      %add3A_583 = vector.broadcast %add3A_582 : f32 to vector<16xf32>
      %add3A_584 = arith.addf %mul3A_581, %add3A_583 : vector<16xf32>
      %mul3A_585 = arith.mulf %add3A_584, %sub3A_562 : vector<16xf32>
      %add3A_586 = arith.constant -88.029686 : f32
      %add3A_587 = vector.broadcast %add3A_586 : f32 to vector<16xf32>
      %add3A_588 = arith.addf %mul3A_585, %add3A_587 : vector<16xf32>
      %mul3A_589 = arith.constant 0.693147182 : f32
      %mul3A_590 = vector.broadcast %mul3A_589 : f32 to vector<16xf32>
      %mul3A_591 = arith.mulf %convert_element_type3A_552, %mul3A_590 : vector<16xf32>
      %add3A_592 = arith.addf %mul3A_591, %add3A_588 : vector<16xf32>
      %mul3A_593 = arith.mulf %mul3A_547, %add3A_592 : vector<16xf32>
      %sub3A_594 = arith.subf %sub3A_527, %mul3A_593 : vector<16xf32>
      %mul3A_595 = arith.constant 64 : i32
      %mul3A_596 = arith.muli %scan3A_397, %mul3A_595 : i32
      %add3A_597 = arith.constant 48 : i32
      %add3A_598 = arith.addi %mul3A_596, %add3A_597 : i32
      %get3A_599 = arith.index_cast %add3A_598 : i32 to index
      %get3A_600 = tpu.vector_load %arg7[%get3A_599] {strides = array<i32>} : memref<16384xi32, #tpu.memory_space<vmem>>, vector<16xi32>,
      %add3A_601 = arith.constant 1006632960 : i32
      %add3A_602 = vector.broadcast %add3A_601 : i32 to vector<16xi32>
      %add3A_603 = arith.addi %get3A_600, %add3A_602 : vector<16xi32>
      %bitcast_convert_type3A_604 = tpu.bitcast %add3A_603 : vector<16xi32> -> vector<16xf32>
      %lt3A_605 = vector.broadcast %squeeze3A_371 : i32 to vector<16xi32>
      %lt3A_606 = arith.cmpi slt, %get3A_600, %lt3A_605 : vector<16xi32>
      %sub3A_607 = arith.constant 1.000000e+00 : f32
      %sub3A_608 = vector.broadcast %sub3A_607 : f32 to vector<16xf32>
      %sub3A_609 = arith.subf %sub3A_608, %bitcast_convert_type3A_604 : vector<16xf32>
      %select_n3A_610 = arith.select %lt3A_606, %sub3A_609, %bitcast_convert_type3A_604 : vector<16xi1>, vector<16xf32>
      %sub3A_611 = arith.constant 1.000000e+00 : f32
      %sub3A_612 = vector.broadcast %sub3A_611 : f32 to vector<16xf32>
      %sub3A_613 = arith.subf %sub3A_612, %select_n3A_610 : vector<16xf32>
      %mul3A_614 = arith.mulf %sub3A_613, %sub3A_613 : vector<16xf32>
      %bitcast_convert_type3A_615 = tpu.bitcast %select_n3A_610 : vector<16xf32> -> vector<16xi32>
      %shift_right_arithmetic3A_616 = arith.constant 23 : i32
      %shift_right_arithmetic3A_617 = vector.broadcast %shift_right_arithmetic3A_616 : i32 to vector<16xi32>
      %shift_right_arithmetic3A_618 = arith.shrsi %bitcast_convert_type3A_615, %shift_right_arithmetic3A_617 : vector<16xi32>
      %convert_element_type3A_619 = arith.sitofp %shift_right_arithmetic3A_618 : vector<16xi32> to vector<16xf32>
      %and3A_620 = arith.constant 8388607 : i32
      %and3A_621 = vector.broadcast %and3A_620 : i32 to vector<16xi32>
      %and3A_622 = arith.andi %bitcast_convert_type3A_615, %and3A_621 : vector<16xi32>
      %or3A_623 = arith.constant 1065353216 : i32
      %or3A_624 = vector.broadcast %or3A_623 : i32 to vector<16xi32>
      %or3A_625 = arith.ori %and3A_622, %or3A_624 : vector<16xi32>
      %bitcast_convert_type3A_626 = tpu.bitcast %or3A_625 : vector<16xi32> -> vector<16xf32>
      %sub3A_627 = arith.constant 1.000000e+00 : f32
      %sub3A_628 = vector.broadcast %sub3A_627 : f32 to vector<16xf32>
      %sub3A_629 = arith.subf %bitcast_convert_type3A_626, %sub3A_628 : vector<16xf32>
      %mul3A_630 = arith.constant -1.720780e-02 : f32
      %mul3A_631 = vector.broadcast %mul3A_630 : f32 to vector<16xf32>
      %mul3A_632 = arith.mulf %mul3A_631, %sub3A_629 : vector<16xf32>
      %add3A_633 = arith.constant 0.0817256421 : f32
      %add3A_634 = vector.broadcast %add3A_633 : f32 to vector<16xf32>
      %add3A_635 = arith.addf %mul3A_632, %add3A_634 : vector<16xf32>
      %mul3A_636 = arith.mulf %add3A_635, %sub3A_629 : vector<16xf32>
      %add3A_637 = arith.constant -0.188780829 : f32
      %add3A_638 = vector.broadcast %add3A_637 : f32 to vector<16xf32>
      %add3A_639 = arith.addf %mul3A_636, %add3A_638 : vector<16xf32>
      %mul3A_640 = arith.mulf %add3A_639, %sub3A_629 : vector<16xf32>
      %add3A_641 = arith.constant 0.314589173 : f32
      %add3A_642 = vector.broadcast %add3A_641 : f32 to vector<16xf32>
      %add3A_643 = arith.addf %mul3A_640, %add3A_642 : vector<16xf32>
      %mul3A_644 = arith.mulf %add3A_643, %sub3A_629 : vector<16xf32>
      %add3A_645 = arith.constant -0.496977419 : f32
      %add3A_646 = vector.broadcast %add3A_645 : f32 to vector<16xf32>
      %add3A_647 = arith.addf %mul3A_644, %add3A_646 : vector<16xf32>
      %mul3A_648 = arith.mulf %add3A_647, %sub3A_629 : vector<16xf32>
      %add3A_649 = arith.constant 0.999792337 : f32
      %add3A_650 = vector.broadcast %add3A_649 : f32 to vector<16xf32>
      %add3A_651 = arith.addf %mul3A_648, %add3A_650 : vector<16xf32>
      %mul3A_652 = arith.mulf %add3A_651, %sub3A_629 : vector<16xf32>
      %add3A_653 = arith.constant -88.029686 : f32
      %add3A_654 = vector.broadcast %add3A_653 : f32 to vector<16xf32>
      %add3A_655 = arith.addf %mul3A_652, %add3A_654 : vector<16xf32>
      %mul3A_656 = arith.constant 0.693147182 : f32
      %mul3A_657 = vector.broadcast %mul3A_656 : f32 to vector<16xf32>
      %mul3A_658 = arith.mulf %convert_element_type3A_619, %mul3A_657 : vector<16xf32>
      %add3A_659 = arith.addf %mul3A_658, %add3A_655 : vector<16xf32>
      %mul3A_660 = arith.mulf %mul3A_614, %add3A_659 : vector<16xf32>
      %sub3A_661 = arith.subf %sub3A_594, %mul3A_660 : vector<16xf32>
      scf.yield %sub3A_661 : vector<16xf32>
    }
    %scan3A_387 = arith.constant 256 : i32
    %swap3A = arith.constant 0 : index
    %swap3A_388 = tpu.vector_load %arg13[%swap3A] {strides = array<i32>} : memref<16xf32, #tpu.memory_space<vmem>>, vector<16xf32>,
    tpu.vector_store %arg13[%swap3A], %scan3A_386 {strides = array<i32>} : memref<16xf32, #tpu.memory_space<vmem>>, vector<16xf32>,
    %mul3A_389 = arith.constant 16 : i32
    %mul3A_390 = arith.muli %arg1, %mul3A_389 : i32
    "tpu.region"() ({
      %run_scoped3A = tpu.sem_alloc : memref<!tpu.dma_semaphore, #tpu.memory_space<semaphore_mem>>
      %dma_start3A_397 = tpu.memref_slice %arg21[%mul3A_390] : memref<256xf32, #tpu.memory_space<vmem_shared>> -> memref<16xf32, #tpu.memory_space<vmem_shared>>
      %dma_start3A_398 = tpu.memref_slice %arg21[%mul3A_390] : memref<256xf32, #tpu.memory_space<vmem_shared>> -> memref<16xf32, #tpu.memory_space<vmem_shared>>
      tpu.enqueue_dma source(%arg13 : memref<16xf32, #tpu.memory_space<vmem>>) target(%dma_start3A_398 : memref<16xf32, #tpu.memory_space<vmem_shared>>) target_semaphore(%run_scoped3A : memref<!tpu.dma_semaphore, #tpu.memory_space<semaphore_mem>>)
      %dma_wait3A_399 = tpu.memref_slice %arg21[%mul3A_390] : memref<256xf32, #tpu.memory_space<vmem_shared>> -> memref<16xf32, #tpu.memory_space<vmem_shared>>
      %dma_wait3A_400 = tpu.memref_slice %arg21[%mul3A_390] : memref<256xf32, #tpu.memory_space<vmem_shared>> -> memref<16xf32, #tpu.memory_space<vmem_shared>>
      tpu.wait_dma2 semaphore(%run_scoped3A : memref<!tpu.dma_semaphore, #tpu.memory_space<semaphore_mem>>) src(%arg13 : memref<16xf32, #tpu.memory_space<vmem>>) dst(%dma_wait3A_400 : memref<16xf32, #tpu.memory_space<vmem_shared>>)
      tpu.yield
    }) : () -> ()
    %barrier3A_391 = arith.constant 0 : index
    tpu.barrier barrier_id(%barrier3A_391)
    %eq3A_392 = arith.constant 0 : i32
    %eq3A_393 = arith.cmpi eq, %arg1, %eq3A_392 : i32
    %convert_element_type3A_394 = arith.extui %eq3A_393 : i1 to i32
    %cond3A_395 = arith.constant 0 : i32
    %cond3A_396 = arith.cmpi ne, %convert_element_type3A_394, %cond3A_395 : i32
    scf.if %cond3A_396 {
      "tpu.region"() ({
        %run_scoped3A = tpu.sem_alloc : memref<!tpu.dma_semaphore, #tpu.memory_space<semaphore_mem>>
        tpu.enqueue_dma source(%arg21 : memref<256xf32, #tpu.memory_space<vmem_shared>>) target(%arg14 : memref<256xf32, #tpu.memory_space<vmem>>) target_semaphore(%run_scoped3A : memref<!tpu.dma_semaphore, #tpu.memory_space<semaphore_mem>>)
        tpu.wait_dma2 semaphore(%run_scoped3A : memref<!tpu.dma_semaphore, #tpu.memory_space<semaphore_mem>>) src(%arg21 : memref<256xf32, #tpu.memory_space<vmem_shared>>) dst(%arg14 : memref<256xf32, #tpu.memory_space<vmem>>)
        tpu.yield
      }) : () -> ()
      %broadcast_in_dim3A_397 = arith.constant 0.000000e+00 : f32
      %broadcast_in_dim3A_398 = vector.broadcast %broadcast_in_dim3A_397 : f32 to vector<16xf32>
      %scan3A_399 = arith.constant 0 : i32
      %scan3A_400 = arith.constant 16 : i32
      %scan3A_401 = arith.addi %scan3A_399, %scan3A_400 : i32
      %scan3A_402 = arith.constant 1 : i32
      %scan3A_403 = scf.for %scan3A_552 = %scan3A_399 to %scan3A_401 step %scan3A_402 iter_args(%scan3A_553 = %broadcast_in_dim3A_398) -> (vector<16xf32>)  : i32 {
        %mul3A_554 = arith.constant 16 : i32
        %mul3A_555 = arith.muli %scan3A_552, %mul3A_554 : i32
        %get3A_556 = arith.index_cast %mul3A_555 : i32 to index
        %get3A_557 = tpu.vector_load %arg14[%get3A_556] {strides = array<i32>} : memref<256xf32, #tpu.memory_space<vmem>>, vector<16xf32>,
        %add3A_558 = arith.addf %scan3A_553, %get3A_557 : vector<16xf32>
        scf.yield %add3A_558 : vector<16xf32>
      }
      %scan3A_404 = arith.constant 16 : i32
      %reduce_sum3A = arith.constant true
      %reduce_sum3A_405 = vector.broadcast %reduce_sum3A : i1 to vector<16xi1>
      %reduce_sum3A_406 = tpu.scan <sum>, %scan3A_403 masked %reduce_sum3A_405 : vector<16xf32>, vector<16xi1> -> vector<16xf32>
      %reduce_sum3A_407 = vector.extract %reduce_sum3A_406[15] : f32 from vector<16xf32>
      %jit3A = arith.constant 4 : i32
      %div3A = arith.divsi %squeeze3A_379, %jit3A : i32
      %sign3A = arith.constant 0 : i32
      %sign3A_408 = arith.cmpi sgt, %squeeze3A_379, %sign3A : i32
      %sign3A_409 = arith.extui %sign3A_408 : i1 to i32
      %sign3A_410 = arith.constant 0 : i32
      %sign3A_411 = arith.cmpi slt, %squeeze3A_379, %sign3A_410 : i32
      %sign3A_412 = arith.extui %sign3A_411 : i1 to i32
      %sign3A_413 = arith.subi %sign3A_409, %sign3A_412 : i32
      %sign3A_414 = arith.constant 0 : i32
      %sign3A_415 = arith.cmpi sgt, %jit3A, %sign3A_414 : i32
      %sign3A_416 = arith.extui %sign3A_415 : i1 to i32
      %sign3A_417 = arith.constant 0 : i32
      %sign3A_418 = arith.cmpi slt, %jit3A, %sign3A_417 : i32
      %sign3A_419 = arith.extui %sign3A_418 : i1 to i32
      %sign3A_420 = arith.subi %sign3A_416, %sign3A_419 : i32
      %ne3A = arith.cmpi ne, %sign3A_413, %sign3A_420 : i32
      %rem3A = arith.remsi %squeeze3A_379, %jit3A : i32
      %ne3A_421 = arith.constant 0 : i32
      %ne3A_422 = arith.cmpi ne, %rem3A, %ne3A_421 : i32
      %and3A = arith.andi %ne3A, %ne3A_422 : i1
      %sub3A_423 = arith.constant 1 : i32
      %sub3A_424 = arith.subi %div3A, %sub3A_423 : i32
      %select_n3A = arith.select %and3A, %sub3A_424, %div3A : i32
      %sub3A_425 = arith.subi %squeeze3A_379, %select_n3A : i32
      %sub3A_426 = arith.subi %sub3A_425, %squeeze3A_375 : i32
      %add3A_427 = arith.constant 1006632960 : i32
      %add3A_428 = arith.addi %squeeze3A_371, %add3A_427 : i32
      %add3A_429 = vector.broadcast %add3A_428 : i32 to vector<16xi32>
      %add3A_430 = arith.addi %broadcast_in_dim3A_36, %add3A_429 : vector<16xi32>
      %bitcast_convert_type3A = tpu.bitcast %add3A_430 : vector<16xi32> -> vector<16xf32>
      %mul3A_431 = arith.mulf %bitcast_convert_type3A, %bitcast_convert_type3A : vector<16xf32>
      %neg3A = arith.constant 0.000000e+00 : f32
      %neg3A_432 = vector.broadcast %neg3A : f32 to vector<16xf32>
      %neg3A_433 = arith.subf %neg3A_432, %mul3A_431 : vector<16xf32>
      %sub3A_434 = arith.constant 1.000000e+00 : f32
      %sub3A_435 = vector.broadcast %sub3A_434 : f32 to vector<16xf32>
      %sub3A_436 = arith.subf %sub3A_435, %bitcast_convert_type3A : vector<16xf32>
      %bitcast_convert_type3A_437 = tpu.bitcast %sub3A_436 : vector<16xf32> -> vector<16xi32>
      %shift_right_arithmetic3A_438 = arith.constant 23 : i32
      %shift_right_arithmetic3A_439 = vector.broadcast %shift_right_arithmetic3A_438 : i32 to vector<16xi32>
      %shift_right_arithmetic3A_440 = arith.shrsi %bitcast_convert_type3A_437, %shift_right_arithmetic3A_439 : vector<16xi32>
      %convert_element_type3A_441 = arith.sitofp %shift_right_arithmetic3A_440 : vector<16xi32> to vector<16xf32>
      %and3A_442 = arith.constant 8388607 : i32
      %and3A_443 = vector.broadcast %and3A_442 : i32 to vector<16xi32>
      %and3A_444 = arith.andi %bitcast_convert_type3A_437, %and3A_443 : vector<16xi32>
      %or3A = arith.constant 1065353216 : i32
      %or3A_445 = vector.broadcast %or3A : i32 to vector<16xi32>
      %or3A_446 = arith.ori %and3A_444, %or3A_445 : vector<16xi32>
      %bitcast_convert_type3A_447 = tpu.bitcast %or3A_446 : vector<16xi32> -> vector<16xf32>
      %sub3A_448 = arith.constant 1.000000e+00 : f32
      %sub3A_449 = vector.broadcast %sub3A_448 : f32 to vector<16xf32>
      %sub3A_450 = arith.subf %bitcast_convert_type3A_447, %sub3A_449 : vector<16xf32>
      %mul3A_451 = arith.constant -1.720780e-02 : f32
      %mul3A_452 = vector.broadcast %mul3A_451 : f32 to vector<16xf32>
      %mul3A_453 = arith.mulf %mul3A_452, %sub3A_450 : vector<16xf32>
      %add3A_454 = arith.constant 0.0817256421 : f32
      %add3A_455 = vector.broadcast %add3A_454 : f32 to vector<16xf32>
      %add3A_456 = arith.addf %mul3A_453, %add3A_455 : vector<16xf32>
      %mul3A_457 = arith.mulf %add3A_456, %sub3A_450 : vector<16xf32>
      %add3A_458 = arith.constant -0.188780829 : f32
      %add3A_459 = vector.broadcast %add3A_458 : f32 to vector<16xf32>
      %add3A_460 = arith.addf %mul3A_457, %add3A_459 : vector<16xf32>
      %mul3A_461 = arith.mulf %add3A_460, %sub3A_450 : vector<16xf32>
      %add3A_462 = arith.constant 0.314589173 : f32
      %add3A_463 = vector.broadcast %add3A_462 : f32 to vector<16xf32>
      %add3A_464 = arith.addf %mul3A_461, %add3A_463 : vector<16xf32>
      %mul3A_465 = arith.mulf %add3A_464, %sub3A_450 : vector<16xf32>
      %add3A_466 = arith.constant -0.496977419 : f32
      %add3A_467 = vector.broadcast %add3A_466 : f32 to vector<16xf32>
      %add3A_468 = arith.addf %mul3A_465, %add3A_467 : vector<16xf32>
      %mul3A_469 = arith.mulf %add3A_468, %sub3A_450 : vector<16xf32>
      %add3A_470 = arith.constant 0.999792337 : f32
      %add3A_471 = vector.broadcast %add3A_470 : f32 to vector<16xf32>
      %add3A_472 = arith.addf %mul3A_469, %add3A_471 : vector<16xf32>
      %mul3A_473 = arith.mulf %add3A_472, %sub3A_450 : vector<16xf32>
      %add3A_474 = arith.constant -88.029686 : f32
      %add3A_475 = vector.broadcast %add3A_474 : f32 to vector<16xf32>
      %add3A_476 = arith.addf %mul3A_473, %add3A_475 : vector<16xf32>
      %mul3A_477 = arith.constant 0.693147182 : f32
      %mul3A_478 = vector.broadcast %mul3A_477 : f32 to vector<16xf32>
      %mul3A_479 = arith.mulf %convert_element_type3A_441, %mul3A_478 : vector<16xf32>
      %add3A_480 = arith.addf %mul3A_479, %add3A_476 : vector<16xf32>
      %mul3A_481 = arith.mulf %neg3A_433, %add3A_480 : vector<16xf32>
      %sub3A_482 = arith.constant 1.000000e+00 : f32
      %sub3A_483 = vector.broadcast %sub3A_482 : f32 to vector<16xf32>
      %sub3A_484 = arith.subf %sub3A_483, %bitcast_convert_type3A : vector<16xf32>
      %sub3A_485 = arith.constant 1.000000e+00 : f32
      %sub3A_486 = vector.broadcast %sub3A_485 : f32 to vector<16xf32>
      %sub3A_487 = arith.subf %sub3A_486, %bitcast_convert_type3A : vector<16xf32>
      %mul3A_488 = arith.mulf %sub3A_484, %sub3A_487 : vector<16xf32>
      %neg3A_489 = arith.constant 0.000000e+00 : f32
      %neg3A_490 = vector.broadcast %neg3A_489 : f32 to vector<16xf32>
      %neg3A_491 = arith.subf %neg3A_490, %mul3A_488 : vector<16xf32>
      %bitcast_convert_type3A_492 = tpu.bitcast %bitcast_convert_type3A : vector<16xf32> -> vector<16xi32>
      %shift_right_arithmetic3A_493 = arith.constant 23 : i32
      %shift_right_arithmetic3A_494 = vector.broadcast %shift_right_arithmetic3A_493 : i32 to vector<16xi32>
      %shift_right_arithmetic3A_495 = arith.shrsi %bitcast_convert_type3A_492, %shift_right_arithmetic3A_494 : vector<16xi32>
      %convert_element_type3A_496 = arith.sitofp %shift_right_arithmetic3A_495 : vector<16xi32> to vector<16xf32>
      %and3A_497 = arith.constant 8388607 : i32
      %and3A_498 = vector.broadcast %and3A_497 : i32 to vector<16xi32>
      %and3A_499 = arith.andi %bitcast_convert_type3A_492, %and3A_498 : vector<16xi32>
      %or3A_500 = arith.constant 1065353216 : i32
      %or3A_501 = vector.broadcast %or3A_500 : i32 to vector<16xi32>
      %or3A_502 = arith.ori %and3A_499, %or3A_501 : vector<16xi32>
      %bitcast_convert_type3A_503 = tpu.bitcast %or3A_502 : vector<16xi32> -> vector<16xf32>
      %sub3A_504 = arith.constant 1.000000e+00 : f32
      %sub3A_505 = vector.broadcast %sub3A_504 : f32 to vector<16xf32>
      %sub3A_506 = arith.subf %bitcast_convert_type3A_503, %sub3A_505 : vector<16xf32>
      %mul3A_507 = arith.constant -1.720780e-02 : f32
      %mul3A_508 = vector.broadcast %mul3A_507 : f32 to vector<16xf32>
      %mul3A_509 = arith.mulf %mul3A_508, %sub3A_506 : vector<16xf32>
      %add3A_510 = arith.constant 0.0817256421 : f32
      %add3A_511 = vector.broadcast %add3A_510 : f32 to vector<16xf32>
      %add3A_512 = arith.addf %mul3A_509, %add3A_511 : vector<16xf32>
      %mul3A_513 = arith.mulf %add3A_512, %sub3A_506 : vector<16xf32>
      %add3A_514 = arith.constant -0.188780829 : f32
      %add3A_515 = vector.broadcast %add3A_514 : f32 to vector<16xf32>
      %add3A_516 = arith.addf %mul3A_513, %add3A_515 : vector<16xf32>
      %mul3A_517 = arith.mulf %add3A_516, %sub3A_506 : vector<16xf32>
      %add3A_518 = arith.constant 0.314589173 : f32
      %add3A_519 = vector.broadcast %add3A_518 : f32 to vector<16xf32>
      %add3A_520 = arith.addf %mul3A_517, %add3A_519 : vector<16xf32>
      %mul3A_521 = arith.mulf %add3A_520, %sub3A_506 : vector<16xf32>
      %add3A_522 = arith.constant -0.496977419 : f32
      %add3A_523 = vector.broadcast %add3A_522 : f32 to vector<16xf32>
      %add3A_524 = arith.addf %mul3A_521, %add3A_523 : vector<16xf32>
      %mul3A_525 = arith.mulf %add3A_524, %sub3A_506 : vector<16xf32>
      %add3A_526 = arith.constant 0.999792337 : f32
      %add3A_527 = vector.broadcast %add3A_526 : f32 to vector<16xf32>
      %add3A_528 = arith.addf %mul3A_525, %add3A_527 : vector<16xf32>
      %mul3A_529 = arith.mulf %add3A_528, %sub3A_506 : vector<16xf32>
      %add3A_530 = arith.constant -88.029686 : f32
      %add3A_531 = vector.broadcast %add3A_530 : f32 to vector<16xf32>
      %add3A_532 = arith.addf %mul3A_529, %add3A_531 : vector<16xf32>
      %mul3A_533 = arith.constant 0.693147182 : f32
      %mul3A_534 = vector.broadcast %mul3A_533 : f32 to vector<16xf32>
      %mul3A_535 = arith.mulf %convert_element_type3A_496, %mul3A_534 : vector<16xf32>
      %add3A_536 = arith.addf %mul3A_535, %add3A_532 : vector<16xf32>
      %mul3A_537 = arith.mulf %neg3A_491, %add3A_536 : vector<16xf32>
      %convert_element_type3A_538 = arith.sitofp %sub3A_426 : i32 to f32
      %sub3A_539 = arith.subf %mul3A_481, %mul3A_537 : vector<16xf32>
      %mul3A_540 = vector.broadcast %convert_element_type3A_538 : f32 to vector<16xf32>
      %mul3A_541 = arith.mulf %mul3A_540, %sub3A_539 : vector<16xf32>
      %add3A_542 = vector.broadcast %reduce_sum3A_407 : f32 to vector<16xf32>
      %add3A_543 = arith.addf %mul3A_541, %add3A_542 : vector<16xf32>
      %broadcast_in_dim3A_544 = arith.constant 0.000000e+00 : f32
      %broadcast_in_dim3A_545 = vector.broadcast %broadcast_in_dim3A_544 : f32 to vector<16xf32>
      %convert_element_type3A_546 = arith.sitofp %squeeze3A_379 : i32 to f32
      %add3A_547 = vector.broadcast %convert_element_type3A_546 : f32 to vector<16xf32>
      %add3A_548 = arith.addf %broadcast_in_dim3A_545, %add3A_547 : vector<16xf32>
      %div3A_549 = arith.divf %add3A_543, %add3A_548 : vector<16xf32>
      %swap3A_550 = arith.constant 0 : index
      %swap3A_551 = tpu.vector_load %arg15[%swap3A_550] {strides = array<i32>} : memref<16xf32, #tpu.memory_space<vmem>>, vector<16xf32>,
      tpu.vector_store %arg15[%swap3A_550], %div3A_549 {strides = array<i32>} : memref<16xf32, #tpu.memory_space<vmem>>, vector<16xf32>,
      "tpu.region"() ({
        %run_scoped3A = tpu.sem_alloc : memref<!tpu.dma_semaphore, #tpu.memory_space<semaphore_mem>>
        tpu.enqueue_dma source(%arg15 : memref<16xf32, #tpu.memory_space<vmem>>) target(%arg4 : memref<16xf32, #tpu.memory_space<hbm>>) target_semaphore(%run_scoped3A : memref<!tpu.dma_semaphore, #tpu.memory_space<semaphore_mem>>)
        tpu.wait_dma2 semaphore(%run_scoped3A : memref<!tpu.dma_semaphore, #tpu.memory_space<semaphore_mem>>) src(%arg15 : memref<16xf32, #tpu.memory_space<vmem>>) dst(%arg4 : memref<16xf32, #tpu.memory_space<hbm>>)
        tpu.yield
      }) : () -> ()
    } else {
    }
    return
  }
}

</mosaic_0001>

<sc_bundles>
// kernel: kernel.3.cloned.1.call-start
scs
__scs_entry_jumppad:
0x0: {  	(pc) =	sbr.rel $0x88, $3  }
0x1: {  	(tag) =	ssettag $0x0;
	lr =	simm.s32 $0x1  }
0x2: {  	[smem:$0x3F9F] =	sst lr;
	_ =	strace $0xD0000000  }
0x3: {  	_ = 	snop  }
0x4: {  	_ = 	snop  }
0x5: {  	_ = 	snop  }
0x6: {  	_ = 	snop  }
0x7: {  	_ = 	snop  }
__scs_overlays_trampoline_lowered:
0x8: {  	[smem:$0x3FAE] =	sst s0  }
0x9: {  	[smem:$0x3FAF] =	sst s1  }
0xa: {  	[smem:$0x3FB0] =	sst s2  }
0xb: {  	[smem:$0x3FB1] =	sst s3  }
0xc: {  	[smem:$0x3FB2] =	sst s4  }
0xd: {  	[smem:$0x3FB3] =	sst s5  }
0xe: {  	[smem:$0x3FB4] =	sst s6  }
0xf: {  	[smem:$0x3FB5] =	sst s7  }
0x10: {  	[smem:$0x3FB6] =	sst s8  }
0x11: {  	[smem:$0x3FB7] =	sst s9;
	s0 =	simm.s32 @!p0 $0x0  }
0x12: {  	s1 =	sld [smem:$0x3F9D];
	s0 =	simm.s32 @p0 $0x1  }
0x13: {  	[smem:$0x3FB8] =	sst s0;
	s0 =	simm.s32 @!p1 $0x0  }
0x14: {  	s2 =	sld [smem:$0x3F9C];
	s0 =	simm.s32 @p1 $0x1  }
0x15: {  	[smem:$0x3FB9] =	sst s0;
	s0 =	simm.s32 @!p2 $0x0  }
0x16: {  	s3 =	sld [smem:$0x3FDB];
	s0 =	simm.s32 @p2 $0x1  }
0x17: {  	s4 =	simm.s32 $0x1BF5;
	[smem:$0x3FBB] =	sst s0  }
0x18: {  	s0 =	sld [smem:$0x3F9E];
	_ =	swait.ge [sflag:s4], $0x0  }
0x19: {  	s7 =	sld [smem:$0x3F9F]  }
0x1a: {  	s8 =	sadd.s32 $0xFFFFE003, lr  }
0x1b: {  	s9 =	sadd.s32 $0xFFFFFEF7, lr;
	s5 =	simm.s32 $0xFFFFFFFF;
	p2 =	slt.u32 s8, $0xFFFFF086  }
0x1c: {  	p1 =	slt.u32 s9, $0xF7A;
	s5 =	simm.s32 @!p2 $0x0  }
0x1d: {  	s5 =	simm.s32 @p1 $0x1;
	p0 =	seq.s32 s7, s2  }
0x1e: {  	s7 =	smul.u32 @!p0 $0xF7A, s2;
	p2 =	seq.s32 @!p0 s5, $0x0  }
0x1f: {  	s9 =	smul.u32 $0xF7A, s1;
	s8 =	simm.s32 @!p0 $0x1BF5;
	p2 =	por !p2, p0  }
0x20: {  	[sflag:s8] =	ssyncset.s32 @!p0 $0xFFFFF086;
	s6 =	sadd.s32 @!p0 s3, s7;
	s7 =	simm.s32 @!p0 $0x108  }
0x21: {  	s3 =	sadd.s32 s3, s9;
	s6 =	sadd.s32 @!p0 $0x88, s6;
	s7 =	simm.s32 @p2 $0x1082  }
0x22: {  	[simem:s7], [sflag:s8] =	dma.local @!p0 [hbm:s6], $0xF7A  }
0x23: {  	s9 =	sor.u32 $0xD0000000, s2;
	s6 =	simm.s32 $0x108;
	_ =	swait.ge @!p0 [sflag:s8], $0x0  }
0x24: {  	s3 =	sadd.s32 $0x88, s3;
	s6 =	simm.s32 @!p1 $0x1082;
	[sflag:s4] =	ssyncset.s32 $0xFFFFF086  }
0x25: {  	[simem:s6], [sflag:s4] =	dma.local [hbm:s3], $0xF7A  }
0x26: {  	[smem:$0x3F9F] =	sst s1;
	(tag) =	ssettag s2;
	_ =	strace s9  }
0x27: {  	s1 =	sld [smem:$0x3FAF]  }
0x28: {  	s2 =	sld [smem:$0x3FB0]  }
0x29: {  	s4 =	sld [smem:$0x3FB2]  }
0x2a: {  	p0 =	seq.s32 s5, $0x0;
	s5 =	sld [smem:$0x3FB3]  }
0x2b: {  	s6 =	sld [smem:$0x3FB4]  }
0x2c: {  	s7 =	sld [smem:$0x3FB5]  }
0x2d: {  	s3 =	simm.s32 $0x108;
	s8 =	sld [smem:$0x3FB6]  }
0x2e: {  	s3 =	simm.s32 @!p0 $0x1082;
	s9 =	sld [smem:$0x3FB7]  }
0x2f: {  	lr =	sadd.s32 s0, s3;
	s0 =	sld [smem:$0x3FAE]  }
0x30: {  	s3 =	sld [smem:$0x3FB1]  }
0x31: {  	[smem:$0x3FBA] =	sst s10  }
0x32: {  	s10 =	sld [smem:$0x3FB8];
	_ =	sdelay $0x3  }
0x33: {  	p0 =	seq.s32 s10, $0x1;
	s10 =	sld [smem:$0x3FBA];
	_ =	sdelay $0x3  }
0x34: {  	[smem:$0x3FBA] =	sst s10  }
0x35: {  	s10 =	sld [smem:$0x3FB9];
	_ =	sdelay $0x3  }
0x36: {  	p1 =	seq.s32 s10, $0x1;
	s10 =	sld [smem:$0x3FBA];
	_ =	sdelay $0x3  }
0x37: {  	[smem:$0x3FBA] =	sst s10  }
0x38: {  	s10 =	sld [smem:$0x3FBB]  }
0x39: {  	_ = 	snop;
	(pc) =	sbr.ind lr, $3  }
0x3a: {  	_ = 	snop  }
0x3b: {  	_ = 	snop  }
0x3c: {  	p2 =	seq.s32 s10, $0x1;
	s10 =	sld [smem:$0x3FBA]  }
0x3d: {  	_ =	shalt  }
0x3e: {  	_ =	shalt  }
0x3f: {  	_ =	shalt  }
0x40: {  	_ =	shalt  }
0x41: {  	_ =	shalt  }
0x42: {  	_ =	shalt  }
0x43: {  	_ =	shalt  }
0x44: {  	_ =	shalt  }
0x45: {  	_ =	shalt  }
0x46: {  	_ =	shalt  }
0x47: {  	_ =	shalt  }
0x48: {  	_ =	shalt  }
0x49: {  	_ =	shalt  }
0x4a: {  	_ =	shalt  }
0x4b: {  	_ =	shalt  }
0x4c: {  	_ =	shalt  }
0x4d: {  	_ =	shalt  }
0x4e: {  	_ =	shalt  }
0x4f: {  	_ =	shalt  }
0x50: {  	_ =	shalt  }
0x51: {  	_ =	shalt  }
0x52: {  	_ =	shalt  }
0x53: {  	_ =	shalt  }
0x54: {  	_ =	shalt  }
0x55: {  	_ =	shalt  }
0x56: {  	_ =	shalt  }
0x57: {  	_ =	shalt  }
0x58: {  	_ =	shalt  }
0x59: {  	_ =	shalt  }
0x5a: {  	_ =	shalt  }
0x5b: {  	_ =	shalt  }
0x5c: {  	_ =	shalt  }
0x5d: {  	_ =	shalt  }
0x5e: {  	_ =	shalt  }
0x5f: {  	_ =	shalt  }
0x60: {  	_ =	shalt  }
0x61: {  	_ =	shalt  }
0x62: {  	_ =	shalt  }
0x63: {  	_ =	shalt  }
0x64: {  	_ =	shalt  }
0x65: {  	_ =	shalt  }
0x66: {  	_ =	shalt  }
0x67: {  	_ =	shalt  }
0x68: {  	_ =	shalt  }
0x69: {  	_ =	shalt  }
0x6a: {  	_ =	shalt  }
0x6b: {  	_ =	shalt  }
0x6c: {  	_ =	shalt  }
0x6d: {  	_ =	shalt  }
0x6e: {  	_ =	shalt  }
0x6f: {  	_ =	shalt  }
0x70: {  	_ =	shalt  }
0x71: {  	_ =	shalt  }
0x72: {  	_ =	shalt  }
0x73: {  	_ =	shalt  }
0x74: {  	_ =	shalt  }
0x75: {  	_ =	shalt  }
0x76: {  	_ =	shalt  }
0x77: {  	_ =	shalt  }
0x78: {  	_ =	shalt  }
0x79: {  	_ =	shalt  }
0x7a: {  	_ =	shalt  }
0x7b: {  	_ =	shalt  }
0x7c: {  	_ =	shalt  }
0x7d: {  	_ =	shalt  }
0x7e: {  	_ =	shalt  }
0x7f: {  	_ =	shalt  }
0x80: {  	_ =	shalt  }
0x81: {  	_ =	shalt  }
0x82: {  	_ =	shalt  }
0x83: {  	_ =	shalt  }
0x84: {  	_ =	shalt  }
0x85: {  	_ =	shalt  }
0x86: {  	_ =	shalt  }
0x87: {  	_ =	shalt  }
.Lfunc_end0:
.L_simem_size_0:
called_computation_lowered:
.L_overlay_start_0:
0x88: {  	s0 =	sld [smem:$0x3FD9]  }
0x89: {  	s1 =	sld [smem:$0x3FFE];
	_ =	sdelay $0x3  }
0x8a: {  	s0 =	sadd.s32 s1, s0  }
0x8b: {  	[smem:$0x3FC6] =	sst s0  }
0x8c: {  	_ = 	snop  }
0x8d: {  	s0 =	sld [smem:$0x3FD0];
	(tm) =	ssettm $0x1  }
0x8e: {  	s16 =	sld [smem:$0x3FFB];
	_ =	sdelay $0x3  }
0x8f: {  	_ =	strace s16  }
0x90: {  	s1 =	sld [smem:$0x3FFC];
	_ =	sdelay $0x3  }
0x91: {  	_ =	strace s1  }
0x92: {  	s1 =	sld [smem:$0x3FFD];
	_ =	sdelay $0x3  }
0x93: {  	_ =	strace s1  }
0x94: {  	_ =	strace $0x8FFFFFFF  }
0x95: {  	s17 =	sld [smem:$0x3FDB];
	_ =	sdelay $0x1  }
0x96: {  	s2 =	simm.s32 $_scs_section_size  }
0x97: {  	s3 =	simm.s32 $_size__tile_overlayer_lowered;
	s4 =	simm.s32 $_tile_overlayer_lowered  }
0x98: {  	s20 =	simm.s32 $0x1BFF;
	s19 =	sshll.u32 s4, $0x1;
	s1 =	sadd.s32 s2, s17  }
0x99: {  	s5 =	simm.s32 $0x0;
	s18 =	sshll.u32 s3, $0x1;
	s3 =	sadd.s32 s19, s1  }
0x9a: {  	[timem:s5], [sflag:s20] =	dma.local [hbm:s3], s18  }
0x9b: {  	_ =	swait.ge [sflag:s20], s18  }
0x9c: {  	s2 =	ssub.s32 $0x0, s18;
	[sflag:s20] =	ssyncset.done $0x0  }
0x9d: {  	[sflag:s20] =	ssyncadd.s32 s2;
	_ =	sdelay $0x1  }
0x9e: {  	s21 =	simm.s32 $0x1B8B  }
0x9f: {  	_ =	swait.ge [sflag:s21], $0x1  }
0xa0: {  	[sflag:s21] =	ssyncset.done $0x0  }
0xa1: {  	s23 =	simm.s32 $0x1B8E;
	s22 =	sld [smem:$0x3FFE];
	[sflag:s21] =	ssyncadd.s32 $0xFFFFFFFF  }
0xa2: {  	s24 =	simm.s32 $execute0_lowered;
	[smem:$0x3FD2] =	sst s23  }
0xa3: {  	s3 =	sshll.u32 s24, $0x1;
	_ =	strace $0x80000046;
	[dreg:$0x1] =	wrdreg $0xFFFFFFFF  }
0xa4: {  	s25 =	simm.s32 $_size_execute0_lowered;
	s1 =	sadd.s32 s1, s3;
	[dreg:$0x0] =	wrdreg $0x0  }
0xa5: {  	s3 =	sshll.u32 s25, $0x1;
	[dreg:$0x2] =	wrdreg s1  }
0xa6: {  	[dreg:$0x3] =	wrdreg s3  }
0xa7: {  	[dreg:$0x4] =	wrdreg $0xC0  }
0xa8: {  	_ =	task [dreg:s5], $0x5FFFF  }
0xa9: {  	[dreg:$0x1] =	wrdreg $0xFFFFFFFF  }
0xaa: {  	[dreg:$0x0] =	wrdreg $0x60  }
0xab: {  	[dreg:$0x2] =	wrdreg s22  }
0xac: {  	[dreg:$0x3] =	wrdreg s0  }
0xad: {  	[dreg:$0x4] =	wrdreg $0x1A8800  }
0xae: {  	[dreg:$0x5] =	wrdreg $0x1AA800  }
0xaf: {  	[dreg:$0x6] =	wrdreg $0x1AA880  }
0xb0: {  	[dreg:$0x7] =	wrdreg $0x9  }
0xb1: {  	_ =	task.clear_ibuf [dreg:s5], $0x8FFFF;
	_ =	strace $0x90000046  }
0xb2: {  	s26 =	simm.s32 $0x9;
	_ =	strace $0x80000048  }
0xb3: {  	_ =	swait.ge [sflag:s26], $0x1  }
0xb4: {  	[sflag:s26] =	ssyncadd.s32 $0xFFFFFFFF  }
0xb5: {  	_ =	strace $0x90000048  }
0xb6: {  	_ =	sfence  }
0xb7: {  	s28 =	sld [smem:$0x0];
	_ =	sdelay $0x1  }
0xb8: {  	s29 =	srdreg.scid  }
0xb9: {  	s30 =	sshll.u32 s29, $0xD;
	s31 =	sshrl.u32 s29, $0x2  }
0xba: {  	s2 =	sand.u32 $0x4000, s30;
	s1 =	sand.u32 $0x1, s29;
	s0 =	sadd.s32 s31, s28  }
0xbb: {  	s1 =	sor.u32 s2, s1;
	s0 =	sshll.u32 s0, $0x11  }
0xbc: {  	s0 =	sor.u32 s0, s1  }
0xbd: {  	s0 =	sadd.s32 $0x8F2B, s0  }
0xbe: {  	[sflag:s0] =	ssyncadd.remote.s32 $0x1  }
0xbf: {  	_ =	sfence.sel $0xFFFF  }
0xc0: {  	[dreg:$0x0] =	wrdreg $0xFFFFFFFF;
	(pc) =	sbr.abs _section_cstart, $3  }
0xc1: {  	[dreg:$0x1] =	wrdreg $0xFFFFFFFF  }
0xc2: {  	_ =	task.clear_ibuf [dreg:s5], $0x2FFFF;
	_ =	strace $0x9FFFFFFF  }
0xc3: {  	(tm) =	ssettm $0x7FFFFFFF  }
tec
execute0_lowered:
.L_overlay_start_1:
0x0: {  	(tag) =	ssettag $0x1  }
0x1: {  	s7 =	rddreg [dreg:$0x0]  }
0x2: {  	s1 =	rddreg [dreg:$0x1]  }
0x3: {  	s4 =	rddreg [dreg:$0x2];
	s5 =	stileid.u32  }
0x4: {  	s3 =	rddreg [dreg:$0x3];
	s6 =	sshll.u32 s5, $0xB  }
0x5: {  	s2 =	rddreg [dreg:$0x4];
	s8 =	simm.s32 $0x0;
	s7 =	sadd.s32 s6, s7  }
0x6: {  	[smem:$0x7FF] =	sst s8;
	s9 =	sadd.s32 $0x8600, s7  }
0x7: {  	s0 =	rddreg [dreg:$0x5];
	_ =	strace $0x80000047;
	s10 =	sadd.s32 $0x8000, s9  }
0x8: {  	[tilespmem:s8], [sflag:$0x1] =	stream.linear.gather [hbm4b:s10+s8], $0x2000, $0x38;
	[tilespmem:$0x1AA98] =	vst v63  }
0x9: {  	s11 =	simm.s32 $0x4000;
	s29 =	sadd.s32 $0x600, s7  }
0xa: {  	[tilespmem:s11], [sflag:$0x2] =	stream.linear.gather [hbm4b:s29+s8], $0x2000, $0x38;
	[tilespmem:$0x1AA98] =	vst v63  }
0xb: {  	s30 =	simm.s32 $0x2000;
	s9 =	sadd.s32 $0x8400, s9  }
0xc: {  	[tilespmem:s30], [sflag:$0x3] =	stream.linear.gather [hbm4b:s9+s8], $0x2000, $0x38;
	[tilespmem:$0x1AA98] =	vst v63  }
0xd: {  	s31 =	simm.s32 $0x6000;
	s7 =	sadd.s32 $0xA00, s7  }
0xe: {  	[tilespmem:s31], [sflag:$0x4] =	stream.linear.gather [hbm4b:s7+s8], $0x2000, $0x38;
	[tilespmem:$0x1AA98] =	vst v63  }
0xf: {  	v0 =	vimm.s32 $0x0;
	s7 =	simm.s32 $0x0;
	s8 =	simm.s32 $0x200  }
.LBB2_1:
0x10: {  	p0 =	sne.s32 s8, $0x8000;
	[tilespmem:s7+$0x18870] =	vst v0  }
0x11: {  	[tilespmem:s7+$0xC000] =	vst v0  }
0x12: {  	[tilespmem:s7+$0xC010] =	vst v0  }
0x13: {  	[tilespmem:s7+$0xC020] =	vst v0  }
0x14: {  	[tilespmem:s7+$0xC030] =	vst v0  }
0x15: {  	[tilespmem:s7+$0xC040] =	vst v0  }
0x16: {  	[tilespmem:s7+$0xC050] =	vst v0  }
0x17: {  	[tilespmem:s7+$0xC060] =	vst v0  }
0x18: {  	[tilespmem:s7+$0xC070] =	vst v0  }
0x19: {  	[tilespmem:s7+$0x18800] =	vst v0  }
0x1a: {  	[tilespmem:s7+$0x18810] =	vst v0  }
.Ltmp0:
0x1b: {  	[tilespmem:s7+$0x18820] =	vst v0;
	(pc) =	sbr.rel @p0 .LBB2_1-.Ltmp0, $4  }
0x1c: {  	[tilespmem:s7+$0x18830] =	vst v0  }
0x1d: {  	[tilespmem:s7+$0x18840] =	vst v0  }
0x1e: {  	[tilespmem:s7+$0x18850] =	vst v0  }
0x1f: {  	[tilespmem:s7+$0x18860] =	vst v0;
	s7 =	sshra.s32 s8, $0x2;
	s8 =	sadd.s32 $0x200, s8  }
0x20: {  	[tilespmem:s7+$0x18870] =	vst v0  }
0x21: {  	[tilespmem:s7+$0xC000] =	vst v0  }
0x22: {  	[tilespmem:s7+$0xC010] =	vst v0  }
0x23: {  	[tilespmem:s7+$0xC020] =	vst v0  }
0x24: {  	[tilespmem:s7+$0xC030] =	vst v0  }
0x25: {  	[tilespmem:s7+$0xC040] =	vst v0  }
0x26: {  	[tilespmem:s7+$0xC050] =	vst v0  }
0x27: {  	[tilespmem:s7+$0xC060] =	vst v0  }
0x28: {  	[tilespmem:s7+$0xC070] =	vst v0  }
0x29: {  	[tilespmem:s7+$0x18800] =	vst v0  }
0x2a: {  	[tilespmem:s7+$0x18810] =	vst v0  }
0x2b: {  	[tilespmem:s7+$0x18820] =	vst v0  }
0x2c: {  	[tilespmem:s7+$0x18830] =	vst v0  }
0x2d: {  	[tilespmem:s7+$0x18840] =	vst v0  }
0x2e: {  	[tilespmem:s7+$0x18850] =	vst v0  }
0x2f: {  	[tilespmem:s7+$0x18860] =	vst v0;
	s30 =	simm.s32 $0x1  }
0x30: {  	_ =	swait.ge [sflag:s30], $0x2000  }
0x31: {  	[sflag:s30] =	ssyncset.done $0x0  }
0x32: {  	s31 =	simm.s32 $0x2;
	[sflag:s30] =	ssyncadd.s32 $0xFFFFE000  }
0x33: {  	_ =	swait.ge [sflag:s31], $0x2000  }
0x34: {  	v1 =	vlaneseq.u32;
	s7 =	simm.s32 $0x0;
	[sflag:s31] =	ssyncset.done $0x0  }
0x35: {  	v0 =	vimm.s32 $0x1;
	s8 =	simm.s32 $0xC000;
	s9 =	simm.s32 $0x18800;
	v1 =	vmul.u32 $0x201, v1;
	[sflag:s31] =	ssyncadd.s32 $0xFFFFE000  }
.LBB2_3:
0x36: {  	s10 =	sshra.s32 s7, $0x2  }
0x37: {  	v2 =	vld [tilespmem:s10+$0x0];
	_ =	sdelay $0x3  }
0x38: {  	v3 =	vld [tilespmem:s10+$0x4000]  }
0x39: {  	v2 =	vmul.f32 $9.999799720e-01, v2;
	_ =	sdelay $0x1  }
0x3a: {  	v2 =	vadd.f32 $1.999999950e-05, v2;
	_ =	sdelay $0x1  }
0x3b: {  	vm0 =	veq.s32 v3, $0x1;
	v2 =	vadd.s32 $0xC4000000, v2  }
0x3c: {  	v2 =	vnsel vm0, $0x3800000, v2  }
0x3d: {  	v3 =	vshra.s32 v2, $0x11  }
0x3e: {  	v3 =	vadd.s32 v1, v3;
	_ =	sdelay $0x3  }
0x3f: {  	[tilespmem:s10+$0x8000] =	vst v2  }
0x40: {  	[tilespmem:v3+s8+$0x0] =	vst.idx.add.s32.msk $0xffff, v0  }
0x41: {  	v2 =	vld [tilespmem:s10+$0x10];
	_ =	sdelay $0x3  }
0x42: {  	v3 =	vld [tilespmem:s10+$0x4010]  }
0x43: {  	v2 =	vmul.f32 $9.999799720e-01, v2;
	_ =	sdelay $0x1  }
0x44: {  	v2 =	vadd.f32 $1.999999950e-05, v2;
	_ =	sdelay $0x1  }
0x45: {  	vm9 =	veq.s32 v3, $0x1;
	v2 =	vadd.s32 $0xC4000000, v2  }
0x46: {  	v2 =	vnsel vm9, $0x3800000, v2  }
0x47: {  	v3 =	vshra.s32 v2, $0x11  }
0x48: {  	v3 =	vadd.s32 v1, v3;
	_ =	sdelay $0x3  }
0x49: {  	[tilespmem:s10+$0x8010] =	vst v2  }
0x4a: {  	[tilespmem:v3+s9+$0x0] =	vst.idx.add.s32.msk $0xffff, v0  }
0x4b: {  	v2 =	vld [tilespmem:s10+$0x20];
	_ =	sdelay $0x3  }
0x4c: {  	v3 =	vld [tilespmem:s10+$0x4020]  }
0x4d: {  	v2 =	vmul.f32 $9.999799720e-01, v2;
	_ =	sdelay $0x1  }
0x4e: {  	v2 =	vadd.f32 $1.999999950e-05, v2;
	_ =	sdelay $0x1  }
0x4f: {  	vm10 =	veq.s32 v3, $0x1;
	v2 =	vadd.s32 $0xC4000000, v2  }
0x50: {  	v2 =	vnsel vm10, $0x3800000, v2  }
0x51: {  	v3 =	vshra.s32 v2, $0x11  }
0x52: {  	v3 =	vadd.s32 v1, v3;
	_ =	sdelay $0x3  }
0x53: {  	[tilespmem:s10+$0x8020] =	vst v2  }
0x54: {  	[tilespmem:v3+s8+$0x0] =	vst.idx.add.s32.msk $0xffff, v0  }
0x55: {  	v2 =	vld [tilespmem:s10+$0x30];
	_ =	sdelay $0x3  }
0x56: {  	v3 =	vld [tilespmem:s10+$0x4030]  }
0x57: {  	v2 =	vmul.f32 $9.999799720e-01, v2;
	_ =	sdelay $0x1  }
0x58: {  	v2 =	vadd.f32 $1.999999950e-05, v2;
	_ =	sdelay $0x1  }
0x59: {  	vm11 =	veq.s32 v3, $0x1;
	v2 =	vadd.s32 $0xC4000000, v2  }
0x5a: {  	v2 =	vnsel vm11, $0x3800000, v2  }
0x5b: {  	v3 =	vshra.s32 v2, $0x11  }
0x5c: {  	v3 =	vadd.s32 v1, v3;
	_ =	sdelay $0x3  }
0x5d: {  	[tilespmem:s10+$0x8030] =	vst v2  }
0x5e: {  	[tilespmem:v3+s9+$0x0] =	vst.idx.add.s32.msk $0xffff, v0  }
0x5f: {  	v2 =	vld [tilespmem:s10+$0x40];
	_ =	sdelay $0x3  }
0x60: {  	v3 =	vld [tilespmem:s10+$0x4040]  }
0x61: {  	v2 =	vmul.f32 $9.999799720e-01, v2;
	_ =	sdelay $0x1  }
0x62: {  	v2 =	vadd.f32 $1.999999950e-05, v2;
	_ =	sdelay $0x1  }
0x63: {  	vm12 =	veq.s32 v3, $0x1;
	v2 =	vadd.s32 $0xC4000000, v2  }
0x64: {  	v2 =	vnsel vm12, $0x3800000, v2  }
0x65: {  	v3 =	vshra.s32 v2, $0x11  }
0x66: {  	v3 =	vadd.s32 v1, v3;
	_ =	sdelay $0x3  }
0x67: {  	[tilespmem:s10+$0x8040] =	vst v2  }
0x68: {  	[tilespmem:v3+s8+$0x0] =	vst.idx.add.s32.msk $0xffff, v0  }
0x69: {  	v2 =	vld [tilespmem:s10+$0x50];
	_ =	sdelay $0x3  }
0x6a: {  	v3 =	vld [tilespmem:s10+$0x4050]  }
0x6b: {  	v2 =	vmul.f32 $9.999799720e-01, v2;
	_ =	sdelay $0x1  }
0x6c: {  	v2 =	vadd.f32 $1.999999950e-05, v2;
	_ =	sdelay $0x1  }
0x6d: {  	vm13 =	veq.s32 v3, $0x1;
	v2 =	vadd.s32 $0xC4000000, v2  }
0x6e: {  	v2 =	vnsel vm13, $0x3800000, v2  }
0x6f: {  	v3 =	vshra.s32 v2, $0x11  }
0x70: {  	v3 =	vadd.s32 v1, v3;
	_ =	sdelay $0x3  }
0x71: {  	[tilespmem:s10+$0x8050] =	vst v2  }
0x72: {  	[tilespmem:v3+s9+$0x0] =	vst.idx.add.s32.msk $0xffff, v0  }
0x73: {  	v2 =	vld [tilespmem:s10+$0x60];
	_ =	sdelay $0x3  }
0x74: {  	v3 =	vld [tilespmem:s10+$0x4060]  }
0x75: {  	v2 =	vmul.f32 $9.999799720e-01, v2;
	_ =	sdelay $0x1  }
0x76: {  	v2 =	vadd.f32 $1.999999950e-05, v2;
	_ =	sdelay $0x1  }
0x77: {  	vm14 =	veq.s32 v3, $0x1;
	v2 =	vadd.s32 $0xC4000000, v2  }
0x78: {  	v2 =	vnsel vm14, $0x3800000, v2  }
0x79: {  	v3 =	vshra.s32 v2, $0x11  }
0x7a: {  	v3 =	vadd.s32 v1, v3;
	_ =	sdelay $0x3  }
0x7b: {  	[tilespmem:s10+$0x8060] =	vst v2  }
0x7c: {  	[tilespmem:v3+s8+$0x0] =	vst.idx.add.s32.msk $0xffff, v0  }
0x7d: {  	v2 =	vld [tilespmem:s10+$0x70];
	_ =	sdelay $0x3  }
0x7e: {  	v3 =	vld [tilespmem:s10+$0x4070]  }
0x7f: {  	v2 =	vmul.f32 $9.999799720e-01, v2;
	_ =	sdelay $0x1  }
0x80: {  	v2 =	vadd.f32 $1.999999950e-05, v2;
	_ =	sdelay $0x1  }
0x81: {  	vm15 =	veq.s32 v3, $0x1;
	v2 =	vadd.s32 $0xC4000000, v2  }
0x82: {  	v2 =	vnsel vm15, $0x3800000, v2  }
0x83: {  	v3 =	vshra.s32 v2, $0x11  }
0x84: {  	p0 =	sne.s32 s7, $0x7E00;
	v3 =	vadd.s32 v1, v3  }
.Ltmp1:
0x85: {  	_ = 	snop;
	(pc) =	sbr.rel @p0 .LBB2_3-.Ltmp1, $3  }
0x86: {  	_ =	sdelay $0x1  }
0x87: {  	[tilespmem:s10+$0x8070] =	vst v2  }
0x88: {  	s7 =	sadd.s32 $0x200, s7;
	[tilespmem:v3+s9+$0x0] =	vst.idx.add.s32.msk $0xffff, v0  }
0x89: {  	s7 =	simm.s32 $0x3  }
0x8a: {  	_ =	swait.ge [sflag:s7], $0x2000  }
0x8b: {  	[sflag:s7] =	ssyncset.done $0x0  }
0x8c: {  	s31 =	simm.s32 $0x4;
	[sflag:s7] =	ssyncadd.s32 $0xFFFFE000  }
0x8d: {  	_ =	swait.ge [sflag:s31], $0x2000  }
0x8e: {  	v1 =	vlaneseq.u32;
	s8 =	simm.s32 $0xC000;
	[sflag:s31] =	ssyncset.done $0x0  }
0x8f: {  	v0 =	vimm.s32 $0x1;
	s9 =	simm.s32 $0x18800;
	v1 =	vmul.u32 $0x201, v1;
	s7 =	simm.s32 $0x0;
	[sflag:s31] =	ssyncadd.s32 $0xFFFFE000  }
.LBB2_5:
0x90: {  	s10 =	sshra.s32 s7, $0x2  }
0x91: {  	v2 =	vld [tilespmem:s10+$0x2000];
	_ =	sdelay $0x3  }
0x92: {  	v3 =	vld [tilespmem:s10+$0x6000]  }
0x93: {  	v2 =	vmul.f32 $9.999799720e-01, v2;
	_ =	sdelay $0x1  }
0x94: {  	v2 =	vadd.f32 $1.999999950e-05, v2;
	_ =	sdelay $0x1  }
0x95: {  	vm0 =	veq.s32 v3, $0x1;
	v2 =	vadd.s32 $0xC4000000, v2  }
0x96: {  	v2 =	vnsel vm0, $0x3800000, v2  }
0x97: {  	v3 =	vshra.s32 v2, $0x11  }
0x98: {  	v3 =	vadd.s32 v1, v3;
	_ =	sdelay $0x3  }
0x99: {  	[tilespmem:s10+$0xA000] =	vst v2  }
0x9a: {  	[tilespmem:v3+s8+$0x0] =	vst.idx.add.s32.msk $0xffff, v0  }
0x9b: {  	v2 =	vld [tilespmem:s10+$0x2010];
	_ =	sdelay $0x3  }
0x9c: {  	v3 =	vld [tilespmem:s10+$0x6010]  }
0x9d: {  	v2 =	vmul.f32 $9.999799720e-01, v2;
	_ =	sdelay $0x1  }
0x9e: {  	v2 =	vadd.f32 $1.999999950e-05, v2;
	_ =	sdelay $0x1  }
0x9f: {  	vm9 =	veq.s32 v3, $0x1;
	v2 =	vadd.s32 $0xC4000000, v2  }
0xa0: {  	v2 =	vnsel vm9, $0x3800000, v2  }
0xa1: {  	v3 =	vshra.s32 v2, $0x11  }
0xa2: {  	v3 =	vadd.s32 v1, v3;
	_ =	sdelay $0x3  }
0xa3: {  	[tilespmem:s10+$0xA010] =	vst v2  }
0xa4: {  	[tilespmem:v3+s9+$0x0] =	vst.idx.add.s32.msk $0xffff, v0  }
0xa5: {  	v2 =	vld [tilespmem:s10+$0x2020];
	_ =	sdelay $0x3  }
0xa6: {  	v3 =	vld [tilespmem:s10+$0x6020]  }
0xa7: {  	v2 =	vmul.f32 $9.999799720e-01, v2;
	_ =	sdelay $0x1  }
0xa8: {  	v2 =	vadd.f32 $1.999999950e-05, v2;
	_ =	sdelay $0x1  }
0xa9: {  	vm10 =	veq.s32 v3, $0x1;
	v2 =	vadd.s32 $0xC4000000, v2  }
0xaa: {  	v2 =	vnsel vm10, $0x3800000, v2  }
0xab: {  	v3 =	vshra.s32 v2, $0x11  }
0xac: {  	v3 =	vadd.s32 v1, v3;
	_ =	sdelay $0x3  }
0xad: {  	[tilespmem:s10+$0xA020] =	vst v2  }
0xae: {  	[tilespmem:v3+s8+$0x0] =	vst.idx.add.s32.msk $0xffff, v0  }
0xaf: {  	v2 =	vld [tilespmem:s10+$0x2030];
	_ =	sdelay $0x3  }
0xb0: {  	v3 =	vld [tilespmem:s10+$0x6030]  }
0xb1: {  	v2 =	vmul.f32 $9.999799720e-01, v2;
	_ =	sdelay $0x1  }
0xb2: {  	v2 =	vadd.f32 $1.999999950e-05, v2;
	_ =	sdelay $0x1  }
0xb3: {  	vm11 =	veq.s32 v3, $0x1;
	v2 =	vadd.s32 $0xC4000000, v2  }
0xb4: {  	v2 =	vnsel vm11, $0x3800000, v2  }
0xb5: {  	v3 =	vshra.s32 v2, $0x11  }
0xb6: {  	v3 =	vadd.s32 v1, v3;
	_ =	sdelay $0x3  }
0xb7: {  	[tilespmem:s10+$0xA030] =	vst v2  }
0xb8: {  	[tilespmem:v3+s9+$0x0] =	vst.idx.add.s32.msk $0xffff, v0  }
0xb9: {  	v2 =	vld [tilespmem:s10+$0x2040];
	_ =	sdelay $0x3  }
0xba: {  	v3 =	vld [tilespmem:s10+$0x6040]  }
0xbb: {  	v2 =	vmul.f32 $9.999799720e-01, v2;
	_ =	sdelay $0x1  }
0xbc: {  	v2 =	vadd.f32 $1.999999950e-05, v2;
	_ =	sdelay $0x1  }
0xbd: {  	vm12 =	veq.s32 v3, $0x1;
	v2 =	vadd.s32 $0xC4000000, v2  }
0xbe: {  	v2 =	vnsel vm12, $0x3800000, v2  }
0xbf: {  	v3 =	vshra.s32 v2, $0x11  }
0xc0: {  	v3 =	vadd.s32 v1, v3;
	_ =	sdelay $0x3  }
0xc1: {  	[tilespmem:s10+$0xA040] =	vst v2  }
0xc2: {  	[tilespmem:v3+s8+$0x0] =	vst.idx.add.s32.msk $0xffff, v0  }
0xc3: {  	v2 =	vld [tilespmem:s10+$0x2050];
	_ =	sdelay $0x3  }
0xc4: {  	v3 =	vld [tilespmem:s10+$0x6050]  }
0xc5: {  	v2 =	vmul.f32 $9.999799720e-01, v2;
	_ =	sdelay $0x1  }
0xc6: {  	v2 =	vadd.f32 $1.999999950e-05, v2;
	_ =	sdelay $0x1  }
0xc7: {  	vm13 =	veq.s32 v3, $0x1;
	v2 =	vadd.s32 $0xC4000000, v2  }
0xc8: {  	v2 =	vnsel vm13, $0x3800000, v2  }
0xc9: {  	v3 =	vshra.s32 v2, $0x11  }
0xca: {  	v3 =	vadd.s32 v1, v3;
	_ =	sdelay $0x3  }
0xcb: {  	[tilespmem:s10+$0xA050] =	vst v2  }
0xcc: {  	[tilespmem:v3+s9+$0x0] =	vst.idx.add.s32.msk $0xffff, v0  }
0xcd: {  	v2 =	vld [tilespmem:s10+$0x2060];
	_ =	sdelay $0x3  }
0xce: {  	v3 =	vld [tilespmem:s10+$0x6060]  }
0xcf: {  	v2 =	vmul.f32 $9.999799720e-01, v2;
	_ =	sdelay $0x1  }
0xd0: {  	v2 =	vadd.f32 $1.999999950e-05, v2;
	_ =	sdelay $0x1  }
0xd1: {  	vm14 =	veq.s32 v3, $0x1;
	v2 =	vadd.s32 $0xC4000000, v2  }
0xd2: {  	v2 =	vnsel vm14, $0x3800000, v2  }
0xd3: {  	v3 =	vshra.s32 v2, $0x11  }
0xd4: {  	v3 =	vadd.s32 v1, v3;
	_ =	sdelay $0x3  }
0xd5: {  	[tilespmem:s10+$0xA060] =	vst v2  }
0xd6: {  	[tilespmem:v3+s8+$0x0] =	vst.idx.add.s32.msk $0xffff, v0  }
0xd7: {  	v2 =	vld [tilespmem:s10+$0x2070];
	_ =	sdelay $0x3  }
0xd8: {  	v3 =	vld [tilespmem:s10+$0x6070]  }
0xd9: {  	v2 =	vmul.f32 $9.999799720e-01, v2;
	_ =	sdelay $0x1  }
0xda: {  	v2 =	vadd.f32 $1.999999950e-05, v2;
	_ =	sdelay $0x1  }
0xdb: {  	vm15 =	veq.s32 v3, $0x1;
	v2 =	vadd.s32 $0xC4000000, v2  }
0xdc: {  	v2 =	vnsel vm15, $0x3800000, v2  }
0xdd: {  	v3 =	vshra.s32 v2, $0x11  }
0xde: {  	p0 =	sne.s32 s7, $0x7E00;
	v3 =	vadd.s32 v1, v3  }
.Ltmp2:
0xdf: {  	_ = 	snop;
	(pc) =	sbr.rel @p0 .LBB2_5-.Ltmp2, $3  }
0xe0: {  	_ =	sdelay $0x1  }
0xe1: {  	[tilespmem:s10+$0xA070] =	vst v2  }
0xe2: {  	s7 =	sadd.s32 $0x200, s7;
	[tilespmem:v3+s9+$0x0] =	vst.idx.add.s32.msk $0xffff, v0  }
0xe3: {  	s7 =	simm.s32 $0x0  }
0xe4: {  	v0 =	vld [tilespmem:s7+$0xC000]  }
0xe5: {  	v1 =	vld [tilespmem:s7+$0xC201]  }
0xe6: {  	v2 =	vld [tilespmem:s7+$0xC402]  }
0xe7: {  	v3 =	vld [tilespmem:s7+$0xC603]  }
0xe8: {  	v4 =	vld [tilespmem:s7+$0xC804]  }
0xe9: {  	v5 =	vld [tilespmem:s7+$0xCA05]  }
0xea: {  	v0 =	vadd.s32 v0, v1;
	v1 =	vld [tilespmem:s7+$0xCC06]  }
0xeb: {  	v0 =	vadd.s32 v2, v0;
	v2 =	vld [tilespmem:s7+$0xCE07]  }
0xec: {  	v0 =	vadd.s32 v3, v0;
	v3 =	vld [tilespmem:s7+$0xD008]  }
0xed: {  	v0 =	vadd.s32 v4, v0;
	v4 =	vld [tilespmem:s7+$0xD209]  }
0xee: {  	v0 =	vadd.s32 v5, v0;
	v5 =	vld [tilespmem:s7+$0xD40A]  }
0xef: {  	v0 =	vadd.s32 v1, v0;
	v1 =	vld [tilespmem:s7+$0xD60B]  }
0xf0: {  	v0 =	vadd.s32 v2, v0;
	v2 =	vld [tilespmem:s7+$0xD80C]  }
0xf1: {  	v0 =	vadd.s32 v3, v0;
	v3 =	vld [tilespmem:s7+$0xDA0D]  }
0xf2: {  	v0 =	vadd.s32 v4, v0;
	v4 =	vld [tilespmem:s7+$0xDC0E]  }
0xf3: {  	v0 =	vadd.s32 v5, v0;
	v5 =	vld [tilespmem:s7+$0xDE0F]  }
0xf4: {  	v0 =	vadd.s32 v1, v0;
	v1 =	vld [tilespmem:s7+$0x18800]  }
0xf5: {  	v0 =	vadd.s32 v2, v0;
	v2 =	vld [tilespmem:s7+$0x18A01]  }
0xf6: {  	v0 =	vadd.s32 v3, v0;
	v3 =	vld [tilespmem:s7+$0x18C02]  }
0xf7: {  	v0 =	vadd.s32 v4, v0;
	v4 =	vld [tilespmem:s7+$0x18E03]  }
0xf8: {  	v0 =	vadd.s32 v5, v0;
	v5 =	vld [tilespmem:s7+$0x19004]  }
0xf9: {  	v0 =	vadd.s32 v1, v0;
	v1 =	vld [tilespmem:s7+$0x19205]  }
0xfa: {  	v0 =	vadd.s32 v2, v0;
	v2 =	vld [tilespmem:s7+$0x19406]  }
0xfb: {  	v0 =	vadd.s32 v3, v0;
	v3 =	vld [tilespmem:s7+$0x19607]  }
0xfc: {  	v0 =	vadd.s32 v4, v0;
	v4 =	vld [tilespmem:s7+$0x19808]  }
0xfd: {  	v0 =	vadd.s32 v5, v0;
	v5 =	vld [tilespmem:s7+$0x19A09]  }
0xfe: {  	v6 =	vld [tilespmem:s7+$0x19C0A];
	v0 =	vadd.s32 v1, v0  }
0xff: {  	v7 =	vld [tilespmem:s7+$0x19E0B];
	v0 =	vadd.s32 v2, v0  }
0x100: {  	v1 =	vld [tilespmem:s7+$0x1A00C];
	v0 =	vadd.s32 v3, v0  }
0x101: {  	v2 =	vld [tilespmem:s7+$0x1A20D];
	v0 =	vadd.s32 v4, v0  }
0x102: {  	v3 =	vld [tilespmem:s7+$0x1A40E];
	v0 =	vadd.s32 v5, v0  }
0x103: {  	s9 =	simm.s32 $0x10;
	v4 =	vld [tilespmem:s7+$0x1A60F];
	v5 =	vadd.s32 v6, v0  }
0x104: {  	s8 =	simm.s32 $0x80;
	v0 =	vld [tilespmem:s9+$0xC000];
	v5 =	vadd.s32 v7, v5  }
.LBB2_7:
0x105: {  	p0 =	sne.s32 s8, $0x7C0;
	v6 =	vld [tilespmem:s9+$0xC201];
	v1 =	vadd.s32 v1, v5  }
0x106: {  	v5 =	vld [tilespmem:s9+$0xC402];
	v1 =	vadd.s32 v2, v1  }
0x107: {  	v2 =	vld [tilespmem:s9+$0xC603];
	v1 =	vadd.s32 v3, v1  }
0x108: {  	v3 =	vld [tilespmem:s9+$0xC804];
	v1 =	vadd.s32 v4, v1  }
0x109: {  	v4 =	vld [tilespmem:s9+$0xCA05];
	[tilespmem:s7+$0xE080] =	vst v1;
	s7 =	smov.u32 s9  }
0x10a: {  	v0 =	vadd.s32 v0, v6;
	v1 =	vld [tilespmem:s7+$0xCC06]  }
0x10b: {  	v0 =	vadd.s32 v5, v0;
	v5 =	vld [tilespmem:s7+$0xCE07]  }
0x10c: {  	v0 =	vadd.s32 v2, v0;
	v2 =	vld [tilespmem:s7+$0xD008]  }
0x10d: {  	v0 =	vadd.s32 v3, v0;
	v3 =	vld [tilespmem:s7+$0xD209]  }
0x10e: {  	v0 =	vadd.s32 v4, v0;
	v4 =	vld [tilespmem:s7+$0xD40A]  }
0x10f: {  	v0 =	vadd.s32 v1, v0;
	v1 =	vld [tilespmem:s7+$0xD60B]  }
0x110: {  	v0 =	vadd.s32 v5, v0;
	v5 =	vld [tilespmem:s7+$0xD80C]  }
0x111: {  	v0 =	vadd.s32 v2, v0;
	v2 =	vld [tilespmem:s7+$0xDA0D]  }
0x112: {  	v0 =	vadd.s32 v3, v0;
	v3 =	vld [tilespmem:s7+$0xDC0E]  }
0x113: {  	v0 =	vadd.s32 v4, v0;
	v4 =	vld [tilespmem:s7+$0xDE0F]  }
0x114: {  	v0 =	vadd.s32 v1, v0;
	v1 =	vld [tilespmem:s7+$0x18800]  }
0x115: {  	v0 =	vadd.s32 v5, v0;
	v5 =	vld [tilespmem:s7+$0x18A01]  }
0x116: {  	v0 =	vadd.s32 v2, v0;
	v2 =	vld [tilespmem:s7+$0x18C02]  }
0x117: {  	v0 =	vadd.s32 v3, v0;
	v3 =	vld [tilespmem:s7+$0x18E03]  }
0x118: {  	v0 =	vadd.s32 v4, v0;
	v4 =	vld [tilespmem:s7+$0x19004]  }
0x119: {  	v0 =	vadd.s32 v1, v0;
	v1 =	vld [tilespmem:s7+$0x19205]  }
0x11a: {  	v0 =	vadd.s32 v5, v0;
	v5 =	vld [tilespmem:s7+$0x19406]  }
0x11b: {  	v0 =	vadd.s32 v2, v0;
	v2 =	vld [tilespmem:s7+$0x19607]  }
0x11c: {  	v0 =	vadd.s32 v3, v0;
	v3 =	vld [tilespmem:s7+$0x19808]  }
0x11d: {  	v0 =	vadd.s32 v4, v0;
	v4 =	vld [tilespmem:s7+$0x19A09]  }
0x11e: {  	v0 =	vadd.s32 v1, v0;
	v6 =	vld [tilespmem:s7+$0x19C0A]  }
0x11f: {  	v0 =	vadd.s32 v5, v0;
	v5 =	vld [tilespmem:s7+$0x19E0B]  }
.Ltmp3:
0x120: {  	v0 =	vadd.s32 v2, v0;
	v1 =	vld [tilespmem:s7+$0x1A00C];
	(pc) =	sbr.rel @p0 .LBB2_7-.Ltmp3, $4  }
0x121: {  	v0 =	vadd.s32 v3, v0;
	v2 =	vld [tilespmem:s7+$0x1A20D]  }
0x122: {  	v0 =	vadd.s32 v4, v0;
	v3 =	vld [tilespmem:s7+$0x1A40E]  }
0x123: {  	s9 =	sshra.s32 s8, $0x2;
	v6 =	vadd.s32 v6, v0;
	v4 =	vld [tilespmem:s7+$0x1A60F]  }
0x124: {  	s8 =	sadd.s32 $0x40, s8;
	v0 =	vld [tilespmem:s9+$0xC000];
	v5 =	vadd.s32 v5, v6  }
0x125: {  	v6 =	vld [tilespmem:s9+$0xC201];
	v1 =	vadd.s32 v1, v5  }
0x126: {  	v35 =	vld [tilespmem:s9+$0xC402];
	v1 =	vadd.s32 v2, v1  }
0x127: {  	v36 =	vld [tilespmem:s9+$0xC603];
	v1 =	vadd.s32 v3, v1  }
0x128: {  	v37 =	vld [tilespmem:s9+$0xC804];
	v1 =	vadd.s32 v4, v1  }
0x129: {  	v38 =	vld [tilespmem:s9+$0xCA05];
	[tilespmem:s7+$0xE080] =	vst v1  }
0x12a: {  	v0 =	vadd.s32 v0, v6;
	v1 =	vld [tilespmem:s9+$0xCC06]  }
0x12b: {  	v39 =	vld [tilespmem:s9+$0xCE07];
	v0 =	vadd.s32 v35, v0  }
0x12c: {  	v40 =	vld [tilespmem:s9+$0xD008];
	v0 =	vadd.s32 v36, v0  }
0x12d: {  	v41 =	vld [tilespmem:s9+$0xD209];
	v0 =	vadd.s32 v37, v0  }
0x12e: {  	v42 =	vld [tilespmem:s9+$0xD40A];
	v0 =	vadd.s32 v38, v0  }
0x12f: {  	v43 =	vld [tilespmem:s9+$0xD60B];
	v0 =	vadd.s32 v1, v0  }
0x130: {  	v44 =	vld [tilespmem:s9+$0xD80C];
	v0 =	vadd.s32 v39, v0  }
0x131: {  	v45 =	vld [tilespmem:s9+$0xDA0D];
	v0 =	vadd.s32 v40, v0  }
0x132: {  	v46 =	vld [tilespmem:s9+$0xDC0E];
	v0 =	vadd.s32 v41, v0  }
0x133: {  	v47 =	vld [tilespmem:s9+$0xDE0F];
	v0 =	vadd.s32 v42, v0  }
0x134: {  	v48 =	vld [tilespmem:s9+$0x18800];
	v0 =	vadd.s32 v43, v0  }
0x135: {  	v49 =	vld [tilespmem:s9+$0x18A01];
	v0 =	vadd.s32 v44, v0  }
0x136: {  	v50 =	vld [tilespmem:s9+$0x18C02];
	v0 =	vadd.s32 v45, v0  }
0x137: {  	v51 =	vld [tilespmem:s9+$0x18E03];
	v0 =	vadd.s32 v46, v0  }
0x138: {  	v52 =	vld [tilespmem:s9+$0x19004];
	v0 =	vadd.s32 v47, v0  }
0x139: {  	v53 =	vld [tilespmem:s9+$0x19205];
	v0 =	vadd.s32 v48, v0  }
0x13a: {  	v54 =	vld [tilespmem:s9+$0x19406];
	v0 =	vadd.s32 v49, v0  }
0x13b: {  	v55 =	vld [tilespmem:s9+$0x19607];
	v0 =	vadd.s32 v50, v0  }
0x13c: {  	v56 =	vld [tilespmem:s9+$0x19808];
	v0 =	vadd.s32 v51, v0  }
0x13d: {  	v57 =	vld [tilespmem:s9+$0x19A09];
	v0 =	vadd.s32 v52, v0  }
0x13e: {  	v58 =	vld [tilespmem:s9+$0x19C0A];
	v0 =	vadd.s32 v53, v0  }
0x13f: {  	v59 =	vld [tilespmem:s9+$0x19E0B];
	v0 =	vadd.s32 v54, v0  }
0x140: {  	v60 =	vld [tilespmem:s9+$0x1A00C];
	v0 =	vadd.s32 v55, v0  }
0x141: {  	v61 =	vld [tilespmem:s9+$0x1A20D];
	v0 =	vadd.s32 v56, v0  }
0x142: {  	v62 =	vld [tilespmem:s9+$0x1A40E];
	v0 =	vadd.s32 v57, v0  }
0x143: {  	v63 =	vld [tilespmem:s9+$0x1A60F];
	v0 =	vadd.s32 v58, v0  }
0x144: {  	v0 =	vadd.s32 v59, v0  }
0x145: {  	v0 =	vadd.s32 v60, v0  }
0x146: {  	v0 =	vadd.s32 v61, v0  }
0x147: {  	v0 =	vadd.s32 v62, v0  }
0x148: {  	s6 =	sshrl.u32 s6, $0x2;
	s31 =	simm.s32 $0xE080;
	v0 =	vadd.s32 v63, v0  }
0x149: {  	p0 =	sne.s32 s5, $0x0;
	s6 =	sadd.s32 s6, s4;
	s7 =	simm.s32 $0x5;
	[tilespmem:s9+$0xE080] =	vst v0  }
0x14a: {  	[spmem:s6] =	stream.linear.scatter [tilespmem:s31], [sflag:$0x5], $0x200, $0x38;
	[tilespmem:$0x1AA98] =	vst v63  }
.Ltmp4:
0x14b: {  	_ =	swait.ge [sflag:s7], $0x200;
	(pc) =	sbr.rel @p0 .LBB2_14-.Ltmp4, $4  }
0x14c: {  	[sflag:s7] =	ssyncset.done $0x0  }
0x14d: {  	[sflag:s7] =	ssyncadd.s32 $0xFFFFFE00  }
0x14e: {  	[bflag:$0x0] =	sbarrier.arrive $0xFFFF  }
0x14f: {  	s5 =	sshll.u32 s5, $0x4  }
0x150: {  	s8 =	simm.s32 $0xE280  }
0x151: {  	[tilespmem:s8], [sflag:$0x5] =	stream.linear.gather [spmem:s4], $0x2000, $0x38;
	[tilespmem:$0x1AA98] =	vst v63  }
0x152: {  	_ =	swait.ge [sflag:s7], $0x2000  }
0x153: {  	s9 =	simm.s32 $0x0;
	[sflag:s7] =	ssyncset.done $0x0  }
0x154: {  	s9 =	sand.u32 $0x1F0, s9;
	[sflag:s7] =	ssyncadd.s32 $0xFFFFE000  }
0x155: {  	v0 =	vld [tilespmem:s9+$0xE480]  }
0x156: {  	v1 =	vld [tilespmem:s8+$0x0]  }
0x157: {  	v2 =	vld [tilespmem:s9+$0xE680]  }
0x158: {  	v3 =	vld [tilespmem:s9+$0xE880]  }
0x159: {  	v4 =	vld [tilespmem:s9+$0xEA80]  }
0x15a: {  	v5 =	vld [tilespmem:s9+$0xEC80]  }
0x15b: {  	v0 =	vadd.s32 v1, v0;
	v1 =	vld [tilespmem:s9+$0xEE80]  }
0x15c: {  	v0 =	vadd.s32 v2, v0;
	v2 =	vld [tilespmem:s9+$0xF080]  }
0x15d: {  	v0 =	vadd.s32 v3, v0;
	v3 =	vld [tilespmem:s9+$0xF280]  }
0x15e: {  	v60 =	vld [tilespmem:s9+$0xF480];
	v0 =	vadd.s32 v4, v0  }
0x15f: {  	v61 =	vld [tilespmem:s9+$0xF680];
	v0 =	vadd.s32 v5, v0  }
0x160: {  	v0 =	vadd.s32 v1, v0;
	v1 =	vld [tilespmem:s9+$0xF880]  }
0x161: {  	v0 =	vadd.s32 v2, v0;
	v2 =	vld [tilespmem:s9+$0xFA80]  }
0x162: {  	v0 =	vadd.s32 v3, v0;
	v3 =	vld [tilespmem:s9+$0xFC80]  }
0x163: {  	v62 =	vld [tilespmem:s9+$0xFE80];
	v0 =	vadd.s32 v60, v0  }
0x164: {  	v63 =	vld [tilespmem:s9+$0x10080];
	v0 =	vadd.s32 v61, v0  }
0x165: {  	v0 =	vadd.s32 v1, v0  }
0x166: {  	v0 =	vadd.s32 v2, v0  }
0x167: {  	v0 =	vadd.s32 v3, v0  }
0x168: {  	v0 =	vadd.s32 v62, v0  }
0x169: {  	s31 =	simm.s32 $0x10;
	s8 =	simm.s32 $0x10280;
	v0 =	vadd.s32 v63, v0  }
0x16a: {  	s9 =	sand.u32 $0x1F0, s31;
	[tilespmem:s8+$0x0] =	vst v0  }
0x16b: {  	s11 =	simm.s32 $0x20;
	s10 =	simm.s32 $0xE290;
	v0 =	vld [tilespmem:s9+$0xE480]  }
.LBB2_10:
0x16c: {  	p1 =	sne.s32 s11, $0x1F0;
	v1 =	vld [tilespmem:s10+$0x0]  }
0x16d: {  	v2 =	vld [tilespmem:s9+$0xE680]  }
0x16e: {  	v3 =	vld [tilespmem:s9+$0xE880]  }
0x16f: {  	v4 =	vld [tilespmem:s9+$0xEA80]  }
0x170: {  	v5 =	vld [tilespmem:s9+$0xEC80]  }
0x171: {  	v0 =	vadd.s32 v1, v0;
	v1 =	vld [tilespmem:s9+$0xEE80]  }
0x172: {  	v0 =	vadd.s32 v2, v0;
	v2 =	vld [tilespmem:s9+$0xF080]  }
0x173: {  	v0 =	vadd.s32 v3, v0;
	v3 =	vld [tilespmem:s9+$0xF280]  }
0x174: {  	v0 =	vadd.s32 v4, v0;
	v4 =	vld [tilespmem:s9+$0xF480]  }
0x175: {  	v0 =	vadd.s32 v5, v0;
	v5 =	vld [tilespmem:s9+$0xF680]  }
0x176: {  	v0 =	vadd.s32 v1, v0;
	v1 =	vld [tilespmem:s9+$0xF880]  }
0x177: {  	v0 =	vadd.s32 v2, v0;
	v2 =	vld [tilespmem:s9+$0xFA80]  }
0x178: {  	v0 =	vadd.s32 v3, v0;
	v3 =	vld [tilespmem:s9+$0xFC80]  }
0x179: {  	v0 =	vadd.s32 v4, v0;
	v4 =	vld [tilespmem:s9+$0xFE80]  }
0x17a: {  	v0 =	vadd.s32 v5, v0;
	v5 =	vld [tilespmem:s9+$0x10080]  }
0x17b: {  	v0 =	vadd.s32 v1, v0  }
0x17c: {  	v0 =	vadd.s32 v2, v0  }
.Ltmp5:
0x17d: {  	v0 =	vadd.s32 v3, v0;
	(pc) =	sbr.rel @p1 .LBB2_10-.Ltmp5, $4  }
0x17e: {  	v0 =	vadd.s32 v4, v0  }
0x17f: {  	s8 =	sadd.s32 $0x10, s8;
	v0 =	vadd.s32 v5, v0  }
0x180: {  	s9 =	sand.u32 $0x1F0, s11;
	[tilespmem:s8+$0x0] =	vst v0  }
0x181: {  	s10 =	sadd.s32 $0x10, s10;
	s11 =	sadd.s32 $0x10, s11;
	v0 =	vld [tilespmem:s9+$0xE480]  }
0x182: {  	v1 =	vld [tilespmem:s10+$0x0]  }
0x183: {  	v2 =	vld [tilespmem:s9+$0xE680]  }
0x184: {  	v3 =	vld [tilespmem:s9+$0xE880]  }
0x185: {  	v4 =	vld [tilespmem:s9+$0xEA80]  }
0x186: {  	v5 =	vld [tilespmem:s9+$0xEC80]  }
0x187: {  	v0 =	vadd.s32 v1, v0;
	v1 =	vld [tilespmem:s9+$0xEE80]  }
0x188: {  	v0 =	vadd.s32 v2, v0;
	v2 =	vld [tilespmem:s9+$0xF080]  }
0x189: {  	v0 =	vadd.s32 v3, v0;
	v3 =	vld [tilespmem:s9+$0xF280]  }
0x18a: {  	v0 =	vadd.s32 v4, v0;
	v4 =	vld [tilespmem:s9+$0xF480]  }
0x18b: {  	v0 =	vadd.s32 v5, v0;
	v5 =	vld [tilespmem:s9+$0xF680]  }
0x18c: {  	v0 =	vadd.s32 v1, v0;
	v1 =	vld [tilespmem:s9+$0xF880]  }
0x18d: {  	v0 =	vadd.s32 v2, v0;
	v2 =	vld [tilespmem:s9+$0xFA80]  }
0x18e: {  	v0 =	vadd.s32 v3, v0;
	v3 =	vld [tilespmem:s9+$0xFC80]  }
0x18f: {  	v0 =	vadd.s32 v4, v0;
	v4 =	vld [tilespmem:s9+$0xFE80]  }
0x190: {  	v0 =	vadd.s32 v5, v0;
	v5 =	vld [tilespmem:s9+$0x10080]  }
0x191: {  	v0 =	vadd.s32 v1, v0  }
0x192: {  	v0 =	vadd.s32 v2, v0  }
0x193: {  	v0 =	vadd.s32 v3, v0  }
0x194: {  	v0 =	vadd.s32 v4, v0  }
0x195: {  	s8 =	sadd.s32 $0x10, s8;
	v0 =	vadd.s32 v5, v0  }
0x196: {  	[tilespmem:s8+$0x0] =	vst v0  }
0x197: {  	v0 =	vld [tilespmem:$0x10440];
	_ =	sdelay $0x4  }
0x198: {  	(v2sf) =	vpush v0, $0x0;
	_ =	sdelay $0xa  }
0x199: {  	s10 =	simm.s32 $0x10280  }
0x19a: {  	v3 =	vld [tilespmem:s10+$0x0];
	_ =	sdelay $0x2  }
0x19b: {  	s29 =	spop (v2sf)  }
0x19c: {  	s9 =	simm.s32 $0x1;
	s8 =	ssub.s32 $0x40000, s29;
	p1 =	sne.s32 s29, $0x40000  }
0x19d: {  	(xrf0) =	vadd.scan.msk.s32 $0xffff, v3;
	s11 =	sshra.s32 s8, $0x1F;
	s9 =	simm.s32 @!p1 $0x0  }
0x19e: {  	s12 =	sand.u32 $0x3, s8;
	s9 =	sor.u32 s9, s11  }
0x19f: {  	s11 =	sshrl.u32 s11, $0x1E;
	p2 =	sne.s32 s12, $0x0;
	p6 =	sne.s32 s9, $0x1  }
0x1a0: {  	s30 =	sadd.s32 s11, s8;
	p1 =	por !p2, !p6  }
0x1a1: {  	s11 =	simm.s32 $0x1;
	s9 =	sshra.s32 s30, $0x2;
	p1 =	por !p1, !p1  }
0x1a2: {  	s9 =	ssub.s32 s8, s9;
	s11 =	simm.s32 @!p1 $0x0  }
0x1a3: {  	s31 =	simm.s32 $0x0;
	v2 =	vlaneseq.u32;
	v4, _, _ =	vpop (xrf0);
	s9 =	sadd.s32 s11, s9  }
0x1a4: {  	v7 =	vor.u32 s31, v2;
	v4 =	vadd.s32 s31, v4;
	v1 =	vmov s9  }
0x1a5: {  	v0 =	vimm.s32 $0x7FFFFFFF;
	v3 =	vsub.s32 v4, v3;
	vm0 =	vlt.s32 v4, v1  }
0x1a6: {  	(v2sf) =	vpush v4, $0xF;
	v5 =	vsel vm0, $0x7FFFFFFF, v4;
	v6 =	vsel vm0, $0x7FFFFFFF, v3  }
0x1a7: {  	v7 =	vsel vm0, $0x7FFFFFFF, v7;
	v3 =	vimm.s32 $0x7FFFFFFF;
	v4 =	vimm.s32 $0x7FFFFFFF  }
0x1a8: {  	s11 =	simm.s32 $0x10;
	vm0 =	vlt.s32 v0, v5;
	vm1 =	vlt.s32 v0, v6;
	vm2 =	vlt.s32 v0, v7  }
.LBB2_12:
0x1a9: {  	p1 =	sne.s32 s11, $0x1F0  }
0x1aa: {  	v0 =	vsel vm0, v0, v5;
	v3 =	vsel vm1, v3, v6;
	v4 =	vsel vm2, v4, v7;
	s10 =	sadd.s32 $0x10, s10;
	s12 =	smov.u32 s11;
	s11 =	sadd.s32 $0x10, s11  }
0x1ab: {  	v5 =	vld [tilespmem:s10+$0x0];
	_ =	sdelay $0x4  }
0x1ac: {  	(xrf0) =	vadd.scan.msk.s32 $0xffff, v5;
	_ =	sdelay $0x5  }
.Ltmp6:
0x1ad: {  	v6, _, _ =	vpop (xrf0);
	s13 =	spop (v2sf);
	(pc) =	sbr.rel @p1 .LBB2_12-.Ltmp6, $4  }
0x1ae: {  	v7 =	vor.u32 s12, v2;
	v6 =	vadd.s32 s13, v6  }
0x1af: {  	vm0 =	vlt.s32 v6, v1;
	v8 =	vsub.s32 v6, v5;
	(v2sf) =	vpush v6, $0xF  }
0x1b0: {  	v5 =	vsel vm0, $0x7FFFFFFF, v6;
	v6 =	vsel vm0, $0x7FFFFFFF, v8;
	v7 =	vsel vm0, $0x7FFFFFFF, v7  }
0x1b1: {  	vm0 =	vlt.s32 v0, v5;
	vm1 =	vlt.s32 v3, v6;
	vm2 =	vlt.s32 v4, v7  }
0x1b2: {  	v1 =	vsel vm2, v4, v7  }
0x1b3: {  	v2 =	vsel vm1, v3, v6;
	v1 =	vxor.u32 $0x80000000, v1  }
0x1b4: {  	v56 =	vxor.u32 $0x80000000, v2;
	(xrf0) =	vmin.scan.msk.u32 $0xffff, v1  }
0x1b5: {  	v0 =	vsel vm0, v0, v5;
	(xrf0) =	vmin.scan.msk.u32 $0xffff, v56  }
0x1b6: {  	v0 =	vxor.u32 $0x80000000, v0  }
0x1b7: {  	(xrf0) =	vmin.scan.msk.u32 $0xffff, v0;
	_ =	sdelay $0x2  }
0x1b8: {  	v57, _, _ =	vpop (xrf0)  }
0x1b9: {  	v1, _, _ =	vpop (xrf0);
	(v2sf) =	vpush v57, $0xF  }
0x1ba: {  	(v2sf) =	vpush v1, $0xF  }
0x1bb: {  	v58, _, _ =	vpop (xrf0)  }
0x1bc: {  	(v2sf) =	vpush v58, $0xF;
	_ =	sdelay $0xa  }
0x1bd: {  	s10 =	spop (v2sf)  }
0x1be: {  	vm11 =	vcmask $0x300;
	v59 =	vimm.s32 $0x0;
	s10 =	spop (v2sf)  }
0x1bf: {  	vm12 =	vcmask $0xB08;
	vm13 =	vcmask $0x1310;
	vm14 =	vcmask $0x704;
	s11 =	spop (v2sf)  }
0x1c0: {  	vm15 =	vcmask $0xF0C;
	v61 =	vsel vm12, $0xFFFFFFFF, v59;
	v62 =	vsel vm13, $0xFFFFFFFF, v59;
	s11 =	sxor.u32 $0x80000000, s11  }
0x1c1: {  	v63 =	vsel vm14, $0xFFFFFFFF, v59;
	v3 =	vand.u32 s8, v62;
	s12 =	spop (v2sf);
	s9 =	ssub.s32 s9, s11;
	v2 =	vand.u32 s11, v61  }
0x1c2: {  	v60 =	vsel vm11, $0xFFFFFFFF, v59;
	s26 =	sxor.u32 $0x80000000, s10;
	s28 =	sxor.u32 $0x80000000, s12;
	v4 =	vand.u32 s9, v63;
	v2 =	vadd.s32 v3, v2  }
0x1c3: {  	v0 =	vsel vm15, $0xFFFFFFFF, v59;
	v1 =	vand.u32 s26, v60;
	s29 =	ssub.s32 s28, s11;
	v2 =	vadd.s32 v4, v2  }
0x1c4: {  	v0 =	vand.u32 s29, v0;
	v1 =	vadd.s32 v1, v2  }
0x1c5: {  	v0 =	vadd.s32 v0, v1  }
0x1c6: {  	s30 =	simm.s32 $0x10480;
	s31 =	simm.s32 $0x5;
	[tilespmem:$0x10480] =	vst v0  }
0x1c7: {  	[spmem:s3] =	stream.linear.scatter [tilespmem:s30], [sflag:$0x5], $0x80, $0x38;
	[tilespmem:$0x1AA98] =	vst v63  }
0x1c8: {  	_ =	swait.ge [sflag:s31], $0x80  }
0x1c9: {  	[sflag:s31] =	ssyncset.done $0x0  }
0x1ca: {  	[sflag:s31] =	ssyncadd.s32 $0xFFFFFF80  }
.LBB2_14:
0x1cb: {  	[bflag:$0x0] =	sbarrier.arrive $0xFFFF;
	s8 =	simm.s32 $0x10480  }
0x1cc: {  	[tilespmem:s8], [sflag:$0x5] =	stream.linear.gather [spmem:s3], $0x80, $0x38;
	[tilespmem:$0x1AA98] =	vst v63  }
0x1cd: {  	_ =	swait.ge [sflag:s7], $0x80  }
0x1ce: {  	[sflag:s7] =	ssyncset.done $0x0  }
0x1cf: {  	[sflag:s7] =	ssyncadd.s32 $0xFFFFFF80  }
0x1d0: {  	s5 =	sadd.s32 s5, s2;
	v0 =	vimm.s32 $0x0;
	s8 =	simm.s32 $0x200;
	s7 =	simm.s32 $0x0;
	v4 =	vld [tilespmem:$0x10480]  }
.LBB2_15:
0x1d1: {  	p1 =	seq.s32 s8, $0x8000;
	[tilespmem:s7+$0xC070] =	vst v0  }
0x1d2: {  	[tilespmem:s7+$0xC000] =	vst v0  }
0x1d3: {  	[tilespmem:s7+$0xC010] =	vst v0  }
.Ltmp7:
0x1d4: {  	[tilespmem:s7+$0xC020] =	vst v0;
	(pc) =	sbr.rel @!p1 .LBB2_15-.Ltmp7, $4  }
0x1d5: {  	[tilespmem:s7+$0xC030] =	vst v0  }
0x1d6: {  	[tilespmem:s7+$0xC040] =	vst v0  }
0x1d7: {  	[tilespmem:s7+$0xC050] =	vst v0  }
0x1d8: {  	[tilespmem:s7+$0xC060] =	vst v0;
	s7 =	sshra.s32 s8, $0x2;
	s8 =	sadd.s32 $0x200, s8  }
0x1d9: {  	[tilespmem:s7+$0xC070] =	vst v0  }
0x1da: {  	[tilespmem:s7+$0xC000] =	vst v0  }
0x1db: {  	[tilespmem:s7+$0xC010] =	vst v0  }
0x1dc: {  	[tilespmem:s7+$0xC020] =	vst v0  }
0x1dd: {  	[tilespmem:s7+$0xC030] =	vst v0  }
0x1de: {  	[tilespmem:s7+$0xC040] =	vst v0  }
0x1df: {  	[tilespmem:s7+$0xC050] =	vst v0  }
0x1e0: {  	[tilespmem:s7+$0xC060] =	vst v0;
	s8 =	simm.s32 $0x0  }
0x1e1: {  	v1 =	vld [tilespmem:s8+$0x8000];
	_ =	sdelay $0x3  }
0x1e2: {  	v0 =	vbroadcast v4, $0x0  }
0x1e3: {  	v2 =	vshra.s32 v1, $0x11  }
0x1e4: {  	s25 =	simm.s32 $0x0;
	vm0 =	veq.s32 v2, v0  }
0x1e5: {  	[tilespmem:s25+$0x10700] =	vst.msk vm0, v1  }
0x1e6: {  	v1 =	vld [tilespmem:s8+$0x8010];
	_ =	sdelay $0x4  }
0x1e7: {  	v2 =	vshra.s32 v1, $0x11  }
0x1e8: {  	vm1 =	veq.s32 v2, v0  }
0x1e9: {  	[tilespmem:s25+$0x11710] =	vst.msk vm1, v1  }
0x1ea: {  	v1 =	vld [tilespmem:s8+$0x8020];
	_ =	sdelay $0x3  }
0x1eb: {  	v2 =	vmpcnt.ones.xlane vm0  }
0x1ec: {  	v3 =	vshra.s32 v1, $0x11  }
0x1ed: {  	(v2sf) =	vpush v2, $0x0;
	vm8 =	veq.s32 v3, v0  }
0x1ee: {  	[tilespmem:s25+$0x12720] =	vst.msk vm8, v1  }
0x1ef: {  	v1 =	vld [tilespmem:s8+$0x8030];
	_ =	sdelay $0x2  }
0x1f0: {  	v2 =	vmpcnt.ones.xlane vm8  }
0x1f1: {  	v3 =	vmpcnt.ones.xlane vm1  }
0x1f2: {  	(v2sf) =	vpush v2, $0x0;
	v2 =	vshra.s32 v1, $0x11  }
0x1f3: {  	(v2sf) =	vpush v3, $0x0;
	vm9 =	veq.s32 v2, v0  }
0x1f4: {  	[tilespmem:s25+$0x13730] =	vst.msk vm9, v1  }
0x1f5: {  	v1 =	vld [tilespmem:s8+$0x8040];
	_ =	sdelay $0x4  }
0x1f6: {  	s26 =	spop (v2sf);
	v2 =	vshra.s32 v1, $0x11  }
0x1f7: {  	s9 =	sadd.s32 $0x0, s26;
	vm10 =	veq.s32 v2, v0  }
0x1f8: {  	[tilespmem:s9+$0x10700] =	vst.msk vm10, v1  }
0x1f9: {  	v1 =	vld [tilespmem:s8+$0x8050];
	_ =	sdelay $0x3  }
0x1fa: {  	v2 =	vmpcnt.ones.xlane vm9;
	s28 =	spop (v2sf)  }
0x1fb: {  	s10 =	spop (v2sf);
	v3 =	vshra.s32 v1, $0x11  }
0x1fc: {  	(v2sf) =	vpush v2, $0x0;
	s10 =	sadd.s32 $0x0, s10;
	vm11 =	veq.s32 v3, v0  }
0x1fd: {  	[tilespmem:s10+$0x11710] =	vst.msk vm11, v1  }
0x1fe: {  	v1 =	vld [tilespmem:s8+$0x8060];
	_ =	sdelay $0x3  }
0x1ff: {  	v2 =	vmpcnt.ones.xlane vm10  }
0x200: {  	v3 =	vshra.s32 v1, $0x11  }
0x201: {  	s11 =	sadd.s32 $0x0, s28;
	(v2sf) =	vpush v2, $0x0;
	vm12 =	veq.s32 v3, v0  }
0x202: {  	[tilespmem:s11+$0x12720] =	vst.msk vm12, v1  }
0x203: {  	v1 =	vld [tilespmem:s8+$0x8070]  }
0x204: {  	v2 =	vmpcnt.ones.xlane vm11;
	_ =	sdelay $0x1  }
0x205: {  	(v2sf) =	vpush v2, $0x0;
	_ =	sdelay $0x1  }
0x206: {  	s29 =	spop (v2sf);
	v3 =	vshra.s32 v1, $0x11  }
0x207: {  	v2 =	vmpcnt.ones.xlane vm12;
	s13 =	sadd.s32 $0x0, s29;
	vm13 =	veq.s32 v3, v0  }
0x208: {  	s7 =	simm.s32 $0x80;
	[tilespmem:s13+$0x13730] =	vst.msk vm13, v1;
	v1 =	vmpcnt.ones.xlane vm13  }
0x209: {  	(v2sf) =	vpush v2, $0x0;
	v2 =	vld [tilespmem:s7+$0x8000]  }
0x20a: {  	(v2sf) =	vpush v1, $0x0;
	_ =	sdelay $0x3  }
0x20b: {  	s30 =	spop (v2sf);
	v1 =	vshra.s32 v2, $0x11  }
0x20c: {  	s9 =	sadd.s32 s9, s30;
	vm14 =	veq.s32 v1, v0  }
0x20d: {  	[tilespmem:s9+$0x10700] =	vst.msk vm14, v2  }
0x20e: {  	v3 =	vmpcnt.ones.xlane vm14;
	v1 =	vld [tilespmem:s7+$0x8010];
	_ =	sdelay $0x1  }
0x20f: {  	s31 =	spop (v2sf);
	(v2sf) =	vpush v3, $0x0;
	_ =	sdelay $0x2  }
0x210: {  	v2 =	vshra.s32 v1, $0x11  }
0x211: {  	s10 =	sadd.s32 s10, s31;
	vm15 =	veq.s32 v2, v0  }
0x212: {  	s12 =	spop (v2sf);
	[tilespmem:s10+$0x11710] =	vst.msk vm15, v1  }
0x213: {  	s8 =	simm.s32 $0x400;
	s11 =	sadd.s32 s11, s12;
	v1 =	vmpcnt.ones.xlane vm15;
	v2 =	vld [tilespmem:s7+$0x8020];
	s12 =	spop (v2sf)  }
.LBB2_17:
0x214: {  	p1 =	sne.s32 s8, $0xFE00  }
0x215: {  	s13 =	sadd.s32 s13, s12;
	s12 =	smov.u32 s8;
	s8 =	sadd.s32 $0x200, s8  }
0x216: {  	_ =	sdelay $0x2  }
0x217: {  	v3 =	vshra.s32 v2, $0x11  }
0x218: {  	vm0 =	veq.s32 v3, v0  }
0x219: {  	[tilespmem:s11+$0x12720] =	vst.msk vm0, v2;
	v2 =	vmpcnt.ones.xlane vm0  }
0x21a: {  	v3 =	vld [tilespmem:s7+$0x8030];
	s14 =	spop (v2sf)  }
0x21b: {  	(v2sf) =	vpush v2, $0x0;
	_ =	sdelay $0x3  }
0x21c: {  	v2 =	vshra.s32 v3, $0x11  }
0x21d: {  	vm0 =	veq.s32 v2, v0;
	(v2sf) =	vpush v1, $0x0  }
0x21e: {  	[tilespmem:s13+$0x13730] =	vst.msk vm0, v3;
	v1 =	vmpcnt.ones.xlane vm0  }
0x21f: {  	v2 =	vld [tilespmem:s7+$0x8040]  }
0x220: {  	(v2sf) =	vpush v1, $0x0;
	_ =	sdelay $0x3  }
0x221: {  	v1 =	vshra.s32 v2, $0x11  }
0x222: {  	s9 =	sadd.s32 s9, s14;
	vm0 =	veq.s32 v1, v0  }
0x223: {  	[tilespmem:s9+$0x10700] =	vst.msk vm0, v2;
	v1 =	vmpcnt.ones.xlane vm0  }
0x224: {  	v2 =	vld [tilespmem:s7+$0x8050];
	s14 =	spop (v2sf)  }
0x225: {  	(v2sf) =	vpush v1, $0x0;
	_ =	sdelay $0x3  }
0x226: {  	v1 =	vshra.s32 v2, $0x11;
	s15 =	spop (v2sf)  }
0x227: {  	s10 =	sadd.s32 s10, s15;
	vm0 =	veq.s32 v1, v0  }
0x228: {  	[tilespmem:s10+$0x11710] =	vst.msk vm0, v2;
	v1 =	vmpcnt.ones.xlane vm0  }
0x229: {  	v2 =	vld [tilespmem:s7+$0x8060];
	s15 =	spop (v2sf)  }
0x22a: {  	(v2sf) =	vpush v1, $0x0;
	_ =	sdelay $0x3  }
0x22b: {  	v1 =	vshra.s32 v2, $0x11  }
0x22c: {  	s11 =	sadd.s32 s11, s14;
	vm0 =	veq.s32 v1, v0  }
0x22d: {  	[tilespmem:s11+$0x12720] =	vst.msk vm0, v2;
	v1 =	vmpcnt.ones.xlane vm0  }
0x22e: {  	v2 =	vld [tilespmem:s7+$0x8070];
	s7 =	spop (v2sf)  }
0x22f: {  	s9 =	sadd.s32 s9, s7;
	(v2sf) =	vpush v1, $0x0;
	_ =	sdelay $0x3  }
0x230: {  	v1 =	vshra.s32 v2, $0x11  }
0x231: {  	s13 =	sadd.s32 s13, s15;
	vm0 =	veq.s32 v1, v0  }
0x232: {  	s7 =	sshra.s32 s12, $0x2;
	[tilespmem:s13+$0x13730] =	vst.msk vm0, v2;
	v1 =	vmpcnt.ones.xlane vm0  }
0x233: {  	v2 =	vld [tilespmem:s7+$0x8000];
	s12 =	spop (v2sf)  }
0x234: {  	s10 =	sadd.s32 s10, s12;
	(v2sf) =	vpush v1, $0x0;
	_ =	sdelay $0x3  }
0x235: {  	v1 =	vshra.s32 v2, $0x11  }
0x236: {  	vm0 =	veq.s32 v1, v0  }
0x237: {  	[tilespmem:s9+$0x10700] =	vst.msk vm0, v2;
	v1 =	vmpcnt.ones.xlane vm0  }
0x238: {  	v2 =	vld [tilespmem:s7+$0x8010];
	s12 =	spop (v2sf)  }
0x239: {  	(v2sf) =	vpush v1, $0x0;
	s11 =	sadd.s32 s11, s12;
	_ =	sdelay $0x2  }
.Ltmp8:
0x23a: {  	(pc) =	sbr.rel @p1 .LBB2_17-.Ltmp8, $4  }
0x23b: {  	v1 =	vshra.s32 v2, $0x11  }
0x23c: {  	vm0 =	veq.s32 v1, v0  }
0x23d: {  	[tilespmem:s10+$0x11710] =	vst.msk vm0, v2;
	v1 =	vmpcnt.ones.xlane vm0  }
0x23e: {  	v2 =	vld [tilespmem:s7+$0x8020];
	s12 =	spop (v2sf)  }
0x23f: {  	_ =	sdelay $0x3  }
0x240: {  	v3 =	vshra.s32 v2, $0x11  }
0x241: {  	vm0 =	veq.s32 v3, v0  }
0x242: {  	[tilespmem:s11+$0x12720] =	vst.msk vm0, v2  }
0x243: {  	v2 =	vld [tilespmem:s7+$0x8030];
	_ =	sdelay $0x2  }
0x244: {  	v3 =	vmpcnt.ones.xlane vm0;
	_ =	sdelay $0x1  }
0x245: {  	(v2sf) =	vpush v3, $0x0;
	v3 =	vshra.s32 v2, $0x11  }
0x246: {  	s8 =	sadd.s32 s13, s12;
	(v2sf) =	vpush v1, $0x0;
	vm14 =	veq.s32 v3, v0  }
0x247: {  	[tilespmem:s8+$0x13730] =	vst.msk vm14, v2  }
0x248: {  	v1 =	vld [tilespmem:s7+$0x8040];
	_ =	sdelay $0x4  }
0x249: {  	s24 =	spop (v2sf);
	v2 =	vshra.s32 v1, $0x11  }
0x24a: {  	s9 =	sadd.s32 s9, s24;
	vm1 =	veq.s32 v2, v0  }
0x24b: {  	[tilespmem:s9+$0x10700] =	vst.msk vm1, v1  }
0x24c: {  	v1 =	vld [tilespmem:s7+$0x8050];
	_ =	sdelay $0x3  }
0x24d: {  	s25 =	spop (v2sf)  }
0x24e: {  	s26 =	spop (v2sf);
	v2 =	vshra.s32 v1, $0x11  }
0x24f: {  	s13 =	sadd.s32 s10, s26;
	vm2 =	veq.s32 v2, v0  }
0x250: {  	[tilespmem:s13+$0x11710] =	vst.msk vm2, v1  }
0x251: {  	v1 =	vld [tilespmem:s7+$0x8060];
	_ =	sdelay $0x4  }
0x252: {  	v2 =	vshra.s32 v1, $0x11  }
0x253: {  	s28 =	sadd.s32 s11, s25;
	vm3 =	veq.s32 v2, v0  }
0x254: {  	[tilespmem:s28+$0x12720] =	vst.msk vm3, v1  }
0x255: {  	v2 =	vmpcnt.ones.xlane vm14;
	v1 =	vld [tilespmem:s7+$0x8070]  }
0x256: {  	v3 =	vmpcnt.ones.xlane vm1  }
0x257: {  	(v2sf) =	vpush v2, $0x0  }
0x258: {  	(v2sf) =	vpush v3, $0x0;
	_ =	sdelay $0x1  }
0x259: {  	v5 =	vmpcnt.ones.xlane vm2;
	v2 =	vshra.s32 v1, $0x11  }
0x25a: {  	v6 =	vmpcnt.ones.xlane vm3;
	vm15 =	veq.s32 v2, v0  }
0x25b: {  	(v2sf) =	vpush v5, $0x0;
	v0 =	vmpcnt.ones.xlane vm15  }
0x25c: {  	(v2sf) =	vpush v6, $0x0  }
0x25d: {  	(v2sf) =	vpush v0, $0x0  }
0x25e: {  	(v2sf) =	vpush v4, $0x0  }
0x25f: {  	(v2sf) =	vpush v4, $0x1  }
0x260: {  	(v2sf) =	vpush v4, $0x2;
	_ =	sdelay $0x4  }
0x261: {  	s29 =	spop (v2sf)  }
0x262: {  	s30 =	spop (v2sf)  }
0x263: {  	s15 =	sadd.s32 s9, s30  }
0x264: {  	s9 =	sadd.s32 $0xF, s15  }
0x265: {  	s10 =	sshra.s32 s9, $0x4  }
0x266: {  	s31 =	spop (v2sf);
	p1 =	slt.s32 s10, $0x1  }
.Ltmp9:
0x267: {  	s14 =	spop (v2sf);
	(pc) =	sbr.rel @p1 .LBB2_25-.Ltmp9, $4  }
0x268: {  	s16 =	spop (v2sf)  }
0x269: {  	s7 =	spop (v2sf)  }
0x26a: {  	s8 =	sadd.s32 s8, s29;
	s12 =	sadd.s32 s13, s31;
	s9 =	spop (v2sf)  }
0x26b: {  	[tilespmem:s8+$0x13730] =	vst.msk vm15, v1;
	v0 =	vmov s15;
	s13 =	sadd.s32 s28, s14;
	s14 =	sadd.s32 s8, s16;
	s8 =	spop (v2sf)  }
0x26c: {  	p3 =	sne.s32 s10, $0x1  }
.Ltmp10:
0x26d: {  	_ = 	snop;
	(pc) =	sbr.rel @!p3 .LBB2_20-.Ltmp10, $3  }
0x26e: {  	_ =	sdelay $0x1  }
0x26f: {  	s16 =	simm.s32 $0x10700;
	s15 =	simm.s32 $0x0;
	v3 =	vlaneseq.u32  }
0x270: {  	v2 =	vimm.s32 $0x1;
	s11 =	simm.s32 $0xC000;
	p2 =	por $0x0, $0x0;
	v1 =	vmul.u32 $0x201, v3;
	v5 =	vld [tilespmem:s16+$0x0];
	s16 =	sadd.s32 $0xFFFFFFFF, s10  }
0x271: {  	_ =	sdelay $0x3  }
0x272: {  	v6 =	vor.u32 s15, v3;
	v5 =	vshrl.u32 v5, $0x8  }
0x273: {  	vm0 =	vlt.s32 v6, v0;
	v5 =	vand.u32 $0x1FF, v5  }
0x274: {  	v5 =	vadd.s32 v1, v5  }
0x275: {  	p3 =	sne.s32 s16, $0x1  }
.Ltmp11:
0x276: {  	_ = 	snop;
	(pc) =	sbr.rel @!p3 .LBB2_22-.Ltmp11, $3  }
0x277: {  	_ =	sdelay $0x1  }
0x278: {  	s17 =	simm.s32 $0x10710;
	[tilespmem:v5+s11+$0x0] =	vst.idx.add.s32.msk vm0, v2  }
0x279: {  	s18 =	sadd.s32 $0xFFFFFFFF, s16;
	p2 =	por $0x1, $0x1;
	s16 =	simm.s32 $0x0;
	v5 =	vld [tilespmem:s17+$0x0]  }
.LBB2_23:
0x27a: {  	p3 =	sne.s32 s18, $0x1;
	_ =	sdelay $0x2  }
0x27b: {  	s16 =	sadd.s32 $0x10, s16  }
0x27c: {  	v6 =	vor.u32 s16, v3;
	v5 =	vshrl.u32 v5, $0x8  }
0x27d: {  	vm0 =	vlt.s32 v6, v0;
	v5 =	vand.u32 $0x1FF, v5  }
0x27e: {  	v5 =	vadd.s32 v1, v5;
	_ =	sdelay $0x1  }
.Ltmp12:
0x27f: {  	(pc) =	sbr.rel @p3 .LBB2_23-.Ltmp12, $3  }
0x280: {  	_ =	sdelay $0x1  }
0x281: {  	s17 =	sadd.s32 $0x10, s17;
	[tilespmem:v5+s11+$0x0] =	vst.idx.add.s32.msk vm0, v2  }
0x282: {  	s18 =	sadd.s32 $0xFFFFFFFF, s18;
	v5 =	vld [tilespmem:s17+$0x0]  }
.LBB2_24:
0x283: {  	_ =	sdelay $0x1  }
0x284: {  	s16 =	sadd.s32 @p2 $0x10, s16  }
0x285: {  	s15 =	smov.u32 @p2 s16  }
0x286: {  	v3 =	vor.u32 s15, v3;
	v5 =	vshrl.u32 v5, $0x8  }
0x287: {  	vm0 =	vlt.s32 v3, v0;
	v3 =	vand.u32 $0x1FF, v5  }
0x288: {  	v1 =	vadd.s32 v1, v3;
	_ =	sdelay $0x4  }
0x289: {  	[tilespmem:v1+s11+$0x0] =	vst.idx.add.s32.msk vm0, v2  }
.LBB2_25:
0x28a: {  	s11 =	sadd.s32 $0xF, s12  }
0x28b: {  	s11 =	sshra.s32 s11, $0x4  }
0x28c: {  	p2 =	slt.s32 s11, $0x1  }
.Ltmp13:
0x28d: {  	_ = 	snop;
	(pc) =	sbr.rel @p2 .LBB2_32-.Ltmp13, $2  }
0x28e: {  	_ =	sdelay $0x2  }
0x28f: {  	v1 =	vmov s12  }
0x290: {  	p4 =	sne.s32 s11, $0x1  }
.Ltmp14:
0x291: {  	_ = 	snop;
	(pc) =	sbr.rel @!p4 .LBB2_27-.Ltmp14, $3  }
0x292: {  	_ =	sdelay $0x1  }
0x293: {  	s16 =	simm.s32 $0x11710;
	s15 =	simm.s32 $0x0;
	v5 =	vlaneseq.u32  }
0x294: {  	v3 =	vimm.s32 $0x1;
	s12 =	simm.s32 $0xC000;
	p3 =	por $0x0, $0x0;
	v2 =	vmul.u32 $0x201, v5;
	v6 =	vld [tilespmem:s16+$0x0];
	s16 =	sadd.s32 $0xFFFFFFFF, s11  }
0x295: {  	_ =	sdelay $0x3  }
0x296: {  	v7 =	vor.u32 s15, v5;
	v6 =	vshrl.u32 v6, $0x8  }
0x297: {  	vm0 =	vlt.s32 v7, v1;
	v6 =	vand.u32 $0x1FF, v6  }
0x298: {  	v6 =	vadd.s32 v2, v6  }
0x299: {  	p4 =	sne.s32 s16, $0x1  }
.Ltmp15:
0x29a: {  	_ = 	snop;
	(pc) =	sbr.rel @!p4 .LBB2_29-.Ltmp15, $3  }
0x29b: {  	_ =	sdelay $0x1  }
0x29c: {  	s17 =	simm.s32 $0x11720;
	[tilespmem:v6+s12+$0x0] =	vst.idx.add.s32.msk vm0, v3  }
0x29d: {  	s18 =	sadd.s32 $0xFFFFFFFF, s16;
	p3 =	por $0x1, $0x1;
	s16 =	simm.s32 $0x0;
	v6 =	vld [tilespmem:s17+$0x0]  }
.LBB2_30:
0x29e: {  	p4 =	sne.s32 s18, $0x1;
	_ =	sdelay $0x2  }
0x29f: {  	s16 =	sadd.s32 $0x10, s16  }
0x2a0: {  	v7 =	vor.u32 s16, v5;
	v6 =	vshrl.u32 v6, $0x8  }
0x2a1: {  	vm0 =	vlt.s32 v7, v1;
	v6 =	vand.u32 $0x1FF, v6  }
0x2a2: {  	v6 =	vadd.s32 v2, v6;
	_ =	sdelay $0x1  }
.Ltmp16:
0x2a3: {  	(pc) =	sbr.rel @p4 .LBB2_30-.Ltmp16, $3  }
0x2a4: {  	_ =	sdelay $0x1  }
0x2a5: {  	s17 =	sadd.s32 $0x10, s17;
	[tilespmem:v6+s12+$0x0] =	vst.idx.add.s32.msk vm0, v3  }
0x2a6: {  	s18 =	sadd.s32 $0xFFFFFFFF, s18;
	v6 =	vld [tilespmem:s17+$0x0]  }
.LBB2_31:
0x2a7: {  	_ =	sdelay $0x1  }
0x2a8: {  	s16 =	sadd.s32 @p3 $0x10, s16  }
0x2a9: {  	s15 =	smov.u32 @p3 s16  }
0x2aa: {  	v5 =	vor.u32 s15, v5;
	v6 =	vshrl.u32 v6, $0x8  }
0x2ab: {  	vm0 =	vlt.s32 v5, v1;
	v5 =	vand.u32 $0x1FF, v6  }
0x2ac: {  	v2 =	vadd.s32 v2, v5;
	_ =	sdelay $0x4  }
0x2ad: {  	[tilespmem:v2+s12+$0x0] =	vst.idx.add.s32.msk vm0, v3  }
.LBB2_32:
0x2ae: {  	s12 =	sadd.s32 $0xF, s13  }
0x2af: {  	s12 =	sshra.s32 s12, $0x4  }
0x2b0: {  	p3 =	slt.s32 s12, $0x1  }
.Ltmp17:
0x2b1: {  	_ = 	snop;
	(pc) =	sbr.rel @p3 .LBB2_39-.Ltmp17, $2  }
0x2b2: {  	_ =	sdelay $0x2  }
0x2b3: {  	v2 =	vmov s13  }
0x2b4: {  	p5 =	sne.s32 s12, $0x1  }
.Ltmp18:
0x2b5: {  	_ = 	snop;
	(pc) =	sbr.rel @!p5 .LBB2_34-.Ltmp18, $3  }
0x2b6: {  	_ =	sdelay $0x1  }
0x2b7: {  	s16 =	simm.s32 $0x12720;
	s15 =	simm.s32 $0x0;
	v6 =	vlaneseq.u32  }
0x2b8: {  	v5 =	vimm.s32 $0x1;
	s13 =	simm.s32 $0xC000;
	p4 =	por $0x0, $0x0;
	v3 =	vmul.u32 $0x201, v6;
	v7 =	vld [tilespmem:s16+$0x0];
	s16 =	sadd.s32 $0xFFFFFFFF, s12  }
0x2b9: {  	_ =	sdelay $0x3  }
0x2ba: {  	v8 =	vor.u32 s15, v6;
	v7 =	vshrl.u32 v7, $0x8  }
0x2bb: {  	vm0 =	vlt.s32 v8, v2;
	v7 =	vand.u32 $0x1FF, v7  }
0x2bc: {  	v7 =	vadd.s32 v3, v7  }
0x2bd: {  	p5 =	sne.s32 s16, $0x1  }
.Ltmp19:
0x2be: {  	_ = 	snop;
	(pc) =	sbr.rel @!p5 .LBB2_36-.Ltmp19, $3  }
0x2bf: {  	_ =	sdelay $0x1  }
0x2c0: {  	s17 =	simm.s32 $0x12730;
	[tilespmem:v7+s13+$0x0] =	vst.idx.add.s32.msk vm0, v5  }
0x2c1: {  	s18 =	sadd.s32 $0xFFFFFFFF, s16;
	p4 =	por $0x1, $0x1;
	s16 =	simm.s32 $0x0;
	v7 =	vld [tilespmem:s17+$0x0]  }
.LBB2_37:
0x2c2: {  	p5 =	sne.s32 s18, $0x1;
	_ =	sdelay $0x2  }
0x2c3: {  	s16 =	sadd.s32 $0x10, s16  }
0x2c4: {  	v8 =	vor.u32 s16, v6;
	v7 =	vshrl.u32 v7, $0x8  }
0x2c5: {  	vm0 =	vlt.s32 v8, v2;
	v7 =	vand.u32 $0x1FF, v7  }
0x2c6: {  	v7 =	vadd.s32 v3, v7;
	_ =	sdelay $0x1  }
.Ltmp20:
0x2c7: {  	(pc) =	sbr.rel @p5 .LBB2_37-.Ltmp20, $3  }
0x2c8: {  	_ =	sdelay $0x1  }
0x2c9: {  	s17 =	sadd.s32 $0x10, s17;
	[tilespmem:v7+s13+$0x0] =	vst.idx.add.s32.msk vm0, v5  }
0x2ca: {  	s18 =	sadd.s32 $0xFFFFFFFF, s18;
	v7 =	vld [tilespmem:s17+$0x0]  }
.LBB2_38:
0x2cb: {  	_ =	sdelay $0x1  }
0x2cc: {  	s16 =	sadd.s32 @p4 $0x10, s16  }
0x2cd: {  	s15 =	smov.u32 @p4 s16  }
0x2ce: {  	v6 =	vor.u32 s15, v6;
	v7 =	vshrl.u32 v7, $0x8  }
0x2cf: {  	vm0 =	vlt.s32 v6, v2;
	v6 =	vand.u32 $0x1FF, v7  }
0x2d0: {  	v3 =	vadd.s32 v3, v6;
	_ =	sdelay $0x4  }
0x2d1: {  	[tilespmem:v3+s13+$0x0] =	vst.idx.add.s32.msk vm0, v5  }
.LBB2_39:
0x2d2: {  	s13 =	sadd.s32 $0xF, s14  }
0x2d3: {  	s13 =	sshra.s32 s13, $0x4  }
0x2d4: {  	p4 =	slt.s32 s13, $0x1  }
.Ltmp21:
0x2d5: {  	_ = 	snop;
	(pc) =	sbr.rel @p4 .LBB2_46-.Ltmp21, $2  }
0x2d6: {  	_ =	sdelay $0x2  }
0x2d7: {  	v3 =	vmov s14  }
0x2d8: {  	p6 =	sne.s32 s13, $0x1  }
.Ltmp22:
0x2d9: {  	_ = 	snop;
	(pc) =	sbr.rel @!p6 .LBB2_41-.Ltmp22, $3  }
0x2da: {  	_ =	sdelay $0x1  }
0x2db: {  	s16 =	simm.s32 $0x13730;
	s15 =	simm.s32 $0x0;
	v7 =	vlaneseq.u32  }
0x2dc: {  	v6 =	vimm.s32 $0x1;
	s14 =	simm.s32 $0xC000;
	p5 =	por $0x0, $0x0;
	v5 =	vmul.u32 $0x201, v7;
	v8 =	vld [tilespmem:s16+$0x0];
	s16 =	sadd.s32 $0xFFFFFFFF, s13  }
0x2dd: {  	_ =	sdelay $0x3  }
0x2de: {  	v9 =	vor.u32 s15, v7;
	v8 =	vshrl.u32 v8, $0x8  }
0x2df: {  	vm0 =	vlt.s32 v9, v3;
	v8 =	vand.u32 $0x1FF, v8  }
0x2e0: {  	v8 =	vadd.s32 v5, v8  }
0x2e1: {  	p6 =	sne.s32 s16, $0x1  }
.Ltmp23:
0x2e2: {  	_ = 	snop;
	(pc) =	sbr.rel @!p6 .LBB2_43-.Ltmp23, $3  }
0x2e3: {  	_ =	sdelay $0x1  }
0x2e4: {  	s17 =	simm.s32 $0x13740;
	[tilespmem:v8+s14+$0x0] =	vst.idx.add.s32.msk vm0, v6  }
0x2e5: {  	s18 =	sadd.s32 $0xFFFFFFFF, s16;
	p5 =	por $0x1, $0x1;
	s16 =	simm.s32 $0x0;
	v8 =	vld [tilespmem:s17+$0x0]  }
.LBB2_44:
0x2e6: {  	p6 =	sne.s32 s18, $0x1;
	_ =	sdelay $0x2  }
0x2e7: {  	s16 =	sadd.s32 $0x10, s16  }
0x2e8: {  	v9 =	vor.u32 s16, v7;
	v8 =	vshrl.u32 v8, $0x8  }
0x2e9: {  	vm0 =	vlt.s32 v9, v3;
	v8 =	vand.u32 $0x1FF, v8  }
0x2ea: {  	v8 =	vadd.s32 v5, v8;
	_ =	sdelay $0x1  }
.Ltmp24:
0x2eb: {  	(pc) =	sbr.rel @p6 .LBB2_44-.Ltmp24, $3  }
0x2ec: {  	_ =	sdelay $0x1  }
0x2ed: {  	s17 =	sadd.s32 $0x10, s17;
	[tilespmem:v8+s14+$0x0] =	vst.idx.add.s32.msk vm0, v6  }
0x2ee: {  	s18 =	sadd.s32 $0xFFFFFFFF, s18;
	v8 =	vld [tilespmem:s17+$0x0]  }
.LBB2_45:
0x2ef: {  	_ =	sdelay $0x1  }
0x2f0: {  	s16 =	sadd.s32 @p5 $0x10, s16  }
0x2f1: {  	s15 =	smov.u32 @p5 s16  }
0x2f2: {  	v7 =	vor.u32 s15, v7;
	v8 =	vshrl.u32 v8, $0x8  }
0x2f3: {  	vm0 =	vlt.s32 v7, v3;
	v7 =	vand.u32 $0x1FF, v8  }
0x2f4: {  	v5 =	vadd.s32 v5, v7;
	_ =	sdelay $0x4  }
0x2f5: {  	[tilespmem:v5+s14+$0x0] =	vst.idx.add.s32.msk vm0, v6  }
.LBB2_46:
0x2f6: {  	s14 =	simm.s32 $0x0  }
0x2f7: {  	v5 =	vld [tilespmem:s14+$0xC000]  }
0x2f8: {  	v6 =	vld [tilespmem:s14+$0xC201]  }
0x2f9: {  	v7 =	vld [tilespmem:s14+$0xC402]  }
0x2fa: {  	v8 =	vld [tilespmem:s14+$0xC603]  }
0x2fb: {  	v9 =	vld [tilespmem:s14+$0xC804]  }
0x2fc: {  	v10 =	vld [tilespmem:s14+$0xCA05]  }
0x2fd: {  	v5 =	vadd.s32 v5, v6;
	v6 =	vld [tilespmem:s14+$0xCC06]  }
0x2fe: {  	v5 =	vadd.s32 v7, v5;
	v7 =	vld [tilespmem:s14+$0xCE07]  }
0x2ff: {  	v5 =	vadd.s32 v8, v5;
	v8 =	vld [tilespmem:s14+$0xD008]  }
0x300: {  	v5 =	vadd.s32 v9, v5;
	v9 =	vld [tilespmem:s14+$0xD209]  }
0x301: {  	v5 =	vadd.s32 v10, v5;
	v10 =	vld [tilespmem:s14+$0xD40A]  }
0x302: {  	v11 =	vld [tilespmem:s14+$0xD60B];
	v5 =	vadd.s32 v6, v5  }
0x303: {  	v6 =	vld [tilespmem:s14+$0xD80C];
	v5 =	vadd.s32 v7, v5  }
0x304: {  	v7 =	vld [tilespmem:s14+$0xDA0D];
	v5 =	vadd.s32 v8, v5  }
0x305: {  	v8 =	vld [tilespmem:s14+$0xDC0E];
	v5 =	vadd.s32 v9, v5  }
0x306: {  	s15 =	simm.s32 $0x10;
	v9 =	vld [tilespmem:s14+$0xDE0F];
	v10 =	vadd.s32 v10, v5  }
0x307: {  	s16 =	simm.s32 $0x80;
	v5 =	vld [tilespmem:s15+$0xC000];
	v10 =	vadd.s32 v11, v10  }
.LBB2_47:
0x308: {  	p5 =	sne.s32 s16, $0x7C0;
	v11 =	vld [tilespmem:s15+$0xC201];
	v6 =	vadd.s32 v6, v10  }
0x309: {  	v10 =	vld [tilespmem:s15+$0xC402];
	v6 =	vadd.s32 v7, v6  }
0x30a: {  	v7 =	vld [tilespmem:s15+$0xC603];
	v6 =	vadd.s32 v8, v6  }
0x30b: {  	v8 =	vld [tilespmem:s15+$0xC804];
	v6 =	vadd.s32 v9, v6  }
0x30c: {  	v9 =	vld [tilespmem:s15+$0xCA05];
	[tilespmem:s14+$0xE080] =	vst v6;
	s14 =	smov.u32 s15  }
0x30d: {  	v5 =	vadd.s32 v5, v11;
	v6 =	vld [tilespmem:s14+$0xCC06]  }
0x30e: {  	v5 =	vadd.s32 v10, v5;
	v10 =	vld [tilespmem:s14+$0xCE07]  }
0x30f: {  	v5 =	vadd.s32 v7, v5;
	v7 =	vld [tilespmem:s14+$0xD008]  }
0x310: {  	v5 =	vadd.s32 v8, v5;
	v8 =	vld [tilespmem:s14+$0xD209]  }
0x311: {  	v5 =	vadd.s32 v9, v5;
	v9 =	vld [tilespmem:s14+$0xD40A]  }
0x312: {  	v5 =	vadd.s32 v6, v5;
	v11 =	vld [tilespmem:s14+$0xD60B]  }
.Ltmp25:
0x313: {  	v5 =	vadd.s32 v10, v5;
	v6 =	vld [tilespmem:s14+$0xD80C];
	(pc) =	sbr.rel @p5 .LBB2_47-.Ltmp25, $4  }
0x314: {  	v5 =	vadd.s32 v7, v5;
	v7 =	vld [tilespmem:s14+$0xDA0D]  }
0x315: {  	v5 =	vadd.s32 v8, v5;
	v8 =	vld [tilespmem:s14+$0xDC0E]  }
0x316: {  	s15 =	sshra.s32 s16, $0x2;
	v10 =	vadd.s32 v9, v5;
	v9 =	vld [tilespmem:s14+$0xDE0F]  }
0x317: {  	s16 =	sadd.s32 $0x40, s16;
	v5 =	vld [tilespmem:s15+$0xC000];
	v10 =	vadd.s32 v11, v10  }
0x318: {  	v11 =	vld [tilespmem:s15+$0xC201];
	v6 =	vadd.s32 v6, v10  }
0x319: {  	v55 =	vld [tilespmem:s15+$0xC402];
	v6 =	vadd.s32 v7, v6  }
0x31a: {  	v7 =	vld [tilespmem:s15+$0xC603];
	v6 =	vadd.s32 v8, v6  }
0x31b: {  	v56 =	vld [tilespmem:s15+$0xC804];
	v6 =	vadd.s32 v9, v6  }
0x31c: {  	v57 =	vld [tilespmem:s15+$0xCA05];
	[tilespmem:s14+$0xE080] =	vst v6  }
0x31d: {  	v5 =	vadd.s32 v5, v11;
	v6 =	vld [tilespmem:s15+$0xCC06]  }
0x31e: {  	v58 =	vld [tilespmem:s15+$0xCE07];
	v5 =	vadd.s32 v55, v5  }
0x31f: {  	v5 =	vadd.s32 v7, v5;
	v7 =	vld [tilespmem:s15+$0xD008]  }
0x320: {  	v59 =	vld [tilespmem:s15+$0xD209];
	v5 =	vadd.s32 v56, v5  }
0x321: {  	v60 =	vld [tilespmem:s15+$0xD40A];
	v5 =	vadd.s32 v57, v5  }
0x322: {  	v5 =	vadd.s32 v6, v5;
	v6 =	vld [tilespmem:s15+$0xD60B]  }
0x323: {  	v61 =	vld [tilespmem:s15+$0xD80C];
	v5 =	vadd.s32 v58, v5  }
0x324: {  	v5 =	vadd.s32 v7, v5;
	v7 =	vld [tilespmem:s15+$0xDA0D]  }
0x325: {  	v62 =	vld [tilespmem:s15+$0xDC0E];
	v5 =	vadd.s32 v59, v5  }
0x326: {  	v63 =	vld [tilespmem:s15+$0xDE0F];
	v5 =	vadd.s32 v60, v5  }
0x327: {  	v5 =	vadd.s32 v6, v5  }
0x328: {  	v5 =	vadd.s32 v61, v5  }
0x329: {  	v5 =	vadd.s32 v7, v5  }
0x32a: {  	v5 =	vadd.s32 v62, v5  }
0x32b: {  	v5 =	vadd.s32 v63, v5  }
0x32c: {  	s31 =	simm.s32 $0xE080;
	s14 =	simm.s32 $0x5;
	[tilespmem:s15+$0xE080] =	vst v5  }
0x32d: {  	[spmem:s6] =	stream.linear.scatter [tilespmem:s31], [sflag:$0x5], $0x200, $0x38;
	[tilespmem:$0x1AA98] =	vst v63  }
.Ltmp26:
0x32e: {  	_ =	swait.ge [sflag:s14], $0x200;
	(pc) =	sbr.rel @p0 .LBB2_54-.Ltmp26, $3  }
0x32f: {  	[sflag:s14] =	ssyncset.done $0x0  }
0x330: {  	[sflag:s14] =	ssyncadd.s32 $0xFFFFFE00  }
0x331: {  	[bflag:$0x0] =	sbarrier.arrive $0xFFFF;
	_ =	sdelay $0x1  }
0x332: {  	s16 =	simm.s32 $0xE280  }
0x333: {  	[tilespmem:s16], [sflag:$0x5] =	stream.linear.gather [spmem:s4], $0x2000, $0x38;
	[tilespmem:$0x1AA98] =	vst v63  }
0x334: {  	_ =	swait.ge [sflag:s14], $0x2000  }
0x335: {  	s17 =	simm.s32 $0x0;
	[sflag:s14] =	ssyncset.done $0x0  }
0x336: {  	s17 =	sand.u32 $0x1F0, s17;
	[sflag:s14] =	ssyncadd.s32 $0xFFFFE000  }
0x337: {  	v5 =	vld [tilespmem:s17+$0xE480]  }
0x338: {  	v6 =	vld [tilespmem:s16+$0x0]  }
0x339: {  	v7 =	vld [tilespmem:s17+$0xE680]  }
0x33a: {  	v8 =	vld [tilespmem:s17+$0xE880]  }
0x33b: {  	v9 =	vld [tilespmem:s17+$0xEA80]  }
0x33c: {  	v10 =	vld [tilespmem:s17+$0xEC80]  }
0x33d: {  	v5 =	vadd.s32 v6, v5;
	v6 =	vld [tilespmem:s17+$0xEE80]  }
0x33e: {  	v5 =	vadd.s32 v7, v5;
	v7 =	vld [tilespmem:s17+$0xF080]  }
0x33f: {  	v58 =	vld [tilespmem:s17+$0xF280];
	v5 =	vadd.s32 v8, v5  }
0x340: {  	v59 =	vld [tilespmem:s17+$0xF480];
	v5 =	vadd.s32 v9, v5  }
0x341: {  	v60 =	vld [tilespmem:s17+$0xF680];
	v5 =	vadd.s32 v10, v5  }
0x342: {  	v5 =	vadd.s32 v6, v5;
	v6 =	vld [tilespmem:s17+$0xF880]  }
0x343: {  	v5 =	vadd.s32 v7, v5;
	v7 =	vld [tilespmem:s17+$0xFA80]  }
0x344: {  	v61 =	vld [tilespmem:s17+$0xFC80];
	v5 =	vadd.s32 v58, v5  }
0x345: {  	v62 =	vld [tilespmem:s17+$0xFE80];
	v5 =	vadd.s32 v59, v5  }
0x346: {  	v63 =	vld [tilespmem:s17+$0x10080];
	v5 =	vadd.s32 v60, v5  }
0x347: {  	v5 =	vadd.s32 v6, v5  }
0x348: {  	v5 =	vadd.s32 v7, v5  }
0x349: {  	v5 =	vadd.s32 v61, v5  }
0x34a: {  	v5 =	vadd.s32 v62, v5  }
0x34b: {  	s15 =	simm.s32 $0x10280;
	s31 =	simm.s32 $0x10;
	v5 =	vadd.s32 v63, v5  }
0x34c: {  	s16 =	sand.u32 $0x1F0, s31;
	[tilespmem:s15+$0x0] =	vst v5  }
0x34d: {  	s18 =	simm.s32 $0x20;
	s17 =	simm.s32 $0xE290;
	v5 =	vld [tilespmem:s16+$0xE480]  }
.LBB2_50:
0x34e: {  	p5 =	seq.s32 s18, $0x1F0;
	v6 =	vld [tilespmem:s17+$0x0]  }
0x34f: {  	v7 =	vld [tilespmem:s16+$0xE680]  }
0x350: {  	v8 =	vld [tilespmem:s16+$0xE880]  }
0x351: {  	v9 =	vld [tilespmem:s16+$0xEA80]  }
0x352: {  	v10 =	vld [tilespmem:s16+$0xEC80]  }
0x353: {  	v5 =	vadd.s32 v6, v5;
	v6 =	vld [tilespmem:s16+$0xEE80]  }
0x354: {  	v5 =	vadd.s32 v7, v5;
	v7 =	vld [tilespmem:s16+$0xF080]  }
0x355: {  	v5 =	vadd.s32 v8, v5;
	v8 =	vld [tilespmem:s16+$0xF280]  }
0x356: {  	v5 =	vadd.s32 v9, v5;
	v9 =	vld [tilespmem:s16+$0xF480]  }
0x357: {  	v5 =	vadd.s32 v10, v5;
	v10 =	vld [tilespmem:s16+$0xF680]  }
0x358: {  	v5 =	vadd.s32 v6, v5;
	v6 =	vld [tilespmem:s16+$0xF880]  }
0x359: {  	v5 =	vadd.s32 v7, v5;
	v7 =	vld [tilespmem:s16+$0xFA80]  }
0x35a: {  	v5 =	vadd.s32 v8, v5;
	v8 =	vld [tilespmem:s16+$0xFC80]  }
0x35b: {  	v5 =	vadd.s32 v9, v5;
	v9 =	vld [tilespmem:s16+$0xFE80]  }
0x35c: {  	v5 =	vadd.s32 v10, v5;
	v10 =	vld [tilespmem:s16+$0x10080]  }
0x35d: {  	v5 =	vadd.s32 v6, v5  }
0x35e: {  	v5 =	vadd.s32 v7, v5  }
.Ltmp27:
0x35f: {  	v5 =	vadd.s32 v8, v5;
	(pc) =	sbr.rel @!p5 .LBB2_50-.Ltmp27, $4  }
0x360: {  	v5 =	vadd.s32 v9, v5  }
0x361: {  	s15 =	sadd.s32 $0x10, s15;
	v5 =	vadd.s32 v10, v5  }
0x362: {  	s16 =	sand.u32 $0x1F0, s18;
	[tilespmem:s15+$0x0] =	vst v5  }
0x363: {  	s17 =	sadd.s32 $0x10, s17;
	s18 =	sadd.s32 $0x10, s18;
	v5 =	vld [tilespmem:s16+$0xE480]  }
0x364: {  	v6 =	vld [tilespmem:s17+$0x0]  }
0x365: {  	v7 =	vld [tilespmem:s16+$0xE680]  }
0x366: {  	v8 =	vld [tilespmem:s16+$0xE880]  }
0x367: {  	v9 =	vld [tilespmem:s16+$0xEA80]  }
0x368: {  	v10 =	vld [tilespmem:s16+$0xEC80]  }
0x369: {  	v5 =	vadd.s32 v6, v5;
	v6 =	vld [tilespmem:s16+$0xEE80]  }
0x36a: {  	v5 =	vadd.s32 v7, v5;
	v7 =	vld [tilespmem:s16+$0xF080]  }
0x36b: {  	v5 =	vadd.s32 v8, v5;
	v8 =	vld [tilespmem:s16+$0xF280]  }
0x36c: {  	v5 =	vadd.s32 v9, v5;
	v9 =	vld [tilespmem:s16+$0xF480]  }
0x36d: {  	v5 =	vadd.s32 v10, v5;
	v10 =	vld [tilespmem:s16+$0xF680]  }
0x36e: {  	v5 =	vadd.s32 v6, v5;
	v6 =	vld [tilespmem:s16+$0xF880]  }
0x36f: {  	v5 =	vadd.s32 v7, v5;
	v7 =	vld [tilespmem:s16+$0xFA80]  }
0x370: {  	v5 =	vadd.s32 v8, v5;
	v8 =	vld [tilespmem:s16+$0xFC80]  }
0x371: {  	v5 =	vadd.s32 v9, v5;
	v9 =	vld [tilespmem:s16+$0xFE80]  }
0x372: {  	v5 =	vadd.s32 v10, v5;
	v10 =	vld [tilespmem:s16+$0x10080]  }
0x373: {  	v5 =	vadd.s32 v6, v5  }
0x374: {  	v5 =	vadd.s32 v7, v5  }
0x375: {  	v5 =	vadd.s32 v8, v5  }
0x376: {  	v5 =	vadd.s32 v9, v5  }
0x377: {  	s15 =	sadd.s32 $0x10, s15;
	v5 =	vadd.s32 v10, v5  }
0x378: {  	[tilespmem:s15+$0x0] =	vst v5;
	s15 =	simm.s32 $0x10280  }
0x379: {  	v8 =	vld [tilespmem:s15+$0x0];
	_ =	sdelay $0x4  }
0x37a: {  	(xrf0) =	vadd.scan.msk.s32 $0xffff, v8;
	_ =	sdelay $0x5  }
0x37b: {  	s31 =	simm.s32 $0x0;
	v6 =	vbroadcast v4, $0x1;
	v7 =	vlaneseq.u32;
	v9, _, _ =	vpop (xrf0)  }
0x37c: {  	v12 =	vor.u32 s31, v7;
	v9 =	vadd.s32 s31, v9  }
0x37d: {  	v5 =	vimm.s32 $0x7FFFFFFF;
	vm0 =	vlt.s32 v9, v6;
	v8 =	vsub.s32 v9, v8  }
0x37e: {  	(v2sf) =	vpush v9, $0xF;
	v10 =	vsel vm0, $0x7FFFFFFF, v9;
	v11 =	vsel vm0, $0x7FFFFFFF, v8  }
0x37f: {  	v12 =	vsel vm0, $0x7FFFFFFF, v12;
	v8 =	vimm.s32 $0x7FFFFFFF;
	v9 =	vimm.s32 $0x7FFFFFFF  }
0x380: {  	s16 =	simm.s32 $0x10;
	vm0 =	vlt.s32 v5, v10;
	vm1 =	vlt.s32 v5, v11;
	vm2 =	vlt.s32 v5, v12  }
.LBB2_52:
0x381: {  	p5 =	sne.s32 s16, $0x1F0  }
0x382: {  	v5 =	vsel vm0, v5, v10;
	v8 =	vsel vm1, v8, v11;
	v9 =	vsel vm2, v9, v12;
	s15 =	sadd.s32 $0x10, s15;
	s17 =	smov.u32 s16;
	s16 =	sadd.s32 $0x10, s16  }
0x383: {  	v10 =	vld [tilespmem:s15+$0x0];
	_ =	sdelay $0x4  }
0x384: {  	(xrf0) =	vadd.scan.msk.s32 $0xffff, v10;
	_ =	sdelay $0x5  }
.Ltmp28:
0x385: {  	v11, _, _ =	vpop (xrf0);
	s18 =	spop (v2sf);
	(pc) =	sbr.rel @p5 .LBB2_52-.Ltmp28, $4  }
0x386: {  	v12 =	vor.u32 s17, v7;
	v11 =	vadd.s32 s18, v11  }
0x387: {  	vm0 =	vlt.s32 v11, v6;
	v13 =	vsub.s32 v11, v10;
	(v2sf) =	vpush v11, $0xF  }
0x388: {  	v10 =	vsel vm0, $0x7FFFFFFF, v11;
	v11 =	vsel vm0, $0x7FFFFFFF, v13;
	v12 =	vsel vm0, $0x7FFFFFFF, v12  }
0x389: {  	vm0 =	vlt.s32 v5, v10;
	vm1 =	vlt.s32 v8, v11;
	vm2 =	vlt.s32 v9, v12  }
0x38a: {  	v6 =	vsel vm2, v9, v12  }
0x38b: {  	v7 =	vsel vm1, v8, v11;
	v6 =	vxor.u32 $0x80000000, v6  }
0x38c: {  	v57 =	vxor.u32 $0x80000000, v7;
	(xrf0) =	vmin.scan.msk.u32 $0xffff, v6  }
0x38d: {  	v5 =	vsel vm0, v5, v10;
	(xrf0) =	vmin.scan.msk.u32 $0xffff, v57  }
0x38e: {  	v5 =	vxor.u32 $0x80000000, v5  }
0x38f: {  	(xrf0) =	vmin.scan.msk.u32 $0xffff, v5;
	_ =	sdelay $0x2  }
0x390: {  	v5, _, _ =	vpop (xrf0)  }
0x391: {  	v6, _, _ =	vpop (xrf0);
	(v2sf) =	vpush v5, $0xF  }
0x392: {  	(v2sf) =	vpush v6, $0xF  }
0x393: {  	v5, _, _ =	vpop (xrf0)  }
0x394: {  	(v2sf) =	vpush v5, $0xF;
	_ =	sdelay $0xa  }
0x395: {  	s15 =	spop (v2sf)  }
0x396: {  	s15 =	spop (v2sf)  }
0x397: {  	vm11 =	vcmask $0x300;
	vm12 =	vcmask $0x704;
	v4 =	vbroadcast v4, $0x4;
	s16 =	spop (v2sf)  }
0x398: {  	vm13 =	vcmask $0x1310;
	vm14 =	vcmask $0xB08;
	v5 =	vimm.s32 $0x0;
	s16 =	sxor.u32 $0x80000000, s16  }
0x399: {  	vm15 =	vcmask $0xF0C;
	v58 =	vsel vm12, $0xFFFFFFFF, v5;
	v59 =	vsel vm13, $0xFFFFFFFF, v5;
	s17 =	spop (v2sf);
	s9 =	ssub.s32 s9, s16  }
0x39a: {  	v60 =	vsel vm14, $0xFFFFFFFF, v5;
	v4 =	vand.u32 v59, v4;
	s29 =	sxor.u32 $0x80000000, s17;
	s8 =	sadd.s32 s8, s16;
	v6 =	vand.u32 s9, v58  }
0x39b: {  	s7 =	sshll.u32 s7, $0x9;
	v62 =	vsel vm15, $0xFFFFFFFF, v5;
	s15 =	sxor.u32 $0x80000000, s15;
	s9 =	ssub.s32 s29, s16;
	v61 =	vand.u32 s8, v60;
	v4 =	vadd.s32 v4, v6  }
0x39c: {  	v5 =	vsel vm11, $0xFFFFFFFF, v5;
	s7 =	sor.u32 s7, s15;
	v63 =	vand.u32 s9, v62;
	v4 =	vadd.s32 v61, v4  }
0x39d: {  	v5 =	vand.u32 s7, v5;
	v4 =	vadd.s32 v63, v4  }
0x39e: {  	v4 =	vadd.s32 v5, v4  }
0x39f: {  	s30 =	simm.s32 $0x10480;
	s31 =	simm.s32 $0x5;
	[tilespmem:$0x10480] =	vst v4  }
0x3a0: {  	[spmem:s3] =	stream.linear.scatter [tilespmem:s30], [sflag:$0x5], $0x80, $0x38;
	[tilespmem:$0x1AA98] =	vst v63  }
0x3a1: {  	_ =	swait.ge [sflag:s31], $0x80  }
0x3a2: {  	[sflag:s31] =	ssyncset.done $0x0  }
0x3a3: {  	[sflag:s31] =	ssyncadd.s32 $0xFFFFFF80  }
.LBB2_54:
0x3a4: {  	[bflag:$0x0] =	sbarrier.arrive $0xFFFF;
	s7 =	simm.s32 $0x10480  }
0x3a5: {  	[tilespmem:s7], [sflag:$0x5] =	stream.linear.gather [spmem:s3], $0x80, $0x38;
	[tilespmem:$0x1AA98] =	vst v63  }
0x3a6: {  	_ =	swait.ge [sflag:s14], $0x80  }
0x3a7: {  	[sflag:s14] =	ssyncset.done $0x0  }
0x3a8: {  	[sflag:s14] =	ssyncadd.s32 $0xFFFFFF80  }
0x3a9: {  	v4 =	vld [tilespmem:$0x10480];
	_ =	sdelay $0x4  }
0x3aa: {  	(v2sf) =	vpush v4, $0x0  }
0x3ab: {  	(v2sf) =	vpush v4, $0x1  }
0x3ac: {  	(v2sf) =	vpush v4, $0x2;
	_ =	sdelay $0xa  }
.Ltmp29:
0x3ad: {  	_ = 	snop;
	(pc) =	sbr.rel @p1 .LBB2_55-.Ltmp29, $4  }
0x3ae: {  	_ = 	snop  }
0x3af: {  	s7 =	spop (v2sf)  }
0x3b0: {  	s9 =	spop (v2sf)  }
0x3b1: {  	v5 =	vbroadcast v4, $0x0;
	s8 =	spop (v2sf)  }
0x3b2: {  	p6 =	seq.s32 s10, $0x1  }
.Ltmp30:
0x3b3: {  	_ = 	snop;
	(pc) =	sbr.rel @p6 .LBB2_60-.Ltmp30, $3  }
0x3b4: {  	_ =	sdelay $0x1  }
0x3b5: {  	s15 =	simm.s32 $0x10700  }
0x3b6: {  	s14 =	simm.s32 $0x0;
	v6 =	vlaneseq.u32;
	p5 =	por $0x0, $0x0;
	v7 =	vld [tilespmem:s15+$0x0];
	s15 =	sadd.s32 $0xFFFFFFFF, s10  }
0x3b7: {  	_ =	sdelay $0x3  }
0x3b8: {  	v8 =	vor.u32 s14, v6;
	v9 =	vshra.s32 v7, $0x8  }
0x3b9: {  	vm0 =	vlt.s32 v8, v0;
	vm1 =	veq.s32 v9, v5  }
0x3ba: {  	vm0 =	vmand vm0, vm1  }
0x3bb: {  	v8 =	vmpcnt.ones.xlane vm0;
	_ =	sdelay $0x1  }
0x3bc: {  	(v2sf) =	vpush v8, $0x0  }
0x3bd: {  	p6 =	seq.s32 s15, $0x1  }
.Ltmp31:
0x3be: {  	_ = 	snop;
	(pc) =	sbr.rel @p6 .LBB2_62-.Ltmp31, $3  }
0x3bf: {  	_ =	sdelay $0x1  }
0x3c0: {  	s17 =	simm.s32 $0x10710;
	s18 =	sadd.s32 $0xFFFFFFFF, s15;
	[tilespmem:s14+$0x14780] =	vst.msk vm0, v7  }
0x3c1: {  	p5 =	por $0x1, $0x1;
	s16 =	simm.s32 $0x0;
	s15 =	simm.s32 $0x0;
	v7 =	vld [tilespmem:s17+$0x0]  }
.LBB2_63:
0x3c2: {  	p6 =	seq.s32 s18, $0x1;
	_ =	sdelay $0x2  }
0x3c3: {  	s16 =	sadd.s32 $0x10, s16  }
0x3c4: {  	v8 =	vor.u32 s16, v6;
	v9 =	vshra.s32 v7, $0x8  }
0x3c5: {  	vm0 =	vlt.s32 v8, v0;
	vm1 =	veq.s32 v9, v5  }
0x3c6: {  	vm0 =	vmand vm0, vm1  }
0x3c7: {  	v8 =	vmpcnt.ones.xlane vm0  }
0x3c8: {  	s19 =	spop (v2sf)  }
0x3c9: {  	(v2sf) =	vpush v8, $0x0;
	s15 =	sadd.s32 s15, s19  }
0x3ca: {  	[tilespmem:s15+$0x14780] =	vst.msk vm0, v7  }
.Ltmp32:
0x3cb: {  	(pc) =	sbr.rel @!p6 .LBB2_63-.Ltmp32, $3  }
0x3cc: {  	_ =	sdelay $0x1  }
0x3cd: {  	s17 =	sadd.s32 $0x10, s17  }
0x3ce: {  	s18 =	sadd.s32 $0xFFFFFFFF, s18;
	v7 =	vld [tilespmem:s17+$0x0]  }
.LBB2_64:
0x3cf: {  	_ =	sdelay $0x1  }
0x3d0: {  	s16 =	sadd.s32 @p5 $0x10, s16;
	s17 =	simm.s32 $0x0  }
0x3d1: {  	s17 =	smov.u32 @p5 s16  }
0x3d2: {  	v6 =	vor.u32 s17, v6;
	v8 =	vshra.s32 v7, $0x8  }
0x3d3: {  	vm0 =	vlt.s32 v6, v0;
	vm1 =	veq.s32 v8, v5  }
0x3d4: {  	vm0 =	vmand vm0, vm1  }
0x3d5: {  	v6 =	vmpcnt.ones.xlane vm0;
	_ =	sdelay $0x1  }
0x3d6: {  	(v2sf) =	vpush v6, $0x0;
	_ =	sdelay $0xb  }
.Ltmp33:
0x3d7: {  	_ = 	snop;
	(pc) =	sbr.rel .LBB2_56-.Ltmp33, $4  }
0x3d8: {  	s16 =	spop @p5 (v2sf)  }
0x3d9: {  	s15 =	sadd.s32 @p5 s15, s16  }
0x3da: {  	s14 =	smov.u32 @p5 s15;
	s31 =	spop (v2sf)  }
0x3db: {  	[tilespmem:s14+$0x14780] =	vst.msk vm0, v7;
	s14 =	sadd.s32 s14, s31  }
.LBB2_55:
0x3dc: {  	s14 =	simm.s32 $0x0  }
.LBB2_56:
.Ltmp34:
0x3dd: {  	(pc) =	sbr.rel @p2 .LBB2_65-.Ltmp34, $1  }
0x3de: {  	_ =	sdelay $0x3  }
0x3df: {  	p6 =	seq.s32 s11, $0x1  }
.Ltmp35:
0x3e0: {  	_ = 	snop;
	(pc) =	sbr.rel @p6 .LBB2_58-.Ltmp35, $3  }
0x3e1: {  	_ =	sdelay $0x1  }
0x3e2: {  	s16 =	simm.s32 $0x11710  }
0x3e3: {  	s15 =	simm.s32 $0x0;
	v6 =	vlaneseq.u32;
	p5 =	por $0x0, $0x0;
	v7 =	vld [tilespmem:s16+$0x0];
	s16 =	sadd.s32 $0xFFFFFFFF, s11  }
0x3e4: {  	_ =	sdelay $0x3  }
0x3e5: {  	v8 =	vor.u32 s15, v6;
	v9 =	vshra.s32 v7, $0x8  }
0x3e6: {  	vm0 =	vlt.s32 v8, v1;
	vm1 =	veq.s32 v9, v5  }
0x3e7: {  	vm0 =	vmand vm0, vm1  }
0x3e8: {  	v8 =	vmpcnt.ones.xlane vm0;
	_ =	sdelay $0x1  }
0x3e9: {  	(v2sf) =	vpush v8, $0x0  }
0x3ea: {  	p6 =	seq.s32 s16, $0x1  }
.Ltmp36:
0x3eb: {  	_ = 	snop;
	(pc) =	sbr.rel @p6 .LBB2_129-.Ltmp36, $3  }
0x3ec: {  	_ =	sdelay $0x1  }
0x3ed: {  	s18 =	simm.s32 $0x11720;
	[tilespmem:s14+$0x14780] =	vst.msk vm0, v7  }
0x3ee: {  	s19 =	sadd.s32 $0xFFFFFFFF, s16;
	p5 =	por $0x1, $0x1;
	s17 =	simm.s32 $0x0;
	v7 =	vld [tilespmem:s18+$0x0]  }
0x3ef: {  	s16 =	smov.u32 s14  }
.LBB2_70:
0x3f0: {  	p6 =	seq.s32 s19, $0x1;
	_ =	sdelay $0x2  }
0x3f1: {  	s17 =	sadd.s32 $0x10, s17  }
0x3f2: {  	v8 =	vor.u32 s17, v6;
	v9 =	vshra.s32 v7, $0x8  }
0x3f3: {  	vm0 =	vlt.s32 v8, v1;
	vm1 =	veq.s32 v9, v5  }
0x3f4: {  	vm0 =	vmand vm0, vm1  }
0x3f5: {  	v8 =	vmpcnt.ones.xlane vm0  }
0x3f6: {  	s20 =	spop (v2sf)  }
0x3f7: {  	(v2sf) =	vpush v8, $0x0;
	s16 =	sadd.s32 s16, s20  }
0x3f8: {  	[tilespmem:s16+$0x14780] =	vst.msk vm0, v7  }
.Ltmp37:
0x3f9: {  	(pc) =	sbr.rel @!p6 .LBB2_70-.Ltmp37, $3  }
0x3fa: {  	_ =	sdelay $0x1  }
0x3fb: {  	s18 =	sadd.s32 $0x10, s18  }
0x3fc: {  	s19 =	sadd.s32 $0xFFFFFFFF, s19;
	v7 =	vld [tilespmem:s18+$0x0]  }
.LBB2_71:
0x3fd: {  	_ =	sdelay $0x1  }
0x3fe: {  	s17 =	sadd.s32 @p5 $0x10, s17  }
0x3ff: {  	s15 =	smov.u32 @p5 s17  }
0x400: {  	v6 =	vor.u32 s15, v6;
	v8 =	vshra.s32 v7, $0x8  }
0x401: {  	vm0 =	vlt.s32 v6, v1;
	vm1 =	veq.s32 v8, v5  }
0x402: {  	vm0 =	vmand vm0, vm1  }
0x403: {  	v6 =	vmpcnt.ones.xlane vm0;
	_ =	sdelay $0x1  }
0x404: {  	(v2sf) =	vpush v6, $0x0;
	_ =	sdelay $0xc  }
0x405: {  	s15 =	spop @p5 (v2sf)  }
0x406: {  	s15 =	sadd.s32 @p5 s16, s15  }
0x407: {  	s14 =	smov.u32 @p5 s15;
	s31 =	spop (v2sf)  }
0x408: {  	[tilespmem:s14+$0x14780] =	vst.msk vm0, v7;
	s14 =	sadd.s32 s14, s31  }
.LBB2_65:
.Ltmp38:
0x409: {  	(pc) =	sbr.rel @p3 .LBB2_72-.Ltmp38, $1  }
0x40a: {  	_ =	sdelay $0x3  }
0x40b: {  	p6 =	seq.s32 s12, $0x1  }
.Ltmp39:
0x40c: {  	_ = 	snop;
	(pc) =	sbr.rel @p6 .LBB2_67-.Ltmp39, $3  }
0x40d: {  	_ =	sdelay $0x1  }
0x40e: {  	s16 =	simm.s32 $0x12720  }
0x40f: {  	s15 =	simm.s32 $0x0;
	v6 =	vlaneseq.u32;
	p5 =	por $0x0, $0x0;
	v7 =	vld [tilespmem:s16+$0x0];
	s16 =	sadd.s32 $0xFFFFFFFF, s12  }
0x410: {  	_ =	sdelay $0x3  }
0x411: {  	v8 =	vor.u32 s15, v6;
	v9 =	vshra.s32 v7, $0x8  }
0x412: {  	vm0 =	vlt.s32 v8, v2;
	vm1 =	veq.s32 v9, v5  }
0x413: {  	vm0 =	vmand vm0, vm1  }
0x414: {  	v8 =	vmpcnt.ones.xlane vm0;
	_ =	sdelay $0x1  }
0x415: {  	(v2sf) =	vpush v8, $0x0  }
0x416: {  	p6 =	seq.s32 s16, $0x1  }
.Ltmp40:
0x417: {  	_ = 	snop;
	(pc) =	sbr.rel @p6 .LBB2_130-.Ltmp40, $3  }
0x418: {  	_ =	sdelay $0x1  }
0x419: {  	s18 =	simm.s32 $0x12730;
	[tilespmem:s14+$0x14780] =	vst.msk vm0, v7  }
0x41a: {  	s19 =	sadd.s32 $0xFFFFFFFF, s16;
	p5 =	por $0x1, $0x1;
	s17 =	simm.s32 $0x0;
	v7 =	vld [tilespmem:s18+$0x0]  }
0x41b: {  	s16 =	smov.u32 s14  }
.LBB2_77:
0x41c: {  	p6 =	seq.s32 s19, $0x1;
	_ =	sdelay $0x2  }
0x41d: {  	s17 =	sadd.s32 $0x10, s17  }
0x41e: {  	v8 =	vor.u32 s17, v6;
	v9 =	vshra.s32 v7, $0x8  }
0x41f: {  	vm0 =	vlt.s32 v8, v2;
	vm1 =	veq.s32 v9, v5  }
0x420: {  	vm0 =	vmand vm0, vm1  }
0x421: {  	v8 =	vmpcnt.ones.xlane vm0  }
0x422: {  	s20 =	spop (v2sf)  }
0x423: {  	(v2sf) =	vpush v8, $0x0;
	s16 =	sadd.s32 s16, s20  }
0x424: {  	[tilespmem:s16+$0x14780] =	vst.msk vm0, v7  }
.Ltmp41:
0x425: {  	(pc) =	sbr.rel @!p6 .LBB2_77-.Ltmp41, $3  }
0x426: {  	_ =	sdelay $0x1  }
0x427: {  	s18 =	sadd.s32 $0x10, s18  }
0x428: {  	s19 =	sadd.s32 $0xFFFFFFFF, s19;
	v7 =	vld [tilespmem:s18+$0x0]  }
.LBB2_78:
0x429: {  	_ =	sdelay $0x1  }
0x42a: {  	s17 =	sadd.s32 @p5 $0x10, s17  }
0x42b: {  	s15 =	smov.u32 @p5 s17  }
0x42c: {  	v6 =	vor.u32 s15, v6;
	v8 =	vshra.s32 v7, $0x8  }
0x42d: {  	vm0 =	vlt.s32 v6, v2;
	vm1 =	veq.s32 v8, v5  }
0x42e: {  	vm0 =	vmand vm0, vm1  }
0x42f: {  	v6 =	vmpcnt.ones.xlane vm0;
	_ =	sdelay $0x1  }
0x430: {  	(v2sf) =	vpush v6, $0x0;
	_ =	sdelay $0xc  }
0x431: {  	s15 =	spop @p5 (v2sf)  }
0x432: {  	s15 =	sadd.s32 @p5 s16, s15  }
0x433: {  	s14 =	smov.u32 @p5 s15;
	s31 =	spop (v2sf)  }
0x434: {  	[tilespmem:s14+$0x14780] =	vst.msk vm0, v7;
	s14 =	sadd.s32 s14, s31  }
.LBB2_72:
.Ltmp42:
0x435: {  	(pc) =	sbr.rel @p4 .LBB2_79-.Ltmp42, $1  }
0x436: {  	_ =	sdelay $0x3  }
0x437: {  	p6 =	seq.s32 s13, $0x1  }
.Ltmp43:
0x438: {  	_ = 	snop;
	(pc) =	sbr.rel @p6 .LBB2_74-.Ltmp43, $3  }
0x439: {  	_ =	sdelay $0x1  }
0x43a: {  	s16 =	simm.s32 $0x13730  }
0x43b: {  	s15 =	simm.s32 $0x0;
	v6 =	vlaneseq.u32;
	p5 =	por $0x0, $0x0;
	v7 =	vld [tilespmem:s16+$0x0];
	s16 =	sadd.s32 $0xFFFFFFFF, s13  }
0x43c: {  	_ =	sdelay $0x3  }
0x43d: {  	v8 =	vor.u32 s15, v6;
	v9 =	vshra.s32 v7, $0x8  }
0x43e: {  	vm0 =	vlt.s32 v8, v3;
	vm1 =	veq.s32 v9, v5  }
0x43f: {  	vm0 =	vmand vm0, vm1  }
0x440: {  	v8 =	vmpcnt.ones.xlane vm0;
	_ =	sdelay $0x1  }
0x441: {  	(v2sf) =	vpush v8, $0x0  }
0x442: {  	p6 =	seq.s32 s16, $0x1  }
.Ltmp44:
0x443: {  	_ = 	snop;
	(pc) =	sbr.rel @p6 .LBB2_131-.Ltmp44, $3  }
0x444: {  	_ =	sdelay $0x1  }
0x445: {  	s18 =	simm.s32 $0x13740;
	[tilespmem:s14+$0x14780] =	vst.msk vm0, v7  }
0x446: {  	s19 =	sadd.s32 $0xFFFFFFFF, s16;
	p5 =	por $0x1, $0x1;
	s17 =	simm.s32 $0x0;
	v7 =	vld [tilespmem:s18+$0x0]  }
0x447: {  	s16 =	smov.u32 s14  }
.LBB2_84:
0x448: {  	p6 =	seq.s32 s19, $0x1;
	_ =	sdelay $0x2  }
0x449: {  	s17 =	sadd.s32 $0x10, s17  }
0x44a: {  	v8 =	vor.u32 s17, v6;
	v9 =	vshra.s32 v7, $0x8  }
0x44b: {  	vm0 =	vlt.s32 v8, v3;
	vm1 =	veq.s32 v9, v5  }
0x44c: {  	vm0 =	vmand vm0, vm1  }
0x44d: {  	v8 =	vmpcnt.ones.xlane vm0  }
0x44e: {  	s20 =	spop (v2sf)  }
0x44f: {  	(v2sf) =	vpush v8, $0x0;
	s16 =	sadd.s32 s16, s20  }
0x450: {  	[tilespmem:s16+$0x14780] =	vst.msk vm0, v7  }
.Ltmp45:
0x451: {  	(pc) =	sbr.rel @!p6 .LBB2_84-.Ltmp45, $3  }
0x452: {  	_ =	sdelay $0x1  }
0x453: {  	s18 =	sadd.s32 $0x10, s18  }
0x454: {  	s19 =	sadd.s32 $0xFFFFFFFF, s19;
	v7 =	vld [tilespmem:s18+$0x0]  }
.LBB2_85:
0x455: {  	_ =	sdelay $0x1  }
0x456: {  	s17 =	sadd.s32 @p5 $0x10, s17  }
0x457: {  	s15 =	smov.u32 @p5 s17  }
0x458: {  	v6 =	vor.u32 s15, v6;
	v8 =	vshra.s32 v7, $0x8  }
0x459: {  	vm0 =	vlt.s32 v6, v3;
	vm1 =	veq.s32 v8, v5  }
0x45a: {  	vm0 =	vmand vm0, vm1  }
0x45b: {  	v5 =	vmpcnt.ones.xlane vm0;
	_ =	sdelay $0x1  }
0x45c: {  	(v2sf) =	vpush v5, $0x0;
	_ =	sdelay $0xc  }
0x45d: {  	s15 =	spop @p5 (v2sf)  }
0x45e: {  	s15 =	sadd.s32 @p5 s16, s15  }
0x45f: {  	s14 =	smov.u32 @p5 s15;
	s31 =	spop (v2sf)  }
0x460: {  	[tilespmem:s14+$0x14780] =	vst.msk vm0, v7;
	s14 =	sadd.s32 s14, s31  }
.LBB2_79:
.Ltmp46:
0x461: {  	(pc) =	sbr.rel @p1 .LBB2_86-.Ltmp46, $1  }
0x462: {  	_ =	sdelay $0x3  }
0x463: {  	p5 =	seq.s32 s10, $0x1  }
.Ltmp47:
0x464: {  	_ = 	snop;
	(pc) =	sbr.rel @p5 .LBB2_81-.Ltmp47, $3  }
0x465: {  	_ =	sdelay $0x1  }
0x466: {  	v7 =	vlaneseq.u32;
	s17 =	simm.s32 $0x10700;
	s16 =	simm.s32 $0x0  }
0x467: {  	v6 =	vimm.s32 $0xFFFFFFFF;
	s15 =	simm.s32 $0xC000;
	s10 =	sadd.s32 $0xFFFFFFFF, s10;
	p1 =	por $0x0, $0x0;
	v5 =	vmul.u32 $0x201, v7;
	v8 =	vld [tilespmem:s17+$0x0]  }
0x468: {  	_ =	sdelay $0x3  }
0x469: {  	v9 =	vor.u32 s16, v7;
	v8 =	vshrl.u32 v8, $0x8  }
0x46a: {  	vm0 =	vlt.s32 v9, v0;
	v8 =	vand.u32 $0x1FF, v8  }
0x46b: {  	v8 =	vadd.s32 v5, v8  }
0x46c: {  	p5 =	seq.s32 s10, $0x1  }
.Ltmp48:
0x46d: {  	_ = 	snop;
	(pc) =	sbr.rel @p5 .LBB2_90-.Ltmp48, $3  }
0x46e: {  	_ =	sdelay $0x1  }
0x46f: {  	s17 =	simm.s32 $0x10710;
	[tilespmem:v8+s15+$0x0] =	vst.idx.add.s32.msk vm0, v6  }
0x470: {  	s18 =	sadd.s32 $0xFFFFFFFF, s10;
	p1 =	por $0x1, $0x1;
	s10 =	simm.s32 $0x0;
	v8 =	vld [tilespmem:s17+$0x0]  }
.LBB2_91:
0x471: {  	p5 =	seq.s32 s18, $0x1;
	_ =	sdelay $0x2  }
0x472: {  	s10 =	sadd.s32 $0x10, s10  }
0x473: {  	v9 =	vor.u32 s10, v7;
	v8 =	vshrl.u32 v8, $0x8  }
0x474: {  	vm0 =	vlt.s32 v9, v0;
	v8 =	vand.u32 $0x1FF, v8  }
0x475: {  	v8 =	vadd.s32 v5, v8;
	_ =	sdelay $0x1  }
.Ltmp49:
0x476: {  	(pc) =	sbr.rel @!p5 .LBB2_91-.Ltmp49, $3  }
0x477: {  	_ =	sdelay $0x1  }
0x478: {  	s17 =	sadd.s32 $0x10, s17;
	[tilespmem:v8+s15+$0x0] =	vst.idx.add.s32.msk vm0, v6  }
0x479: {  	s18 =	sadd.s32 $0xFFFFFFFF, s18;
	v8 =	vld [tilespmem:s17+$0x0]  }
.LBB2_92:
0x47a: {  	_ =	sdelay $0x1  }
0x47b: {  	s10 =	sadd.s32 @p1 $0x10, s10  }
0x47c: {  	s16 =	smov.u32 @p1 s10  }
0x47d: {  	v7 =	vor.u32 s16, v7;
	v8 =	vshrl.u32 v8, $0x8  }
0x47e: {  	vm0 =	vlt.s32 v7, v0;
	v0 =	vand.u32 $0x1FF, v8  }
0x47f: {  	v0 =	vadd.s32 v5, v0;
	_ =	sdelay $0x4  }
0x480: {  	[tilespmem:v0+s15+$0x0] =	vst.idx.add.s32.msk vm0, v6  }
.LBB2_86:
.Ltmp50:
0x481: {  	(pc) =	sbr.rel @p2 .LBB2_93-.Ltmp50, $1  }
0x482: {  	_ =	sdelay $0x3  }
0x483: {  	p2 =	seq.s32 s11, $0x1  }
.Ltmp51:
0x484: {  	_ = 	snop;
	(pc) =	sbr.rel @p2 .LBB2_88-.Ltmp51, $3  }
0x485: {  	_ =	sdelay $0x1  }
0x486: {  	v6 =	vlaneseq.u32;
	s16 =	simm.s32 $0x11710;
	s15 =	simm.s32 $0x0  }
0x487: {  	v5 =	vimm.s32 $0xFFFFFFFF;
	s10 =	simm.s32 $0xC000;
	s11 =	sadd.s32 $0xFFFFFFFF, s11;
	p1 =	por $0x0, $0x0;
	v0 =	vmul.u32 $0x201, v6;
	v7 =	vld [tilespmem:s16+$0x0]  }
0x488: {  	_ =	sdelay $0x3  }
0x489: {  	v8 =	vor.u32 s15, v6;
	v7 =	vshrl.u32 v7, $0x8  }
0x48a: {  	vm0 =	vlt.s32 v8, v1;
	v7 =	vand.u32 $0x1FF, v7  }
0x48b: {  	v7 =	vadd.s32 v0, v7  }
0x48c: {  	p2 =	seq.s32 s11, $0x1  }
.Ltmp52:
0x48d: {  	_ = 	snop;
	(pc) =	sbr.rel @p2 .LBB2_97-.Ltmp52, $3  }
0x48e: {  	_ =	sdelay $0x1  }
0x48f: {  	s16 =	simm.s32 $0x11720;
	[tilespmem:v7+s10+$0x0] =	vst.idx.add.s32.msk vm0, v5  }
0x490: {  	s17 =	sadd.s32 $0xFFFFFFFF, s11;
	p1 =	por $0x1, $0x1;
	s11 =	simm.s32 $0x0;
	v7 =	vld [tilespmem:s16+$0x0]  }
.LBB2_98:
0x491: {  	p2 =	seq.s32 s17, $0x1;
	_ =	sdelay $0x2  }
0x492: {  	s11 =	sadd.s32 $0x10, s11  }
0x493: {  	v8 =	vor.u32 s11, v6;
	v7 =	vshrl.u32 v7, $0x8  }
0x494: {  	vm0 =	vlt.s32 v8, v1;
	v7 =	vand.u32 $0x1FF, v7  }
0x495: {  	v7 =	vadd.s32 v0, v7;
	_ =	sdelay $0x1  }
.Ltmp53:
0x496: {  	(pc) =	sbr.rel @!p2 .LBB2_98-.Ltmp53, $3  }
0x497: {  	_ =	sdelay $0x1  }
0x498: {  	s16 =	sadd.s32 $0x10, s16;
	[tilespmem:v7+s10+$0x0] =	vst.idx.add.s32.msk vm0, v5  }
0x499: {  	s17 =	sadd.s32 $0xFFFFFFFF, s17;
	v7 =	vld [tilespmem:s16+$0x0]  }
.LBB2_99:
0x49a: {  	_ =	sdelay $0x1  }
0x49b: {  	s11 =	sadd.s32 @p1 $0x10, s11  }
0x49c: {  	s15 =	smov.u32 @p1 s11  }
0x49d: {  	v6 =	vor.u32 s15, v6;
	v7 =	vshrl.u32 v7, $0x8  }
0x49e: {  	vm0 =	vlt.s32 v6, v1;
	v1 =	vand.u32 $0x1FF, v7  }
0x49f: {  	v0 =	vadd.s32 v0, v1;
	_ =	sdelay $0x4  }
0x4a0: {  	[tilespmem:v0+s10+$0x0] =	vst.idx.add.s32.msk vm0, v5  }
.LBB2_93:
.Ltmp54:
0x4a1: {  	(pc) =	sbr.rel @p3 .LBB2_100-.Ltmp54, $1  }
0x4a2: {  	_ =	sdelay $0x3  }
0x4a3: {  	p2 =	seq.s32 s12, $0x1  }
.Ltmp55:
0x4a4: {  	_ = 	snop;
	(pc) =	sbr.rel @p2 .LBB2_95-.Ltmp55, $3  }
0x4a5: {  	_ =	sdelay $0x1  }
0x4a6: {  	v5 =	vlaneseq.u32;
	s15 =	simm.s32 $0x12720;
	s11 =	simm.s32 $0x0  }
0x4a7: {  	v1 =	vimm.s32 $0xFFFFFFFF;
	s10 =	simm.s32 $0xC000;
	s12 =	sadd.s32 $0xFFFFFFFF, s12;
	p1 =	por $0x0, $0x0;
	v0 =	vmul.u32 $0x201, v5;
	v6 =	vld [tilespmem:s15+$0x0]  }
0x4a8: {  	_ =	sdelay $0x3  }
0x4a9: {  	v7 =	vor.u32 s11, v5;
	v6 =	vshrl.u32 v6, $0x8  }
0x4aa: {  	vm0 =	vlt.s32 v7, v2;
	v6 =	vand.u32 $0x1FF, v6  }
0x4ab: {  	v6 =	vadd.s32 v0, v6  }
0x4ac: {  	p2 =	seq.s32 s12, $0x1  }
.Ltmp56:
0x4ad: {  	_ = 	snop;
	(pc) =	sbr.rel @p2 .LBB2_104-.Ltmp56, $3  }
0x4ae: {  	_ =	sdelay $0x1  }
0x4af: {  	s15 =	simm.s32 $0x12730;
	[tilespmem:v6+s10+$0x0] =	vst.idx.add.s32.msk vm0, v1  }
0x4b0: {  	s16 =	sadd.s32 $0xFFFFFFFF, s12;
	p1 =	por $0x1, $0x1;
	s12 =	simm.s32 $0x0;
	v6 =	vld [tilespmem:s15+$0x0]  }
.LBB2_105:
0x4b1: {  	p2 =	seq.s32 s16, $0x1;
	_ =	sdelay $0x2  }
0x4b2: {  	s12 =	sadd.s32 $0x10, s12  }
0x4b3: {  	v7 =	vor.u32 s12, v5;
	v6 =	vshrl.u32 v6, $0x8  }
0x4b4: {  	vm0 =	vlt.s32 v7, v2;
	v6 =	vand.u32 $0x1FF, v6  }
0x4b5: {  	v6 =	vadd.s32 v0, v6;
	_ =	sdelay $0x1  }
.Ltmp57:
0x4b6: {  	(pc) =	sbr.rel @!p2 .LBB2_105-.Ltmp57, $3  }
0x4b7: {  	_ =	sdelay $0x1  }
0x4b8: {  	s15 =	sadd.s32 $0x10, s15;
	[tilespmem:v6+s10+$0x0] =	vst.idx.add.s32.msk vm0, v1  }
0x4b9: {  	s16 =	sadd.s32 $0xFFFFFFFF, s16;
	v6 =	vld [tilespmem:s15+$0x0]  }
.LBB2_106:
0x4ba: {  	_ =	sdelay $0x1  }
0x4bb: {  	s12 =	sadd.s32 @p1 $0x10, s12  }
0x4bc: {  	s11 =	smov.u32 @p1 s12  }
0x4bd: {  	v5 =	vor.u32 s11, v5;
	v6 =	vshrl.u32 v6, $0x8  }
0x4be: {  	vm0 =	vlt.s32 v5, v2;
	v2 =	vand.u32 $0x1FF, v6  }
0x4bf: {  	v0 =	vadd.s32 v0, v2;
	_ =	sdelay $0x4  }
0x4c0: {  	[tilespmem:v0+s10+$0x0] =	vst.idx.add.s32.msk vm0, v1  }
.LBB2_100:
.Ltmp58:
0x4c1: {  	(pc) =	sbr.rel @p4 .LBB2_111-.Ltmp58, $1  }
0x4c2: {  	_ =	sdelay $0x3  }
0x4c3: {  	p2 =	sne.s32 s13, $0x1  }
.Ltmp59:
0x4c4: {  	_ = 	snop;
	(pc) =	sbr.rel @!p2 .LBB2_102-.Ltmp59, $3  }
0x4c5: {  	_ =	sdelay $0x1  }
0x4c6: {  	v2 =	vlaneseq.u32;
	s12 =	simm.s32 $0x13730;
	s11 =	simm.s32 $0x0  }
0x4c7: {  	v1 =	vimm.s32 $0xFFFFFFFF;
	s10 =	simm.s32 $0xC000;
	p1 =	por $0x0, $0x0;
	v0 =	vmul.u32 $0x201, v2;
	v5 =	vld [tilespmem:s12+$0x0];
	s12 =	sadd.s32 $0xFFFFFFFF, s13  }
0x4c8: {  	_ =	sdelay $0x3  }
0x4c9: {  	v6 =	vor.u32 s11, v2;
	v5 =	vshrl.u32 v5, $0x8  }
0x4ca: {  	vm0 =	vlt.s32 v6, v3;
	v5 =	vand.u32 $0x1FF, v5  }
0x4cb: {  	v5 =	vadd.s32 v0, v5  }
0x4cc: {  	p2 =	sne.s32 s12, $0x1  }
.Ltmp60:
0x4cd: {  	_ = 	snop;
	(pc) =	sbr.rel @!p2 .LBB2_108-.Ltmp60, $3  }
0x4ce: {  	_ =	sdelay $0x1  }
0x4cf: {  	s13 =	simm.s32 $0x13740;
	[tilespmem:v5+s10+$0x0] =	vst.idx.add.s32.msk vm0, v1  }
0x4d0: {  	s15 =	sadd.s32 $0xFFFFFFFF, s12;
	p1 =	por $0x1, $0x1;
	s12 =	simm.s32 $0x0;
	v5 =	vld [tilespmem:s13+$0x0]  }
.LBB2_109:
0x4d1: {  	p2 =	sne.s32 s15, $0x1;
	_ =	sdelay $0x2  }
0x4d2: {  	s12 =	sadd.s32 $0x10, s12  }
0x4d3: {  	v6 =	vor.u32 s12, v2;
	v5 =	vshrl.u32 v5, $0x8  }
0x4d4: {  	vm0 =	vlt.s32 v6, v3;
	v5 =	vand.u32 $0x1FF, v5  }
0x4d5: {  	v5 =	vadd.s32 v0, v5;
	_ =	sdelay $0x1  }
.Ltmp61:
0x4d6: {  	(pc) =	sbr.rel @p2 .LBB2_109-.Ltmp61, $3  }
0x4d7: {  	_ =	sdelay $0x1  }
0x4d8: {  	s13 =	sadd.s32 $0x10, s13;
	[tilespmem:v5+s10+$0x0] =	vst.idx.add.s32.msk vm0, v1  }
0x4d9: {  	s15 =	sadd.s32 $0xFFFFFFFF, s15;
	v5 =	vld [tilespmem:s13+$0x0]  }
.LBB2_110:
0x4da: {  	_ =	sdelay $0x1  }
0x4db: {  	s12 =	sadd.s32 @p1 $0x10, s12  }
0x4dc: {  	s11 =	smov.u32 @p1 s12  }
0x4dd: {  	v2 =	vor.u32 s11, v2;
	v5 =	vshrl.u32 v5, $0x8  }
0x4de: {  	vm0 =	vlt.s32 v2, v3;
	v63 =	vand.u32 $0x1FF, v5  }
0x4df: {  	v0 =	vadd.s32 v0, v63;
	_ =	sdelay $0x4  }
0x4e0: {  	[tilespmem:v0+s10+$0x0] =	vst.idx.add.s32.msk vm0, v1  }
.LBB2_111:
0x4e1: {  	s10 =	sadd.s32 $0xF, s14  }
0x4e2: {  	s12 =	sshra.s32 s10, $0x4  }
0x4e3: {  	p1 =	slt.s32 s12, $0x1  }
.Ltmp62:
0x4e4: {  	_ = 	snop;
	(pc) =	sbr.rel @p1 .LBB2_118-.Ltmp62, $1  }
0x4e5: {  	_ =	sdelay $0x3  }
0x4e6: {  	p2 =	sne.s32 s12, $0x1  }
.Ltmp63:
0x4e7: {  	_ = 	snop;
	(pc) =	sbr.rel @!p2 .LBB2_113-.Ltmp63, $3  }
0x4e8: {  	_ =	sdelay $0x1  }
0x4e9: {  	s13 =	simm.s32 $0x14780;
	s10 =	simm.s32 $0x0;
	v0 =	vlaneseq.u32  }
0x4ea: {  	v3 =	vmov s14;
	v2 =	vimm.s32 $0x1;
	s11 =	simm.s32 $0xC000;
	s12 =	sadd.s32 $0xFFFFFFFF, s12;
	p1 =	por $0x0, $0x0;
	v1 =	vmul.u32 $0x201, v0;
	v5 =	vld [tilespmem:s13+$0x0]  }
0x4eb: {  	_ =	sdelay $0x2  }
0x4ec: {  	v6 =	vor.u32 s10, v0  }
0x4ed: {  	vm0 =	vlt.s32 v6, v3;
	v5 =	vand.u32 $0xFF, v5  }
0x4ee: {  	v5 =	vadd.s32 v1, v5  }
0x4ef: {  	p2 =	sne.s32 s12, $0x1  }
.Ltmp64:
0x4f0: {  	_ = 	snop;
	(pc) =	sbr.rel @!p2 .LBB2_115-.Ltmp64, $3  }
0x4f1: {  	_ =	sdelay $0x1  }
0x4f2: {  	s13 =	simm.s32 $0x14790;
	[tilespmem:v5+s11+$0x0] =	vst.idx.add.s32.msk vm0, v2  }
0x4f3: {  	s14 =	sadd.s32 $0xFFFFFFFF, s12;
	p1 =	por $0x1, $0x1;
	s12 =	simm.s32 $0x0;
	v5 =	vld [tilespmem:s13+$0x0]  }
.LBB2_116:
0x4f4: {  	p2 =	sne.s32 s14, $0x1;
	_ =	sdelay $0x1  }
0x4f5: {  	s12 =	sadd.s32 $0x10, s12  }
0x4f6: {  	v6 =	vor.u32 s12, v0  }
0x4f7: {  	vm0 =	vlt.s32 v6, v3;
	v5 =	vand.u32 $0xFF, v5  }
0x4f8: {  	v5 =	vadd.s32 v1, v5;
	_ =	sdelay $0x1  }
.Ltmp65:
0x4f9: {  	(pc) =	sbr.rel @p2 .LBB2_116-.Ltmp65, $3  }
0x4fa: {  	_ =	sdelay $0x1  }
0x4fb: {  	s13 =	sadd.s32 $0x10, s13;
	[tilespmem:v5+s11+$0x0] =	vst.idx.add.s32.msk vm0, v2  }
0x4fc: {  	s14 =	sadd.s32 $0xFFFFFFFF, s14;
	v5 =	vld [tilespmem:s13+$0x0]  }
.LBB2_117:
0x4fd: {  	_ = 	snop  }
0x4fe: {  	s12 =	sadd.s32 @p1 $0x10, s12  }
0x4ff: {  	s10 =	smov.u32 @p1 s12  }
0x500: {  	v0 =	vor.u32 s10, v0  }
0x501: {  	vm0 =	vlt.s32 v0, v3;
	v63 =	vand.u32 $0xFF, v5  }
0x502: {  	v0 =	vadd.s32 v1, v63;
	_ =	sdelay $0x4  }
0x503: {  	[tilespmem:v0+s11+$0x0] =	vst.idx.add.s32.msk vm0, v2  }
.LBB2_118:
0x504: {  	s10 =	simm.s32 $0x0  }
0x505: {  	v0 =	vld [tilespmem:s10+$0xC000]  }
0x506: {  	v1 =	vld [tilespmem:s10+$0xC201]  }
0x507: {  	v2 =	vld [tilespmem:s10+$0xC402]  }
0x508: {  	v3 =	vld [tilespmem:s10+$0xC603]  }
0x509: {  	v5 =	vld [tilespmem:s10+$0xC804]  }
0x50a: {  	v6 =	vld [tilespmem:s10+$0xCA05]  }
0x50b: {  	v0 =	vadd.s32 v0, v1;
	v1 =	vld [tilespmem:s10+$0xCC06]  }
0x50c: {  	v0 =	vadd.s32 v2, v0;
	v2 =	vld [tilespmem:s10+$0xCE07]  }
0x50d: {  	v0 =	vadd.s32 v3, v0;
	v3 =	vld [tilespmem:s10+$0xD008]  }
0x50e: {  	v0 =	vadd.s32 v5, v0;
	v5 =	vld [tilespmem:s10+$0xD209]  }
0x50f: {  	v0 =	vadd.s32 v6, v0;
	v6 =	vld [tilespmem:s10+$0xD40A]  }
0x510: {  	v7 =	vld [tilespmem:s10+$0xD60B];
	v0 =	vadd.s32 v1, v0  }
0x511: {  	v1 =	vld [tilespmem:s10+$0xD80C];
	v0 =	vadd.s32 v2, v0  }
0x512: {  	v2 =	vld [tilespmem:s10+$0xDA0D];
	v0 =	vadd.s32 v3, v0  }
0x513: {  	v3 =	vld [tilespmem:s10+$0xDC0E];
	v0 =	vadd.s32 v5, v0  }
0x514: {  	s11 =	simm.s32 $0x10;
	v5 =	vld [tilespmem:s10+$0xDE0F];
	v6 =	vadd.s32 v6, v0  }
0x515: {  	s12 =	simm.s32 $0x80;
	v0 =	vld [tilespmem:s11+$0xC000];
	v6 =	vadd.s32 v7, v6  }
.LBB2_119:
0x516: {  	p1 =	sne.s32 s12, $0x7C0;
	v7 =	vld [tilespmem:s11+$0xC201];
	v1 =	vadd.s32 v1, v6  }
0x517: {  	v6 =	vld [tilespmem:s11+$0xC402];
	v1 =	vadd.s32 v2, v1  }
0x518: {  	v2 =	vld [tilespmem:s11+$0xC603];
	v1 =	vadd.s32 v3, v1  }
0x519: {  	v3 =	vld [tilespmem:s11+$0xC804];
	v1 =	vadd.s32 v5, v1  }
0x51a: {  	v5 =	vld [tilespmem:s11+$0xCA05];
	[tilespmem:s10+$0xE080] =	vst v1;
	s10 =	smov.u32 s11  }
0x51b: {  	v0 =	vadd.s32 v0, v7;
	v1 =	vld [tilespmem:s10+$0xCC06]  }
0x51c: {  	v0 =	vadd.s32 v6, v0;
	v6 =	vld [tilespmem:s10+$0xCE07]  }
0x51d: {  	v0 =	vadd.s32 v2, v0;
	v2 =	vld [tilespmem:s10+$0xD008]  }
0x51e: {  	v0 =	vadd.s32 v3, v0;
	v3 =	vld [tilespmem:s10+$0xD209]  }
0x51f: {  	v0 =	vadd.s32 v5, v0;
	v5 =	vld [tilespmem:s10+$0xD40A]  }
0x520: {  	v0 =	vadd.s32 v1, v0;
	v7 =	vld [tilespmem:s10+$0xD60B]  }
.Ltmp66:
0x521: {  	v0 =	vadd.s32 v6, v0;
	v1 =	vld [tilespmem:s10+$0xD80C];
	(pc) =	sbr.rel @p1 .LBB2_119-.Ltmp66, $4  }
0x522: {  	v0 =	vadd.s32 v2, v0;
	v2 =	vld [tilespmem:s10+$0xDA0D]  }
0x523: {  	v0 =	vadd.s32 v3, v0;
	v3 =	vld [tilespmem:s10+$0xDC0E]  }
0x524: {  	s11 =	sshra.s32 s12, $0x2;
	v6 =	vadd.s32 v5, v0;
	v5 =	vld [tilespmem:s10+$0xDE0F]  }
0x525: {  	s12 =	sadd.s32 $0x40, s12;
	v0 =	vld [tilespmem:s11+$0xC000];
	v6 =	vadd.s32 v7, v6  }
0x526: {  	v7 =	vld [tilespmem:s11+$0xC201];
	v1 =	vadd.s32 v1, v6  }
0x527: {  	v6 =	vld [tilespmem:s11+$0xC402];
	v1 =	vadd.s32 v2, v1  }
0x528: {  	v60 =	vld [tilespmem:s11+$0xC603];
	v1 =	vadd.s32 v3, v1  }
0x529: {  	v3 =	vld [tilespmem:s11+$0xC804];
	v1 =	vadd.s32 v5, v1  }
0x52a: {  	v5 =	vld [tilespmem:s11+$0xCA05];
	[tilespmem:s10+$0xE080] =	vst v1  }
0x52b: {  	v0 =	vadd.s32 v0, v7;
	v1 =	vld [tilespmem:s11+$0xCC06]  }
0x52c: {  	v0 =	vadd.s32 v6, v0;
	v6 =	vld [tilespmem:s11+$0xCE07]  }
0x52d: {  	v61 =	vld [tilespmem:s11+$0xD008];
	v0 =	vadd.s32 v60, v0  }
0x52e: {  	v0 =	vadd.s32 v3, v0;
	v3 =	vld [tilespmem:s11+$0xD209]  }
0x52f: {  	v0 =	vadd.s32 v5, v0;
	v5 =	vld [tilespmem:s11+$0xD40A]  }
0x530: {  	v62 =	vld [tilespmem:s11+$0xD60B];
	v0 =	vadd.s32 v1, v0  }
0x531: {  	v0 =	vadd.s32 v6, v0;
	v6 =	vld [tilespmem:s11+$0xD80C]  }
0x532: {  	v63 =	vld [tilespmem:s11+$0xDA0D];
	v0 =	vadd.s32 v61, v0  }
0x533: {  	v0 =	vadd.s32 v3, v0;
	v3 =	vld [tilespmem:s11+$0xDC0E]  }
0x534: {  	v0 =	vadd.s32 v5, v0;
	v5 =	vld [tilespmem:s11+$0xDE0F]  }
0x535: {  	v0 =	vadd.s32 v62, v0  }
0x536: {  	v0 =	vadd.s32 v6, v0  }
0x537: {  	v0 =	vadd.s32 v63, v0  }
0x538: {  	v0 =	vadd.s32 v3, v0  }
0x539: {  	v0 =	vadd.s32 v5, v0  }
0x53a: {  	s31 =	simm.s32 $0xE080;
	[tilespmem:s11+$0xE080] =	vst v0  }
0x53b: {  	[spmem:s6] =	stream.linear.scatter [tilespmem:s31], [sflag:$0x5], $0x200, $0x38;
	[tilespmem:$0x1AA98] =	vst v63  }
0x53c: {  	s6 =	simm.s32 $0x5  }
.Ltmp67:
0x53d: {  	_ =	swait.ge [sflag:s6], $0x200;
	(pc) =	sbr.rel @p0 .LBB2_126-.Ltmp67, $3  }
0x53e: {  	[sflag:s6] =	ssyncset.done $0x0  }
0x53f: {  	[sflag:s6] =	ssyncadd.s32 $0xFFFFFE00  }
0x540: {  	[bflag:$0x0] =	sbarrier.arrive $0xFFFF;
	_ =	sdelay $0x1  }
0x541: {  	s10 =	simm.s32 $0xE280  }
0x542: {  	[tilespmem:s10], [sflag:$0x5] =	stream.linear.gather [spmem:s4], $0x2000, $0x38;
	[tilespmem:$0x1AA98] =	vst v63  }
0x543: {  	_ =	swait.ge [sflag:s6], $0x2000  }
0x544: {  	s11 =	simm.s32 $0x0;
	[sflag:s6] =	ssyncset.done $0x0  }
0x545: {  	s11 =	sand.u32 $0x1F0, s11;
	[sflag:s6] =	ssyncadd.s32 $0xFFFFE000  }
0x546: {  	v0 =	vld [tilespmem:s11+$0xE480]  }
0x547: {  	v1 =	vld [tilespmem:s10+$0x0]  }
0x548: {  	v2 =	vld [tilespmem:s11+$0xE680]  }
0x549: {  	v3 =	vld [tilespmem:s11+$0xE880]  }
0x54a: {  	v5 =	vld [tilespmem:s11+$0xEA80]  }
0x54b: {  	v6 =	vld [tilespmem:s11+$0xEC80]  }
0x54c: {  	v0 =	vadd.s32 v1, v0;
	v1 =	vld [tilespmem:s11+$0xEE80]  }
0x54d: {  	v0 =	vadd.s32 v2, v0;
	v2 =	vld [tilespmem:s11+$0xF080]  }
0x54e: {  	v0 =	vadd.s32 v3, v0;
	v3 =	vld [tilespmem:s11+$0xF280]  }
0x54f: {  	v0 =	vadd.s32 v5, v0;
	v5 =	vld [tilespmem:s11+$0xF480]  }
0x550: {  	v0 =	vadd.s32 v6, v0;
	v6 =	vld [tilespmem:s11+$0xF680]  }
0x551: {  	v0 =	vadd.s32 v1, v0;
	v1 =	vld [tilespmem:s11+$0xF880]  }
0x552: {  	v0 =	vadd.s32 v2, v0;
	v2 =	vld [tilespmem:s11+$0xFA80]  }
0x553: {  	v0 =	vadd.s32 v3, v0;
	v3 =	vld [tilespmem:s11+$0xFC80]  }
0x554: {  	v0 =	vadd.s32 v5, v0;
	v5 =	vld [tilespmem:s11+$0xFE80]  }
0x555: {  	v0 =	vadd.s32 v6, v0;
	v6 =	vld [tilespmem:s11+$0x10080]  }
0x556: {  	v0 =	vadd.s32 v1, v0  }
0x557: {  	v0 =	vadd.s32 v2, v0  }
0x558: {  	v0 =	vadd.s32 v3, v0  }
0x559: {  	v0 =	vadd.s32 v5, v0  }
0x55a: {  	s31 =	simm.s32 $0x10;
	s4 =	simm.s32 $0x10280;
	v0 =	vadd.s32 v6, v0  }
0x55b: {  	s10 =	sand.u32 $0x1F0, s31;
	[tilespmem:s4+$0x0] =	vst v0  }
0x55c: {  	s12 =	simm.s32 $0x20;
	s11 =	simm.s32 $0xE290;
	v0 =	vld [tilespmem:s10+$0xE480]  }
.LBB2_122:
0x55d: {  	p1 =	seq.s32 s12, $0x1F0;
	v1 =	vld [tilespmem:s11+$0x0]  }
0x55e: {  	v2 =	vld [tilespmem:s10+$0xE680]  }
0x55f: {  	v3 =	vld [tilespmem:s10+$0xE880]  }
0x560: {  	v5 =	vld [tilespmem:s10+$0xEA80]  }
0x561: {  	v6 =	vld [tilespmem:s10+$0xEC80]  }
0x562: {  	v0 =	vadd.s32 v1, v0;
	v1 =	vld [tilespmem:s10+$0xEE80]  }
0x563: {  	v0 =	vadd.s32 v2, v0;
	v2 =	vld [tilespmem:s10+$0xF080]  }
0x564: {  	v0 =	vadd.s32 v3, v0;
	v3 =	vld [tilespmem:s10+$0xF280]  }
0x565: {  	v0 =	vadd.s32 v5, v0;
	v5 =	vld [tilespmem:s10+$0xF480]  }
0x566: {  	v0 =	vadd.s32 v6, v0;
	v6 =	vld [tilespmem:s10+$0xF680]  }
0x567: {  	v0 =	vadd.s32 v1, v0;
	v1 =	vld [tilespmem:s10+$0xF880]  }
0x568: {  	v0 =	vadd.s32 v2, v0;
	v2 =	vld [tilespmem:s10+$0xFA80]  }
0x569: {  	v0 =	vadd.s32 v3, v0;
	v3 =	vld [tilespmem:s10+$0xFC80]  }
0x56a: {  	v0 =	vadd.s32 v5, v0;
	v5 =	vld [tilespmem:s10+$0xFE80]  }
0x56b: {  	v0 =	vadd.s32 v6, v0;
	v6 =	vld [tilespmem:s10+$0x10080]  }
0x56c: {  	v0 =	vadd.s32 v1, v0  }
0x56d: {  	v0 =	vadd.s32 v2, v0  }
.Ltmp68:
0x56e: {  	v0 =	vadd.s32 v3, v0;
	(pc) =	sbr.rel @!p1 .LBB2_122-.Ltmp68, $4  }
0x56f: {  	v0 =	vadd.s32 v5, v0  }
0x570: {  	s4 =	sadd.s32 $0x10, s4;
	v0 =	vadd.s32 v6, v0  }
0x571: {  	s10 =	sand.u32 $0x1F0, s12;
	[tilespmem:s4+$0x0] =	vst v0  }
0x572: {  	s11 =	sadd.s32 $0x10, s11;
	s12 =	sadd.s32 $0x10, s12;
	v0 =	vld [tilespmem:s10+$0xE480]  }
0x573: {  	v1 =	vld [tilespmem:s11+$0x0]  }
0x574: {  	v2 =	vld [tilespmem:s10+$0xE680]  }
0x575: {  	v3 =	vld [tilespmem:s10+$0xE880]  }
0x576: {  	v5 =	vld [tilespmem:s10+$0xEA80]  }
0x577: {  	v6 =	vld [tilespmem:s10+$0xEC80]  }
0x578: {  	v0 =	vadd.s32 v1, v0;
	v1 =	vld [tilespmem:s10+$0xEE80]  }
0x579: {  	v0 =	vadd.s32 v2, v0;
	v2 =	vld [tilespmem:s10+$0xF080]  }
0x57a: {  	v0 =	vadd.s32 v3, v0;
	v3 =	vld [tilespmem:s10+$0xF280]  }
0x57b: {  	v0 =	vadd.s32 v5, v0;
	v5 =	vld [tilespmem:s10+$0xF480]  }
0x57c: {  	v0 =	vadd.s32 v6, v0;
	v6 =	vld [tilespmem:s10+$0xF680]  }
0x57d: {  	v0 =	vadd.s32 v1, v0;
	v1 =	vld [tilespmem:s10+$0xF880]  }
0x57e: {  	v0 =	vadd.s32 v2, v0;
	v2 =	vld [tilespmem:s10+$0xFA80]  }
0x57f: {  	v0 =	vadd.s32 v3, v0;
	v3 =	vld [tilespmem:s10+$0xFC80]  }
0x580: {  	v0 =	vadd.s32 v5, v0;
	v5 =	vld [tilespmem:s10+$0xFE80]  }
0x581: {  	v0 =	vadd.s32 v6, v0;
	v6 =	vld [tilespmem:s10+$0x10080]  }
0x582: {  	v0 =	vadd.s32 v1, v0  }
0x583: {  	v0 =	vadd.s32 v2, v0  }
0x584: {  	v0 =	vadd.s32 v3, v0  }
0x585: {  	v0 =	vadd.s32 v5, v0  }
0x586: {  	s4 =	sadd.s32 $0x10, s4;
	v0 =	vadd.s32 v6, v0  }
0x587: {  	[tilespmem:s4+$0x0] =	vst v0;
	s4 =	simm.s32 $0x10280  }
0x588: {  	v3 =	vld [tilespmem:s4+$0x0];
	_ =	sdelay $0x4  }
0x589: {  	(xrf0) =	vadd.scan.msk.s32 $0xffff, v3;
	_ =	sdelay $0x5  }
0x58a: {  	s31 =	simm.s32 $0x0;
	v1 =	vbroadcast v4, $0x1;
	v2 =	vlaneseq.u32;
	v5, _, _ =	vpop (xrf0)  }
0x58b: {  	v8 =	vor.u32 s31, v2;
	v5 =	vadd.s32 s31, v5  }
0x58c: {  	v0 =	vimm.s32 $0x7FFFFFFF;
	vm0 =	vlt.s32 v5, v1;
	v3 =	vsub.s32 v5, v3  }
0x58d: {  	(v2sf) =	vpush v5, $0xF;
	v6 =	vsel vm0, $0x7FFFFFFF, v5;
	v7 =	vsel vm0, $0x7FFFFFFF, v3  }
0x58e: {  	v8 =	vsel vm0, $0x7FFFFFFF, v8;
	v3 =	vimm.s32 $0x7FFFFFFF;
	v5 =	vimm.s32 $0x7FFFFFFF  }
0x58f: {  	s10 =	simm.s32 $0x10;
	vm0 =	vlt.s32 v0, v6;
	vm1 =	vlt.s32 v0, v7;
	vm2 =	vlt.s32 v0, v8  }
.LBB2_124:
0x590: {  	p1 =	sne.s32 s10, $0x1F0  }
0x591: {  	v0 =	vsel vm0, v0, v6;
	v3 =	vsel vm1, v3, v7;
	v5 =	vsel vm2, v5, v8;
	s4 =	sadd.s32 $0x10, s4;
	s11 =	smov.u32 s10;
	s10 =	sadd.s32 $0x10, s10  }
0x592: {  	v6 =	vld [tilespmem:s4+$0x0];
	_ =	sdelay $0x4  }
0x593: {  	(xrf0) =	vadd.scan.msk.s32 $0xffff, v6;
	_ =	sdelay $0x5  }
.Ltmp69:
0x594: {  	v7, _, _ =	vpop (xrf0);
	s12 =	spop (v2sf);
	(pc) =	sbr.rel @p1 .LBB2_124-.Ltmp69, $4  }
0x595: {  	v8 =	vor.u32 s11, v2;
	v7 =	vadd.s32 s12, v7  }
0x596: {  	vm0 =	vlt.s32 v7, v1;
	v9 =	vsub.s32 v7, v6;
	(v2sf) =	vpush v7, $0xF  }
0x597: {  	v6 =	vsel vm0, $0x7FFFFFFF, v7;
	v7 =	vsel vm0, $0x7FFFFFFF, v9;
	v8 =	vsel vm0, $0x7FFFFFFF, v8  }
0x598: {  	vm0 =	vlt.s32 v0, v6;
	vm1 =	vlt.s32 v3, v7;
	vm2 =	vlt.s32 v5, v8  }
0x599: {  	v1 =	vsel vm2, v5, v8  }
0x59a: {  	v2 =	vsel vm1, v3, v7;
	v1 =	vxor.u32 $0x80000000, v1  }
0x59b: {  	v53 =	vxor.u32 $0x80000000, v2;
	(xrf0) =	vmin.scan.msk.u32 $0xffff, v1  }
0x59c: {  	v0 =	vsel vm0, v0, v6;
	(xrf0) =	vmin.scan.msk.u32 $0xffff, v53  }
0x59d: {  	v0 =	vxor.u32 $0x80000000, v0  }
0x59e: {  	(xrf0) =	vmin.scan.msk.u32 $0xffff, v0;
	_ =	sdelay $0x2  }
0x59f: {  	v54, _, _ =	vpop (xrf0)  }
0x5a0: {  	v1, _, _ =	vpop (xrf0);
	(v2sf) =	vpush v54, $0xF  }
0x5a1: {  	(v2sf) =	vpush v1, $0xF  }
0x5a2: {  	v55, _, _ =	vpop (xrf0)  }
0x5a3: {  	(v2sf) =	vpush v55, $0xF;
	_ =	sdelay $0xa  }
0x5a4: {  	s4 =	spop (v2sf)  }
0x5a5: {  	s4 =	spop (v2sf)  }
0x5a6: {  	vm11 =	vcmask $0x300;
	v56 =	vimm.s32 $0x0;
	vm12 =	vcmask $0x704;
	s10 =	spop (v2sf)  }
0x5a7: {  	v58 =	vbroadcast v4, $0x4;
	vm13 =	vcmask $0x1310;
	vm14 =	vcmask $0xB08;
	s10 =	sxor.u32 $0x80000000, s10  }
0x5a8: {  	vm15 =	vcmask $0xF0C;
	v57 =	vsel vm12, $0xFFFFFFFF, v56;
	v59 =	vsel vm13, $0xFFFFFFFF, v56;
	s11 =	spop (v2sf);
	s9 =	ssub.s32 s9, s10  }
0x5a9: {  	v60 =	vsel vm14, $0xFFFFFFFF, v56;
	v2 =	vand.u32 v59, v58;
	s29 =	sxor.u32 $0x80000000, s11;
	s8 =	sadd.s32 s8, s10;
	v1 =	vand.u32 s9, v57  }
0x5aa: {  	s7 =	sshll.u32 s7, $0x8;
	v62 =	vsel vm15, $0xFFFFFFFF, v56;
	s4 =	sxor.u32 $0x80000000, s4;
	s9 =	ssub.s32 s29, s10;
	v61 =	vand.u32 s8, v60;
	v1 =	vadd.s32 v2, v1  }
0x5ab: {  	v0 =	vsel vm11, $0xFFFFFFFF, v56;
	s4 =	sor.u32 s7, s4;
	v63 =	vand.u32 s9, v62;
	v1 =	vadd.s32 v61, v1  }
0x5ac: {  	v0 =	vand.u32 s4, v0;
	v1 =	vadd.s32 v63, v1  }
0x5ad: {  	v0 =	vadd.s32 v0, v1  }
0x5ae: {  	s30 =	simm.s32 $0x10480;
	s31 =	simm.s32 $0x5;
	[tilespmem:$0x10480] =	vst v0  }
0x5af: {  	[spmem:s3] =	stream.linear.scatter [tilespmem:s30], [sflag:$0x5], $0x80, $0x38;
	[tilespmem:$0x1AA98] =	vst v63  }
0x5b0: {  	_ =	swait.ge [sflag:s31], $0x80  }
0x5b1: {  	[sflag:s31] =	ssyncset.done $0x0  }
0x5b2: {  	[sflag:s31] =	ssyncadd.s32 $0xFFFFFF80  }
.LBB2_126:
0x5b3: {  	[bflag:$0x0] =	sbarrier.arrive $0xFFFF;
	s4 =	simm.s32 $0x10480  }
0x5b4: {  	[tilespmem:s4], [sflag:$0x5] =	stream.linear.gather [spmem:s3], $0x80, $0x38;
	[tilespmem:$0x1AA98] =	vst v63  }
0x5b5: {  	_ =	swait.ge [sflag:s6], $0x80  }
0x5b6: {  	[sflag:s6] =	ssyncset.done $0x0  }
0x5b7: {  	[sflag:s6] =	ssyncadd.s32 $0xFFFFFF80  }
0x5b8: {  	s30 =	simm.s32 $0x0;
	v0 =	vld [tilespmem:$0x10480]  }
0x5b9: {  	v3 =	vld [tilespmem:s30+$0x8030]  }
0x5ba: {  	v4 =	vld [tilespmem:s30+$0x8000]  }
0x5bb: {  	v5 =	vld [tilespmem:s30+$0x8020]  }
0x5bc: {  	v6 =	vld [tilespmem:s30+$0x8010];
	_ =	sdelay $0x1  }
0x5bd: {  	v1 =	vbroadcast v0, $0x0  }
0x5be: {  	v2 =	vimm.f32 $0.0e+00;
	v7 =	vadd.s32 $0x3C000000, v4  }
0x5bf: {  	v8 =	vsub.f32 $1.000000000e+00, v7;
	vm0 =	vlt.s32 v3, v1;
	vm1 =	vlt.s32 v5, v1  }
0x5c0: {  	v3 =	vadd.s32 $0x3C000000, v3;
	vm2 =	vlt.s32 v4, v1;
	v4 =	vadd.s32 $0x3C000000, v6  }
0x5c1: {  	vm3 =	vlt.s32 v6, v1;
	v15 =	vsel vm2, v8, v7;
	v6 =	vsub.f32 $1.000000000e+00, v4  }
0x5c2: {  	v5 =	vadd.s32 $0x3C000000, v5;
	v7 =	vsub.f32 $1.000000000e+00, v3;
	v8 =	vand.u32 $0x7FFFFF, v15  }
0x5c3: {  	s31 =	simm.s32 $0x40;
	v10 =	vsub.f32 $1.000000000e+00, v5;
	v8 =	vor.u32 $0x3F800000, v8;
	v11 =	vsel vm3, v6, v4  }
0x5c4: {  	v9 =	vld [tilespmem:s31+$0x8030];
	v12 =	vsel vm0, v7, v3;
	v16 =	vadd.f32 $-1.000000000e+00, v8;
	v3 =	vand.u32 $0x7FFFFF, v11  }
0x5c5: {  	v5 =	vsel vm1, v10, v5;
	v6 =	vand.u32 $0x7FFFFF, v12;
	v3 =	vor.u32 $0x3F800000, v3  }
0x5c6: {  	v8 =	vmul.f32 $1.720779950e-02, v16;
	v19 =	vadd.f32 $-1.000000000e+00, v3;
	v3 =	vand.u32 $0x7FFFFF, v5  }
0x5c7: {  	v23 =	vshra.s32 v15, $0x17;
	v6 =	vor.u32 $0x3F800000, v6;
	v3 =	vor.u32 $0x3F800000, v3  }
0x5c8: {  	v4 =	vld [tilespmem:s31+$0x8020];
	v13 =	vsub.f32 $8.172564210e-02, v8;
	v14 =	vmul.f32 $1.720779950e-02, v19;
	v8 =	vadd.f32 $-1.000000000e+00, v3  }
0x5c9: {  	vm0 =	vlt.s32 v9, v1;
	v3 =	vadd.s32 $0x3C000000, v9;
	v9 =	vadd.f32 $-1.000000000e+00, v6  }
0x5ca: {  	v7 =	vld [tilespmem:s31+$0x8010];
	v6 =	vmul.f32 v13, v16;
	v13 =	vsub.f32 $8.172564210e-02, v14;
	v14 =	vmul.f32 $1.720779950e-02, v8  }
0x5cb: {  	v23 =	vcvt.s32.f32 v23;
	v20 =	vsub.f32 $1.000000000e+00, v11;
	v17 =	vmul.f32 $1.720779950e-02, v9  }
0x5cc: {  	v18 =	vadd.f32 $-1.887808290e-01, v6;
	v13 =	vmul.f32 v13, v19;
	v14 =	vsub.f32 $8.172564210e-02, v14  }
0x5cd: {  	v21 =	vshra.s32 v12, $0x17;
	vm1 =	vlt.s32 v4, v1;
	v17 =	vsub.f32 $8.172564210e-02, v17  }
0x5ce: {  	v18 =	vmul.f32 v18, v16;
	v13 =	vadd.f32 $-1.887808290e-01, v13;
	v14 =	vmul.f32 v14, v8  }
0x5cf: {  	vm2 =	vlt.s32 v7, v1;
	v4 =	vadd.s32 $0x3C000000, v4;
	v17 =	vmul.f32 v17, v9  }
0x5d0: {  	v18 =	vadd.f32 $3.145891730e-01, v18;
	v13 =	vmul.f32 v13, v19;
	v14 =	vadd.f32 $-1.887808290e-01, v14  }
0x5d1: {  	v6 =	vadd.s32 $0x3C000000, v7;
	v7 =	vsub.f32 $1.000000000e+00, v12;
	v12 =	vadd.f32 $-1.887808290e-01, v17  }
0x5d2: {  	v10 =	vld [tilespmem:s31+$0x8000];
	v17 =	vmul.f32 v18, v16;
	v13 =	vadd.f32 $3.145891730e-01, v13;
	v14 =	vmul.f32 v14, v8  }
0x5d3: {  	v18 =	vshra.s32 v11, $0x17;
	v11 =	vshra.s32 v5, $0x17;
	v22 =	vmul.f32 v12, v9  }
0x5d4: {  	v17 =	vadd.f32 $-4.969774190e-01, v17;
	v13 =	vmul.f32 v13, v19;
	v14 =	vadd.f32 $3.145891730e-01, v14  }
0x5d5: {  	v12 =	vcvt.s32.f32 v11;
	v11 =	vcvt.s32.f32 v21;
	v21 =	vadd.f32 $3.145891730e-01, v22  }
0x5d6: {  	v17 =	vmul.f32 v17, v16;
	v13 =	vadd.f32 $-4.969774190e-01, v13;
	v22 =	vmul.f32 v14, v8  }
0x5d7: {  	vm3 =	vlt.s32 v10, v1;
	v14 =	vcvt.s32.f32 v18;
	v18 =	vmul.f32 v21, v9  }
0x5d8: {  	v17 =	vadd.f32 $9.997923370e-01, v17;
	v21 =	vmul.f32 v13, v19;
	v22 =	vadd.f32 $-4.969774190e-01, v22  }
0x5d9: {  	v10 =	vadd.s32 $0x3C000000, v10;
	v13 =	vmul.f32 v20, v20;
	v18 =	vadd.f32 $-4.969774190e-01, v18  }
0x5da: {  	v20 =	vmul.f32 v17, v16;
	v21 =	vadd.f32 $9.997923370e-01, v21;
	v22 =	vmul.f32 v22, v8  }
0x5db: {  	v16 =	vsub.f32 $1.000000000e+00, v15;
	v15 =	vmul.f32 $6.931471820e-01, v23;
	v17 =	vmul.f32 v18, v9  }
0x5dc: {  	s3 =	simm.s32 $0x200;
	v18 =	vadd.f32 $-8.802968600e+01, v20;
	v20 =	vmul.f32 v21, v19;
	v19 =	vadd.f32 $9.997923370e-01, v22  }
.LBB2_127:
0x5dd: {  	p1 =	sne.s32 s3, $0xFF00;
	v16 =	vmul.f32 v16, v16;
	v14 =	vmul.f32 $6.931471820e-01, v14;
	v17 =	vadd.f32 $9.997923370e-01, v17  }
0x5de: {  	v15 =	vadd.f32 v18, v15;
	v18 =	vadd.f32 $-8.802968600e+01, v20;
	v8 =	vmul.f32 v19, v8  }
0x5df: {  	v5 =	vsub.f32 $1.000000000e+00, v5;
	v12 =	vmul.f32 $6.931471820e-01, v12;
	v9 =	vmul.f32 v17, v9  }
0x5e0: {  	v15 =	vmul.f32 v15, v16;
	v14 =	vadd.f32 v18, v14;
	v8 =	vadd.f32 $-8.802968600e+01, v8  }
0x5e1: {  	v11 =	vmul.f32 $6.931471820e-01, v11;
	v5 =	vmul.f32 v5, v5;
	v9 =	vadd.f32 $-8.802968600e+01, v9  }
0x5e2: {  	v2 =	vsub.f32 v2, v15;
	v13 =	vmul.f32 v14, v13;
	v8 =	vadd.f32 v8, v12  }
0x5e3: {  	v7 =	vmul.f32 v7, v7;
	v12 =	vsub.f32 $1.000000000e+00, v10;
	v14 =	vsub.f32 $1.000000000e+00, v3  }
0x5e4: {  	v2 =	vsub.f32 v2, v13;
	v5 =	vmul.f32 v8, v5;
	v8 =	vadd.f32 v9, v11  }
0x5e5: {  	s4 =	sshra.s32 s3, $0x2;
	v15 =	vsel vm3, v12, v10;
	v9 =	vsub.f32 $1.000000000e+00, v6;
	v10 =	vsub.f32 $1.000000000e+00, v4  }
0x5e6: {  	v12 =	vand.u32 $0x7FFFFF, v15;
	v11 =	vld [tilespmem:s4+$0x8030];
	v2 =	vsub.f32 v2, v5;
	v5 =	vmul.f32 v8, v7  }
0x5e7: {  	v13 =	vsel vm0, v14, v3;
	v7 =	vor.u32 $0x3F800000, v12;
	v12 =	vsel vm2, v9, v6  }
0x5e8: {  	v16 =	vadd.f32 $-1.000000000e+00, v7;
	v3 =	vand.u32 $0x7FFFFF, v12;
	v6 =	vld [tilespmem:s4+$0x8020];
	v2 =	vsub.f32 v2, v5  }
0x5e9: {  	v3 =	vor.u32 $0x3F800000, v3;
	v5 =	vsel vm1, v10, v4;
	v4 =	vand.u32 $0x7FFFFF, v13  }
0x5ea: {  	v8 =	vmul.f32 $1.720779950e-02, v16;
	v19 =	vadd.f32 $-1.000000000e+00, v3;
	v3 =	vand.u32 $0x7FFFFF, v5;
	v7 =	vld [tilespmem:s4+$0x8010]  }
0x5eb: {  	v4 =	vor.u32 $0x3F800000, v4;
	v3 =	vor.u32 $0x3F800000, v3;
	vm0 =	vlt.s32 v11, v1  }
0x5ec: {  	v14 =	vsub.f32 $8.172564210e-02, v8;
	v17 =	vmul.f32 $1.720779950e-02, v19;
	v8 =	vadd.f32 $-1.000000000e+00, v3;
	v10 =	vld [tilespmem:s4+$0x8000]  }
0x5ed: {  	v9 =	vadd.f32 $-1.000000000e+00, v4;
	v3 =	vadd.s32 $0x3C000000, v11;
	vm1 =	vlt.s32 v6, v1  }
0x5ee: {  	v11 =	vmul.f32 v14, v16;
	v14 =	vsub.f32 $8.172564210e-02, v17;
	v17 =	vmul.f32 $1.720779950e-02, v8  }
0x5ef: {  	v18 =	vmul.f32 $1.720779950e-02, v9;
	v4 =	vadd.s32 $0x3C000000, v6;
	vm2 =	vlt.s32 v7, v1  }
0x5f0: {  	v11 =	vadd.f32 $-1.887808290e-01, v11;
	v14 =	vmul.f32 v14, v19;
	v17 =	vsub.f32 $8.172564210e-02, v17  }
0x5f1: {  	v18 =	vsub.f32 $8.172564210e-02, v18;
	v6 =	vadd.s32 $0x3C000000, v7;
	vm3 =	vlt.s32 v10, v1  }
0x5f2: {  	v11 =	vmul.f32 v11, v16;
	v14 =	vadd.f32 $-1.887808290e-01, v14;
	v17 =	vmul.f32 v17, v8  }
0x5f3: {  	v7 =	vsub.f32 $1.000000000e+00, v13;
	v18 =	vmul.f32 v18, v9;
	v10 =	vadd.s32 $0x3C000000, v10  }
0x5f4: {  	v11 =	vadd.f32 $3.145891730e-01, v11;
	v14 =	vmul.f32 v14, v19;
	v17 =	vadd.f32 $-1.887808290e-01, v17  }
0x5f5: {  	v20 =	vsub.f32 $1.000000000e+00, v12;
	v13 =	vshra.s32 v13, $0x17;
	v18 =	vadd.f32 $-1.887808290e-01, v18  }
0x5f6: {  	v11 =	vmul.f32 v11, v16;
	v14 =	vadd.f32 $3.145891730e-01, v14;
	v17 =	vmul.f32 v17, v8  }
0x5f7: {  	v21 =	vshra.s32 v12, $0x17;
	v12 =	vshra.s32 v5, $0x17;
	v18 =	vmul.f32 v18, v9  }
0x5f8: {  	v22 =	vadd.f32 $-4.969774190e-01, v11;
	v14 =	vmul.f32 v14, v19;
	v17 =	vadd.f32 $3.145891730e-01, v17  }
0x5f9: {  	v12 =	vcvt.s32.f32 v12;
	v11 =	vcvt.s32.f32 v13;
	v13 =	vadd.f32 $3.145891730e-01, v18  }
0x5fa: {  	v18 =	vmul.f32 v22, v16;
	v22 =	vadd.f32 $-4.969774190e-01, v14;
	v17 =	vmul.f32 v17, v8  }
0x5fb: {  	v23 =	vshra.s32 v15, $0x17;
	v14 =	vcvt.s32.f32 v21;
	v21 =	vmul.f32 v13, v9  }
.Ltmp70:
0x5fc: {  	v18 =	vadd.f32 $9.997923370e-01, v18;
	v22 =	vmul.f32 v22, v19;
	v17 =	vadd.f32 $-4.969774190e-01, v17;
	(pc) =	sbr.rel @p1 .LBB2_127-.Ltmp70, $4  }
0x5fd: {  	v23 =	vcvt.s32.f32 v23;
	v13 =	vmul.f32 v20, v20;
	v20 =	vadd.f32 $-4.969774190e-01, v21  }
0x5fe: {  	v18 =	vmul.f32 v18, v16;
	v21 =	vadd.f32 $9.997923370e-01, v22;
	v22 =	vmul.f32 v17, v8  }
0x5ff: {  	v16 =	vsub.f32 $1.000000000e+00, v15;
	v15 =	vmul.f32 $6.931471820e-01, v23;
	v17 =	vmul.f32 v20, v9  }
0x600: {  	s3 =	sadd.s32 $0x100, s3;
	v18 =	vadd.f32 $-8.802968600e+01, v18;
	v20 =	vmul.f32 v21, v19;
	v19 =	vadd.f32 $9.997923370e-01, v22  }
0x601: {  	v1 =	vmul.f32 v16, v16  }
0x602: {  	v14 =	vmul.f32 $6.931471820e-01, v14;
	v28 =	vadd.f32 $9.997923370e-01, v17;
	v5 =	vsub.f32 $1.000000000e+00, v5  }
0x603: {  	v12 =	vmul.f32 $6.931471820e-01, v12;
	v30 =	vsub.f32 $1.000000000e+00, v10;
	v15 =	vadd.f32 v18, v15  }
0x604: {  	v11 =	vmul.f32 $6.931471820e-01, v11;
	v31 =	vsub.f32 $1.000000000e+00, v6;
	v32 =	vsub.f32 $1.000000000e+00, v3  }
0x605: {  	v33 =	vsub.f32 $1.000000000e+00, v4;
	v7 =	vmul.f32 v7, v7;
	v1 =	vmul.f32 v15, v1  }
0x606: {  	v29 =	vadd.f32 $-8.802968600e+01, v20;
	v8 =	vmul.f32 v19, v8;
	v9 =	vmul.f32 v28, v9  }
0x607: {  	v5 =	vmul.f32 v5, v5;
	v1 =	vsub.f32 v2, v1;
	v2 =	vsel vm3, v30, v10  }
0x608: {  	v6 =	vsel vm2, v31, v6;
	v3 =	vsel vm0, v32, v3;
	v15 =	vand.u32 $0x7FFFFF, v2  }
0x609: {  	v4 =	vsel vm1, v33, v4;
	v14 =	vadd.f32 v29, v14;
	v15 =	vor.u32 $0x3F800000, v15  }
0x60a: {  	v8 =	vadd.f32 $-8.802968600e+01, v8;
	v35 =	vand.u32 $0x7FFFFF, v6;
	v34 =	vadd.f32 $-1.000000000e+00, v15  }
0x60b: {  	v38 =	vand.u32 $0x7FFFFF, v4;
	v13 =	vmul.f32 v14, v13;
	v14 =	vor.u32 $0x3F800000, v35  }
0x60c: {  	v39 =	vor.u32 $0x3F800000, v38;
	v14 =	vadd.f32 $-1.000000000e+00, v14;
	v37 =	vmul.f32 $1.720779950e-02, v34  }
0x60d: {  	v36 =	vand.u32 $0x7FFFFF, v3;
	v8 =	vadd.f32 v8, v12;
	v12 =	vadd.f32 $-1.000000000e+00, v39  }
0x60e: {  	v15 =	vor.u32 $0x3F800000, v36;
	v40 =	vmul.f32 $1.720779950e-02, v14;
	v16 =	vsub.f32 $8.172564210e-02, v37  }
0x60f: {  	v55 =	vsub.f32 $1.000000000e+00, v3;
	v44 =	vmul.f32 $1.720779950e-02, v12;
	v41 =	vadd.f32 $-1.000000000e+00, v15  }
0x610: {  	v56 =	vsub.f32 $1.000000000e+00, v6;
	v43 =	vsub.f32 $8.172564210e-02, v40;
	v42 =	vmul.f32 v16, v34  }
0x611: {  	v9 =	vadd.f32 $-8.802968600e+01, v9;
	v49 =	vsub.f32 $8.172564210e-02, v44;
	v46 =	vmul.f32 $1.720779950e-02, v41  }
0x612: {  	v3 =	vshra.s32 v3, $0x17;
	v48 =	vmul.f32 v43, v14;
	v47 =	vadd.f32 $-1.887808290e-01, v42  }
0x613: {  	v45 =	vadd.f32 v9, v11;
	v54 =	vmul.f32 v49, v12;
	v51 =	vsub.f32 $8.172564210e-02, v46  }
0x614: {  	v6 =	vshra.s32 v6, $0x17;
	v53 =	vadd.f32 $-1.887808290e-01, v48;
	v52 =	vmul.f32 v47, v34  }
0x615: {  	v50 =	vmul.f32 v45, v7;
	v11 =	vadd.f32 $-1.887808290e-01, v54;
	v7 =	vmul.f32 v51, v41  }
0x616: {  	v5 =	vmul.f32 v8, v5;
	v9 =	vmul.f32 v53, v14;
	v8 =	vadd.f32 $3.145891730e-01, v52  }
0x617: {  	v57 =	vshra.s32 v4, $0x17;
	v11 =	vmul.f32 v11, v12;
	v7 =	vadd.f32 $-1.887808290e-01, v7  }
0x618: {  	v4 =	vsub.f32 $1.000000000e+00, v4;
	v9 =	vadd.f32 $3.145891730e-01, v9;
	v8 =	vmul.f32 v8, v34  }
0x619: {  	v3 =	vcvt.s32.f32 v3;
	v11 =	vadd.f32 $3.145891730e-01, v11;
	v7 =	vmul.f32 v7, v41  }
0x61a: {  	v6 =	vcvt.s32.f32 v6;
	v9 =	vmul.f32 v9, v14;
	v8 =	vadd.f32 $-4.969774190e-01, v8  }
0x61b: {  	v58 =	vshra.s32 v2, $0x17;
	v11 =	vmul.f32 v11, v12;
	v7 =	vadd.f32 $3.145891730e-01, v7  }
0x61c: {  	v2 =	vsub.f32 $1.000000000e+00, v2;
	v9 =	vadd.f32 $-4.969774190e-01, v9;
	v8 =	vmul.f32 v8, v34  }
0x61d: {  	v6 =	vmul.f32 $6.931471820e-01, v6;
	v11 =	vadd.f32 $-4.969774190e-01, v11;
	v7 =	vmul.f32 v7, v41  }
0x61e: {  	v1 =	vsub.f32 v1, v13;
	v9 =	vmul.f32 v9, v14;
	v8 =	vadd.f32 $9.997923370e-01, v8  }
0x61f: {  	v17 =	vcvt.s32.f32 v58;
	v59 =	vmul.f32 v11, v12;
	v7 =	vadd.f32 $-4.969774190e-01, v7  }
0x620: {  	v2 =	vmul.f32 v2, v2;
	v9 =	vadd.f32 $9.997923370e-01, v9;
	v8 =	vmul.f32 v8, v34  }
0x621: {  	v1 =	vsub.f32 v1, v5;
	v10 =	vadd.f32 $9.997923370e-01, v59;
	v7 =	vmul.f32 v7, v41  }
0x622: {  	v60 =	vmul.f32 $6.931471820e-01, v17;
	v9 =	vmul.f32 v9, v14;
	v8 =	vadd.f32 $-8.802968600e+01, v8  }
0x623: {  	v16 =	vcvt.s32.f32 v57;
	v10 =	vmul.f32 v10, v12;
	v7 =	vadd.f32 $9.997923370e-01, v7  }
0x624: {  	v15 =	vmul.f32 v56, v56;
	v9 =	vadd.f32 $-8.802968600e+01, v9;
	v8 =	vadd.f32 v8, v60  }
0x625: {  	v1 =	vsub.f32 v1, v50;
	v61 =	vmul.f32 $6.931471820e-01, v16;
	v62 =	vadd.f32 $-8.802968600e+01, v10  }
0x626: {  	v7 =	vmul.f32 v7, v41;
	v6 =	vadd.f32 v9, v6;
	v2 =	vmul.f32 v8, v2  }
0x627: {  	v4 =	vmul.f32 v4, v4;
	v3 =	vmul.f32 $6.931471820e-01, v3;
	v63 =	vadd.f32 v62, v61  }
0x628: {  	v7 =	vadd.f32 $-8.802968600e+01, v7;
	v1 =	vsub.f32 v1, v2;
	v2 =	vmul.f32 v6, v15  }
0x629: {  	v5 =	vmul.f32 v55, v55  }
0x62a: {  	v3 =	vadd.f32 v7, v3;
	v1 =	vsub.f32 v1, v2;
	v2 =	vmul.f32 v63, v4;
	_ =	sdelay $0x1  }
0x62b: {  	v1 =	vsub.f32 v1, v2;
	v2 =	vmul.f32 v3, v5;
	_ =	sdelay $0x1  }
0x62c: {  	v1 =	vsub.f32 v1, v2;
	_ =	sdelay $0x1  }
0x62d: {  	s3 =	simm.s32 $0x10500;
	[tilespmem:$0x10500] =	vst v1  }
0x62e: {  	[spmem:s5] =	stream.linear.scatter [tilespmem:s3], [sflag:$0x5], $0x10, $0x38;
	[tilespmem:$0x1AA98] =	vst v63  }
0x62f: {  	s3 =	simm.s32 $0x5  }
0x630: {  	_ =	swait.ge [sflag:s3], $0x10  }
0x631: {  	[sflag:s3] =	ssyncset.done $0x0  }
0x632: {  	[sflag:s3] =	ssyncadd.s32 $0xFFFFFFF0  }
0x633: {  	[bflag:$0x0] =	sbarrier.arrive $0xFFFF  }
0x634: {  	_ =	sfence.sel @p0 $0x180000  }
0x635: {  	[bflag:$0x0] =	sbarrier.arrive @p0 $0xFFFF  }
0x636: {  	_ =	strace @p0 $0x90000047  }
0x637: {  	[bflag:$0x2] =	sbarrier.arrive @p0 $0xFFFF  }
0x638: {  	_ =	shalt @p0  }
.Ltmp71:
0x639: {  	_ = 	snop;
	(pc) =	sbr.rel .LBB2_132-.Ltmp71, $4  }
0x63a: {  	_ = 	snop  }
0x63b: {  	_ = 	snop  }
0x63c: {  	_ = 	snop  }
0x63d: {  	_ = 	snop  }
.LBB2_132:
0x63e: {  	(v2sf) =	vpush v0, $0x4  }
0x63f: {  	(v2sf) =	vpush v0, $0x2  }
0x640: {  	(v2sf) =	vpush v0, $0x0;
	_ =	sdelay $0xa  }
0x641: {  	s7 =	simm.s32 $0x10580  }
0x642: {  	[tilespmem:s7], [sflag:$0x5] =	stream.linear.gather [spmem:s2], $0x100, $0x38;
	[tilespmem:$0x1AA98] =	vst v63  }
0x643: {  	s4 =	spop (v2sf)  }
0x644: {  	s5 =	spop (v2sf)  }
0x645: {  	s6 =	spop (v2sf)  }
0x646: {  	_ =	swait.ge [sflag:s3], $0x100  }
0x647: {  	[sflag:s3] =	ssyncset.done $0x0  }
0x648: {  	[sflag:s3] =	ssyncadd.s32 $0xFFFFFF00  }
0x649: {  	v42 =	vld [tilespmem:$0x10580];
	_ =	sdelay $0x1  }
0x64a: {  	v1 =	vld [tilespmem:$0x10590];
	_ =	sdelay $0x1  }
0x64b: {  	v2 =	vld [tilespmem:$0x105A0]  }
0x64c: {  	v0 =	vadd.f32 $0.0e+00, v42  }
0x64d: {  	v3 =	vld [tilespmem:$0x105B0]  }
0x64e: {  	v0 =	vadd.f32 v1, v0  }
0x64f: {  	v43 =	vld [tilespmem:$0x105C0]  }
0x650: {  	v0 =	vadd.f32 v2, v0  }
0x651: {  	s25 =	sadd.s32 $0x3C000000, s6;
	v44 =	vld [tilespmem:$0x105D0]  }
0x652: {  	v4 =	vmov s25;
	v0 =	vadd.f32 v3, v0  }
0x653: {  	v45 =	vsub.f32 $1.000000000e+00, v4;
	v5 =	vld [tilespmem:$0x105E0]  }
0x654: {  	v7 =	vand.u32 $0x7FFFFF, v4;
	v0 =	vadd.f32 v43, v0  }
0x655: {  	v6 =	vld [tilespmem:$0x105F0];
	v47 =	vor.u32 $0x3F800000, v7;
	v46 =	vand.u32 $0x7FFFFF, v45  }
0x656: {  	v1 =	vor.u32 $0x3F800000, v46;
	v2 =	vadd.f32 $-1.000000000e+00, v47;
	v0 =	vadd.f32 v44, v0  }
0x657: {  	v48 =	vld [tilespmem:$0x10600];
	v1 =	vadd.f32 $-1.000000000e+00, v1  }
0x658: {  	v9 =	vmul.f32 $1.720779950e-02, v2;
	v0 =	vadd.f32 v5, v0  }
0x659: {  	v8 =	vld [tilespmem:$0x10610];
	v49 =	vmul.f32 $1.720779950e-02, v1  }
0x65a: {  	v9 =	vsub.f32 $8.172564210e-02, v9;
	v0 =	vadd.f32 v6, v0  }
0x65b: {  	v50 =	vld [tilespmem:$0x10620];
	v5 =	vsub.f32 $8.172564210e-02, v49  }
0x65c: {  	v9 =	vmul.f32 v9, v2;
	v0 =	vadd.f32 v48, v0  }
0x65d: {  	v51 =	vld [tilespmem:$0x10630];
	v5 =	vmul.f32 v5, v1  }
0x65e: {  	v9 =	vadd.f32 $-1.887808290e-01, v9;
	v0 =	vadd.f32 v8, v0  }
0x65f: {  	v52 =	vld [tilespmem:$0x10640];
	v5 =	vadd.f32 $-1.887808290e-01, v5  }
0x660: {  	v9 =	vmul.f32 v9, v2;
	v0 =	vadd.f32 v50, v0  }
0x661: {  	v53 =	vld [tilespmem:$0x10650];
	v5 =	vmul.f32 v5, v1  }
0x662: {  	v9 =	vadd.f32 $3.145891730e-01, v9;
	v0 =	vadd.f32 v51, v0  }
0x663: {  	v54 =	vld [tilespmem:$0x10660];
	v5 =	vadd.f32 $3.145891730e-01, v5  }
0x664: {  	v9 =	vmul.f32 v9, v2;
	v0 =	vadd.f32 v52, v0  }
0x665: {  	v55 =	vld [tilespmem:$0x10670];
	v5 =	vmul.f32 v5, v1  }
0x666: {  	v56 =	vadd.f32 $-4.969774190e-01, v9;
	v0 =	vadd.f32 v53, v0  }
0x667: {  	v5 =	vadd.f32 $-4.969774190e-01, v5  }
0x668: {  	v6 =	vmul.f32 v56, v2;
	v0 =	vadd.f32 v54, v0  }
0x669: {  	v5 =	vmul.f32 v5, v1  }
0x66a: {  	v6 =	vadd.f32 $9.997923370e-01, v6;
	v0 =	vadd.f32 v55, v0  }
0x66b: {  	v57 =	vshra.s32 v45, $0x17;
	v5 =	vadd.f32 $9.997923370e-01, v5  }
0x66c: {  	v59 =	vshra.s32 v4, $0x17;
	v58 =	vcvt.s32.f32 v57;
	v2 =	vmul.f32 v6, v2;
	(xrf2) =	vadd.scan.msk.f32 $0xffff, v0  }
0x66d: {  	v1 =	vmul.f32 v5, v1;
	v5 =	vcvt.s32.f32 v59  }
0x66e: {  	s28 =	scvt.s32.f32 s4;
	v4 =	vmul.f32 v4, v4;
	v3 =	vmul.f32 v45, v45;
	v2 =	vadd.f32 $-8.802968600e+01, v2  }
0x66f: {  	s26 =	sshra.s32 s4, $0x1F;
	s29 =	sand.u32 $0x3, s4;
	v1 =	vadd.f32 $-8.802968600e+01, v1;
	v0 =	vmul.f32 $6.931471820e-01, v58;
	v5 =	vmul.f32 $6.931471820e-01, v5  }
0x670: {  	p0 =	slt.s32 s4, $0x1;
	s2 =	sshrl.u32 s26, $0x1E;
	p1 =	sne.s32 s29, $0x0;
	v60 =	vmov s28;
	v4 =	vsub.f32 $0.0e+00, v4;
	v3 =	vsub.f32 $0.0e+00, v3  }
0x671: {  	s2 =	sadd.s32 s2, s4;
	p0 =	por !p0, !p1;
	s6 =	simm.s32 $0x1;
	(erf) = vrcp.f32 v60;
	v0 =	vadd.f32 v1, v0;
	v2 =	vadd.f32 v2, v5  }
0x672: {  	s4 =	ssub.s32 s4, s5;
	s2 =	sshra.s32 s2, $0x2;
	p0 =	por !p0, !p0  }
0x673: {  	s6 =	simm.s32 @!p0 $0x0;
	s2 =	ssub.s32 s4, s2;
	v0 =	vmul.f32 v0, v4;
	v61 =	vmul.f32 v2, v3  }
0x674: {  	s2 =	sadd.s32 s6, s2  }
0x675: {  	s2 =	scvt.s32.f32 s2;
	v0 =	vsub.f32 v0, v61  }
0x676: {  	v62, _, _ =	vpop (xrf2)  }
0x677: {  	v0 =	vmul.f32 s2, v0;
	v1 =	vbroadcast v62, $0xF;
	_ =	sdelay $0x1  }
0x678: {  	v0 =	vadd.f32 v1, v0  }
0x679: {  	v63 =	vpop (erf)  }
0x67a: {  	v0 =	vmul.f32 v0, v63;
	_ =	sdelay $0x1  }
0x67b: {  	s30 =	simm.s32 $0x0;
	s31 =	simm.s32 $0x10680;
	[tilespmem:$0x10680] =	vst v0  }
0x67c: {  	[hbm4b:s1+s30] =	stream.linear.scatter [tilespmem:s31], [sflag:$0x5], $0x80, $0x38;
	[tilespmem:$0x1AA98] =	vst v63  }
0x67d: {  	_ =	swait.ge [sflag:s3], $0x80  }
0x67e: {  	[sflag:s3] =	ssyncset.done $0x0  }
0x67f: {  	[sflag:s3] =	ssyncadd.s32 $0xFFFFFF80  }
0x680: {  	_ =	sfence.sel $0x180000  }
0x681: {  	[bflag:$0x0] =	sbarrier.arrive $0xFFFF  }
0x682: {  	_ =	strace $0x90000047  }
0x683: {  	s0 =	sadd.s32 $0x100000, s0;
	[bflag:$0x2] =	sbarrier.arrive $0xFFFF  }
0x684: {  	[sflag:s0] =	ssyncadd.tile.s32 $0x1;
	_ =	shalt  }
.LBB2_20:
.Ltmp72:
0x685: {  	(pc) =	sbr.rel .LBB2_24-.Ltmp72, $2  }
0x686: {  	_ =	sdelay $0x2  }
0x687: {  	s16 =	simm.s32 $0x0  }
.LBB2_27:
.Ltmp73:
0x688: {  	(pc) =	sbr.rel .LBB2_31-.Ltmp73, $2  }
0x689: {  	_ =	sdelay $0x2  }
0x68a: {  	s16 =	simm.s32 $0x0  }
.LBB2_34:
.Ltmp74:
0x68b: {  	(pc) =	sbr.rel .LBB2_38-.Ltmp74, $2  }
0x68c: {  	_ =	sdelay $0x2  }
0x68d: {  	s16 =	simm.s32 $0x0  }
.LBB2_41:
.Ltmp75:
0x68e: {  	(pc) =	sbr.rel .LBB2_45-.Ltmp75, $2  }
0x68f: {  	_ =	sdelay $0x2  }
0x690: {  	s16 =	simm.s32 $0x0  }
.LBB2_60:
.Ltmp76:
0x691: {  	(pc) =	sbr.rel .LBB2_64-.Ltmp76, $2  }
0x692: {  	_ =	sdelay $0x2  }
0x693: {  	s16 =	simm.s32 $0x0;
	s15 =	simm.s32 $0x0  }
.LBB2_58:
.Ltmp77:
0x694: {  	(pc) =	sbr.rel .LBB2_71-.Ltmp77, $2  }
0x695: {  	_ =	sdelay $0x2  }
0x696: {  	s17 =	simm.s32 $0x0;
	s16 =	smov.u32 s14  }
.LBB2_67:
.Ltmp78:
0x697: {  	(pc) =	sbr.rel .LBB2_78-.Ltmp78, $2  }
0x698: {  	_ =	sdelay $0x2  }
0x699: {  	s17 =	simm.s32 $0x0;
	s16 =	smov.u32 s14  }
.LBB2_74:
.Ltmp79:
0x69a: {  	(pc) =	sbr.rel .LBB2_85-.Ltmp79, $2  }
0x69b: {  	_ =	sdelay $0x2  }
0x69c: {  	s17 =	simm.s32 $0x0;
	s16 =	smov.u32 s14  }
.LBB2_81:
.Ltmp80:
0x69d: {  	(pc) =	sbr.rel .LBB2_92-.Ltmp80, $2  }
0x69e: {  	_ =	sdelay $0x2  }
0x69f: {  	s10 =	simm.s32 $0x0  }
.LBB2_88:
.Ltmp81:
0x6a0: {  	(pc) =	sbr.rel .LBB2_99-.Ltmp81, $2  }
0x6a1: {  	_ =	sdelay $0x2  }
0x6a2: {  	s11 =	simm.s32 $0x0  }
.LBB2_95:
.Ltmp82:
0x6a3: {  	(pc) =	sbr.rel .LBB2_106-.Ltmp82, $2  }
0x6a4: {  	_ =	sdelay $0x2  }
0x6a5: {  	s12 =	simm.s32 $0x0  }
.LBB2_102:
.Ltmp83:
0x6a6: {  	(pc) =	sbr.rel .LBB2_110-.Ltmp83, $2  }
0x6a7: {  	_ =	sdelay $0x2  }
0x6a8: {  	s12 =	simm.s32 $0x0  }
.LBB2_113:
.Ltmp84:
0x6a9: {  	(pc) =	sbr.rel .LBB2_117-.Ltmp84, $2  }
0x6aa: {  	_ =	sdelay $0x2  }
0x6ab: {  	s12 =	simm.s32 $0x0  }
.LBB2_22:
.Ltmp85:
0x6ac: {  	(pc) =	sbr.rel .LBB2_24-.Ltmp85, $2  }
0x6ad: {  	_ =	sdelay $0x2  }
0x6ae: {  	s16 =	simm.s32 $0x0  }
.LBB2_29:
.Ltmp86:
0x6af: {  	(pc) =	sbr.rel .LBB2_31-.Ltmp86, $2  }
0x6b0: {  	_ =	sdelay $0x2  }
0x6b1: {  	s16 =	simm.s32 $0x0  }
.LBB2_36:
.Ltmp87:
0x6b2: {  	(pc) =	sbr.rel .LBB2_38-.Ltmp87, $2  }
0x6b3: {  	_ =	sdelay $0x2  }
0x6b4: {  	s16 =	simm.s32 $0x0  }
.LBB2_43:
.Ltmp88:
0x6b5: {  	(pc) =	sbr.rel .LBB2_45-.Ltmp88, $2  }
0x6b6: {  	_ =	sdelay $0x2  }
0x6b7: {  	s16 =	simm.s32 $0x0  }
.LBB2_62:
.Ltmp89:
0x6b8: {  	(pc) =	sbr.rel .LBB2_64-.Ltmp89, $2  }
0x6b9: {  	_ =	sdelay $0x2  }
0x6ba: {  	s16 =	simm.s32 $0x0;
	s15 =	simm.s32 $0x0  }
.LBB2_129:
.Ltmp90:
0x6bb: {  	(pc) =	sbr.rel .LBB2_71-.Ltmp90, $2  }
0x6bc: {  	_ =	sdelay $0x2  }
0x6bd: {  	s17 =	simm.s32 $0x0;
	s16 =	smov.u32 s14  }
.LBB2_130:
.Ltmp91:
0x6be: {  	(pc) =	sbr.rel .LBB2_78-.Ltmp91, $2  }
0x6bf: {  	_ =	sdelay $0x2  }
0x6c0: {  	s17 =	simm.s32 $0x0;
	s16 =	smov.u32 s14  }
.LBB2_131:
.Ltmp92:
0x6c1: {  	(pc) =	sbr.rel .LBB2_85-.Ltmp92, $2  }
0x6c2: {  	_ =	sdelay $0x2  }
0x6c3: {  	s17 =	simm.s32 $0x0;
	s16 =	smov.u32 s14  }
.LBB2_90:
.Ltmp93:
0x6c4: {  	(pc) =	sbr.rel .LBB2_92-.Ltmp93, $2  }
0x6c5: {  	_ =	sdelay $0x2  }
0x6c6: {  	s10 =	simm.s32 $0x0  }
.LBB2_97:
.Ltmp94:
0x6c7: {  	(pc) =	sbr.rel .LBB2_99-.Ltmp94, $2  }
0x6c8: {  	_ =	sdelay $0x2  }
0x6c9: {  	s11 =	simm.s32 $0x0  }
.LBB2_104:
.Ltmp95:
0x6ca: {  	(pc) =	sbr.rel .LBB2_106-.Ltmp95, $2  }
0x6cb: {  	_ =	sdelay $0x2  }
0x6cc: {  	s12 =	simm.s32 $0x0  }
.LBB2_108:
.Ltmp96:
0x6cd: {  	(pc) =	sbr.rel .LBB2_110-.Ltmp96, $2  }
0x6ce: {  	_ =	sdelay $0x2  }
0x6cf: {  	s12 =	simm.s32 $0x0  }
.LBB2_115:
.Ltmp97:
0x6d0: {  	(pc) =	sbr.rel .LBB2_117-.Ltmp97, $2  }
0x6d1: {  	_ =	sdelay $0x2  }
0x6d2: {  	s12 =	simm.s32 $0x0  }
.Lfunc_end2:
_tile_overlayer_lowered:
.L_overlay_start_2:
0x6d3: {  	(tag) =	ssettag $0x2  }
0x6d4: {  	s0 =	rddreg [dreg:$0x0];
	s2 =	stileid.u32  }
0x6d5: {  	s1 =	rddreg [dreg:$0x1];
	p0 =	sne.s32 s2, $0x0  }
0x6d6: {  	s3 =	rddreg [dreg:$0x2];
	[bflag:$0x3] =	sbarrier.arrive $0xFFFF;
	s2 =	simm.s32 @!p0 $0x1C05  }
0x6d7: {  	[timem:s3], [sflag:s2] =	dma.local @!p0 [hbm:s0], s1  }
0x6d8: {  	s0 =	simm.s32 @!p0 $0x5  }
0x6d9: {  	_ =	swait.ge @!p0 [sflag:s0], s1  }
0x6da: {  	s1 =	ssub.s32 @!p0 $0x0, s1;
	[sflag:s0] =	ssyncset.done @!p0 $0x0  }
0x6db: {  	[sflag:s0] =	ssyncadd.s32 @!p0 s1  }
0x6dc: {  	[bflag:$0x3] =	sbarrier.arrive $0xFFFF  }
0x6dd: {  	_ =	shalt  }

</sc_bundles>
